<compile_context>
chip_gen: v7x
topology: tpu7x:2x2x1
jax: 0.10.2.dev20260603
libtpu: 0.0.44.dev20260713+nightly
codegen_flags: <defaults>
</compile_context>

<pallas_src>
import functools

import jax
import jax.numpy as jnp
from jax import lax
from jax.experimental import pallas as pl
from jax.experimental.pallas import tpu as pltpu
from jax.experimental.pallas import tpu_sc as plsc

N = 10000
E = 320000
D = 128
H = 128
G = 32
EPS = 1e-5

NC = 2
NS = 16
NW = NC * NS
EPW = E // NW
CH = 80
NCH = EPW // CH
NPAD = 10240
RPT = NPAD // NS
ZR = 32


def _sc_body(h_hbm, src_hbm, dst_hbm, out_hbm, acc, src1d,
             dst_idx0, dst_idx1, dst_idx2, rows0, rows1, rows2,
             sem0, sem1, sem2, dsem0, dsem1, dsem2, ssem):
    c = lax.axis_index("c")
    s = lax.axis_index("s")
    wid = s * NC + c

    def zrow(i, carry):
        for k in range(D // 16):
            rows0[i, pl.ds(k * 16, 16)] = jnp.zeros((16,), jnp.float32)
        return carry
    lax.fori_loop(0, CH, zrow, 0)

    row0 = s * RPT
    for q in range(RPT // CH):
        pltpu.sync_copy(rows0, acc.at[pl.ds(row0 + q * CH, CH)])

    base = wid * EPW
    pltpu.sync_copy(src_hbm.at[pl.ds(base, EPW)], src1d)
    plsc.subcore_barrier()

    def gidx(j):
        return src1d.at[pl.ds(j * CH, CH)]

    def dsl(j):
        return dst_hbm.at[pl.ds(base + j * CH, CH)]

    rows = [rows0, rows1, rows2]
    didx = [dst_idx0, dst_idx1, dst_idx2]
    gsem = [sem0, sem1, sem2]
    dsem = [dsem0, dsem1, dsem2]

    def wait_gather(j, b):
        pltpu.make_async_copy(h_hbm.at[gidx(j)], rows[b], gsem[b]).wait()

    def wait_idx(j, b):
        pltpu.make_async_copy(dsl(j), didx[b], dsem[b]).wait()

    def wait_scatter(b):
        pltpu.make_async_copy(h_hbm.at[gidx(0)], rows[b], ssem).wait()

    def issue(j, b):
        pltpu.async_copy(h_hbm.at[gidx(j)], rows[b], gsem[b])
        pltpu.async_copy(dsl(j), didx[b], dsem[b])

    def step(j, b, first, last):
        wait_gather(j, b)
        wait_idx(j, b)
        if not first:
            wait_scatter((b + 2) % 3)
        pltpu.async_copy(rows[b], acc.at[didx[b]], ssem, add=True)
        if not last:
            issue(j + 2, (b + 2) % 3)

    issue(0, 0)
    issue(1, 1)
    step(0, 0, True, False)
    step(1, 1, False, False)

    def tri(i, carry):
        j = 2 + 3 * i
        step(j, 2, False, False)
        step(j + 1, 0, False, False)
        step(j + 2, 1, False, False)
        return carry
    lax.fori_loop(0, 40, tri, 0)

    step(122, 2, False, False)
    step(123, 0, False, True)
    step(124, 1, False, True)
    wait_scatter(1)

    plsc.subcore_barrier()
    pltpu.sync_copy(acc.at[pl.ds(row0, RPT)],
                    out_hbm.at[c, pl.ds(row0, RPT)])


def _sc_deg_body(dst_hbm, out_hbm, acc, dst_idx0, dst_idx1, ones,
                 dsem0, dsem1):
    c = lax.axis_index("c")
    s = lax.axis_index("s")
    wid = s * NC + c

    def zrow(i, carry):
        for k in range(D // 16):
            ones[i, pl.ds(k * 16, 16)] = jnp.zeros((16,), jnp.float32)
        return carry
    lax.fori_loop(0, CH, zrow, 0)

    row0 = s * RPT
    for q in range(RPT // CH):
        pltpu.sync_copy(ones, acc.at[pl.ds(row0 + q * CH, CH)])

    def orow(i, carry):
        for k in range(D // 16):
            ones[i, pl.ds(k * 16, 16)] = jnp.ones((16,), jnp.float32)
        return carry
    lax.fori_loop(0, CH, orow, 0)
    plsc.subcore_barrier()

    base = wid * EPW

    def dsl(j):
        return dst_hbm.at[pl.ds(base + j * CH, CH)]

    pltpu.sync_copy(dsl(0), dst_idx0)
    pltpu.sync_copy(ones, acc.at[dst_idx0], add=True)
    pltpu.async_copy(dsl(1), dst_idx0, dsem0)
    pltpu.async_copy(dsl(2), dst_idx1, dsem1)

    def pair(i, carry):
        j = 1 + 2 * i
        pltpu.make_async_copy(dsl(j), dst_idx0, dsem0).wait()
        pltpu.sync_copy(ones, acc.at[dst_idx0], add=True)
        pltpu.async_copy(dsl(j + 2), dst_idx0, dsem0)
        pltpu.make_async_copy(dsl(j + 1), dst_idx1, dsem1).wait()
        pltpu.sync_copy(ones, acc.at[dst_idx1], add=True)
        pltpu.async_copy(dsl(j + 3), dst_idx1, dsem1)
        return carry
    lax.fori_loop(0, (NCH - 3) // 2, pair, 0)

    pltpu.make_async_copy(dsl(NCH - 2), dst_idx0, dsem0).wait()
    pltpu.sync_copy(ones, acc.at[dst_idx0], add=True)
    pltpu.make_async_copy(dsl(NCH - 1), dst_idx1, dsem1).wait()
    pltpu.sync_copy(ones, acc.at[dst_idx1], add=True)

    plsc.subcore_barrier()
    pltpu.sync_copy(acc.at[pl.ds(row0, RPT)],
                    out_hbm.at[c, pl.ds(row0, RPT)])


def _make_sc_segsum():
    mesh = plsc.VectorSubcoreMesh(core_axis_name="c", subcore_axis_name="s",
                                  num_cores=NC, num_subcores=NS)
    return pl.kernel(
        _sc_body,
        out_type=jax.ShapeDtypeStruct((NC, NPAD, D), jnp.float32),
        mesh=mesh,
        scratch_types=[
            pltpu.VMEM_SHARED((NPAD, D), jnp.float32),
            pltpu.VMEM((EPW,), jnp.int32),
            pltpu.VMEM((CH,), jnp.int32),
            pltpu.VMEM((CH,), jnp.int32),
            pltpu.VMEM((CH,), jnp.int32),
            pltpu.VMEM((CH, D), jnp.float32),
            pltpu.VMEM((CH, D), jnp.float32),
            pltpu.VMEM((CH, D), jnp.float32),
            pltpu.SemaphoreType.DMA,
            pltpu.SemaphoreType.DMA,
            pltpu.SemaphoreType.DMA,
            pltpu.SemaphoreType.DMA,
            pltpu.SemaphoreType.DMA,
            pltpu.SemaphoreType.DMA,
            pltpu.SemaphoreType.DMA,
        ],
    )


def _make_sc_deg():
    mesh = plsc.VectorSubcoreMesh(core_axis_name="c", subcore_axis_name="s",
                                  num_cores=NC, num_subcores=NS)
    return pl.kernel(
        _sc_deg_body,
        out_type=jax.ShapeDtypeStruct((NC, NPAD, D), jnp.float32),
        mesh=mesh,
        scratch_types=[
            pltpu.VMEM_SHARED((NPAD, D), jnp.float32),
            pltpu.VMEM((CH,), jnp.int32),
            pltpu.VMEM((CH,), jnp.int32),
            pltpu.VMEM((CH, D), jnp.float32),
            pltpu.SemaphoreType.DMA,
            pltpu.SemaphoreType.DMA,
        ],
    )


def _tc_layer_body(s_ref, dg_ref, h_ref, wl_ref, wr_ref, g_ref, b_ref,
                   out_ref):
    deg = jnp.maximum(dg_ref[0, :N, 0:1] + dg_ref[1, :N, 0:1], 1.0)
    agg = (s_ref[0, :N] + s_ref[1, :N]) / deg
    v = (jnp.dot(agg, wl_ref[...], preferred_element_type=jnp.float32)
         + jnp.dot(h_ref[...], wr_ref[...], preferred_element_type=jnp.float32))
    mu = jnp.mean(v, axis=0, keepdims=True)
    var = jnp.mean((v - mu) * (v - mu), axis=0, keepdims=True)
    bn = (v - mu) * lax.rsqrt(var + EPS) * g_ref[...] + b_ref[...]
    out_ref[...] = jnp.maximum(bn, 0.0)


def _tc_last_body(s_ref, dg_ref, h_ref, wl_ref, wr_ref, g_ref, b_ref,
                  batch_ref, wh1_ref, bh1_ref, wh2_ref, bh2_ref, out_ref):
    deg = jnp.maximum(dg_ref[0, :N, 0:1] + dg_ref[1, :N, 0:1], 1.0)
    agg = (s_ref[0, :N] + s_ref[1, :N]) / deg
    v = (jnp.dot(agg, wl_ref[...], preferred_element_type=jnp.float32)
         + jnp.dot(h_ref[...], wr_ref[...], preferred_element_type=jnp.float32))
    mu = jnp.mean(v, axis=0, keepdims=True)
    var = jnp.mean((v - mu) * (v - mu), axis=0, keepdims=True)
    bn = (v - mu) * lax.rsqrt(var + EPS) * g_ref[...] + b_ref[...]
    h3 = jnp.maximum(bn, 0.0)
    gids = lax.broadcasted_iota(jnp.int32, (G, N), 0)
    oh = jnp.where(gids == batch_ref[...], 1.0, 0.0)
    sums = jnp.dot(oh, h3, preferred_element_type=jnp.float32)
    cnts = jnp.sum(oh, axis=1, keepdims=True)
    pooled = sums / jnp.maximum(cnts, 1.0)
    hid = jnp.maximum(
        jnp.dot(pooled, wh1_ref[...], preferred_element_type=jnp.float32)
        + bh1_ref[...], 0.0)
    out_ref[...] = (jnp.dot(hid, wh2_ref[...],
                            preferred_element_type=jnp.float32)
                    + bh2_ref[...])


_tc_layer = pl.pallas_call(
    _tc_layer_body, out_shape=jax.ShapeDtypeStruct((N, H), jnp.float32))

_tc_last = pl.pallas_call(
    _tc_last_body, out_shape=jax.ShapeDtypeStruct((G, 1), jnp.float32))

_make_sc_segsum = functools.lru_cache(maxsize=None)(_make_sc_segsum)
_make_sc_deg = functools.lru_cache(maxsize=None)(_make_sc_deg)


def kernel(x, edge_index, batch,
           Wl0, bl0, Wr0, gamma0, beta0,
           Wl1, bl1, Wr1, gamma1, beta1,
           Wl2, bl2, Wr2, gamma2, beta2,
           Wh1, bh1, Wh2, bh2):
    src = edge_index[0]
    dst = edge_index[1]
    dg = _make_sc_deg()(dst)
    s0 = _make_sc_segsum()(x, src, dst)
    h1 = _tc_layer(s0, dg, x, Wl0, Wr0,
                   gamma0.reshape(1, H), beta0.reshape(1, H))
    s1 = _make_sc_segsum()(h1, src, dst)
    h2 = _tc_layer(s1, dg, h1, Wl1, Wr1,
                   gamma1.reshape(1, H), beta1.reshape(1, H))
    s2 = _make_sc_segsum()(h2, src, dst)
    out = _tc_last(s2, dg, h2, Wl2, Wr2,
                   gamma2.reshape(1, H), beta2.reshape(1, H),
                   batch.reshape(1, N), Wh1, bh1.reshape(1, H // 2),
                   Wh2, bh2.reshape(1, 1))
    return out.reshape(G)

# --- scband reference (transcript-rebuilt; emitter-appended) ---
"""Pipeline reference for scband-baseline-gnn-88218628260833 (READ-ONLY COPY).

The authoritative reference and input builder live on the scoring server;
editing this copy changes nothing except your own understanding.
"""

import jax, jax.numpy as jnp
import numpy as np

N = 10000
E = 320000
D = 128
H = 128
G = 32
EPS = 1e-5


def setup_inputs(seed: int = 0) -> dict:
    key = jax.random.key(seed)
    ks = jax.random.split(key, 32)
    inp = {}
    inp["x"] = jax.random.normal(ks[0], (N, D), dtype=jnp.float32)
    inp["edge_index"] = jax.random.randint(ks[1], (2, E), 0, N, dtype=jnp.int32)
    inp["batch"] = jnp.sort(jax.random.randint(ks[2], (N,), 0, G, dtype=jnp.int32))
    k = 3
    for i in range(3):
        fan_in = D if i == 0 else H
        scale = 1.0 / np.sqrt(fan_in)
        inp[f"Wl{i}"] = jax.random.uniform(ks[k], (fan_in, H), jnp.float32, -scale, scale); k += 1
        inp[f"bl{i}"] = jnp.zeros((H,), jnp.float32)
        inp[f"Wr{i}"] = jax.random.uniform(ks[k], (fan_in, H), jnp.float32, -scale, scale); k += 1
        inp[f"gamma{i}"] = jnp.ones((H,), jnp.float32)
        inp[f"beta{i}"] = jnp.zeros((H,), jnp.float32)
    s1 = 1.0 / np.sqrt(H)
    inp["Wh1"] = jax.random.uniform(ks[k], (H, H // 2), jnp.float32, -s1, s1); k += 1
    inp["bh1"] = jnp.zeros((H // 2,), jnp.float32)
    s2 = 1.0 / np.sqrt(H // 2)
    inp["Wh2"] = jax.random.uniform(ks[k], (H // 2, 1), jnp.float32, -s2, s2); k += 1
    inp["bh2"] = jnp.zeros((1,), jnp.float32)
    return inp


def _sage_conv(x, src, dst, Wl, bl, Wr):
    msg = x[src]
    agg = jax.ops.segment_sum(msg, dst, num_segments=N)
    deg = jax.ops.segment_sum(jnp.ones((src.shape[0], 1), jnp.float32), dst, num_segments=N)
    agg = agg / jnp.maximum(deg, 1.0)
    return agg @ Wl + bl + x @ Wr


def _batch_norm(x, gamma, beta):
    mu = jnp.mean(x, axis=0)
    var = jnp.var(x, axis=0)
    return (x - mu) / jnp.sqrt(var + EPS) * gamma + beta


def reference(x, edge_index, batch,
              Wl0, bl0, Wr0, gamma0, beta0,
              Wl1, bl1, Wr1, gamma1, beta1,
              Wl2, bl2, Wr2, gamma2, beta2,
              Wh1, bh1, Wh2, bh2):
    src = edge_index[0]
    dst = edge_index[1]
    layers = [(Wl0, bl0, Wr0, gamma0, beta0),
              (Wl1, bl1, Wr1, gamma1, beta1),
              (Wl2, bl2, Wr2, gamma2, beta2)]
    h = x
    for (Wl, bl, Wr, g, b) in layers:
        h = _sage_conv(h, src, dst, Wl, bl, Wr)
        h = _batch_norm(h, g, b)
        h = jax.nn.relu(h)
    sums = jax.ops.segment_sum(h, batch, num_segments=G)
    cnts = jax.ops.segment_sum(jnp.ones((N, 1), jnp.float32), batch, num_segments=G)
    pooled = sums / jnp.maximum(cnts, 1.0)
    hid = jax.nn.relu(pooled @ Wh1 + bh1)
    out = hid @ Wh2 + bh2
    return out.squeeze(-1)

if __name__ == "__main__":
    import jax
    _d = setup_inputs()
    print(jax.jit(kernel)(*tuple(_d.values())))

</pallas_src>

<mosaic_0001>
#map = affine_map<(d0, d1) -> (0, 0)>
#map1 = affine_map<(d0, d1) -> (0)>
#map2 = affine_map<(d0, d1) -> (0, 0, 0)>
module attributes {stable_mosaic.version = 14 : i64} {
  func.func @_sc_body(%arg0: i32, %arg1: i32, %arg2: memref<10000x128xf32, #tpu.memory_space<hbm>>, %arg3: memref<320000xi32, #tpu.memory_space<hbm>>, %arg4: memref<320000xi32, #tpu.memory_space<hbm>>, %arg5: memref<2x10240x128xf32, #tpu.memory_space<hbm>>, %arg6: memref<10240x128xf32, #tpu.memory_space<vmem_shared>>, %arg7: memref<10000xi32, #tpu.memory_space<vmem>>, %arg8: memref<80xi32, #tpu.memory_space<vmem>>, %arg9: memref<80xi32, #tpu.memory_space<vmem>>, %arg10: memref<80xi32, #tpu.memory_space<vmem>>, %arg11: memref<80x128xf32, #tpu.memory_space<vmem>>, %arg12: memref<80x128xf32, #tpu.memory_space<vmem>>, %arg13: memref<80x128xf32, #tpu.memory_space<vmem>>, %arg14: memref<!tpu.dma_semaphore, #tpu.memory_space<semaphore_mem>>, %arg15: memref<!tpu.dma_semaphore, #tpu.memory_space<semaphore_mem>>, %arg16: memref<!tpu.dma_semaphore, #tpu.memory_space<semaphore_mem>>, %arg17: memref<!tpu.dma_semaphore, #tpu.memory_space<semaphore_mem>>, %arg18: memref<!tpu.dma_semaphore, #tpu.memory_space<semaphore_mem>>, %arg19: memref<!tpu.dma_semaphore, #tpu.memory_space<semaphore_mem>>, %arg20: memref<!tpu.dma_semaphore, #tpu.memory_space<semaphore_mem>>) attributes {dimension_semantics = [#tpu.dimension_semantics<core_parallel>, #tpu.dimension_semantics<subcore_parallel>], iteration_bounds = array<i64: 2, 16>, scalar_prefetch = 0 : i64, scratch_operands = 15 : i64, tpu.core_type = #tpu.core_type<sc_vector_subcore>, window_params = [{transform_indices = #map}, {transform_indices = #map1}, {transform_indices = #map1}, {transform_indices = #map2}]} {
    %mul3A = arith.constant 2 : i32
    %mul3A_0 = arith.muli %arg1, %mul3A : i32
    %add3A = arith.addi %mul3A_0, %arg0 : i32
    %scan3A = arith.constant 0 : i32
    %scan3A_1 = arith.constant 0 : i32
    %scan3A_2 = arith.constant 80 : i32
    %scan3A_3 = arith.addi %scan3A_1, %scan3A_2 : i32
    %scan3A_4 = arith.constant 1 : i32
    scf.for %scan3A_161 = %scan3A_1 to %scan3A_3 step %scan3A_4  : i32 {
      %broadcast_in_dim3A = arith.constant 0.000000e+00 : f32
      %broadcast_in_dim3A_162 = vector.broadcast %broadcast_in_dim3A : f32 to vector<16xf32>
      %swap3A = arith.index_cast %scan3A_161 : i32 to index
      %swap3A_163 = arith.constant 0 : index
      %swap3A_164 = tpu.vector_load %arg11[%swap3A, %swap3A_163] {strides = array<i32>} : memref<80x128xf32, #tpu.memory_space<vmem>>, vector<1x16xf32>,
      %swap3A_165 = vector.shape_cast %swap3A_164 : vector<1x16xf32> to vector<16xf32>
      %swap3A_166 = vector.shape_cast %broadcast_in_dim3A_162 : vector<16xf32> to vector<1x16xf32>
      tpu.vector_store %arg11[%swap3A, %swap3A_163], %swap3A_166 {strides = array<i32>} : memref<80x128xf32, #tpu.memory_space<vmem>>, vector<1x16xf32>,
      %broadcast_in_dim3A_167 = arith.constant 0.000000e+00 : f32
      %broadcast_in_dim3A_168 = vector.broadcast %broadcast_in_dim3A_167 : f32 to vector<16xf32>
      %swap3A_169 = arith.index_cast %scan3A_161 : i32 to index
      %swap3A_170 = arith.constant 16 : index
      %swap3A_171 = tpu.vector_load %arg11[%swap3A_169, %swap3A_170] {strides = array<i32>} : memref<80x128xf32, #tpu.memory_space<vmem>>, vector<1x16xf32>,
      %swap3A_172 = vector.shape_cast %swap3A_171 : vector<1x16xf32> to vector<16xf32>
      %swap3A_173 = vector.shape_cast %broadcast_in_dim3A_168 : vector<16xf32> to vector<1x16xf32>
      tpu.vector_store %arg11[%swap3A_169, %swap3A_170], %swap3A_173 {strides = array<i32>} : memref<80x128xf32, #tpu.memory_space<vmem>>, vector<1x16xf32>,
      %broadcast_in_dim3A_174 = arith.constant 0.000000e+00 : f32
      %broadcast_in_dim3A_175 = vector.broadcast %broadcast_in_dim3A_174 : f32 to vector<16xf32>
      %swap3A_176 = arith.index_cast %scan3A_161 : i32 to index
      %swap3A_177 = arith.constant 32 : index
      %swap3A_178 = tpu.vector_load %arg11[%swap3A_176, %swap3A_177] {strides = array<i32>} : memref<80x128xf32, #tpu.memory_space<vmem>>, vector<1x16xf32>,
      %swap3A_179 = vector.shape_cast %swap3A_178 : vector<1x16xf32> to vector<16xf32>
      %swap3A_180 = vector.shape_cast %broadcast_in_dim3A_175 : vector<16xf32> to vector<1x16xf32>
      tpu.vector_store %arg11[%swap3A_176, %swap3A_177], %swap3A_180 {strides = array<i32>} : memref<80x128xf32, #tpu.memory_space<vmem>>, vector<1x16xf32>,
      %broadcast_in_dim3A_181 = arith.constant 0.000000e+00 : f32
      %broadcast_in_dim3A_182 = vector.broadcast %broadcast_in_dim3A_181 : f32 to vector<16xf32>
      %swap3A_183 = arith.index_cast %scan3A_161 : i32 to index
      %swap3A_184 = arith.constant 48 : index
      %swap3A_185 = tpu.vector_load %arg11[%swap3A_183, %swap3A_184] {strides = array<i32>} : memref<80x128xf32, #tpu.memory_space<vmem>>, vector<1x16xf32>,
      %swap3A_186 = vector.shape_cast %swap3A_185 : vector<1x16xf32> to vector<16xf32>
      %swap3A_187 = vector.shape_cast %broadcast_in_dim3A_182 : vector<16xf32> to vector<1x16xf32>
      tpu.vector_store %arg11[%swap3A_183, %swap3A_184], %swap3A_187 {strides = array<i32>} : memref<80x128xf32, #tpu.memory_space<vmem>>, vector<1x16xf32>,
      %broadcast_in_dim3A_188 = arith.constant 0.000000e+00 : f32
      %broadcast_in_dim3A_189 = vector.broadcast %broadcast_in_dim3A_188 : f32 to vector<16xf32>
      %swap3A_190 = arith.index_cast %scan3A_161 : i32 to index
      %swap3A_191 = arith.constant 64 : index
      %swap3A_192 = tpu.vector_load %arg11[%swap3A_190, %swap3A_191] {strides = array<i32>} : memref<80x128xf32, #tpu.memory_space<vmem>>, vector<1x16xf32>,
      %swap3A_193 = vector.shape_cast %swap3A_192 : vector<1x16xf32> to vector<16xf32>
      %swap3A_194 = vector.shape_cast %broadcast_in_dim3A_189 : vector<16xf32> to vector<1x16xf32>
      tpu.vector_store %arg11[%swap3A_190, %swap3A_191], %swap3A_194 {strides = array<i32>} : memref<80x128xf32, #tpu.memory_space<vmem>>, vector<1x16xf32>,
      %broadcast_in_dim3A_195 = arith.constant 0.000000e+00 : f32
      %broadcast_in_dim3A_196 = vector.broadcast %broadcast_in_dim3A_195 : f32 to vector<16xf32>
      %swap3A_197 = arith.index_cast %scan3A_161 : i32 to index
      %swap3A_198 = arith.constant 80 : index
      %swap3A_199 = tpu.vector_load %arg11[%swap3A_197, %swap3A_198] {strides = array<i32>} : memref<80x128xf32, #tpu.memory_space<vmem>>, vector<1x16xf32>,
      %swap3A_200 = vector.shape_cast %swap3A_199 : vector<1x16xf32> to vector<16xf32>
      %swap3A_201 = vector.shape_cast %broadcast_in_dim3A_196 : vector<16xf32> to vector<1x16xf32>
      tpu.vector_store %arg11[%swap3A_197, %swap3A_198], %swap3A_201 {strides = array<i32>} : memref<80x128xf32, #tpu.memory_space<vmem>>, vector<1x16xf32>,
      %broadcast_in_dim3A_202 = arith.constant 0.000000e+00 : f32
      %broadcast_in_dim3A_203 = vector.broadcast %broadcast_in_dim3A_202 : f32 to vector<16xf32>
      %swap3A_204 = arith.index_cast %scan3A_161 : i32 to index
      %swap3A_205 = arith.constant 96 : index
      %swap3A_206 = tpu.vector_load %arg11[%swap3A_204, %swap3A_205] {strides = array<i32>} : memref<80x128xf32, #tpu.memory_space<vmem>>, vector<1x16xf32>,
      %swap3A_207 = vector.shape_cast %swap3A_206 : vector<1x16xf32> to vector<16xf32>
      %swap3A_208 = vector.shape_cast %broadcast_in_dim3A_203 : vector<16xf32> to vector<1x16xf32>
      tpu.vector_store %arg11[%swap3A_204, %swap3A_205], %swap3A_208 {strides = array<i32>} : memref<80x128xf32, #tpu.memory_space<vmem>>, vector<1x16xf32>,
      %broadcast_in_dim3A_209 = arith.constant 0.000000e+00 : f32
      %broadcast_in_dim3A_210 = vector.broadcast %broadcast_in_dim3A_209 : f32 to vector<16xf32>
      %swap3A_211 = arith.index_cast %scan3A_161 : i32 to index
      %swap3A_212 = arith.constant 112 : index
      %swap3A_213 = tpu.vector_load %arg11[%swap3A_211, %swap3A_212] {strides = array<i32>} : memref<80x128xf32, #tpu.memory_space<vmem>>, vector<1x16xf32>,
      %swap3A_214 = vector.shape_cast %swap3A_213 : vector<1x16xf32> to vector<16xf32>
      %swap3A_215 = vector.shape_cast %broadcast_in_dim3A_210 : vector<16xf32> to vector<1x16xf32>
      tpu.vector_store %arg11[%swap3A_211, %swap3A_212], %swap3A_215 {strides = array<i32>} : memref<80x128xf32, #tpu.memory_space<vmem>>, vector<1x16xf32>,
    }
    %scan3A_5 = arith.constant 80 : i32
    %mul3A_6 = arith.constant 640 : i32
    %mul3A_7 = arith.muli %arg1, %mul3A_6 : i32
    %add3A_8 = arith.constant 0 : i32
    %add3A_9 = arith.addi %mul3A_7, %add3A_8 : i32
    "tpu.region"() ({
      %run_scoped3A = tpu.sem_alloc : memref<!tpu.dma_semaphore, #tpu.memory_space<semaphore_mem>>
      %dma_start3A_161 = arith.constant 0 : i32
      %dma_start3A_162 = tpu.memref_slice %arg6[%add3A_9, %dma_start3A_161] : memref<10240x128xf32, #tpu.memory_space<vmem_shared>> -> memref<80x128xf32, #tpu.memory_space<vmem_shared>>
      %dma_start3A_163 = arith.constant 0 : i32
      %dma_start3A_164 = tpu.memref_slice %arg6[%add3A_9, %dma_start3A_163] : memref<10240x128xf32, #tpu.memory_space<vmem_shared>> -> memref<80x128xf32, #tpu.memory_space<vmem_shared>>
      tpu.enqueue_dma source(%arg11 : memref<80x128xf32, #tpu.memory_space<vmem>>) target(%dma_start3A_164 : memref<80x128xf32, #tpu.memory_space<vmem_shared>>) target_semaphore(%run_scoped3A : memref<!tpu.dma_semaphore, #tpu.memory_space<semaphore_mem>>)
      %dma_wait3A_165 = arith.constant 0 : i32
      %dma_wait3A_166 = tpu.memref_slice %arg6[%add3A_9, %dma_wait3A_165] : memref<10240x128xf32, #tpu.memory_space<vmem_shared>> -> memref<80x128xf32, #tpu.memory_space<vmem_shared>>
      %dma_wait3A_167 = arith.constant 0 : i32
      %dma_wait3A_168 = tpu.memref_slice %arg6[%add3A_9, %dma_wait3A_167] : memref<10240x128xf32, #tpu.memory_space<vmem_shared>> -> memref<80x128xf32, #tpu.memory_space<vmem_shared>>
      tpu.wait_dma2 semaphore(%run_scoped3A : memref<!tpu.dma_semaphore, #tpu.memory_space<semaphore_mem>>) src(%arg11 : memref<80x128xf32, #tpu.memory_space<vmem>>) dst(%dma_wait3A_168 : memref<80x128xf32, #tpu.memory_space<vmem_shared>>)
      tpu.yield
    }) : () -> ()
    %add3A_10 = arith.constant 80 : i32
    %add3A_11 = arith.addi %mul3A_7, %add3A_10 : i32
    "tpu.region"() ({
      %run_scoped3A = tpu.sem_alloc : memref<!tpu.dma_semaphore, #tpu.memory_space<semaphore_mem>>
      %dma_start3A_161 = arith.constant 0 : i32
      %dma_start3A_162 = tpu.memref_slice %arg6[%add3A_11, %dma_start3A_161] : memref<10240x128xf32, #tpu.memory_space<vmem_shared>> -> memref<80x128xf32, #tpu.memory_space<vmem_shared>>
      %dma_start3A_163 = arith.constant 0 : i32
      %dma_start3A_164 = tpu.memref_slice %arg6[%add3A_11, %dma_start3A_163] : memref<10240x128xf32, #tpu.memory_space<vmem_shared>> -> memref<80x128xf32, #tpu.memory_space<vmem_shared>>
      tpu.enqueue_dma source(%arg11 : memref<80x128xf32, #tpu.memory_space<vmem>>) target(%dma_start3A_164 : memref<80x128xf32, #tpu.memory_space<vmem_shared>>) target_semaphore(%run_scoped3A : memref<!tpu.dma_semaphore, #tpu.memory_space<semaphore_mem>>)
      %dma_wait3A_165 = arith.constant 0 : i32
      %dma_wait3A_166 = tpu.memref_slice %arg6[%add3A_11, %dma_wait3A_165] : memref<10240x128xf32, #tpu.memory_space<vmem_shared>> -> memref<80x128xf32, #tpu.memory_space<vmem_shared>>
      %dma_wait3A_167 = arith.constant 0 : i32
      %dma_wait3A_168 = tpu.memref_slice %arg6[%add3A_11, %dma_wait3A_167] : memref<10240x128xf32, #tpu.memory_space<vmem_shared>> -> memref<80x128xf32, #tpu.memory_space<vmem_shared>>
      tpu.wait_dma2 semaphore(%run_scoped3A : memref<!tpu.dma_semaphore, #tpu.memory_space<semaphore_mem>>) src(%arg11 : memref<80x128xf32, #tpu.memory_space<vmem>>) dst(%dma_wait3A_168 : memref<80x128xf32, #tpu.memory_space<vmem_shared>>)
      tpu.yield
    }) : () -> ()
    %add3A_12 = arith.constant 160 : i32
    %add3A_13 = arith.addi %mul3A_7, %add3A_12 : i32
    "tpu.region"() ({
      %run_scoped3A = tpu.sem_alloc : memref<!tpu.dma_semaphore, #tpu.memory_space<semaphore_mem>>
      %dma_start3A_161 = arith.constant 0 : i32
      %dma_start3A_162 = tpu.memref_slice %arg6[%add3A_13, %dma_start3A_161] : memref<10240x128xf32, #tpu.memory_space<vmem_shared>> -> memref<80x128xf32, #tpu.memory_space<vmem_shared>>
      %dma_start3A_163 = arith.constant 0 : i32
      %dma_start3A_164 = tpu.memref_slice %arg6[%add3A_13, %dma_start3A_163] : memref<10240x128xf32, #tpu.memory_space<vmem_shared>> -> memref<80x128xf32, #tpu.memory_space<vmem_shared>>
      tpu.enqueue_dma source(%arg11 : memref<80x128xf32, #tpu.memory_space<vmem>>) target(%dma_start3A_164 : memref<80x128xf32, #tpu.memory_space<vmem_shared>>) target_semaphore(%run_scoped3A : memref<!tpu.dma_semaphore, #tpu.memory_space<semaphore_mem>>)
      %dma_wait3A_165 = arith.constant 0 : i32
      %dma_wait3A_166 = tpu.memref_slice %arg6[%add3A_13, %dma_wait3A_165] : memref<10240x128xf32, #tpu.memory_space<vmem_shared>> -> memref<80x128xf32, #tpu.memory_space<vmem_shared>>
      %dma_wait3A_167 = arith.constant 0 : i32
      %dma_wait3A_168 = tpu.memref_slice %arg6[%add3A_13, %dma_wait3A_167] : memref<10240x128xf32, #tpu.memory_space<vmem_shared>> -> memref<80x128xf32, #tpu.memory_space<vmem_shared>>
      tpu.wait_dma2 semaphore(%run_scoped3A : memref<!tpu.dma_semaphore, #tpu.memory_space<semaphore_mem>>) src(%arg11 : memref<80x128xf32, #tpu.memory_space<vmem>>) dst(%dma_wait3A_168 : memref<80x128xf32, #tpu.memory_space<vmem_shared>>)
      tpu.yield
    }) : () -> ()
    %add3A_14 = arith.constant 240 : i32
    %add3A_15 = arith.addi %mul3A_7, %add3A_14 : i32
    "tpu.region"() ({
      %run_scoped3A = tpu.sem_alloc : memref<!tpu.dma_semaphore, #tpu.memory_space<semaphore_mem>>
      %dma_start3A_161 = arith.constant 0 : i32
      %dma_start3A_162 = tpu.memref_slice %arg6[%add3A_15, %dma_start3A_161] : memref<10240x128xf32, #tpu.memory_space<vmem_shared>> -> memref<80x128xf32, #tpu.memory_space<vmem_shared>>
      %dma_start3A_163 = arith.constant 0 : i32
      %dma_start3A_164 = tpu.memref_slice %arg6[%add3A_15, %dma_start3A_163] : memref<10240x128xf32, #tpu.memory_space<vmem_shared>> -> memref<80x128xf32, #tpu.memory_space<vmem_shared>>
      tpu.enqueue_dma source(%arg11 : memref<80x128xf32, #tpu.memory_space<vmem>>) target(%dma_start3A_164 : memref<80x128xf32, #tpu.memory_space<vmem_shared>>) target_semaphore(%run_scoped3A : memref<!tpu.dma_semaphore, #tpu.memory_space<semaphore_mem>>)
      %dma_wait3A_165 = arith.constant 0 : i32
      %dma_wait3A_166 = tpu.memref_slice %arg6[%add3A_15, %dma_wait3A_165] : memref<10240x128xf32, #tpu.memory_space<vmem_shared>> -> memref<80x128xf32, #tpu.memory_space<vmem_shared>>
      %dma_wait3A_167 = arith.constant 0 : i32
      %dma_wait3A_168 = tpu.memref_slice %arg6[%add3A_15, %dma_wait3A_167] : memref<10240x128xf32, #tpu.memory_space<vmem_shared>> -> memref<80x128xf32, #tpu.memory_space<vmem_shared>>
      tpu.wait_dma2 semaphore(%run_scoped3A : memref<!tpu.dma_semaphore, #tpu.memory_space<semaphore_mem>>) src(%arg11 : memref<80x128xf32, #tpu.memory_space<vmem>>) dst(%dma_wait3A_168 : memref<80x128xf32, #tpu.memory_space<vmem_shared>>)
      tpu.yield
    }) : () -> ()
    %add3A_16 = arith.constant 320 : i32
    %add3A_17 = arith.addi %mul3A_7, %add3A_16 : i32
    "tpu.region"() ({
      %run_scoped3A = tpu.sem_alloc : memref<!tpu.dma_semaphore, #tpu.memory_space<semaphore_mem>>
      %dma_start3A_161 = arith.constant 0 : i32
      %dma_start3A_162 = tpu.memref_slice %arg6[%add3A_17, %dma_start3A_161] : memref<10240x128xf32, #tpu.memory_space<vmem_shared>> -> memref<80x128xf32, #tpu.memory_space<vmem_shared>>
      %dma_start3A_163 = arith.constant 0 : i32
      %dma_start3A_164 = tpu.memref_slice %arg6[%add3A_17, %dma_start3A_163] : memref<10240x128xf32, #tpu.memory_space<vmem_shared>> -> memref<80x128xf32, #tpu.memory_space<vmem_shared>>
      tpu.enqueue_dma source(%arg11 : memref<80x128xf32, #tpu.memory_space<vmem>>) target(%dma_start3A_164 : memref<80x128xf32, #tpu.memory_space<vmem_shared>>) target_semaphore(%run_scoped3A : memref<!tpu.dma_semaphore, #tpu.memory_space<semaphore_mem>>)
      %dma_wait3A_165 = arith.constant 0 : i32
      %dma_wait3A_166 = tpu.memref_slice %arg6[%add3A_17, %dma_wait3A_165] : memref<10240x128xf32, #tpu.memory_space<vmem_shared>> -> memref<80x128xf32, #tpu.memory_space<vmem_shared>>
      %dma_wait3A_167 = arith.constant 0 : i32
      %dma_wait3A_168 = tpu.memref_slice %arg6[%add3A_17, %dma_wait3A_167] : memref<10240x128xf32, #tpu.memory_space<vmem_shared>> -> memref<80x128xf32, #tpu.memory_space<vmem_shared>>
      tpu.wait_dma2 semaphore(%run_scoped3A : memref<!tpu.dma_semaphore, #tpu.memory_space<semaphore_mem>>) src(%arg11 : memref<80x128xf32, #tpu.memory_space<vmem>>) dst(%dma_wait3A_168 : memref<80x128xf32, #tpu.memory_space<vmem_shared>>)
      tpu.yield
    }) : () -> ()
    %add3A_18 = arith.constant 400 : i32
    %add3A_19 = arith.addi %mul3A_7, %add3A_18 : i32
    "tpu.region"() ({
      %run_scoped3A = tpu.sem_alloc : memref<!tpu.dma_semaphore, #tpu.memory_space<semaphore_mem>>
      %dma_start3A_161 = arith.constant 0 : i32
      %dma_start3A_162 = tpu.memref_slice %arg6[%add3A_19, %dma_start3A_161] : memref<10240x128xf32, #tpu.memory_space<vmem_shared>> -> memref<80x128xf32, #tpu.memory_space<vmem_shared>>
      %dma_start3A_163 = arith.constant 0 : i32
      %dma_start3A_164 = tpu.memref_slice %arg6[%add3A_19, %dma_start3A_163] : memref<10240x128xf32, #tpu.memory_space<vmem_shared>> -> memref<80x128xf32, #tpu.memory_space<vmem_shared>>
      tpu.enqueue_dma source(%arg11 : memref<80x128xf32, #tpu.memory_space<vmem>>) target(%dma_start3A_164 : memref<80x128xf32, #tpu.memory_space<vmem_shared>>) target_semaphore(%run_scoped3A : memref<!tpu.dma_semaphore, #tpu.memory_space<semaphore_mem>>)
      %dma_wait3A_165 = arith.constant 0 : i32
      %dma_wait3A_166 = tpu.memref_slice %arg6[%add3A_19, %dma_wait3A_165] : memref<10240x128xf32, #tpu.memory_space<vmem_shared>> -> memref<80x128xf32, #tpu.memory_space<vmem_shared>>
      %dma_wait3A_167 = arith.constant 0 : i32
      %dma_wait3A_168 = tpu.memref_slice %arg6[%add3A_19, %dma_wait3A_167] : memref<10240x128xf32, #tpu.memory_space<vmem_shared>> -> memref<80x128xf32, #tpu.memory_space<vmem_shared>>
      tpu.wait_dma2 semaphore(%run_scoped3A : memref<!tpu.dma_semaphore, #tpu.memory_space<semaphore_mem>>) src(%arg11 : memref<80x128xf32, #tpu.memory_space<vmem>>) dst(%dma_wait3A_168 : memref<80x128xf32, #tpu.memory_space<vmem_shared>>)
      tpu.yield
    }) : () -> ()
    %add3A_20 = arith.constant 480 : i32
    %add3A_21 = arith.addi %mul3A_7, %add3A_20 : i32
    "tpu.region"() ({
      %run_scoped3A = tpu.sem_alloc : memref<!tpu.dma_semaphore, #tpu.memory_space<semaphore_mem>>
      %dma_start3A_161 = arith.constant 0 : i32
      %dma_start3A_162 = tpu.memref_slice %arg6[%add3A_21, %dma_start3A_161] : memref<10240x128xf32, #tpu.memory_space<vmem_shared>> -> memref<80x128xf32, #tpu.memory_space<vmem_shared>>
      %dma_start3A_163 = arith.constant 0 : i32
      %dma_start3A_164 = tpu.memref_slice %arg6[%add3A_21, %dma_start3A_163] : memref<10240x128xf32, #tpu.memory_space<vmem_shared>> -> memref<80x128xf32, #tpu.memory_space<vmem_shared>>
      tpu.enqueue_dma source(%arg11 : memref<80x128xf32, #tpu.memory_space<vmem>>) target(%dma_start3A_164 : memref<80x128xf32, #tpu.memory_space<vmem_shared>>) target_semaphore(%run_scoped3A : memref<!tpu.dma_semaphore, #tpu.memory_space<semaphore_mem>>)
      %dma_wait3A_165 = arith.constant 0 : i32
      %dma_wait3A_166 = tpu.memref_slice %arg6[%add3A_21, %dma_wait3A_165] : memref<10240x128xf32, #tpu.memory_space<vmem_shared>> -> memref<80x128xf32, #tpu.memory_space<vmem_shared>>
      %dma_wait3A_167 = arith.constant 0 : i32
      %dma_wait3A_168 = tpu.memref_slice %arg6[%add3A_21, %dma_wait3A_167] : memref<10240x128xf32, #tpu.memory_space<vmem_shared>> -> memref<80x128xf32, #tpu.memory_space<vmem_shared>>
      tpu.wait_dma2 semaphore(%run_scoped3A : memref<!tpu.dma_semaphore, #tpu.memory_space<semaphore_mem>>) src(%arg11 : memref<80x128xf32, #tpu.memory_space<vmem>>) dst(%dma_wait3A_168 : memref<80x128xf32, #tpu.memory_space<vmem_shared>>)
      tpu.yield
    }) : () -> ()
    %add3A_22 = arith.constant 560 : i32
    %add3A_23 = arith.addi %mul3A_7, %add3A_22 : i32
    "tpu.region"() ({
      %run_scoped3A = tpu.sem_alloc : memref<!tpu.dma_semaphore, #tpu.memory_space<semaphore_mem>>
      %dma_start3A_161 = arith.constant 0 : i32
      %dma_start3A_162 = tpu.memref_slice %arg6[%add3A_23, %dma_start3A_161] : memref<10240x128xf32, #tpu.memory_space<vmem_shared>> -> memref<80x128xf32, #tpu.memory_space<vmem_shared>>
      %dma_start3A_163 = arith.constant 0 : i32
      %dma_start3A_164 = tpu.memref_slice %arg6[%add3A_23, %dma_start3A_163] : memref<10240x128xf32, #tpu.memory_space<vmem_shared>> -> memref<80x128xf32, #tpu.memory_space<vmem_shared>>
      tpu.enqueue_dma source(%arg11 : memref<80x128xf32, #tpu.memory_space<vmem>>) target(%dma_start3A_164 : memref<80x128xf32, #tpu.memory_space<vmem_shared>>) target_semaphore(%run_scoped3A : memref<!tpu.dma_semaphore, #tpu.memory_space<semaphore_mem>>)
      %dma_wait3A_165 = arith.constant 0 : i32
      %dma_wait3A_166 = tpu.memref_slice %arg6[%add3A_23, %dma_wait3A_165] : memref<10240x128xf32, #tpu.memory_space<vmem_shared>> -> memref<80x128xf32, #tpu.memory_space<vmem_shared>>
      %dma_wait3A_167 = arith.constant 0 : i32
      %dma_wait3A_168 = tpu.memref_slice %arg6[%add3A_23, %dma_wait3A_167] : memref<10240x128xf32, #tpu.memory_space<vmem_shared>> -> memref<80x128xf32, #tpu.memory_space<vmem_shared>>
      tpu.wait_dma2 semaphore(%run_scoped3A : memref<!tpu.dma_semaphore, #tpu.memory_space<semaphore_mem>>) src(%arg11 : memref<80x128xf32, #tpu.memory_space<vmem>>) dst(%dma_wait3A_168 : memref<80x128xf32, #tpu.memory_space<vmem_shared>>)
      tpu.yield
    }) : () -> ()
    %mul3A_24 = arith.constant 10000 : i32
    %mul3A_25 = arith.muli %add3A, %mul3A_24 : i32
    "tpu.region"() ({
      %run_scoped3A = tpu.sem_alloc : memref<!tpu.dma_semaphore, #tpu.memory_space<semaphore_mem>>
      %dma_start3A_161 = tpu.memref_slice %arg3[%mul3A_25] : memref<320000xi32, #tpu.memory_space<hbm>> -> memref<10000xi32, #tpu.memory_space<hbm>>
      %dma_start3A_162 = tpu.memref_slice %arg3[%mul3A_25] : memref<320000xi32, #tpu.memory_space<hbm>> -> memref<10000xi32, #tpu.memory_space<hbm>>
      tpu.enqueue_dma source(%dma_start3A_162 : memref<10000xi32, #tpu.memory_space<hbm>>) target(%arg7 : memref<10000xi32, #tpu.memory_space<vmem>>) target_semaphore(%run_scoped3A : memref<!tpu.dma_semaphore, #tpu.memory_space<semaphore_mem>>)
      %dma_wait3A_163 = tpu.memref_slice %arg3[%mul3A_25] : memref<320000xi32, #tpu.memory_space<hbm>> -> memref<10000xi32, #tpu.memory_space<hbm>>
      %dma_wait3A_164 = tpu.memref_slice %arg3[%mul3A_25] : memref<320000xi32, #tpu.memory_space<hbm>> -> memref<10000xi32, #tpu.memory_space<hbm>>
      tpu.wait_dma2 semaphore(%run_scoped3A : memref<!tpu.dma_semaphore, #tpu.memory_space<semaphore_mem>>) src(%dma_wait3A_164 : memref<10000xi32, #tpu.memory_space<hbm>>) dst(%arg7 : memref<10000xi32, #tpu.memory_space<vmem>>)
      tpu.yield
    }) : () -> ()
    %barrier3A = arith.constant 0 : index
    tpu.barrier barrier_id(%barrier3A)
    %dma_start3A = arith.constant 0 : i32
    %dma_start3A_26 = tpu.memref_slice %arg7[%dma_start3A] : memref<10000xi32, #tpu.memory_space<vmem>> -> memref<80xi32, #tpu.memory_space<vmem>>
    %dma_start3A_27 = arith.constant 0 : i32
    %dma_start3A_28 = arith.constant 0 : i32
    %dma_start3A_29 = tpu.memref_slice %arg2[%dma_start3A_27, %dma_start3A_28] : memref<10000x128xf32, #tpu.memory_space<hbm>> -> memref<10000x128xf32, #tpu.memory_space<hbm>>
    tpu.enqueue_indirect_dma source(%dma_start3A_29 : memref<10000x128xf32, #tpu.memory_space<hbm>>) target(%arg11 : memref<80x128xf32, #tpu.memory_space<vmem>>) offsets(%dma_start3A_26 : memref<80xi32, #tpu.memory_space<vmem>>) semaphore(%arg14 : memref<!tpu.dma_semaphore, #tpu.memory_space<semaphore_mem>>)
    %add3A_30 = arith.constant 0 : i32
    %add3A_31 = arith.addi %mul3A_25, %add3A_30 : i32
    %dma_start3A_32 = tpu.memref_slice %arg4[%add3A_31] : memref<320000xi32, #tpu.memory_space<hbm>> -> memref<80xi32, #tpu.memory_space<hbm>>
    %dma_start3A_33 = tpu.memref_slice %arg4[%add3A_31] : memref<320000xi32, #tpu.memory_space<hbm>> -> memref<80xi32, #tpu.memory_space<hbm>>
    tpu.enqueue_dma source(%dma_start3A_33 : memref<80xi32, #tpu.memory_space<hbm>>) target(%arg8 : memref<80xi32, #tpu.memory_space<vmem>>) target_semaphore(%arg17 : memref<!tpu.dma_semaphore, #tpu.memory_space<semaphore_mem>>)
    %dma_start3A_34 = arith.constant 80 : i32
    %dma_start3A_35 = tpu.memref_slice %arg7[%dma_start3A_34] : memref<10000xi32, #tpu.memory_space<vmem>> -> memref<80xi32, #tpu.memory_space<vmem>>
    %dma_start3A_36 = arith.constant 0 : i32
    %dma_start3A_37 = arith.constant 0 : i32
    %dma_start3A_38 = tpu.memref_slice %arg2[%dma_start3A_36, %dma_start3A_37] : memref<10000x128xf32, #tpu.memory_space<hbm>> -> memref<10000x128xf32, #tpu.memory_space<hbm>>
    tpu.enqueue_indirect_dma source(%dma_start3A_38 : memref<10000x128xf32, #tpu.memory_space<hbm>>) target(%arg12 : memref<80x128xf32, #tpu.memory_space<vmem>>) offsets(%dma_start3A_35 : memref<80xi32, #tpu.memory_space<vmem>>) semaphore(%arg15 : memref<!tpu.dma_semaphore, #tpu.memory_space<semaphore_mem>>)
    %add3A_39 = arith.constant 80 : i32
    %add3A_40 = arith.addi %mul3A_25, %add3A_39 : i32
    %dma_start3A_41 = tpu.memref_slice %arg4[%add3A_40] : memref<320000xi32, #tpu.memory_space<hbm>> -> memref<80xi32, #tpu.memory_space<hbm>>
    %dma_start3A_42 = tpu.memref_slice %arg4[%add3A_40] : memref<320000xi32, #tpu.memory_space<hbm>> -> memref<80xi32, #tpu.memory_space<hbm>>
    tpu.enqueue_dma source(%dma_start3A_42 : memref<80xi32, #tpu.memory_space<hbm>>) target(%arg9 : memref<80xi32, #tpu.memory_space<vmem>>) target_semaphore(%arg18 : memref<!tpu.dma_semaphore, #tpu.memory_space<semaphore_mem>>)
    %dma_wait3A = arith.constant 0 : i32
    %dma_wait3A_43 = tpu.memref_slice %arg7[%dma_wait3A] : memref<10000xi32, #tpu.memory_space<vmem>> -> memref<80xi32, #tpu.memory_space<vmem>>
    %dma_wait3A_44 = arith.constant 0 : i32
    %dma_wait3A_45 = arith.constant 0 : i32
    %dma_wait3A_46 = tpu.memref_slice %arg2[%dma_wait3A_44, %dma_wait3A_45] : memref<10000x128xf32, #tpu.memory_space<hbm>> -> memref<10000x128xf32, #tpu.memory_space<hbm>>
    tpu.wait_indirect_dma semaphore(%arg14 : memref<!tpu.dma_semaphore, #tpu.memory_space<semaphore_mem>>) src(%dma_wait3A_46 : memref<10000x128xf32, #tpu.memory_space<hbm>>) dst(%arg11 : memref<80x128xf32, #tpu.memory_space<vmem>>)
    %add3A_47 = arith.constant 0 : i32
    %add3A_48 = arith.addi %mul3A_25, %add3A_47 : i32
    %dma_wait3A_49 = tpu.memref_slice %arg4[%add3A_48] : memref<320000xi32, #tpu.memory_space<hbm>> -> memref<80xi32, #tpu.memory_space<hbm>>
    %dma_wait3A_50 = tpu.memref_slice %arg4[%add3A_48] : memref<320000xi32, #tpu.memory_space<hbm>> -> memref<80xi32, #tpu.memory_space<hbm>>
    tpu.wait_dma2 semaphore(%arg17 : memref<!tpu.dma_semaphore, #tpu.memory_space<semaphore_mem>>) src(%dma_wait3A_50 : memref<80xi32, #tpu.memory_space<hbm>>) dst(%arg8 : memref<80xi32, #tpu.memory_space<vmem>>)
    %dma_start3A_51 = arith.constant 0 : i32
    %dma_start3A_52 = arith.constant 0 : i32
    %dma_start3A_53 = tpu.memref_slice %arg6[%dma_start3A_51, %dma_start3A_52] : memref<10240x128xf32, #tpu.memory_space<vmem_shared>> -> memref<10240x128xf32, #tpu.memory_space<vmem_shared>>
    tpu.enqueue_indirect_dma source(%arg11 : memref<80x128xf32, #tpu.memory_space<vmem>>) target(%dma_start3A_53 : memref<10240x128xf32, #tpu.memory_space<vmem_shared>>) offsets(%arg8 : memref<80xi32, #tpu.memory_space<vmem>>) semaphore(%arg20 : memref<!tpu.dma_semaphore, #tpu.memory_space<semaphore_mem>>) {add = true}
    %dma_start3A_54 = arith.constant 160 : i32
    %dma_start3A_55 = tpu.memref_slice %arg7[%dma_start3A_54] : memref<10000xi32, #tpu.memory_space<vmem>> -> memref<80xi32, #tpu.memory_space<vmem>>
    %dma_start3A_56 = arith.constant 0 : i32
    %dma_start3A_57 = arith.constant 0 : i32
    %dma_start3A_58 = tpu.memref_slice %arg2[%dma_start3A_56, %dma_start3A_57] : memref<10000x128xf32, #tpu.memory_space<hbm>> -> memref<10000x128xf32, #tpu.memory_space<hbm>>
    tpu.enqueue_indirect_dma source(%dma_start3A_58 : memref<10000x128xf32, #tpu.memory_space<hbm>>) target(%arg13 : memref<80x128xf32, #tpu.memory_space<vmem>>) offsets(%dma_start3A_55 : memref<80xi32, #tpu.memory_space<vmem>>) semaphore(%arg16 : memref<!tpu.dma_semaphore, #tpu.memory_space<semaphore_mem>>)
    %add3A_59 = arith.constant 160 : i32
    %add3A_60 = arith.addi %mul3A_25, %add3A_59 : i32
    %dma_start3A_61 = tpu.memref_slice %arg4[%add3A_60] : memref<320000xi32, #tpu.memory_space<hbm>> -> memref<80xi32, #tpu.memory_space<hbm>>
    %dma_start3A_62 = tpu.memref_slice %arg4[%add3A_60] : memref<320000xi32, #tpu.memory_space<hbm>> -> memref<80xi32, #tpu.memory_space<hbm>>
    tpu.enqueue_dma source(%dma_start3A_62 : memref<80xi32, #tpu.memory_space<hbm>>) target(%arg10 : memref<80xi32, #tpu.memory_space<vmem>>) target_semaphore(%arg19 : memref<!tpu.dma_semaphore, #tpu.memory_space<semaphore_mem>>)
    %dma_wait3A_63 = arith.constant 80 : i32
    %dma_wait3A_64 = tpu.memref_slice %arg7[%dma_wait3A_63] : memref<10000xi32, #tpu.memory_space<vmem>> -> memref<80xi32, #tpu.memory_space<vmem>>
    %dma_wait3A_65 = arith.constant 0 : i32
    %dma_wait3A_66 = arith.constant 0 : i32
    %dma_wait3A_67 = tpu.memref_slice %arg2[%dma_wait3A_65, %dma_wait3A_66] : memref<10000x128xf32, #tpu.memory_space<hbm>> -> memref<10000x128xf32, #tpu.memory_space<hbm>>
    tpu.wait_indirect_dma semaphore(%arg15 : memref<!tpu.dma_semaphore, #tpu.memory_space<semaphore_mem>>) src(%dma_wait3A_67 : memref<10000x128xf32, #tpu.memory_space<hbm>>) dst(%arg12 : memref<80x128xf32, #tpu.memory_space<vmem>>)
    %add3A_68 = arith.constant 80 : i32
    %add3A_69 = arith.addi %mul3A_25, %add3A_68 : i32
    %dma_wait3A_70 = tpu.memref_slice %arg4[%add3A_69] : memref<320000xi32, #tpu.memory_space<hbm>> -> memref<80xi32, #tpu.memory_space<hbm>>
    %dma_wait3A_71 = tpu.memref_slice %arg4[%add3A_69] : memref<320000xi32, #tpu.memory_space<hbm>> -> memref<80xi32, #tpu.memory_space<hbm>>
    tpu.wait_dma2 semaphore(%arg18 : memref<!tpu.dma_semaphore, #tpu.memory_space<semaphore_mem>>) src(%dma_wait3A_71 : memref<80xi32, #tpu.memory_space<hbm>>) dst(%arg9 : memref<80xi32, #tpu.memory_space<vmem>>)
    %dma_wait3A_72 = arith.constant 0 : i32
    %dma_wait3A_73 = tpu.memref_slice %arg7[%dma_wait3A_72] : memref<10000xi32, #tpu.memory_space<vmem>> -> memref<80xi32, #tpu.memory_space<vmem>>
    %dma_wait3A_74 = arith.constant 0 : i32
    %dma_wait3A_75 = arith.constant 0 : i32
    %dma_wait3A_76 = tpu.memref_slice %arg2[%dma_wait3A_74, %dma_wait3A_75] : memref<10000x128xf32, #tpu.memory_space<hbm>> -> memref<10000x128xf32, #tpu.memory_space<hbm>>
    tpu.wait_indirect_dma semaphore(%arg20 : memref<!tpu.dma_semaphore, #tpu.memory_space<semaphore_mem>>) src(%dma_wait3A_76 : memref<10000x128xf32, #tpu.memory_space<hbm>>) dst(%arg11 : memref<80x128xf32, #tpu.memory_space<vmem>>)
    %dma_start3A_77 = arith.constant 0 : i32
    %dma_start3A_78 = arith.constant 0 : i32
    %dma_start3A_79 = tpu.memref_slice %arg6[%dma_start3A_77, %dma_start3A_78] : memref<10240x128xf32, #tpu.memory_space<vmem_shared>> -> memref<10240x128xf32, #tpu.memory_space<vmem_shared>>
    tpu.enqueue_indirect_dma source(%arg12 : memref<80x128xf32, #tpu.memory_space<vmem>>) target(%dma_start3A_79 : memref<10240x128xf32, #tpu.memory_space<vmem_shared>>) offsets(%arg9 : memref<80xi32, #tpu.memory_space<vmem>>) semaphore(%arg20 : memref<!tpu.dma_semaphore, #tpu.memory_space<semaphore_mem>>) {add = true}
    %dma_start3A_80 = arith.constant 240 : i32
    %dma_start3A_81 = tpu.memref_slice %arg7[%dma_start3A_80] : memref<10000xi32, #tpu.memory_space<vmem>> -> memref<80xi32, #tpu.memory_space<vmem>>
    %dma_start3A_82 = arith.constant 0 : i32
    %dma_start3A_83 = arith.constant 0 : i32
    %dma_start3A_84 = tpu.memref_slice %arg2[%dma_start3A_82, %dma_start3A_83] : memref<10000x128xf32, #tpu.memory_space<hbm>> -> memref<10000x128xf32, #tpu.memory_space<hbm>>
    tpu.enqueue_indirect_dma source(%dma_start3A_84 : memref<10000x128xf32, #tpu.memory_space<hbm>>) target(%arg11 : memref<80x128xf32, #tpu.memory_space<vmem>>) offsets(%dma_start3A_81 : memref<80xi32, #tpu.memory_space<vmem>>) semaphore(%arg14 : memref<!tpu.dma_semaphore, #tpu.memory_space<semaphore_mem>>)
    %add3A_85 = arith.constant 240 : i32
    %add3A_86 = arith.addi %mul3A_25, %add3A_85 : i32
    %dma_start3A_87 = tpu.memref_slice %arg4[%add3A_86] : memref<320000xi32, #tpu.memory_space<hbm>> -> memref<80xi32, #tpu.memory_space<hbm>>
    %dma_start3A_88 = tpu.memref_slice %arg4[%add3A_86] : memref<320000xi32, #tpu.memory_space<hbm>> -> memref<80xi32, #tpu.memory_space<hbm>>
    tpu.enqueue_dma source(%dma_start3A_88 : memref<80xi32, #tpu.memory_space<hbm>>) target(%arg8 : memref<80xi32, #tpu.memory_space<vmem>>) target_semaphore(%arg17 : memref<!tpu.dma_semaphore, #tpu.memory_space<semaphore_mem>>)
    %scan3A_89 = arith.constant 0 : i32
    %scan3A_90 = arith.constant 0 : i32
    %scan3A_91 = arith.constant 40 : i32
    %scan3A_92 = arith.addi %scan3A_90, %scan3A_91 : i32
    %scan3A_93 = arith.constant 1 : i32
    scf.for %scan3A_161 = %scan3A_90 to %scan3A_92 step %scan3A_93  : i32 {
      %mul3A_162 = arith.constant 3 : i32
      %mul3A_163 = arith.muli %mul3A_162, %scan3A_161 : i32
      %add3A_164 = arith.constant 2 : i32
      %add3A_165 = arith.addi %add3A_164, %mul3A_163 : i32
      %mul3A_166 = arith.constant 80 : i32
      %mul3A_167 = arith.muli %add3A_165, %mul3A_166 : i32
      %dma_wait3A_168 = tpu.memref_slice %arg7[%mul3A_167] : memref<10000xi32, #tpu.memory_space<vmem>> -> memref<80xi32, #tpu.memory_space<vmem>>
      %dma_wait3A_169 = arith.constant 0 : i32
      %dma_wait3A_170 = arith.constant 0 : i32
      %dma_wait3A_171 = tpu.memref_slice %arg2[%dma_wait3A_169, %dma_wait3A_170] : memref<10000x128xf32, #tpu.memory_space<hbm>> -> memref<10000x128xf32, #tpu.memory_space<hbm>>
      tpu.wait_indirect_dma semaphore(%arg16 : memref<!tpu.dma_semaphore, #tpu.memory_space<semaphore_mem>>) src(%dma_wait3A_171 : memref<10000x128xf32, #tpu.memory_space<hbm>>) dst(%arg13 : memref<80x128xf32, #tpu.memory_space<vmem>>)
      %mul3A_172 = arith.constant 80 : i32
      %mul3A_173 = arith.muli %add3A_165, %mul3A_172 : i32
      %add3A_174 = arith.addi %mul3A_25, %mul3A_173 : i32
      %dma_wait3A_175 = tpu.memref_slice %arg4[%add3A_174] : memref<320000xi32, #tpu.memory_space<hbm>> -> memref<80xi32, #tpu.memory_space<hbm>>
      %dma_wait3A_176 = tpu.memref_slice %arg4[%add3A_174] : memref<320000xi32, #tpu.memory_space<hbm>> -> memref<80xi32, #tpu.memory_space<hbm>>
      tpu.wait_dma2 semaphore(%arg19 : memref<!tpu.dma_semaphore, #tpu.memory_space<semaphore_mem>>) src(%dma_wait3A_176 : memref<80xi32, #tpu.memory_space<hbm>>) dst(%arg10 : memref<80xi32, #tpu.memory_space<vmem>>)
      %dma_wait3A_177 = arith.constant 0 : i32
      %dma_wait3A_178 = tpu.memref_slice %arg7[%dma_wait3A_177] : memref<10000xi32, #tpu.memory_space<vmem>> -> memref<80xi32, #tpu.memory_space<vmem>>
      %dma_wait3A_179 = arith.constant 0 : i32
      %dma_wait3A_180 = arith.constant 0 : i32
      %dma_wait3A_181 = tpu.memref_slice %arg2[%dma_wait3A_179, %dma_wait3A_180] : memref<10000x128xf32, #tpu.memory_space<hbm>> -> memref<10000x128xf32, #tpu.memory_space<hbm>>
      tpu.wait_indirect_dma semaphore(%arg20 : memref<!tpu.dma_semaphore, #tpu.memory_space<semaphore_mem>>) src(%dma_wait3A_181 : memref<10000x128xf32, #tpu.memory_space<hbm>>) dst(%arg12 : memref<80x128xf32, #tpu.memory_space<vmem>>)
      %dma_start3A_182 = arith.constant 0 : i32
      %dma_start3A_183 = arith.constant 0 : i32
      %dma_start3A_184 = tpu.memref_slice %arg6[%dma_start3A_182, %dma_start3A_183] : memref<10240x128xf32, #tpu.memory_space<vmem_shared>> -> memref<10240x128xf32, #tpu.memory_space<vmem_shared>>
      tpu.enqueue_indirect_dma source(%arg13 : memref<80x128xf32, #tpu.memory_space<vmem>>) target(%dma_start3A_184 : memref<10240x128xf32, #tpu.memory_space<vmem_shared>>) offsets(%arg10 : memref<80xi32, #tpu.memory_space<vmem>>) semaphore(%arg20 : memref<!tpu.dma_semaphore, #tpu.memory_space<semaphore_mem>>) {add = true}
      %add3A_185 = arith.constant 2 : i32
      %add3A_186 = arith.addi %add3A_165, %add3A_185 : i32
      %mul3A_187 = arith.constant 80 : i32
      %mul3A_188 = arith.muli %add3A_186, %mul3A_187 : i32
      %dma_start3A_189 = tpu.memref_slice %arg7[%mul3A_188] : memref<10000xi32, #tpu.memory_space<vmem>> -> memref<80xi32, #tpu.memory_space<vmem>>
      %dma_start3A_190 = arith.constant 0 : i32
      %dma_start3A_191 = arith.constant 0 : i32
      %dma_start3A_192 = tpu.memref_slice %arg2[%dma_start3A_190, %dma_start3A_191] : memref<10000x128xf32, #tpu.memory_space<hbm>> -> memref<10000x128xf32, #tpu.memory_space<hbm>>
      tpu.enqueue_indirect_dma source(%dma_start3A_192 : memref<10000x128xf32, #tpu.memory_space<hbm>>) target(%arg12 : memref<80x128xf32, #tpu.memory_space<vmem>>) offsets(%dma_start3A_189 : memref<80xi32, #tpu.memory_space<vmem>>) semaphore(%arg15 : memref<!tpu.dma_semaphore, #tpu.memory_space<semaphore_mem>>)
      %mul3A_193 = arith.constant 80 : i32
      %mul3A_194 = arith.muli %add3A_186, %mul3A_193 : i32
      %add3A_195 = arith.addi %mul3A_25, %mul3A_194 : i32
      %dma_start3A_196 = tpu.memref_slice %arg4[%add3A_195] : memref<320000xi32, #tpu.memory_space<hbm>> -> memref<80xi32, #tpu.memory_space<hbm>>
      %dma_start3A_197 = tpu.memref_slice %arg4[%add3A_195] : memref<320000xi32, #tpu.memory_space<hbm>> -> memref<80xi32, #tpu.memory_space<hbm>>
      tpu.enqueue_dma source(%dma_start3A_197 : memref<80xi32, #tpu.memory_space<hbm>>) target(%arg9 : memref<80xi32, #tpu.memory_space<vmem>>) target_semaphore(%arg18 : memref<!tpu.dma_semaphore, #tpu.memory_space<semaphore_mem>>)
      %add3A_198 = arith.constant 1 : i32
      %add3A_199 = arith.addi %add3A_165, %add3A_198 : i32
      %mul3A_200 = arith.constant 80 : i32
      %mul3A_201 = arith.muli %add3A_199, %mul3A_200 : i32
      %dma_wait3A_202 = tpu.memref_slice %arg7[%mul3A_201] : memref<10000xi32, #tpu.memory_space<vmem>> -> memref<80xi32, #tpu.memory_space<vmem>>
      %dma_wait3A_203 = arith.constant 0 : i32
      %dma_wait3A_204 = arith.constant 0 : i32
      %dma_wait3A_205 = tpu.memref_slice %arg2[%dma_wait3A_203, %dma_wait3A_204] : memref<10000x128xf32, #tpu.memory_space<hbm>> -> memref<10000x128xf32, #tpu.memory_space<hbm>>
      tpu.wait_indirect_dma semaphore(%arg14 : memref<!tpu.dma_semaphore, #tpu.memory_space<semaphore_mem>>) src(%dma_wait3A_205 : memref<10000x128xf32, #tpu.memory_space<hbm>>) dst(%arg11 : memref<80x128xf32, #tpu.memory_space<vmem>>)
      %mul3A_206 = arith.constant 80 : i32
      %mul3A_207 = arith.muli %add3A_199, %mul3A_206 : i32
      %add3A_208 = arith.addi %mul3A_25, %mul3A_207 : i32
      %dma_wait3A_209 = tpu.memref_slice %arg4[%add3A_208] : memref<320000xi32, #tpu.memory_space<hbm>> -> memref<80xi32, #tpu.memory_space<hbm>>
      %dma_wait3A_210 = tpu.memref_slice %arg4[%add3A_208] : memref<320000xi32, #tpu.memory_space<hbm>> -> memref<80xi32, #tpu.memory_space<hbm>>
      tpu.wait_dma2 semaphore(%arg17 : memref<!tpu.dma_semaphore, #tpu.memory_space<semaphore_mem>>) src(%dma_wait3A_210 : memref<80xi32, #tpu.memory_space<hbm>>) dst(%arg8 : memref<80xi32, #tpu.memory_space<vmem>>)
      %dma_wait3A_211 = arith.constant 0 : i32
      %dma_wait3A_212 = tpu.memref_slice %arg7[%dma_wait3A_211] : memref<10000xi32, #tpu.memory_space<vmem>> -> memref<80xi32, #tpu.memory_space<vmem>>
      %dma_wait3A_213 = arith.constant 0 : i32
      %dma_wait3A_214 = arith.constant 0 : i32
      %dma_wait3A_215 = tpu.memref_slice %arg2[%dma_wait3A_213, %dma_wait3A_214] : memref<10000x128xf32, #tpu.memory_space<hbm>> -> memref<10000x128xf32, #tpu.memory_space<hbm>>
      tpu.wait_indirect_dma semaphore(%arg20 : memref<!tpu.dma_semaphore, #tpu.memory_space<semaphore_mem>>) src(%dma_wait3A_215 : memref<10000x128xf32, #tpu.memory_space<hbm>>) dst(%arg13 : memref<80x128xf32, #tpu.memory_space<vmem>>)
      %dma_start3A_216 = arith.constant 0 : i32
      %dma_start3A_217 = arith.constant 0 : i32
      %dma_start3A_218 = tpu.memref_slice %arg6[%dma_start3A_216, %dma_start3A_217] : memref<10240x128xf32, #tpu.memory_space<vmem_shared>> -> memref<10240x128xf32, #tpu.memory_space<vmem_shared>>
      tpu.enqueue_indirect_dma source(%arg11 : memref<80x128xf32, #tpu.memory_space<vmem>>) target(%dma_start3A_218 : memref<10240x128xf32, #tpu.memory_space<vmem_shared>>) offsets(%arg8 : memref<80xi32, #tpu.memory_space<vmem>>) semaphore(%arg20 : memref<!tpu.dma_semaphore, #tpu.memory_space<semaphore_mem>>) {add = true}
      %add3A_219 = arith.constant 2 : i32
      %add3A_220 = arith.addi %add3A_199, %add3A_219 : i32
      %mul3A_221 = arith.constant 80 : i32
      %mul3A_222 = arith.muli %add3A_220, %mul3A_221 : i32
      %dma_start3A_223 = tpu.memref_slice %arg7[%mul3A_222] : memref<10000xi32, #tpu.memory_space<vmem>> -> memref<80xi32, #tpu.memory_space<vmem>>
      %dma_start3A_224 = arith.constant 0 : i32
      %dma_start3A_225 = arith.constant 0 : i32
      %dma_start3A_226 = tpu.memref_slice %arg2[%dma_start3A_224, %dma_start3A_225] : memref<10000x128xf32, #tpu.memory_space<hbm>> -> memref<10000x128xf32, #tpu.memory_space<hbm>>
      tpu.enqueue_indirect_dma source(%dma_start3A_226 : memref<10000x128xf32, #tpu.memory_space<hbm>>) target(%arg13 : memref<80x128xf32, #tpu.memory_space<vmem>>) offsets(%dma_start3A_223 : memref<80xi32, #tpu.memory_space<vmem>>) semaphore(%arg16 : memref<!tpu.dma_semaphore, #tpu.memory_space<semaphore_mem>>)
      %mul3A_227 = arith.constant 80 : i32
      %mul3A_228 = arith.muli %add3A_220, %mul3A_227 : i32
      %add3A_229 = arith.addi %mul3A_25, %mul3A_228 : i32
      %dma_start3A_230 = tpu.memref_slice %arg4[%add3A_229] : memref<320000xi32, #tpu.memory_space<hbm>> -> memref<80xi32, #tpu.memory_space<hbm>>
      %dma_start3A_231 = tpu.memref_slice %arg4[%add3A_229] : memref<320000xi32, #tpu.memory_space<hbm>> -> memref<80xi32, #tpu.memory_space<hbm>>
      tpu.enqueue_dma source(%dma_start3A_231 : memref<80xi32, #tpu.memory_space<hbm>>) target(%arg10 : memref<80xi32, #tpu.memory_space<vmem>>) target_semaphore(%arg19 : memref<!tpu.dma_semaphore, #tpu.memory_space<semaphore_mem>>)
      %add3A_232 = arith.constant 2 : i32
      %add3A_233 = arith.addi %add3A_165, %add3A_232 : i32
      %mul3A_234 = arith.constant 80 : i32
      %mul3A_235 = arith.muli %add3A_233, %mul3A_234 : i32
      %dma_wait3A_236 = tpu.memref_slice %arg7[%mul3A_235] : memref<10000xi32, #tpu.memory_space<vmem>> -> memref<80xi32, #tpu.memory_space<vmem>>
      %dma_wait3A_237 = arith.constant 0 : i32
      %dma_wait3A_238 = arith.constant 0 : i32
      %dma_wait3A_239 = tpu.memref_slice %arg2[%dma_wait3A_237, %dma_wait3A_238] : memref<10000x128xf32, #tpu.memory_space<hbm>> -> memref<10000x128xf32, #tpu.memory_space<hbm>>
      tpu.wait_indirect_dma semaphore(%arg15 : memref<!tpu.dma_semaphore, #tpu.memory_space<semaphore_mem>>) src(%dma_wait3A_239 : memref<10000x128xf32, #tpu.memory_space<hbm>>) dst(%arg12 : memref<80x128xf32, #tpu.memory_space<vmem>>)
      %mul3A_240 = arith.constant 80 : i32
      %mul3A_241 = arith.muli %add3A_233, %mul3A_240 : i32
      %add3A_242 = arith.addi %mul3A_25, %mul3A_241 : i32
      %dma_wait3A_243 = tpu.memref_slice %arg4[%add3A_242] : memref<320000xi32, #tpu.memory_space<hbm>> -> memref<80xi32, #tpu.memory_space<hbm>>
      %dma_wait3A_244 = tpu.memref_slice %arg4[%add3A_242] : memref<320000xi32, #tpu.memory_space<hbm>> -> memref<80xi32, #tpu.memory_space<hbm>>
      tpu.wait_dma2 semaphore(%arg18 : memref<!tpu.dma_semaphore, #tpu.memory_space<semaphore_mem>>) src(%dma_wait3A_244 : memref<80xi32, #tpu.memory_space<hbm>>) dst(%arg9 : memref<80xi32, #tpu.memory_space<vmem>>)
      %dma_wait3A_245 = arith.constant 0 : i32
      %dma_wait3A_246 = tpu.memref_slice %arg7[%dma_wait3A_245] : memref<10000xi32, #tpu.memory_space<vmem>> -> memref<80xi32, #tpu.memory_space<vmem>>
      %dma_wait3A_247 = arith.constant 0 : i32
      %dma_wait3A_248 = arith.constant 0 : i32
      %dma_wait3A_249 = tpu.memref_slice %arg2[%dma_wait3A_247, %dma_wait3A_248] : memref<10000x128xf32, #tpu.memory_space<hbm>> -> memref<10000x128xf32, #tpu.memory_space<hbm>>
      tpu.wait_indirect_dma semaphore(%arg20 : memref<!tpu.dma_semaphore, #tpu.memory_space<semaphore_mem>>) src(%dma_wait3A_249 : memref<10000x128xf32, #tpu.memory_space<hbm>>) dst(%arg11 : memref<80x128xf32, #tpu.memory_space<vmem>>)
      %dma_start3A_250 = arith.constant 0 : i32
      %dma_start3A_251 = arith.constant 0 : i32
      %dma_start3A_252 = tpu.memref_slice %arg6[%dma_start3A_250, %dma_start3A_251] : memref<10240x128xf32, #tpu.memory_space<vmem_shared>> -> memref<10240x128xf32, #tpu.memory_space<vmem_shared>>
      tpu.enqueue_indirect_dma source(%arg12 : memref<80x128xf32, #tpu.memory_space<vmem>>) target(%dma_start3A_252 : memref<10240x128xf32, #tpu.memory_space<vmem_shared>>) offsets(%arg9 : memref<80xi32, #tpu.memory_space<vmem>>) semaphore(%arg20 : memref<!tpu.dma_semaphore, #tpu.memory_space<semaphore_mem>>) {add = true}
      %add3A_253 = arith.constant 2 : i32
      %add3A_254 = arith.addi %add3A_233, %add3A_253 : i32
      %mul3A_255 = arith.constant 80 : i32
      %mul3A_256 = arith.muli %add3A_254, %mul3A_255 : i32
      %dma_start3A_257 = tpu.memref_slice %arg7[%mul3A_256] : memref<10000xi32, #tpu.memory_space<vmem>> -> memref<80xi32, #tpu.memory_space<vmem>>
      %dma_start3A_258 = arith.constant 0 : i32
      %dma_start3A_259 = arith.constant 0 : i32
      %dma_start3A_260 = tpu.memref_slice %arg2[%dma_start3A_258, %dma_start3A_259] : memref<10000x128xf32, #tpu.memory_space<hbm>> -> memref<10000x128xf32, #tpu.memory_space<hbm>>
      tpu.enqueue_indirect_dma source(%dma_start3A_260 : memref<10000x128xf32, #tpu.memory_space<hbm>>) target(%arg11 : memref<80x128xf32, #tpu.memory_space<vmem>>) offsets(%dma_start3A_257 : memref<80xi32, #tpu.memory_space<vmem>>) semaphore(%arg14 : memref<!tpu.dma_semaphore, #tpu.memory_space<semaphore_mem>>)
      %mul3A_261 = arith.constant 80 : i32
      %mul3A_262 = arith.muli %add3A_254, %mul3A_261 : i32
      %add3A_263 = arith.addi %mul3A_25, %mul3A_262 : i32
      %dma_start3A_264 = tpu.memref_slice %arg4[%add3A_263] : memref<320000xi32, #tpu.memory_space<hbm>> -> memref<80xi32, #tpu.memory_space<hbm>>
      %dma_start3A_265 = tpu.memref_slice %arg4[%add3A_263] : memref<320000xi32, #tpu.memory_space<hbm>> -> memref<80xi32, #tpu.memory_space<hbm>>
      tpu.enqueue_dma source(%dma_start3A_265 : memref<80xi32, #tpu.memory_space<hbm>>) target(%arg8 : memref<80xi32, #tpu.memory_space<vmem>>) target_semaphore(%arg17 : memref<!tpu.dma_semaphore, #tpu.memory_space<semaphore_mem>>)
    }
    %scan3A_94 = arith.constant 40 : i32
    %dma_wait3A_95 = arith.constant 9760 : i32
    %dma_wait3A_96 = tpu.memref_slice %arg7[%dma_wait3A_95] : memref<10000xi32, #tpu.memory_space<vmem>> -> memref<80xi32, #tpu.memory_space<vmem>>
    %dma_wait3A_97 = arith.constant 0 : i32
    %dma_wait3A_98 = arith.constant 0 : i32
    %dma_wait3A_99 = tpu.memref_slice %arg2[%dma_wait3A_97, %dma_wait3A_98] : memref<10000x128xf32, #tpu.memory_space<hbm>> -> memref<10000x128xf32, #tpu.memory_space<hbm>>
    tpu.wait_indirect_dma semaphore(%arg16 : memref<!tpu.dma_semaphore, #tpu.memory_space<semaphore_mem>>) src(%dma_wait3A_99 : memref<10000x128xf32, #tpu.memory_space<hbm>>) dst(%arg13 : memref<80x128xf32, #tpu.memory_space<vmem>>)
    %add3A_100 = arith.constant 9760 : i32
    %add3A_101 = arith.addi %mul3A_25, %add3A_100 : i32
    %dma_wait3A_102 = tpu.memref_slice %arg4[%add3A_101] : memref<320000xi32, #tpu.memory_space<hbm>> -> memref<80xi32, #tpu.memory_space<hbm>>
    %dma_wait3A_103 = tpu.memref_slice %arg4[%add3A_101] : memref<320000xi32, #tpu.memory_space<hbm>> -> memref<80xi32, #tpu.memory_space<hbm>>
    tpu.wait_dma2 semaphore(%arg19 : memref<!tpu.dma_semaphore, #tpu.memory_space<semaphore_mem>>) src(%dma_wait3A_103 : memref<80xi32, #tpu.memory_space<hbm>>) dst(%arg10 : memref<80xi32, #tpu.memory_space<vmem>>)
    %dma_wait3A_104 = arith.constant 0 : i32
    %dma_wait3A_105 = tpu.memref_slice %arg7[%dma_wait3A_104] : memref<10000xi32, #tpu.memory_space<vmem>> -> memref<80xi32, #tpu.memory_space<vmem>>
    %dma_wait3A_106 = arith.constant 0 : i32
    %dma_wait3A_107 = arith.constant 0 : i32
    %dma_wait3A_108 = tpu.memref_slice %arg2[%dma_wait3A_106, %dma_wait3A_107] : memref<10000x128xf32, #tpu.memory_space<hbm>> -> memref<10000x128xf32, #tpu.memory_space<hbm>>
    tpu.wait_indirect_dma semaphore(%arg20 : memref<!tpu.dma_semaphore, #tpu.memory_space<semaphore_mem>>) src(%dma_wait3A_108 : memref<10000x128xf32, #tpu.memory_space<hbm>>) dst(%arg12 : memref<80x128xf32, #tpu.memory_space<vmem>>)
    %dma_start3A_109 = arith.constant 0 : i32
    %dma_start3A_110 = arith.constant 0 : i32
    %dma_start3A_111 = tpu.memref_slice %arg6[%dma_start3A_109, %dma_start3A_110] : memref<10240x128xf32, #tpu.memory_space<vmem_shared>> -> memref<10240x128xf32, #tpu.memory_space<vmem_shared>>
    tpu.enqueue_indirect_dma source(%arg13 : memref<80x128xf32, #tpu.memory_space<vmem>>) target(%dma_start3A_111 : memref<10240x128xf32, #tpu.memory_space<vmem_shared>>) offsets(%arg10 : memref<80xi32, #tpu.memory_space<vmem>>) semaphore(%arg20 : memref<!tpu.dma_semaphore, #tpu.memory_space<semaphore_mem>>) {add = true}
    %dma_start3A_112 = arith.constant 9920 : i32
    %dma_start3A_113 = tpu.memref_slice %arg7[%dma_start3A_112] : memref<10000xi32, #tpu.memory_space<vmem>> -> memref<80xi32, #tpu.memory_space<vmem>>
    %dma_start3A_114 = arith.constant 0 : i32
    %dma_start3A_115 = arith.constant 0 : i32
    %dma_start3A_116 = tpu.memref_slice %arg2[%dma_start3A_114, %dma_start3A_115] : memref<10000x128xf32, #tpu.memory_space<hbm>> -> memref<10000x128xf32, #tpu.memory_space<hbm>>
    tpu.enqueue_indirect_dma source(%dma_start3A_116 : memref<10000x128xf32, #tpu.memory_space<hbm>>) target(%arg12 : memref<80x128xf32, #tpu.memory_space<vmem>>) offsets(%dma_start3A_113 : memref<80xi32, #tpu.memory_space<vmem>>) semaphore(%arg15 : memref<!tpu.dma_semaphore, #tpu.memory_space<semaphore_mem>>)
    %add3A_117 = arith.constant 9920 : i32
    %add3A_118 = arith.addi %mul3A_25, %add3A_117 : i32
    %dma_start3A_119 = tpu.memref_slice %arg4[%add3A_118] : memref<320000xi32, #tpu.memory_space<hbm>> -> memref<80xi32, #tpu.memory_space<hbm>>
    %dma_start3A_120 = tpu.memref_slice %arg4[%add3A_118] : memref<320000xi32, #tpu.memory_space<hbm>> -> memref<80xi32, #tpu.memory_space<hbm>>
    tpu.enqueue_dma source(%dma_start3A_120 : memref<80xi32, #tpu.memory_space<hbm>>) target(%arg9 : memref<80xi32, #tpu.memory_space<vmem>>) target_semaphore(%arg18 : memref<!tpu.dma_semaphore, #tpu.memory_space<semaphore_mem>>)
    %dma_wait3A_121 = arith.constant 9840 : i32
    %dma_wait3A_122 = tpu.memref_slice %arg7[%dma_wait3A_121] : memref<10000xi32, #tpu.memory_space<vmem>> -> memref<80xi32, #tpu.memory_space<vmem>>
    %dma_wait3A_123 = arith.constant 0 : i32
    %dma_wait3A_124 = arith.constant 0 : i32
    %dma_wait3A_125 = tpu.memref_slice %arg2[%dma_wait3A_123, %dma_wait3A_124] : memref<10000x128xf32, #tpu.memory_space<hbm>> -> memref<10000x128xf32, #tpu.memory_space<hbm>>
    tpu.wait_indirect_dma semaphore(%arg14 : memref<!tpu.dma_semaphore, #tpu.memory_space<semaphore_mem>>) src(%dma_wait3A_125 : memref<10000x128xf32, #tpu.memory_space<hbm>>) dst(%arg11 : memref<80x128xf32, #tpu.memory_space<vmem>>)
    %add3A_126 = arith.constant 9840 : i32
    %add3A_127 = arith.addi %mul3A_25, %add3A_126 : i32
    %dma_wait3A_128 = tpu.memref_slice %arg4[%add3A_127] : memref<320000xi32, #tpu.memory_space<hbm>> -> memref<80xi32, #tpu.memory_space<hbm>>
    %dma_wait3A_129 = tpu.memref_slice %arg4[%add3A_127] : memref<320000xi32, #tpu.memory_space<hbm>> -> memref<80xi32, #tpu.memory_space<hbm>>
    tpu.wait_dma2 semaphore(%arg17 : memref<!tpu.dma_semaphore, #tpu.memory_space<semaphore_mem>>) src(%dma_wait3A_129 : memref<80xi32, #tpu.memory_space<hbm>>) dst(%arg8 : memref<80xi32, #tpu.memory_space<vmem>>)
    %dma_wait3A_130 = arith.constant 0 : i32
    %dma_wait3A_131 = tpu.memref_slice %arg7[%dma_wait3A_130] : memref<10000xi32, #tpu.memory_space<vmem>> -> memref<80xi32, #tpu.memory_space<vmem>>
    %dma_wait3A_132 = arith.constant 0 : i32
    %dma_wait3A_133 = arith.constant 0 : i32
    %dma_wait3A_134 = tpu.memref_slice %arg2[%dma_wait3A_132, %dma_wait3A_133] : memref<10000x128xf32, #tpu.memory_space<hbm>> -> memref<10000x128xf32, #tpu.memory_space<hbm>>
    tpu.wait_indirect_dma semaphore(%arg20 : memref<!tpu.dma_semaphore, #tpu.memory_space<semaphore_mem>>) src(%dma_wait3A_134 : memref<10000x128xf32, #tpu.memory_space<hbm>>) dst(%arg13 : memref<80x128xf32, #tpu.memory_space<vmem>>)
    %dma_start3A_135 = arith.constant 0 : i32
    %dma_start3A_136 = arith.constant 0 : i32
    %dma_start3A_137 = tpu.memref_slice %arg6[%dma_start3A_135, %dma_start3A_136] : memref<10240x128xf32, #tpu.memory_space<vmem_shared>> -> memref<10240x128xf32, #tpu.memory_space<vmem_shared>>
    tpu.enqueue_indirect_dma source(%arg11 : memref<80x128xf32, #tpu.memory_space<vmem>>) target(%dma_start3A_137 : memref<10240x128xf32, #tpu.memory_space<vmem_shared>>) offsets(%arg8 : memref<80xi32, #tpu.memory_space<vmem>>) semaphore(%arg20 : memref<!tpu.dma_semaphore, #tpu.memory_space<semaphore_mem>>) {add = true}
    %dma_wait3A_138 = arith.constant 9920 : i32
    %dma_wait3A_139 = tpu.memref_slice %arg7[%dma_wait3A_138] : memref<10000xi32, #tpu.memory_space<vmem>> -> memref<80xi32, #tpu.memory_space<vmem>>
    %dma_wait3A_140 = arith.constant 0 : i32
    %dma_wait3A_141 = arith.constant 0 : i32
    %dma_wait3A_142 = tpu.memref_slice %arg2[%dma_wait3A_140, %dma_wait3A_141] : memref<10000x128xf32, #tpu.memory_space<hbm>> -> memref<10000x128xf32, #tpu.memory_space<hbm>>
    tpu.wait_indirect_dma semaphore(%arg15 : memref<!tpu.dma_semaphore, #tpu.memory_space<semaphore_mem>>) src(%dma_wait3A_142 : memref<10000x128xf32, #tpu.memory_space<hbm>>) dst(%arg12 : memref<80x128xf32, #tpu.memory_space<vmem>>)
    %add3A_143 = arith.constant 9920 : i32
    %add3A_144 = arith.addi %mul3A_25, %add3A_143 : i32
    %dma_wait3A_145 = tpu.memref_slice %arg4[%add3A_144] : memref<320000xi32, #tpu.memory_space<hbm>> -> memref<80xi32, #tpu.memory_space<hbm>>
    %dma_wait3A_146 = tpu.memref_slice %arg4[%add3A_144] : memref<320000xi32, #tpu.memory_space<hbm>> -> memref<80xi32, #tpu.memory_space<hbm>>
    tpu.wait_dma2 semaphore(%arg18 : memref<!tpu.dma_semaphore, #tpu.memory_space<semaphore_mem>>) src(%dma_wait3A_146 : memref<80xi32, #tpu.memory_space<hbm>>) dst(%arg9 : memref<80xi32, #tpu.memory_space<vmem>>)
    %dma_wait3A_147 = arith.constant 0 : i32
    %dma_wait3A_148 = tpu.memref_slice %arg7[%dma_wait3A_147] : memref<10000xi32, #tpu.memory_space<vmem>> -> memref<80xi32, #tpu.memory_space<vmem>>
    %dma_wait3A_149 = arith.constant 0 : i32
    %dma_wait3A_150 = arith.constant 0 : i32
    %dma_wait3A_151 = tpu.memref_slice %arg2[%dma_wait3A_149, %dma_wait3A_150] : memref<10000x128xf32, #tpu.memory_space<hbm>> -> memref<10000x128xf32, #tpu.memory_space<hbm>>
    tpu.wait_indirect_dma semaphore(%arg20 : memref<!tpu.dma_semaphore, #tpu.memory_space<semaphore_mem>>) src(%dma_wait3A_151 : memref<10000x128xf32, #tpu.memory_space<hbm>>) dst(%arg11 : memref<80x128xf32, #tpu.memory_space<vmem>>)
    %dma_start3A_152 = arith.constant 0 : i32
    %dma_start3A_153 = arith.constant 0 : i32
    %dma_start3A_154 = tpu.memref_slice %arg6[%dma_start3A_152, %dma_start3A_153] : memref<10240x128xf32, #tpu.memory_space<vmem_shared>> -> memref<10240x128xf32, #tpu.memory_space<vmem_shared>>
    tpu.enqueue_indirect_dma source(%arg12 : memref<80x128xf32, #tpu.memory_space<vmem>>) target(%dma_start3A_154 : memref<10240x128xf32, #tpu.memory_space<vmem_shared>>) offsets(%arg9 : memref<80xi32, #tpu.memory_space<vmem>>) semaphore(%arg20 : memref<!tpu.dma_semaphore, #tpu.memory_space<semaphore_mem>>) {add = true}
    %dma_wait3A_155 = arith.constant 0 : i32
    %dma_wait3A_156 = tpu.memref_slice %arg7[%dma_wait3A_155] : memref<10000xi32, #tpu.memory_space<vmem>> -> memref<80xi32, #tpu.memory_space<vmem>>
    %dma_wait3A_157 = arith.constant 0 : i32
    %dma_wait3A_158 = arith.constant 0 : i32
    %dma_wait3A_159 = tpu.memref_slice %arg2[%dma_wait3A_157, %dma_wait3A_158] : memref<10000x128xf32, #tpu.memory_space<hbm>> -> memref<10000x128xf32, #tpu.memory_space<hbm>>
    tpu.wait_indirect_dma semaphore(%arg20 : memref<!tpu.dma_semaphore, #tpu.memory_space<semaphore_mem>>) src(%dma_wait3A_159 : memref<10000x128xf32, #tpu.memory_space<hbm>>) dst(%arg12 : memref<80x128xf32, #tpu.memory_space<vmem>>)
    %barrier3A_160 = arith.constant 0 : index
    tpu.barrier barrier_id(%barrier3A_160)
    "tpu.region"() ({
      %run_scoped3A = tpu.sem_alloc : memref<!tpu.dma_semaphore, #tpu.memory_space<semaphore_mem>>
      %dma_start3A_161 = arith.constant 0 : i32
      %dma_start3A_162 = tpu.memref_slice %arg5[%arg0, %mul3A_7, %dma_start3A_161] : memref<2x10240x128xf32, #tpu.memory_space<hbm>> -> memref<1x640x128xf32, #tpu.memory_space<hbm>>
      %dma_start3A_163 = tpu.memref_squeeze %dma_start3A_162 : memref<1x640x128xf32, #tpu.memory_space<hbm>> -> memref<640x128xf32, #tpu.memory_space<hbm>>
      %dma_start3A_164 = arith.constant 0 : i32
      %dma_start3A_165 = tpu.memref_slice %arg6[%mul3A_7, %dma_start3A_164] : memref<10240x128xf32, #tpu.memory_space<vmem_shared>> -> memref<640x128xf32, #tpu.memory_space<vmem_shared>>
      tpu.enqueue_dma source(%dma_start3A_165 : memref<640x128xf32, #tpu.memory_space<vmem_shared>>) target(%dma_start3A_163 : memref<640x128xf32, #tpu.memory_space<hbm>>) target_semaphore(%run_scoped3A : memref<!tpu.dma_semaphore, #tpu.memory_space<semaphore_mem>>)
      %dma_wait3A_166 = arith.constant 0 : i32
      %dma_wait3A_167 = tpu.memref_slice %arg5[%arg0, %mul3A_7, %dma_wait3A_166] : memref<2x10240x128xf32, #tpu.memory_space<hbm>> -> memref<1x640x128xf32, #tpu.memory_space<hbm>>
      %dma_wait3A_168 = tpu.memref_squeeze %dma_wait3A_167 : memref<1x640x128xf32, #tpu.memory_space<hbm>> -> memref<640x128xf32, #tpu.memory_space<hbm>>
      %dma_wait3A_169 = arith.constant 0 : i32
      %dma_wait3A_170 = tpu.memref_slice %arg6[%mul3A_7, %dma_wait3A_169] : memref<10240x128xf32, #tpu.memory_space<vmem_shared>> -> memref<640x128xf32, #tpu.memory_space<vmem_shared>>
      tpu.wait_dma2 semaphore(%run_scoped3A : memref<!tpu.dma_semaphore, #tpu.memory_space<semaphore_mem>>) src(%dma_wait3A_170 : memref<640x128xf32, #tpu.memory_space<vmem_shared>>) dst(%dma_wait3A_168 : memref<640x128xf32, #tpu.memory_space<hbm>>)
      tpu.yield
    }) : () -> ()
    return
  }
}

#map = affine_map<(d0, d1) -> (0, 0)>
#map1 = affine_map<(d0, d1) -> (0)>
#map2 = affine_map<(d0, d1) -> (0, 0, 0)>
module attributes {stable_mosaic.version = 14 : i64} {
  func.func @_sc_body(%arg0: i32, %arg1: i32, %arg2: memref<10000x128xf32, #tpu.memory_space<hbm>>, %arg3: memref<320000xi32, #tpu.memory_space<hbm>>, %arg4: memref<320000xi32, #tpu.memory_space<hbm>>, %arg5: memref<2x10240x128xf32, #tpu.memory_space<hbm>>, %arg6: memref<10240x128xf32, #tpu.memory_space<vmem_shared>>, %arg7: memref<10000xi32, #tpu.memory_space<vmem>>, %arg8: memref<80xi32, #tpu.memory_space<vmem>>, %arg9: memref<80xi32, #tpu.memory_space<vmem>>, %arg10: memref<80xi32, #tpu.memory_space<vmem>>, %arg11: memref<80x128xf32, #tpu.memory_space<vmem>>, %arg12: memref<80x128xf32, #tpu.memory_space<vmem>>, %arg13: memref<80x128xf32, #tpu.memory_space<vmem>>, %arg14: memref<!tpu.dma_semaphore, #tpu.memory_space<semaphore_mem>>, %arg15: memref<!tpu.dma_semaphore, #tpu.memory_space<semaphore_mem>>, %arg16: memref<!tpu.dma_semaphore, #tpu.memory_space<semaphore_mem>>, %arg17: memref<!tpu.dma_semaphore, #tpu.memory_space<semaphore_mem>>, %arg18: memref<!tpu.dma_semaphore, #tpu.memory_space<semaphore_mem>>, %arg19: memref<!tpu.dma_semaphore, #tpu.memory_space<semaphore_mem>>, %arg20: memref<!tpu.dma_semaphore, #tpu.memory_space<semaphore_mem>>) attributes {dimension_semantics = [#tpu.dimension_semantics<core_parallel>, #tpu.dimension_semantics<subcore_parallel>], iteration_bounds = array<i64: 2, 16>, scalar_prefetch = 0 : i64, scratch_operands = 15 : i64, tpu.core_type = #tpu.core_type<sc_vector_subcore>, window_params = [{transform_indices = #map}, {transform_indices = #map1}, {transform_indices = #map1}, {transform_indices = #map2}]} {
    %mul3A = arith.constant 2 : i32
    %mul3A_0 = arith.muli %arg1, %mul3A : i32
    %add3A = arith.addi %mul3A_0, %arg0 : i32
    %scan3A = arith.constant 0 : i32
    %scan3A_1 = arith.constant 0 : i32
    %scan3A_2 = arith.constant 80 : i32
    %scan3A_3 = arith.addi %scan3A_1, %scan3A_2 : i32
    %scan3A_4 = arith.constant 1 : i32
    scf.for %scan3A_161 = %scan3A_1 to %scan3A_3 step %scan3A_4  : i32 {
      %broadcast_in_dim3A = arith.constant 0.000000e+00 : f32
      %broadcast_in_dim3A_162 = vector.broadcast %broadcast_in_dim3A : f32 to vector<16xf32>
      %swap3A = arith.index_cast %scan3A_161 : i32 to index
      %swap3A_163 = arith.constant 0 : index
      %swap3A_164 = tpu.vector_load %arg11[%swap3A, %swap3A_163] {strides = array<i32>} : memref<80x128xf32, #tpu.memory_space<vmem>>, vector<1x16xf32>,
      %swap3A_165 = vector.shape_cast %swap3A_164 : vector<1x16xf32> to vector<16xf32>
      %swap3A_166 = vector.shape_cast %broadcast_in_dim3A_162 : vector<16xf32> to vector<1x16xf32>
      tpu.vector_store %arg11[%swap3A, %swap3A_163], %swap3A_166 {strides = array<i32>} : memref<80x128xf32, #tpu.memory_space<vmem>>, vector<1x16xf32>,
      %broadcast_in_dim3A_167 = arith.constant 0.000000e+00 : f32
      %broadcast_in_dim3A_168 = vector.broadcast %broadcast_in_dim3A_167 : f32 to vector<16xf32>
      %swap3A_169 = arith.index_cast %scan3A_161 : i32 to index
      %swap3A_170 = arith.constant 16 : index
      %swap3A_171 = tpu.vector_load %arg11[%swap3A_169, %swap3A_170] {strides = array<i32>} : memref<80x128xf32, #tpu.memory_space<vmem>>, vector<1x16xf32>,
      %swap3A_172 = vector.shape_cast %swap3A_171 : vector<1x16xf32> to vector<16xf32>
      %swap3A_173 = vector.shape_cast %broadcast_in_dim3A_168 : vector<16xf32> to vector<1x16xf32>
      tpu.vector_store %arg11[%swap3A_169, %swap3A_170], %swap3A_173 {strides = array<i32>} : memref<80x128xf32, #tpu.memory_space<vmem>>, vector<1x16xf32>,
      %broadcast_in_dim3A_174 = arith.constant 0.000000e+00 : f32
      %broadcast_in_dim3A_175 = vector.broadcast %broadcast_in_dim3A_174 : f32 to vector<16xf32>
      %swap3A_176 = arith.index_cast %scan3A_161 : i32 to index
      %swap3A_177 = arith.constant 32 : index
      %swap3A_178 = tpu.vector_load %arg11[%swap3A_176, %swap3A_177] {strides = array<i32>} : memref<80x128xf32, #tpu.memory_space<vmem>>, vector<1x16xf32>,
      %swap3A_179 = vector.shape_cast %swap3A_178 : vector<1x16xf32> to vector<16xf32>
      %swap3A_180 = vector.shape_cast %broadcast_in_dim3A_175 : vector<16xf32> to vector<1x16xf32>
      tpu.vector_store %arg11[%swap3A_176, %swap3A_177], %swap3A_180 {strides = array<i32>} : memref<80x128xf32, #tpu.memory_space<vmem>>, vector<1x16xf32>,
      %broadcast_in_dim3A_181 = arith.constant 0.000000e+00 : f32
      %broadcast_in_dim3A_182 = vector.broadcast %broadcast_in_dim3A_181 : f32 to vector<16xf32>
      %swap3A_183 = arith.index_cast %scan3A_161 : i32 to index
      %swap3A_184 = arith.constant 48 : index
      %swap3A_185 = tpu.vector_load %arg11[%swap3A_183, %swap3A_184] {strides = array<i32>} : memref<80x128xf32, #tpu.memory_space<vmem>>, vector<1x16xf32>,
      %swap3A_186 = vector.shape_cast %swap3A_185 : vector<1x16xf32> to vector<16xf32>
      %swap3A_187 = vector.shape_cast %broadcast_in_dim3A_182 : vector<16xf32> to vector<1x16xf32>
      tpu.vector_store %arg11[%swap3A_183, %swap3A_184], %swap3A_187 {strides = array<i32>} : memref<80x128xf32, #tpu.memory_space<vmem>>, vector<1x16xf32>,
      %broadcast_in_dim3A_188 = arith.constant 0.000000e+00 : f32
      %broadcast_in_dim3A_189 = vector.broadcast %broadcast_in_dim3A_188 : f32 to vector<16xf32>
      %swap3A_190 = arith.index_cast %scan3A_161 : i32 to index
      %swap3A_191 = arith.constant 64 : index
      %swap3A_192 = tpu.vector_load %arg11[%swap3A_190, %swap3A_191] {strides = array<i32>} : memref<80x128xf32, #tpu.memory_space<vmem>>, vector<1x16xf32>,
      %swap3A_193 = vector.shape_cast %swap3A_192 : vector<1x16xf32> to vector<16xf32>
      %swap3A_194 = vector.shape_cast %broadcast_in_dim3A_189 : vector<16xf32> to vector<1x16xf32>
      tpu.vector_store %arg11[%swap3A_190, %swap3A_191], %swap3A_194 {strides = array<i32>} : memref<80x128xf32, #tpu.memory_space<vmem>>, vector<1x16xf32>,
      %broadcast_in_dim3A_195 = arith.constant 0.000000e+00 : f32
      %broadcast_in_dim3A_196 = vector.broadcast %broadcast_in_dim3A_195 : f32 to vector<16xf32>
      %swap3A_197 = arith.index_cast %scan3A_161 : i32 to index
      %swap3A_198 = arith.constant 80 : index
      %swap3A_199 = tpu.vector_load %arg11[%swap3A_197, %swap3A_198] {strides = array<i32>} : memref<80x128xf32, #tpu.memory_space<vmem>>, vector<1x16xf32>,
      %swap3A_200 = vector.shape_cast %swap3A_199 : vector<1x16xf32> to vector<16xf32>
      %swap3A_201 = vector.shape_cast %broadcast_in_dim3A_196 : vector<16xf32> to vector<1x16xf32>
      tpu.vector_store %arg11[%swap3A_197, %swap3A_198], %swap3A_201 {strides = array<i32>} : memref<80x128xf32, #tpu.memory_space<vmem>>, vector<1x16xf32>,
      %broadcast_in_dim3A_202 = arith.constant 0.000000e+00 : f32
      %broadcast_in_dim3A_203 = vector.broadcast %broadcast_in_dim3A_202 : f32 to vector<16xf32>
      %swap3A_204 = arith.index_cast %scan3A_161 : i32 to index
      %swap3A_205 = arith.constant 96 : index
      %swap3A_206 = tpu.vector_load %arg11[%swap3A_204, %swap3A_205] {strides = array<i32>} : memref<80x128xf32, #tpu.memory_space<vmem>>, vector<1x16xf32>,
      %swap3A_207 = vector.shape_cast %swap3A_206 : vector<1x16xf32> to vector<16xf32>
      %swap3A_208 = vector.shape_cast %broadcast_in_dim3A_203 : vector<16xf32> to vector<1x16xf32>
      tpu.vector_store %arg11[%swap3A_204, %swap3A_205], %swap3A_208 {strides = array<i32>} : memref<80x128xf32, #tpu.memory_space<vmem>>, vector<1x16xf32>,
      %broadcast_in_dim3A_209 = arith.constant 0.000000e+00 : f32
      %broadcast_in_dim3A_210 = vector.broadcast %broadcast_in_dim3A_209 : f32 to vector<16xf32>
      %swap3A_211 = arith.index_cast %scan3A_161 : i32 to index
      %swap3A_212 = arith.constant 112 : index
      %swap3A_213 = tpu.vector_load %arg11[%swap3A_211, %swap3A_212] {strides = array<i32>} : memref<80x128xf32, #tpu.memory_space<vmem>>, vector<1x16xf32>,
      %swap3A_214 = vector.shape_cast %swap3A_213 : vector<1x16xf32> to vector<16xf32>
      %swap3A_215 = vector.shape_cast %broadcast_in_dim3A_210 : vector<16xf32> to vector<1x16xf32>
      tpu.vector_store %arg11[%swap3A_211, %swap3A_212], %swap3A_215 {strides = array<i32>} : memref<80x128xf32, #tpu.memory_space<vmem>>, vector<1x16xf32>,
    }
    %scan3A_5 = arith.constant 80 : i32
    %mul3A_6 = arith.constant 640 : i32
    %mul3A_7 = arith.muli %arg1, %mul3A_6 : i32
    %add3A_8 = arith.constant 0 : i32
    %add3A_9 = arith.addi %mul3A_7, %add3A_8 : i32
    "tpu.region"() ({
      %run_scoped3A = tpu.sem_alloc : memref<!tpu.dma_semaphore, #tpu.memory_space<semaphore_mem>>
      %dma_start3A_161 = arith.constant 0 : i32
      %dma_start3A_162 = tpu.memref_slice %arg6[%add3A_9, %dma_start3A_161] : memref<10240x128xf32, #tpu.memory_space<vmem_shared>> -> memref<80x128xf32, #tpu.memory_space<vmem_shared>>
      %dma_start3A_163 = arith.constant 0 : i32
      %dma_start3A_164 = tpu.memref_slice %arg6[%add3A_9, %dma_start3A_163] : memref<10240x128xf32, #tpu.memory_space<vmem_shared>> -> memref<80x128xf32, #tpu.memory_space<vmem_shared>>
      tpu.enqueue_dma source(%arg11 : memref<80x128xf32, #tpu.memory_space<vmem>>) target(%dma_start3A_164 : memref<80x128xf32, #tpu.memory_space<vmem_shared>>) target_semaphore(%run_scoped3A : memref<!tpu.dma_semaphore, #tpu.memory_space<semaphore_mem>>)
      %dma_wait3A_165 = arith.constant 0 : i32
      %dma_wait3A_166 = tpu.memref_slice %arg6[%add3A_9, %dma_wait3A_165] : memref<10240x128xf32, #tpu.memory_space<vmem_shared>> -> memref<80x128xf32, #tpu.memory_space<vmem_shared>>
      %dma_wait3A_167 = arith.constant 0 : i32
      %dma_wait3A_168 = tpu.memref_slice %arg6[%add3A_9, %dma_wait3A_167] : memref<10240x128xf32, #tpu.memory_space<vmem_shared>> -> memref<80x128xf32, #tpu.memory_space<vmem_shared>>
      tpu.wait_dma2 semaphore(%run_scoped3A : memref<!tpu.dma_semaphore, #tpu.memory_space<semaphore_mem>>) src(%arg11 : memref<80x128xf32, #tpu.memory_space<vmem>>) dst(%dma_wait3A_168 : memref<80x128xf32, #tpu.memory_space<vmem_shared>>)
      tpu.yield
    }) : () -> ()
    %add3A_10 = arith.constant 80 : i32
    %add3A_11 = arith.addi %mul3A_7, %add3A_10 : i32
    "tpu.region"() ({
      %run_scoped3A = tpu.sem_alloc : memref<!tpu.dma_semaphore, #tpu.memory_space<semaphore_mem>>
      %dma_start3A_161 = arith.constant 0 : i32
      %dma_start3A_162 = tpu.memref_slice %arg6[%add3A_11, %dma_start3A_161] : memref<10240x128xf32, #tpu.memory_space<vmem_shared>> -> memref<80x128xf32, #tpu.memory_space<vmem_shared>>
      %dma_start3A_163 = arith.constant 0 : i32
      %dma_start3A_164 = tpu.memref_slice %arg6[%add3A_11, %dma_start3A_163] : memref<10240x128xf32, #tpu.memory_space<vmem_shared>> -> memref<80x128xf32, #tpu.memory_space<vmem_shared>>
      tpu.enqueue_dma source(%arg11 : memref<80x128xf32, #tpu.memory_space<vmem>>) target(%dma_start3A_164 : memref<80x128xf32, #tpu.memory_space<vmem_shared>>) target_semaphore(%run_scoped3A : memref<!tpu.dma_semaphore, #tpu.memory_space<semaphore_mem>>)
      %dma_wait3A_165 = arith.constant 0 : i32
      %dma_wait3A_166 = tpu.memref_slice %arg6[%add3A_11, %dma_wait3A_165] : memref<10240x128xf32, #tpu.memory_space<vmem_shared>> -> memref<80x128xf32, #tpu.memory_space<vmem_shared>>
      %dma_wait3A_167 = arith.constant 0 : i32
      %dma_wait3A_168 = tpu.memref_slice %arg6[%add3A_11, %dma_wait3A_167] : memref<10240x128xf32, #tpu.memory_space<vmem_shared>> -> memref<80x128xf32, #tpu.memory_space<vmem_shared>>
      tpu.wait_dma2 semaphore(%run_scoped3A : memref<!tpu.dma_semaphore, #tpu.memory_space<semaphore_mem>>) src(%arg11 : memref<80x128xf32, #tpu.memory_space<vmem>>) dst(%dma_wait3A_168 : memref<80x128xf32, #tpu.memory_space<vmem_shared>>)
      tpu.yield
    }) : () -> ()
    %add3A_12 = arith.constant 160 : i32
    %add3A_13 = arith.addi %mul3A_7, %add3A_12 : i32
    "tpu.region"() ({
      %run_scoped3A = tpu.sem_alloc : memref<!tpu.dma_semaphore, #tpu.memory_space<semaphore_mem>>
      %dma_start3A_161 = arith.constant 0 : i32
      %dma_start3A_162 = tpu.memref_slice %arg6[%add3A_13, %dma_start3A_161] : memref<10240x128xf32, #tpu.memory_space<vmem_shared>> -> memref<80x128xf32, #tpu.memory_space<vmem_shared>>
      %dma_start3A_163 = arith.constant 0 : i32
      %dma_start3A_164 = tpu.memref_slice %arg6[%add3A_13, %dma_start3A_163] : memref<10240x128xf32, #tpu.memory_space<vmem_shared>> -> memref<80x128xf32, #tpu.memory_space<vmem_shared>>
      tpu.enqueue_dma source(%arg11 : memref<80x128xf32, #tpu.memory_space<vmem>>) target(%dma_start3A_164 : memref<80x128xf32, #tpu.memory_space<vmem_shared>>) target_semaphore(%run_scoped3A : memref<!tpu.dma_semaphore, #tpu.memory_space<semaphore_mem>>)
      %dma_wait3A_165 = arith.constant 0 : i32
      %dma_wait3A_166 = tpu.memref_slice %arg6[%add3A_13, %dma_wait3A_165] : memref<10240x128xf32, #tpu.memory_space<vmem_shared>> -> memref<80x128xf32, #tpu.memory_space<vmem_shared>>
      %dma_wait3A_167 = arith.constant 0 : i32
      %dma_wait3A_168 = tpu.memref_slice %arg6[%add3A_13, %dma_wait3A_167] : memref<10240x128xf32, #tpu.memory_space<vmem_shared>> -> memref<80x128xf32, #tpu.memory_space<vmem_shared>>
      tpu.wait_dma2 semaphore(%run_scoped3A : memref<!tpu.dma_semaphore, #tpu.memory_space<semaphore_mem>>) src(%arg11 : memref<80x128xf32, #tpu.memory_space<vmem>>) dst(%dma_wait3A_168 : memref<80x128xf32, #tpu.memory_space<vmem_shared>>)
      tpu.yield
    }) : () -> ()
    %add3A_14 = arith.constant 240 : i32
    %add3A_15 = arith.addi %mul3A_7, %add3A_14 : i32
    "tpu.region"() ({
      %run_scoped3A = tpu.sem_alloc : memref<!tpu.dma_semaphore, #tpu.memory_space<semaphore_mem>>
      %dma_start3A_161 = arith.constant 0 : i32
      %dma_start3A_162 = tpu.memref_slice %arg6[%add3A_15, %dma_start3A_161] : memref<10240x128xf32, #tpu.memory_space<vmem_shared>> -> memref<80x128xf32, #tpu.memory_space<vmem_shared>>
      %dma_start3A_163 = arith.constant 0 : i32
      %dma_start3A_164 = tpu.memref_slice %arg6[%add3A_15, %dma_start3A_163] : memref<10240x128xf32, #tpu.memory_space<vmem_shared>> -> memref<80x128xf32, #tpu.memory_space<vmem_shared>>
      tpu.enqueue_dma source(%arg11 : memref<80x128xf32, #tpu.memory_space<vmem>>) target(%dma_start3A_164 : memref<80x128xf32, #tpu.memory_space<vmem_shared>>) target_semaphore(%run_scoped3A : memref<!tpu.dma_semaphore, #tpu.memory_space<semaphore_mem>>)
      %dma_wait3A_165 = arith.constant 0 : i32
      %dma_wait3A_166 = tpu.memref_slice %arg6[%add3A_15, %dma_wait3A_165] : memref<10240x128xf32, #tpu.memory_space<vmem_shared>> -> memref<80x128xf32, #tpu.memory_space<vmem_shared>>
      %dma_wait3A_167 = arith.constant 0 : i32
      %dma_wait3A_168 = tpu.memref_slice %arg6[%add3A_15, %dma_wait3A_167] : memref<10240x128xf32, #tpu.memory_space<vmem_shared>> -> memref<80x128xf32, #tpu.memory_space<vmem_shared>>
      tpu.wait_dma2 semaphore(%run_scoped3A : memref<!tpu.dma_semaphore, #tpu.memory_space<semaphore_mem>>) src(%arg11 : memref<80x128xf32, #tpu.memory_space<vmem>>) dst(%dma_wait3A_168 : memref<80x128xf32, #tpu.memory_space<vmem_shared>>)
      tpu.yield
    }) : () -> ()
    %add3A_16 = arith.constant 320 : i32
    %add3A_17 = arith.addi %mul3A_7, %add3A_16 : i32
    "tpu.region"() ({
      %run_scoped3A = tpu.sem_alloc : memref<!tpu.dma_semaphore, #tpu.memory_space<semaphore_mem>>
      %dma_start3A_161 = arith.constant 0 : i32
      %dma_start3A_162 = tpu.memref_slice %arg6[%add3A_17, %dma_start3A_161] : memref<10240x128xf32, #tpu.memory_space<vmem_shared>> -> memref<80x128xf32, #tpu.memory_space<vmem_shared>>
      %dma_start3A_163 = arith.constant 0 : i32
      %dma_start3A_164 = tpu.memref_slice %arg6[%add3A_17, %dma_start3A_163] : memref<10240x128xf32, #tpu.memory_space<vmem_shared>> -> memref<80x128xf32, #tpu.memory_space<vmem_shared>>
      tpu.enqueue_dma source(%arg11 : memref<80x128xf32, #tpu.memory_space<vmem>>) target(%dma_start3A_164 : memref<80x128xf32, #tpu.memory_space<vmem_shared>>) target_semaphore(%run_scoped3A : memref<!tpu.dma_semaphore, #tpu.memory_space<semaphore_mem>>)
      %dma_wait3A_165 = arith.constant 0 : i32
      %dma_wait3A_166 = tpu.memref_slice %arg6[%add3A_17, %dma_wait3A_165] : memref<10240x128xf32, #tpu.memory_space<vmem_shared>> -> memref<80x128xf32, #tpu.memory_space<vmem_shared>>
      %dma_wait3A_167 = arith.constant 0 : i32
      %dma_wait3A_168 = tpu.memref_slice %arg6[%add3A_17, %dma_wait3A_167] : memref<10240x128xf32, #tpu.memory_space<vmem_shared>> -> memref<80x128xf32, #tpu.memory_space<vmem_shared>>
      tpu.wait_dma2 semaphore(%run_scoped3A : memref<!tpu.dma_semaphore, #tpu.memory_space<semaphore_mem>>) src(%arg11 : memref<80x128xf32, #tpu.memory_space<vmem>>) dst(%dma_wait3A_168 : memref<80x128xf32, #tpu.memory_space<vmem_shared>>)
      tpu.yield
    }) : () -> ()
    %add3A_18 = arith.constant 400 : i32
    %add3A_19 = arith.addi %mul3A_7, %add3A_18 : i32
    "tpu.region"() ({
      %run_scoped3A = tpu.sem_alloc : memref<!tpu.dma_semaphore, #tpu.memory_space<semaphore_mem>>
      %dma_start3A_161 = arith.constant 0 : i32
      %dma_start3A_162 = tpu.memref_slice %arg6[%add3A_19, %dma_start3A_161] : memref<10240x128xf32, #tpu.memory_space<vmem_shared>> -> memref<80x128xf32, #tpu.memory_space<vmem_shared>>
      %dma_start3A_163 = arith.constant 0 : i32
      %dma_start3A_164 = tpu.memref_slice %arg6[%add3A_19, %dma_start3A_163] : memref<10240x128xf32, #tpu.memory_space<vmem_shared>> -> memref<80x128xf32, #tpu.memory_space<vmem_shared>>
      tpu.enqueue_dma source(%arg11 : memref<80x128xf32, #tpu.memory_space<vmem>>) target(%dma_start3A_164 : memref<80x128xf32, #tpu.memory_space<vmem_shared>>) target_semaphore(%run_scoped3A : memref<!tpu.dma_semaphore, #tpu.memory_space<semaphore_mem>>)
      %dma_wait3A_165 = arith.constant 0 : i32
      %dma_wait3A_166 = tpu.memref_slice %arg6[%add3A_19, %dma_wait3A_165] : memref<10240x128xf32, #tpu.memory_space<vmem_shared>> -> memref<80x128xf32, #tpu.memory_space<vmem_shared>>
      %dma_wait3A_167 = arith.constant 0 : i32
      %dma_wait3A_168 = tpu.memref_slice %arg6[%add3A_19, %dma_wait3A_167] : memref<10240x128xf32, #tpu.memory_space<vmem_shared>> -> memref<80x128xf32, #tpu.memory_space<vmem_shared>>
      tpu.wait_dma2 semaphore(%run_scoped3A : memref<!tpu.dma_semaphore, #tpu.memory_space<semaphore_mem>>) src(%arg11 : memref<80x128xf32, #tpu.memory_space<vmem>>) dst(%dma_wait3A_168 : memref<80x128xf32, #tpu.memory_space<vmem_shared>>)
      tpu.yield
    }) : () -> ()
    %add3A_20 = arith.constant 480 : i32
    %add3A_21 = arith.addi %mul3A_7, %add3A_20 : i32
    "tpu.region"() ({
      %run_scoped3A = tpu.sem_alloc : memref<!tpu.dma_semaphore, #tpu.memory_space<semaphore_mem>>
      %dma_start3A_161 = arith.constant 0 : i32
      %dma_start3A_162 = tpu.memref_slice %arg6[%add3A_21, %dma_start3A_161] : memref<10240x128xf32, #tpu.memory_space<vmem_shared>> -> memref<80x128xf32, #tpu.memory_space<vmem_shared>>
      %dma_start3A_163 = arith.constant 0 : i32
      %dma_start3A_164 = tpu.memref_slice %arg6[%add3A_21, %dma_start3A_163] : memref<10240x128xf32, #tpu.memory_space<vmem_shared>> -> memref<80x128xf32, #tpu.memory_space<vmem_shared>>
      tpu.enqueue_dma source(%arg11 : memref<80x128xf32, #tpu.memory_space<vmem>>) target(%dma_start3A_164 : memref<80x128xf32, #tpu.memory_space<vmem_shared>>) target_semaphore(%run_scoped3A : memref<!tpu.dma_semaphore, #tpu.memory_space<semaphore_mem>>)
      %dma_wait3A_165 = arith.constant 0 : i32
      %dma_wait3A_166 = tpu.memref_slice %arg6[%add3A_21, %dma_wait3A_165] : memref<10240x128xf32, #tpu.memory_space<vmem_shared>> -> memref<80x128xf32, #tpu.memory_space<vmem_shared>>
      %dma_wait3A_167 = arith.constant 0 : i32
      %dma_wait3A_168 = tpu.memref_slice %arg6[%add3A_21, %dma_wait3A_167] : memref<10240x128xf32, #tpu.memory_space<vmem_shared>> -> memref<80x128xf32, #tpu.memory_space<vmem_shared>>
      tpu.wait_dma2 semaphore(%run_scoped3A : memref<!tpu.dma_semaphore, #tpu.memory_space<semaphore_mem>>) src(%arg11 : memref<80x128xf32, #tpu.memory_space<vmem>>) dst(%dma_wait3A_168 : memref<80x128xf32, #tpu.memory_space<vmem_shared>>)
      tpu.yield
    }) : () -> ()
    %add3A_22 = arith.constant 560 : i32
    %add3A_23 = arith.addi %mul3A_7, %add3A_22 : i32
    "tpu.region"() ({
      %run_scoped3A = tpu.sem_alloc : memref<!tpu.dma_semaphore, #tpu.memory_space<semaphore_mem>>
      %dma_start3A_161 = arith.constant 0 : i32
      %dma_start3A_162 = tpu.memref_slice %arg6[%add3A_23, %dma_start3A_161] : memref<10240x128xf32, #tpu.memory_space<vmem_shared>> -> memref<80x128xf32, #tpu.memory_space<vmem_shared>>
      %dma_start3A_163 = arith.constant 0 : i32
      %dma_start3A_164 = tpu.memref_slice %arg6[%add3A_23, %dma_start3A_163] : memref<10240x128xf32, #tpu.memory_space<vmem_shared>> -> memref<80x128xf32, #tpu.memory_space<vmem_shared>>
      tpu.enqueue_dma source(%arg11 : memref<80x128xf32, #tpu.memory_space<vmem>>) target(%dma_start3A_164 : memref<80x128xf32, #tpu.memory_space<vmem_shared>>) target_semaphore(%run_scoped3A : memref<!tpu.dma_semaphore, #tpu.memory_space<semaphore_mem>>)
      %dma_wait3A_165 = arith.constant 0 : i32
      %dma_wait3A_166 = tpu.memref_slice %arg6[%add3A_23, %dma_wait3A_165] : memref<10240x128xf32, #tpu.memory_space<vmem_shared>> -> memref<80x128xf32, #tpu.memory_space<vmem_shared>>
      %dma_wait3A_167 = arith.constant 0 : i32
      %dma_wait3A_168 = tpu.memref_slice %arg6[%add3A_23, %dma_wait3A_167] : memref<10240x128xf32, #tpu.memory_space<vmem_shared>> -> memref<80x128xf32, #tpu.memory_space<vmem_shared>>
      tpu.wait_dma2 semaphore(%run_scoped3A : memref<!tpu.dma_semaphore, #tpu.memory_space<semaphore_mem>>) src(%arg11 : memref<80x128xf32, #tpu.memory_space<vmem>>) dst(%dma_wait3A_168 : memref<80x128xf32, #tpu.memory_space<vmem_shared>>)
      tpu.yield
    }) : () -> ()
    %mul3A_24 = arith.constant 10000 : i32
    %mul3A_25 = arith.muli %add3A, %mul3A_24 : i32
    "tpu.region"() ({
      %run_scoped3A = tpu.sem_alloc : memref<!tpu.dma_semaphore, #tpu.memory_space<semaphore_mem>>
      %dma_start3A_161 = tpu.memref_slice %arg3[%mul3A_25] : memref<320000xi32, #tpu.memory_space<hbm>> -> memref<10000xi32, #tpu.memory_space<hbm>>
      %dma_start3A_162 = tpu.memref_slice %arg3[%mul3A_25] : memref<320000xi32, #tpu.memory_space<hbm>> -> memref<10000xi32, #tpu.memory_space<hbm>>
      tpu.enqueue_dma source(%dma_start3A_162 : memref<10000xi32, #tpu.memory_space<hbm>>) target(%arg7 : memref<10000xi32, #tpu.memory_space<vmem>>) target_semaphore(%run_scoped3A : memref<!tpu.dma_semaphore, #tpu.memory_space<semaphore_mem>>)
      %dma_wait3A_163 = tpu.memref_slice %arg3[%mul3A_25] : memref<320000xi32, #tpu.memory_space<hbm>> -> memref<10000xi32, #tpu.memory_space<hbm>>
      %dma_wait3A_164 = tpu.memref_slice %arg3[%mul3A_25] : memref<320000xi32, #tpu.memory_space<hbm>> -> memref<10000xi32, #tpu.memory_space<hbm>>
      tpu.wait_dma2 semaphore(%run_scoped3A : memref<!tpu.dma_semaphore, #tpu.memory_space<semaphore_mem>>) src(%dma_wait3A_164 : memref<10000xi32, #tpu.memory_space<hbm>>) dst(%arg7 : memref<10000xi32, #tpu.memory_space<vmem>>)
      tpu.yield
    }) : () -> ()
    %barrier3A = arith.constant 0 : index
    tpu.barrier barrier_id(%barrier3A)
    %dma_start3A = arith.constant 0 : i32
    %dma_start3A_26 = tpu.memref_slice %arg7[%dma_start3A] : memref<10000xi32, #tpu.memory_space<vmem>> -> memref<80xi32, #tpu.memory_space<vmem>>
    %dma_start3A_27 = arith.constant 0 : i32
    %dma_start3A_28 = arith.constant 0 : i32
    %dma_start3A_29 = tpu.memref_slice %arg2[%dma_start3A_27, %dma_start3A_28] : memref<10000x128xf32, #tpu.memory_space<hbm>> -> memref<10000x128xf32, #tpu.memory_space<hbm>>
    tpu.enqueue_indirect_dma source(%dma_start3A_29 : memref<10000x128xf32, #tpu.memory_space<hbm>>) target(%arg11 : memref<80x128xf32, #tpu.memory_space<vmem>>) offsets(%dma_start3A_26 : memref<80xi32, #tpu.memory_space<vmem>>) semaphore(%arg14 : memref<!tpu.dma_semaphore, #tpu.memory_space<semaphore_mem>>)
    %add3A_30 = arith.constant 0 : i32
    %add3A_31 = arith.addi %mul3A_25, %add3A_30 : i32
    %dma_start3A_32 = tpu.memref_slice %arg4[%add3A_31] : memref<320000xi32, #tpu.memory_space<hbm>> -> memref<80xi32, #tpu.memory_space<hbm>>
    %dma_start3A_33 = tpu.memref_slice %arg4[%add3A_31] : memref<320000xi32, #tpu.memory_space<hbm>> -> memref<80xi32, #tpu.memory_space<hbm>>
    tpu.enqueue_dma source(%dma_start3A_33 : memref<80xi32, #tpu.memory_space<hbm>>) target(%arg8 : memref<80xi32, #tpu.memory_space<vmem>>) target_semaphore(%arg17 : memref<!tpu.dma_semaphore, #tpu.memory_space<semaphore_mem>>)
    %dma_start3A_34 = arith.constant 80 : i32
    %dma_start3A_35 = tpu.memref_slice %arg7[%dma_start3A_34] : memref<10000xi32, #tpu.memory_space<vmem>> -> memref<80xi32, #tpu.memory_space<vmem>>
    %dma_start3A_36 = arith.constant 0 : i32
    %dma_start3A_37 = arith.constant 0 : i32
    %dma_start3A_38 = tpu.memref_slice %arg2[%dma_start3A_36, %dma_start3A_37] : memref<10000x128xf32, #tpu.memory_space<hbm>> -> memref<10000x128xf32, #tpu.memory_space<hbm>>
    tpu.enqueue_indirect_dma source(%dma_start3A_38 : memref<10000x128xf32, #tpu.memory_space<hbm>>) target(%arg12 : memref<80x128xf32, #tpu.memory_space<vmem>>) offsets(%dma_start3A_35 : memref<80xi32, #tpu.memory_space<vmem>>) semaphore(%arg15 : memref<!tpu.dma_semaphore, #tpu.memory_space<semaphore_mem>>)
    %add3A_39 = arith.constant 80 : i32
    %add3A_40 = arith.addi %mul3A_25, %add3A_39 : i32
    %dma_start3A_41 = tpu.memref_slice %arg4[%add3A_40] : memref<320000xi32, #tpu.memory_space<hbm>> -> memref<80xi32, #tpu.memory_space<hbm>>
    %dma_start3A_42 = tpu.memref_slice %arg4[%add3A_40] : memref<320000xi32, #tpu.memory_space<hbm>> -> memref<80xi32, #tpu.memory_space<hbm>>
    tpu.enqueue_dma source(%dma_start3A_42 : memref<80xi32, #tpu.memory_space<hbm>>) target(%arg9 : memref<80xi32, #tpu.memory_space<vmem>>) target_semaphore(%arg18 : memref<!tpu.dma_semaphore, #tpu.memory_space<semaphore_mem>>)
    %dma_wait3A = arith.constant 0 : i32
    %dma_wait3A_43 = tpu.memref_slice %arg7[%dma_wait3A] : memref<10000xi32, #tpu.memory_space<vmem>> -> memref<80xi32, #tpu.memory_space<vmem>>
    %dma_wait3A_44 = arith.constant 0 : i32
    %dma_wait3A_45 = arith.constant 0 : i32
    %dma_wait3A_46 = tpu.memref_slice %arg2[%dma_wait3A_44, %dma_wait3A_45] : memref<10000x128xf32, #tpu.memory_space<hbm>> -> memref<10000x128xf32, #tpu.memory_space<hbm>>
    tpu.wait_indirect_dma semaphore(%arg14 : memref<!tpu.dma_semaphore, #tpu.memory_space<semaphore_mem>>) src(%dma_wait3A_46 : memref<10000x128xf32, #tpu.memory_space<hbm>>) dst(%arg11 : memref<80x128xf32, #tpu.memory_space<vmem>>)
    %add3A_47 = arith.constant 0 : i32
    %add3A_48 = arith.addi %mul3A_25, %add3A_47 : i32
    %dma_wait3A_49 = tpu.memref_slice %arg4[%add3A_48] : memref<320000xi32, #tpu.memory_space<hbm>> -> memref<80xi32, #tpu.memory_space<hbm>>
    %dma_wait3A_50 = tpu.memref_slice %arg4[%add3A_48] : memref<320000xi32, #tpu.memory_space<hbm>> -> memref<80xi32, #tpu.memory_space<hbm>>
    tpu.wait_dma2 semaphore(%arg17 : memref<!tpu.dma_semaphore, #tpu.memory_space<semaphore_mem>>) src(%dma_wait3A_50 : memref<80xi32, #tpu.memory_space<hbm>>) dst(%arg8 : memref<80xi32, #tpu.memory_space<vmem>>)
    %dma_start3A_51 = arith.constant 0 : i32
    %dma_start3A_52 = arith.constant 0 : i32
    %dma_start3A_53 = tpu.memref_slice %arg6[%dma_start3A_51, %dma_start3A_52] : memref<10240x128xf32, #tpu.memory_space<vmem_shared>> -> memref<10240x128xf32, #tpu.memory_space<vmem_shared>>
    tpu.enqueue_indirect_dma source(%arg11 : memref<80x128xf32, #tpu.memory_space<vmem>>) target(%dma_start3A_53 : memref<10240x128xf32, #tpu.memory_space<vmem_shared>>) offsets(%arg8 : memref<80xi32, #tpu.memory_space<vmem>>) semaphore(%arg20 : memref<!tpu.dma_semaphore, #tpu.memory_space<semaphore_mem>>) {add = true}
    %dma_start3A_54 = arith.constant 160 : i32
    %dma_start3A_55 = tpu.memref_slice %arg7[%dma_start3A_54] : memref<10000xi32, #tpu.memory_space<vmem>> -> memref<80xi32, #tpu.memory_space<vmem>>
    %dma_start3A_56 = arith.constant 0 : i32
    %dma_start3A_57 = arith.constant 0 : i32
    %dma_start3A_58 = tpu.memref_slice %arg2[%dma_start3A_56, %dma_start3A_57] : memref<10000x128xf32, #tpu.memory_space<hbm>> -> memref<10000x128xf32, #tpu.memory_space<hbm>>
    tpu.enqueue_indirect_dma source(%dma_start3A_58 : memref<10000x128xf32, #tpu.memory_space<hbm>>) target(%arg13 : memref<80x128xf32, #tpu.memory_space<vmem>>) offsets(%dma_start3A_55 : memref<80xi32, #tpu.memory_space<vmem>>) semaphore(%arg16 : memref<!tpu.dma_semaphore, #tpu.memory_space<semaphore_mem>>)
    %add3A_59 = arith.constant 160 : i32
    %add3A_60 = arith.addi %mul3A_25, %add3A_59 : i32
    %dma_start3A_61 = tpu.memref_slice %arg4[%add3A_60] : memref<320000xi32, #tpu.memory_space<hbm>> -> memref<80xi32, #tpu.memory_space<hbm>>
    %dma_start3A_62 = tpu.memref_slice %arg4[%add3A_60] : memref<320000xi32, #tpu.memory_space<hbm>> -> memref<80xi32, #tpu.memory_space<hbm>>
    tpu.enqueue_dma source(%dma_start3A_62 : memref<80xi32, #tpu.memory_space<hbm>>) target(%arg10 : memref<80xi32, #tpu.memory_space<vmem>>) target_semaphore(%arg19 : memref<!tpu.dma_semaphore, #tpu.memory_space<semaphore_mem>>)
    %dma_wait3A_63 = arith.constant 80 : i32
    %dma_wait3A_64 = tpu.memref_slice %arg7[%dma_wait3A_63] : memref<10000xi32, #tpu.memory_space<vmem>> -> memref<80xi32, #tpu.memory_space<vmem>>
    %dma_wait3A_65 = arith.constant 0 : i32
    %dma_wait3A_66 = arith.constant 0 : i32
    %dma_wait3A_67 = tpu.memref_slice %arg2[%dma_wait3A_65, %dma_wait3A_66] : memref<10000x128xf32, #tpu.memory_space<hbm>> -> memref<10000x128xf32, #tpu.memory_space<hbm>>
    tpu.wait_indirect_dma semaphore(%arg15 : memref<!tpu.dma_semaphore, #tpu.memory_space<semaphore_mem>>) src(%dma_wait3A_67 : memref<10000x128xf32, #tpu.memory_space<hbm>>) dst(%arg12 : memref<80x128xf32, #tpu.memory_space<vmem>>)
    %add3A_68 = arith.constant 80 : i32
    %add3A_69 = arith.addi %mul3A_25, %add3A_68 : i32
    %dma_wait3A_70 = tpu.memref_slice %arg4[%add3A_69] : memref<320000xi32, #tpu.memory_space<hbm>> -> memref<80xi32, #tpu.memory_space<hbm>>
    %dma_wait3A_71 = tpu.memref_slice %arg4[%add3A_69] : memref<320000xi32, #tpu.memory_space<hbm>> -> memref<80xi32, #tpu.memory_space<hbm>>
    tpu.wait_dma2 semaphore(%arg18 : memref<!tpu.dma_semaphore, #tpu.memory_space<semaphore_mem>>) src(%dma_wait3A_71 : memref<80xi32, #tpu.memory_space<hbm>>) dst(%arg9 : memref<80xi32, #tpu.memory_space<vmem>>)
    %dma_wait3A_72 = arith.constant 0 : i32
    %dma_wait3A_73 = tpu.memref_slice %arg7[%dma_wait3A_72] : memref<10000xi32, #tpu.memory_space<vmem>> -> memref<80xi32, #tpu.memory_space<vmem>>
    %dma_wait3A_74 = arith.constant 0 : i32
    %dma_wait3A_75 = arith.constant 0 : i32
    %dma_wait3A_76 = tpu.memref_slice %arg2[%dma_wait3A_74, %dma_wait3A_75] : memref<10000x128xf32, #tpu.memory_space<hbm>> -> memref<10000x128xf32, #tpu.memory_space<hbm>>
    tpu.wait_indirect_dma semaphore(%arg20 : memref<!tpu.dma_semaphore, #tpu.memory_space<semaphore_mem>>) src(%dma_wait3A_76 : memref<10000x128xf32, #tpu.memory_space<hbm>>) dst(%arg11 : memref<80x128xf32, #tpu.memory_space<vmem>>)
    %dma_start3A_77 = arith.constant 0 : i32
    %dma_start3A_78 = arith.constant 0 : i32
    %dma_start3A_79 = tpu.memref_slice %arg6[%dma_start3A_77, %dma_start3A_78] : memref<10240x128xf32, #tpu.memory_space<vmem_shared>> -> memref<10240x128xf32, #tpu.memory_space<vmem_shared>>
    tpu.enqueue_indirect_dma source(%arg12 : memref<80x128xf32, #tpu.memory_space<vmem>>) target(%dma_start3A_79 : memref<10240x128xf32, #tpu.memory_space<vmem_shared>>) offsets(%arg9 : memref<80xi32, #tpu.memory_space<vmem>>) semaphore(%arg20 : memref<!tpu.dma_semaphore, #tpu.memory_space<semaphore_mem>>) {add = true}
    %dma_start3A_80 = arith.constant 240 : i32
    %dma_start3A_81 = tpu.memref_slice %arg7[%dma_start3A_80] : memref<10000xi32, #tpu.memory_space<vmem>> -> memref<80xi32, #tpu.memory_space<vmem>>
    %dma_start3A_82 = arith.constant 0 : i32
    %dma_start3A_83 = arith.constant 0 : i32
    %dma_start3A_84 = tpu.memref_slice %arg2[%dma_start3A_82, %dma_start3A_83] : memref<10000x128xf32, #tpu.memory_space<hbm>> -> memref<10000x128xf32, #tpu.memory_space<hbm>>
    tpu.enqueue_indirect_dma source(%dma_start3A_84 : memref<10000x128xf32, #tpu.memory_space<hbm>>) target(%arg11 : memref<80x128xf32, #tpu.memory_space<vmem>>) offsets(%dma_start3A_81 : memref<80xi32, #tpu.memory_space<vmem>>) semaphore(%arg14 : memref<!tpu.dma_semaphore, #tpu.memory_space<semaphore_mem>>)
    %add3A_85 = arith.constant 240 : i32
    %add3A_86 = arith.addi %mul3A_25, %add3A_85 : i32
    %dma_start3A_87 = tpu.memref_slice %arg4[%add3A_86] : memref<320000xi32, #tpu.memory_space<hbm>> -> memref<80xi32, #tpu.memory_space<hbm>>
    %dma_start3A_88 = tpu.memref_slice %arg4[%add3A_86] : memref<320000xi32, #tpu.memory_space<hbm>> -> memref<80xi32, #tpu.memory_space<hbm>>
    tpu.enqueue_dma source(%dma_start3A_88 : memref<80xi32, #tpu.memory_space<hbm>>) target(%arg8 : memref<80xi32, #tpu.memory_space<vmem>>) target_semaphore(%arg17 : memref<!tpu.dma_semaphore, #tpu.memory_space<semaphore_mem>>)
    %scan3A_89 = arith.constant 0 : i32
    %scan3A_90 = arith.constant 0 : i32
    %scan3A_91 = arith.constant 40 : i32
    %scan3A_92 = arith.addi %scan3A_90, %scan3A_91 : i32
    %scan3A_93 = arith.constant 1 : i32
    scf.for %scan3A_161 = %scan3A_90 to %scan3A_92 step %scan3A_93  : i32 {
      %mul3A_162 = arith.constant 3 : i32
      %mul3A_163 = arith.muli %mul3A_162, %scan3A_161 : i32
      %add3A_164 = arith.constant 2 : i32
      %add3A_165 = arith.addi %add3A_164, %mul3A_163 : i32
      %mul3A_166 = arith.constant 80 : i32
      %mul3A_167 = arith.muli %add3A_165, %mul3A_166 : i32
      %dma_wait3A_168 = tpu.memref_slice %arg7[%mul3A_167] : memref<10000xi32, #tpu.memory_space<vmem>> -> memref<80xi32, #tpu.memory_space<vmem>>
      %dma_wait3A_169 = arith.constant 0 : i32
      %dma_wait3A_170 = arith.constant 0 : i32
      %dma_wait3A_171 = tpu.memref_slice %arg2[%dma_wait3A_169, %dma_wait3A_170] : memref<10000x128xf32, #tpu.memory_space<hbm>> -> memref<10000x128xf32, #tpu.memory_space<hbm>>
      tpu.wait_indirect_dma semaphore(%arg16 : memref<!tpu.dma_semaphore, #tpu.memory_space<semaphore_mem>>) src(%dma_wait3A_171 : memref<10000x128xf32, #tpu.memory_space<hbm>>) dst(%arg13 : memref<80x128xf32, #tpu.memory_space<vmem>>)
      %mul3A_172 = arith.constant 80 : i32
      %mul3A_173 = arith.muli %add3A_165, %mul3A_172 : i32
      %add3A_174 = arith.addi %mul3A_25, %mul3A_173 : i32
      %dma_wait3A_175 = tpu.memref_slice %arg4[%add3A_174] : memref<320000xi32, #tpu.memory_space<hbm>> -> memref<80xi32, #tpu.memory_space<hbm>>
      %dma_wait3A_176 = tpu.memref_slice %arg4[%add3A_174] : memref<320000xi32, #tpu.memory_space<hbm>> -> memref<80xi32, #tpu.memory_space<hbm>>
      tpu.wait_dma2 semaphore(%arg19 : memref<!tpu.dma_semaphore, #tpu.memory_space<semaphore_mem>>) src(%dma_wait3A_176 : memref<80xi32, #tpu.memory_space<hbm>>) dst(%arg10 : memref<80xi32, #tpu.memory_space<vmem>>)
      %dma_wait3A_177 = arith.constant 0 : i32
      %dma_wait3A_178 = tpu.memref_slice %arg7[%dma_wait3A_177] : memref<10000xi32, #tpu.memory_space<vmem>> -> memref<80xi32, #tpu.memory_space<vmem>>
      %dma_wait3A_179 = arith.constant 0 : i32
      %dma_wait3A_180 = arith.constant 0 : i32
      %dma_wait3A_181 = tpu.memref_slice %arg2[%dma_wait3A_179, %dma_wait3A_180] : memref<10000x128xf32, #tpu.memory_space<hbm>> -> memref<10000x128xf32, #tpu.memory_space<hbm>>
      tpu.wait_indirect_dma semaphore(%arg20 : memref<!tpu.dma_semaphore, #tpu.memory_space<semaphore_mem>>) src(%dma_wait3A_181 : memref<10000x128xf32, #tpu.memory_space<hbm>>) dst(%arg12 : memref<80x128xf32, #tpu.memory_space<vmem>>)
      %dma_start3A_182 = arith.constant 0 : i32
      %dma_start3A_183 = arith.constant 0 : i32
      %dma_start3A_184 = tpu.memref_slice %arg6[%dma_start3A_182, %dma_start3A_183] : memref<10240x128xf32, #tpu.memory_space<vmem_shared>> -> memref<10240x128xf32, #tpu.memory_space<vmem_shared>>
      tpu.enqueue_indirect_dma source(%arg13 : memref<80x128xf32, #tpu.memory_space<vmem>>) target(%dma_start3A_184 : memref<10240x128xf32, #tpu.memory_space<vmem_shared>>) offsets(%arg10 : memref<80xi32, #tpu.memory_space<vmem>>) semaphore(%arg20 : memref<!tpu.dma_semaphore, #tpu.memory_space<semaphore_mem>>) {add = true}
      %add3A_185 = arith.constant 2 : i32
      %add3A_186 = arith.addi %add3A_165, %add3A_185 : i32
      %mul3A_187 = arith.constant 80 : i32
      %mul3A_188 = arith.muli %add3A_186, %mul3A_187 : i32
      %dma_start3A_189 = tpu.memref_slice %arg7[%mul3A_188] : memref<10000xi32, #tpu.memory_space<vmem>> -> memref<80xi32, #tpu.memory_space<vmem>>
      %dma_start3A_190 = arith.constant 0 : i32
      %dma_start3A_191 = arith.constant 0 : i32
      %dma_start3A_192 = tpu.memref_slice %arg2[%dma_start3A_190, %dma_start3A_191] : memref<10000x128xf32, #tpu.memory_space<hbm>> -> memref<10000x128xf32, #tpu.memory_space<hbm>>
      tpu.enqueue_indirect_dma source(%dma_start3A_192 : memref<10000x128xf32, #tpu.memory_space<hbm>>) target(%arg12 : memref<80x128xf32, #tpu.memory_space<vmem>>) offsets(%dma_start3A_189 : memref<80xi32, #tpu.memory_space<vmem>>) semaphore(%arg15 : memref<!tpu.dma_semaphore, #tpu.memory_space<semaphore_mem>>)
      %mul3A_193 = arith.constant 80 : i32
      %mul3A_194 = arith.muli %add3A_186, %mul3A_193 : i32
      %add3A_195 = arith.addi %mul3A_25, %mul3A_194 : i32
      %dma_start3A_196 = tpu.memref_slice %arg4[%add3A_195] : memref<320000xi32, #tpu.memory_space<hbm>> -> memref<80xi32, #tpu.memory_space<hbm>>
      %dma_start3A_197 = tpu.memref_slice %arg4[%add3A_195] : memref<320000xi32, #tpu.memory_space<hbm>> -> memref<80xi32, #tpu.memory_space<hbm>>
      tpu.enqueue_dma source(%dma_start3A_197 : memref<80xi32, #tpu.memory_space<hbm>>) target(%arg9 : memref<80xi32, #tpu.memory_space<vmem>>) target_semaphore(%arg18 : memref<!tpu.dma_semaphore, #tpu.memory_space<semaphore_mem>>)
      %add3A_198 = arith.constant 1 : i32
      %add3A_199 = arith.addi %add3A_165, %add3A_198 : i32
      %mul3A_200 = arith.constant 80 : i32
      %mul3A_201 = arith.muli %add3A_199, %mul3A_200 : i32
      %dma_wait3A_202 = tpu.memref_slice %arg7[%mul3A_201] : memref<10000xi32, #tpu.memory_space<vmem>> -> memref<80xi32, #tpu.memory_space<vmem>>
      %dma_wait3A_203 = arith.constant 0 : i32
      %dma_wait3A_204 = arith.constant 0 : i32
      %dma_wait3A_205 = tpu.memref_slice %arg2[%dma_wait3A_203, %dma_wait3A_204] : memref<10000x128xf32, #tpu.memory_space<hbm>> -> memref<10000x128xf32, #tpu.memory_space<hbm>>
      tpu.wait_indirect_dma semaphore(%arg14 : memref<!tpu.dma_semaphore, #tpu.memory_space<semaphore_mem>>) src(%dma_wait3A_205 : memref<10000x128xf32, #tpu.memory_space<hbm>>) dst(%arg11 : memref<80x128xf32, #tpu.memory_space<vmem>>)
      %mul3A_206 = arith.constant 80 : i32
      %mul3A_207 = arith.muli %add3A_199, %mul3A_206 : i32
      %add3A_208 = arith.addi %mul3A_25, %mul3A_207 : i32
      %dma_wait3A_209 = tpu.memref_slice %arg4[%add3A_208] : memref<320000xi32, #tpu.memory_space<hbm>> -> memref<80xi32, #tpu.memory_space<hbm>>
      %dma_wait3A_210 = tpu.memref_slice %arg4[%add3A_208] : memref<320000xi32, #tpu.memory_space<hbm>> -> memref<80xi32, #tpu.memory_space<hbm>>
      tpu.wait_dma2 semaphore(%arg17 : memref<!tpu.dma_semaphore, #tpu.memory_space<semaphore_mem>>) src(%dma_wait3A_210 : memref<80xi32, #tpu.memory_space<hbm>>) dst(%arg8 : memref<80xi32, #tpu.memory_space<vmem>>)
      %dma_wait3A_211 = arith.constant 0 : i32
      %dma_wait3A_212 = tpu.memref_slice %arg7[%dma_wait3A_211] : memref<10000xi32, #tpu.memory_space<vmem>> -> memref<80xi32, #tpu.memory_space<vmem>>
      %dma_wait3A_213 = arith.constant 0 : i32
      %dma_wait3A_214 = arith.constant 0 : i32
      %dma_wait3A_215 = tpu.memref_slice %arg2[%dma_wait3A_213, %dma_wait3A_214] : memref<10000x128xf32, #tpu.memory_space<hbm>> -> memref<10000x128xf32, #tpu.memory_space<hbm>>
      tpu.wait_indirect_dma semaphore(%arg20 : memref<!tpu.dma_semaphore, #tpu.memory_space<semaphore_mem>>) src(%dma_wait3A_215 : memref<10000x128xf32, #tpu.memory_space<hbm>>) dst(%arg13 : memref<80x128xf32, #tpu.memory_space<vmem>>)
      %dma_start3A_216 = arith.constant 0 : i32
      %dma_start3A_217 = arith.constant 0 : i32
      %dma_start3A_218 = tpu.memref_slice %arg6[%dma_start3A_216, %dma_start3A_217] : memref<10240x128xf32, #tpu.memory_space<vmem_shared>> -> memref<10240x128xf32, #tpu.memory_space<vmem_shared>>
      tpu.enqueue_indirect_dma source(%arg11 : memref<80x128xf32, #tpu.memory_space<vmem>>) target(%dma_start3A_218 : memref<10240x128xf32, #tpu.memory_space<vmem_shared>>) offsets(%arg8 : memref<80xi32, #tpu.memory_space<vmem>>) semaphore(%arg20 : memref<!tpu.dma_semaphore, #tpu.memory_space<semaphore_mem>>) {add = true}
      %add3A_219 = arith.constant 2 : i32
      %add3A_220 = arith.addi %add3A_199, %add3A_219 : i32
      %mul3A_221 = arith.constant 80 : i32
      %mul3A_222 = arith.muli %add3A_220, %mul3A_221 : i32
      %dma_start3A_223 = tpu.memref_slice %arg7[%mul3A_222] : memref<10000xi32, #tpu.memory_space<vmem>> -> memref<80xi32, #tpu.memory_space<vmem>>
      %dma_start3A_224 = arith.constant 0 : i32
      %dma_start3A_225 = arith.constant 0 : i32
      %dma_start3A_226 = tpu.memref_slice %arg2[%dma_start3A_224, %dma_start3A_225] : memref<10000x128xf32, #tpu.memory_space<hbm>> -> memref<10000x128xf32, #tpu.memory_space<hbm>>
      tpu.enqueue_indirect_dma source(%dma_start3A_226 : memref<10000x128xf32, #tpu.memory_space<hbm>>) target(%arg13 : memref<80x128xf32, #tpu.memory_space<vmem>>) offsets(%dma_start3A_223 : memref<80xi32, #tpu.memory_space<vmem>>) semaphore(%arg16 : memref<!tpu.dma_semaphore, #tpu.memory_space<semaphore_mem>>)
      %mul3A_227 = arith.constant 80 : i32
      %mul3A_228 = arith.muli %add3A_220, %mul3A_227 : i32
      %add3A_229 = arith.addi %mul3A_25, %mul3A_228 : i32
      %dma_start3A_230 = tpu.memref_slice %arg4[%add3A_229] : memref<320000xi32, #tpu.memory_space<hbm>> -> memref<80xi32, #tpu.memory_space<hbm>>
      %dma_start3A_231 = tpu.memref_slice %arg4[%add3A_229] : memref<320000xi32, #tpu.memory_space<hbm>> -> memref<80xi32, #tpu.memory_space<hbm>>
      tpu.enqueue_dma source(%dma_start3A_231 : memref<80xi32, #tpu.memory_space<hbm>>) target(%arg10 : memref<80xi32, #tpu.memory_space<vmem>>) target_semaphore(%arg19 : memref<!tpu.dma_semaphore, #tpu.memory_space<semaphore_mem>>)
      %add3A_232 = arith.constant 2 : i32
      %add3A_233 = arith.addi %add3A_165, %add3A_232 : i32
      %mul3A_234 = arith.constant 80 : i32
      %mul3A_235 = arith.muli %add3A_233, %mul3A_234 : i32
      %dma_wait3A_236 = tpu.memref_slice %arg7[%mul3A_235] : memref<10000xi32, #tpu.memory_space<vmem>> -> memref<80xi32, #tpu.memory_space<vmem>>
      %dma_wait3A_237 = arith.constant 0 : i32
      %dma_wait3A_238 = arith.constant 0 : i32
      %dma_wait3A_239 = tpu.memref_slice %arg2[%dma_wait3A_237, %dma_wait3A_238] : memref<10000x128xf32, #tpu.memory_space<hbm>> -> memref<10000x128xf32, #tpu.memory_space<hbm>>
      tpu.wait_indirect_dma semaphore(%arg15 : memref<!tpu.dma_semaphore, #tpu.memory_space<semaphore_mem>>) src(%dma_wait3A_239 : memref<10000x128xf32, #tpu.memory_space<hbm>>) dst(%arg12 : memref<80x128xf32, #tpu.memory_space<vmem>>)
      %mul3A_240 = arith.constant 80 : i32
      %mul3A_241 = arith.muli %add3A_233, %mul3A_240 : i32
      %add3A_242 = arith.addi %mul3A_25, %mul3A_241 : i32
      %dma_wait3A_243 = tpu.memref_slice %arg4[%add3A_242] : memref<320000xi32, #tpu.memory_space<hbm>> -> memref<80xi32, #tpu.memory_space<hbm>>
      %dma_wait3A_244 = tpu.memref_slice %arg4[%add3A_242] : memref<320000xi32, #tpu.memory_space<hbm>> -> memref<80xi32, #tpu.memory_space<hbm>>
      tpu.wait_dma2 semaphore(%arg18 : memref<!tpu.dma_semaphore, #tpu.memory_space<semaphore_mem>>) src(%dma_wait3A_244 : memref<80xi32, #tpu.memory_space<hbm>>) dst(%arg9 : memref<80xi32, #tpu.memory_space<vmem>>)
      %dma_wait3A_245 = arith.constant 0 : i32
      %dma_wait3A_246 = tpu.memref_slice %arg7[%dma_wait3A_245] : memref<10000xi32, #tpu.memory_space<vmem>> -> memref<80xi32, #tpu.memory_space<vmem>>
      %dma_wait3A_247 = arith.constant 0 : i32
      %dma_wait3A_248 = arith.constant 0 : i32
      %dma_wait3A_249 = tpu.memref_slice %arg2[%dma_wait3A_247, %dma_wait3A_248] : memref<10000x128xf32, #tpu.memory_space<hbm>> -> memref<10000x128xf32, #tpu.memory_space<hbm>>
      tpu.wait_indirect_dma semaphore(%arg20 : memref<!tpu.dma_semaphore, #tpu.memory_space<semaphore_mem>>) src(%dma_wait3A_249 : memref<10000x128xf32, #tpu.memory_space<hbm>>) dst(%arg11 : memref<80x128xf32, #tpu.memory_space<vmem>>)
      %dma_start3A_250 = arith.constant 0 : i32
      %dma_start3A_251 = arith.constant 0 : i32
      %dma_start3A_252 = tpu.memref_slice %arg6[%dma_start3A_250, %dma_start3A_251] : memref<10240x128xf32, #tpu.memory_space<vmem_shared>> -> memref<10240x128xf32, #tpu.memory_space<vmem_shared>>
      tpu.enqueue_indirect_dma source(%arg12 : memref<80x128xf32, #tpu.memory_space<vmem>>) target(%dma_start3A_252 : memref<10240x128xf32, #tpu.memory_space<vmem_shared>>) offsets(%arg9 : memref<80xi32, #tpu.memory_space<vmem>>) semaphore(%arg20 : memref<!tpu.dma_semaphore, #tpu.memory_space<semaphore_mem>>) {add = true}
      %add3A_253 = arith.constant 2 : i32
      %add3A_254 = arith.addi %add3A_233, %add3A_253 : i32
      %mul3A_255 = arith.constant 80 : i32
      %mul3A_256 = arith.muli %add3A_254, %mul3A_255 : i32
      %dma_start3A_257 = tpu.memref_slice %arg7[%mul3A_256] : memref<10000xi32, #tpu.memory_space<vmem>> -> memref<80xi32, #tpu.memory_space<vmem>>
      %dma_start3A_258 = arith.constant 0 : i32
      %dma_start3A_259 = arith.constant 0 : i32
      %dma_start3A_260 = tpu.memref_slice %arg2[%dma_start3A_258, %dma_start3A_259] : memref<10000x128xf32, #tpu.memory_space<hbm>> -> memref<10000x128xf32, #tpu.memory_space<hbm>>
      tpu.enqueue_indirect_dma source(%dma_start3A_260 : memref<10000x128xf32, #tpu.memory_space<hbm>>) target(%arg11 : memref<80x128xf32, #tpu.memory_space<vmem>>) offsets(%dma_start3A_257 : memref<80xi32, #tpu.memory_space<vmem>>) semaphore(%arg14 : memref<!tpu.dma_semaphore, #tpu.memory_space<semaphore_mem>>)
      %mul3A_261 = arith.constant 80 : i32
      %mul3A_262 = arith.muli %add3A_254, %mul3A_261 : i32
      %add3A_263 = arith.addi %mul3A_25, %mul3A_262 : i32
      %dma_start3A_264 = tpu.memref_slice %arg4[%add3A_263] : memref<320000xi32, #tpu.memory_space<hbm>> -> memref<80xi32, #tpu.memory_space<hbm>>
      %dma_start3A_265 = tpu.memref_slice %arg4[%add3A_263] : memref<320000xi32, #tpu.memory_space<hbm>> -> memref<80xi32, #tpu.memory_space<hbm>>
      tpu.enqueue_dma source(%dma_start3A_265 : memref<80xi32, #tpu.memory_space<hbm>>) target(%arg8 : memref<80xi32, #tpu.memory_space<vmem>>) target_semaphore(%arg17 : memref<!tpu.dma_semaphore, #tpu.memory_space<semaphore_mem>>)
    }
    %scan3A_94 = arith.constant 40 : i32
    %dma_wait3A_95 = arith.constant 9760 : i32
    %dma_wait3A_96 = tpu.memref_slice %arg7[%dma_wait3A_95] : memref<10000xi32, #tpu.memory_space<vmem>> -> memref<80xi32, #tpu.memory_space<vmem>>
    %dma_wait3A_97 = arith.constant 0 : i32
    %dma_wait3A_98 = arith.constant 0 : i32
    %dma_wait3A_99 = tpu.memref_slice %arg2[%dma_wait3A_97, %dma_wait3A_98] : memref<10000x128xf32, #tpu.memory_space<hbm>> -> memref<10000x128xf32, #tpu.memory_space<hbm>>
    tpu.wait_indirect_dma semaphore(%arg16 : memref<!tpu.dma_semaphore, #tpu.memory_space<semaphore_mem>>) src(%dma_wait3A_99 : memref<10000x128xf32, #tpu.memory_space<hbm>>) dst(%arg13 : memref<80x128xf32, #tpu.memory_space<vmem>>)
    %add3A_100 = arith.constant 9760 : i32
    %add3A_101 = arith.addi %mul3A_25, %add3A_100 : i32
    %dma_wait3A_102 = tpu.memref_slice %arg4[%add3A_101] : memref<320000xi32, #tpu.memory_space<hbm>> -> memref<80xi32, #tpu.memory_space<hbm>>
    %dma_wait3A_103 = tpu.memref_slice %arg4[%add3A_101] : memref<320000xi32, #tpu.memory_space<hbm>> -> memref<80xi32, #tpu.memory_space<hbm>>
    tpu.wait_dma2 semaphore(%arg19 : memref<!tpu.dma_semaphore, #tpu.memory_space<semaphore_mem>>) src(%dma_wait3A_103 : memref<80xi32, #tpu.memory_space<hbm>>) dst(%arg10 : memref<80xi32, #tpu.memory_space<vmem>>)
    %dma_wait3A_104 = arith.constant 0 : i32
    %dma_wait3A_105 = tpu.memref_slice %arg7[%dma_wait3A_104] : memref<10000xi32, #tpu.memory_space<vmem>> -> memref<80xi32, #tpu.memory_space<vmem>>
    %dma_wait3A_106 = arith.constant 0 : i32
    %dma_wait3A_107 = arith.constant 0 : i32
    %dma_wait3A_108 = tpu.memref_slice %arg2[%dma_wait3A_106, %dma_wait3A_107] : memref<10000x128xf32, #tpu.memory_space<hbm>> -> memref<10000x128xf32, #tpu.memory_space<hbm>>
    tpu.wait_indirect_dma semaphore(%arg20 : memref<!tpu.dma_semaphore, #tpu.memory_space<semaphore_mem>>) src(%dma_wait3A_108 : memref<10000x128xf32, #tpu.memory_space<hbm>>) dst(%arg12 : memref<80x128xf32, #tpu.memory_space<vmem>>)
    %dma_start3A_109 = arith.constant 0 : i32
    %dma_start3A_110 = arith.constant 0 : i32
    %dma_start3A_111 = tpu.memref_slice %arg6[%dma_start3A_109, %dma_start3A_110] : memref<10240x128xf32, #tpu.memory_space<vmem_shared>> -> memref<10240x128xf32, #tpu.memory_space<vmem_shared>>
    tpu.enqueue_indirect_dma source(%arg13 : memref<80x128xf32, #tpu.memory_space<vmem>>) target(%dma_start3A_111 : memref<10240x128xf32, #tpu.memory_space<vmem_shared>>) offsets(%arg10 : memref<80xi32, #tpu.memory_space<vmem>>) semaphore(%arg20 : memref<!tpu.dma_semaphore, #tpu.memory_space<semaphore_mem>>) {add = true}
    %dma_start3A_112 = arith.constant 9920 : i32
    %dma_start3A_113 = tpu.memref_slice %arg7[%dma_start3A_112] : memref<10000xi32, #tpu.memory_space<vmem>> -> memref<80xi32, #tpu.memory_space<vmem>>
    %dma_start3A_114 = arith.constant 0 : i32
    %dma_start3A_115 = arith.constant 0 : i32
    %dma_start3A_116 = tpu.memref_slice %arg2[%dma_start3A_114, %dma_start3A_115] : memref<10000x128xf32, #tpu.memory_space<hbm>> -> memref<10000x128xf32, #tpu.memory_space<hbm>>
    tpu.enqueue_indirect_dma source(%dma_start3A_116 : memref<10000x128xf32, #tpu.memory_space<hbm>>) target(%arg12 : memref<80x128xf32, #tpu.memory_space<vmem>>) offsets(%dma_start3A_113 : memref<80xi32, #tpu.memory_space<vmem>>) semaphore(%arg15 : memref<!tpu.dma_semaphore, #tpu.memory_space<semaphore_mem>>)
    %add3A_117 = arith.constant 9920 : i32
    %add3A_118 = arith.addi %mul3A_25, %add3A_117 : i32
    %dma_start3A_119 = tpu.memref_slice %arg4[%add3A_118] : memref<320000xi32, #tpu.memory_space<hbm>> -> memref<80xi32, #tpu.memory_space<hbm>>
    %dma_start3A_120 = tpu.memref_slice %arg4[%add3A_118] : memref<320000xi32, #tpu.memory_space<hbm>> -> memref<80xi32, #tpu.memory_space<hbm>>
    tpu.enqueue_dma source(%dma_start3A_120 : memref<80xi32, #tpu.memory_space<hbm>>) target(%arg9 : memref<80xi32, #tpu.memory_space<vmem>>) target_semaphore(%arg18 : memref<!tpu.dma_semaphore, #tpu.memory_space<semaphore_mem>>)
    %dma_wait3A_121 = arith.constant 9840 : i32
    %dma_wait3A_122 = tpu.memref_slice %arg7[%dma_wait3A_121] : memref<10000xi32, #tpu.memory_space<vmem>> -> memref<80xi32, #tpu.memory_space<vmem>>
    %dma_wait3A_123 = arith.constant 0 : i32
    %dma_wait3A_124 = arith.constant 0 : i32
    %dma_wait3A_125 = tpu.memref_slice %arg2[%dma_wait3A_123, %dma_wait3A_124] : memref<10000x128xf32, #tpu.memory_space<hbm>> -> memref<10000x128xf32, #tpu.memory_space<hbm>>
    tpu.wait_indirect_dma semaphore(%arg14 : memref<!tpu.dma_semaphore, #tpu.memory_space<semaphore_mem>>) src(%dma_wait3A_125 : memref<10000x128xf32, #tpu.memory_space<hbm>>) dst(%arg11 : memref<80x128xf32, #tpu.memory_space<vmem>>)
    %add3A_126 = arith.constant 9840 : i32
    %add3A_127 = arith.addi %mul3A_25, %add3A_126 : i32
    %dma_wait3A_128 = tpu.memref_slice %arg4[%add3A_127] : memref<320000xi32, #tpu.memory_space<hbm>> -> memref<80xi32, #tpu.memory_space<hbm>>
    %dma_wait3A_129 = tpu.memref_slice %arg4[%add3A_127] : memref<320000xi32, #tpu.memory_space<hbm>> -> memref<80xi32, #tpu.memory_space<hbm>>
    tpu.wait_dma2 semaphore(%arg17 : memref<!tpu.dma_semaphore, #tpu.memory_space<semaphore_mem>>) src(%dma_wait3A_129 : memref<80xi32, #tpu.memory_space<hbm>>) dst(%arg8 : memref<80xi32, #tpu.memory_space<vmem>>)
    %dma_wait3A_130 = arith.constant 0 : i32
    %dma_wait3A_131 = tpu.memref_slice %arg7[%dma_wait3A_130] : memref<10000xi32, #tpu.memory_space<vmem>> -> memref<80xi32, #tpu.memory_space<vmem>>
    %dma_wait3A_132 = arith.constant 0 : i32
    %dma_wait3A_133 = arith.constant 0 : i32
    %dma_wait3A_134 = tpu.memref_slice %arg2[%dma_wait3A_132, %dma_wait3A_133] : memref<10000x128xf32, #tpu.memory_space<hbm>> -> memref<10000x128xf32, #tpu.memory_space<hbm>>
    tpu.wait_indirect_dma semaphore(%arg20 : memref<!tpu.dma_semaphore, #tpu.memory_space<semaphore_mem>>) src(%dma_wait3A_134 : memref<10000x128xf32, #tpu.memory_space<hbm>>) dst(%arg13 : memref<80x128xf32, #tpu.memory_space<vmem>>)
    %dma_start3A_135 = arith.constant 0 : i32
    %dma_start3A_136 = arith.constant 0 : i32
    %dma_start3A_137 = tpu.memref_slice %arg6[%dma_start3A_135, %dma_start3A_136] : memref<10240x128xf32, #tpu.memory_space<vmem_shared>> -> memref<10240x128xf32, #tpu.memory_space<vmem_shared>>
    tpu.enqueue_indirect_dma source(%arg11 : memref<80x128xf32, #tpu.memory_space<vmem>>) target(%dma_start3A_137 : memref<10240x128xf32, #tpu.memory_space<vmem_shared>>) offsets(%arg8 : memref<80xi32, #tpu.memory_space<vmem>>) semaphore(%arg20 : memref<!tpu.dma_semaphore, #tpu.memory_space<semaphore_mem>>) {add = true}
    %dma_wait3A_138 = arith.constant 9920 : i32
    %dma_wait3A_139 = tpu.memref_slice %arg7[%dma_wait3A_138] : memref<10000xi32, #tpu.memory_space<vmem>> -> memref<80xi32, #tpu.memory_space<vmem>>
    %dma_wait3A_140 = arith.constant 0 : i32
    %dma_wait3A_141 = arith.constant 0 : i32
    %dma_wait3A_142 = tpu.memref_slice %arg2[%dma_wait3A_140, %dma_wait3A_141] : memref<10000x128xf32, #tpu.memory_space<hbm>> -> memref<10000x128xf32, #tpu.memory_space<hbm>>
    tpu.wait_indirect_dma semaphore(%arg15 : memref<!tpu.dma_semaphore, #tpu.memory_space<semaphore_mem>>) src(%dma_wait3A_142 : memref<10000x128xf32, #tpu.memory_space<hbm>>) dst(%arg12 : memref<80x128xf32, #tpu.memory_space<vmem>>)
    %add3A_143 = arith.constant 9920 : i32
    %add3A_144 = arith.addi %mul3A_25, %add3A_143 : i32
    %dma_wait3A_145 = tpu.memref_slice %arg4[%add3A_144] : memref<320000xi32, #tpu.memory_space<hbm>> -> memref<80xi32, #tpu.memory_space<hbm>>
    %dma_wait3A_146 = tpu.memref_slice %arg4[%add3A_144] : memref<320000xi32, #tpu.memory_space<hbm>> -> memref<80xi32, #tpu.memory_space<hbm>>
    tpu.wait_dma2 semaphore(%arg18 : memref<!tpu.dma_semaphore, #tpu.memory_space<semaphore_mem>>) src(%dma_wait3A_146 : memref<80xi32, #tpu.memory_space<hbm>>) dst(%arg9 : memref<80xi32, #tpu.memory_space<vmem>>)
    %dma_wait3A_147 = arith.constant 0 : i32
    %dma_wait3A_148 = tpu.memref_slice %arg7[%dma_wait3A_147] : memref<10000xi32, #tpu.memory_space<vmem>> -> memref<80xi32, #tpu.memory_space<vmem>>
    %dma_wait3A_149 = arith.constant 0 : i32
    %dma_wait3A_150 = arith.constant 0 : i32
    %dma_wait3A_151 = tpu.memref_slice %arg2[%dma_wait3A_149, %dma_wait3A_150] : memref<10000x128xf32, #tpu.memory_space<hbm>> -> memref<10000x128xf32, #tpu.memory_space<hbm>>
    tpu.wait_indirect_dma semaphore(%arg20 : memref<!tpu.dma_semaphore, #tpu.memory_space<semaphore_mem>>) src(%dma_wait3A_151 : memref<10000x128xf32, #tpu.memory_space<hbm>>) dst(%arg11 : memref<80x128xf32, #tpu.memory_space<vmem>>)
    %dma_start3A_152 = arith.constant 0 : i32
    %dma_start3A_153 = arith.constant 0 : i32
    %dma_start3A_154 = tpu.memref_slice %arg6[%dma_start3A_152, %dma_start3A_153] : memref<10240x128xf32, #tpu.memory_space<vmem_shared>> -> memref<10240x128xf32, #tpu.memory_space<vmem_shared>>
    tpu.enqueue_indirect_dma source(%arg12 : memref<80x128xf32, #tpu.memory_space<vmem>>) target(%dma_start3A_154 : memref<10240x128xf32, #tpu.memory_space<vmem_shared>>) offsets(%arg9 : memref<80xi32, #tpu.memory_space<vmem>>) semaphore(%arg20 : memref<!tpu.dma_semaphore, #tpu.memory_space<semaphore_mem>>) {add = true}
    %dma_wait3A_155 = arith.constant 0 : i32
    %dma_wait3A_156 = tpu.memref_slice %arg7[%dma_wait3A_155] : memref<10000xi32, #tpu.memory_space<vmem>> -> memref<80xi32, #tpu.memory_space<vmem>>
    %dma_wait3A_157 = arith.constant 0 : i32
    %dma_wait3A_158 = arith.constant 0 : i32
    %dma_wait3A_159 = tpu.memref_slice %arg2[%dma_wait3A_157, %dma_wait3A_158] : memref<10000x128xf32, #tpu.memory_space<hbm>> -> memref<10000x128xf32, #tpu.memory_space<hbm>>
    tpu.wait_indirect_dma semaphore(%arg20 : memref<!tpu.dma_semaphore, #tpu.memory_space<semaphore_mem>>) src(%dma_wait3A_159 : memref<10000x128xf32, #tpu.memory_space<hbm>>) dst(%arg12 : memref<80x128xf32, #tpu.memory_space<vmem>>)
    %barrier3A_160 = arith.constant 0 : index
    tpu.barrier barrier_id(%barrier3A_160)
    "tpu.region"() ({
      %run_scoped3A = tpu.sem_alloc : memref<!tpu.dma_semaphore, #tpu.memory_space<semaphore_mem>>
      %dma_start3A_161 = arith.constant 0 : i32
      %dma_start3A_162 = tpu.memref_slice %arg5[%arg0, %mul3A_7, %dma_start3A_161] : memref<2x10240x128xf32, #tpu.memory_space<hbm>> -> memref<1x640x128xf32, #tpu.memory_space<hbm>>
      %dma_start3A_163 = tpu.memref_squeeze %dma_start3A_162 : memref<1x640x128xf32, #tpu.memory_space<hbm>> -> memref<640x128xf32, #tpu.memory_space<hbm>>
      %dma_start3A_164 = arith.constant 0 : i32
      %dma_start3A_165 = tpu.memref_slice %arg6[%mul3A_7, %dma_start3A_164] : memref<10240x128xf32, #tpu.memory_space<vmem_shared>> -> memref<640x128xf32, #tpu.memory_space<vmem_shared>>
      tpu.enqueue_dma source(%dma_start3A_165 : memref<640x128xf32, #tpu.memory_space<vmem_shared>>) target(%dma_start3A_163 : memref<640x128xf32, #tpu.memory_space<hbm>>) target_semaphore(%run_scoped3A : memref<!tpu.dma_semaphore, #tpu.memory_space<semaphore_mem>>)
      %dma_wait3A_166 = arith.constant 0 : i32
      %dma_wait3A_167 = tpu.memref_slice %arg5[%arg0, %mul3A_7, %dma_wait3A_166] : memref<2x10240x128xf32, #tpu.memory_space<hbm>> -> memref<1x640x128xf32, #tpu.memory_space<hbm>>
      %dma_wait3A_168 = tpu.memref_squeeze %dma_wait3A_167 : memref<1x640x128xf32, #tpu.memory_space<hbm>> -> memref<640x128xf32, #tpu.memory_space<hbm>>
      %dma_wait3A_169 = arith.constant 0 : i32
      %dma_wait3A_170 = tpu.memref_slice %arg6[%mul3A_7, %dma_wait3A_169] : memref<10240x128xf32, #tpu.memory_space<vmem_shared>> -> memref<640x128xf32, #tpu.memory_space<vmem_shared>>
      tpu.wait_dma2 semaphore(%run_scoped3A : memref<!tpu.dma_semaphore, #tpu.memory_space<semaphore_mem>>) src(%dma_wait3A_170 : memref<640x128xf32, #tpu.memory_space<vmem_shared>>) dst(%dma_wait3A_168 : memref<640x128xf32, #tpu.memory_space<hbm>>)
      tpu.yield
    }) : () -> ()
    return
  }
}

#map = affine_map<(d0, d1) -> (0, 0)>
#map1 = affine_map<(d0, d1) -> (0)>
#map2 = affine_map<(d0, d1) -> (0, 0, 0)>
module attributes {stable_mosaic.version = 14 : i64} {
  func.func @_sc_body(%arg0: i32, %arg1: i32, %arg2: memref<10000x128xf32, #tpu.memory_space<hbm>>, %arg3: memref<320000xi32, #tpu.memory_space<hbm>>, %arg4: memref<320000xi32, #tpu.memory_space<hbm>>, %arg5: memref<2x10240x128xf32, #tpu.memory_space<hbm>>, %arg6: memref<10240x128xf32, #tpu.memory_space<vmem_shared>>, %arg7: memref<10000xi32, #tpu.memory_space<vmem>>, %arg8: memref<80xi32, #tpu.memory_space<vmem>>, %arg9: memref<80xi32, #tpu.memory_space<vmem>>, %arg10: memref<80xi32, #tpu.memory_space<vmem>>, %arg11: memref<80x128xf32, #tpu.memory_space<vmem>>, %arg12: memref<80x128xf32, #tpu.memory_space<vmem>>, %arg13: memref<80x128xf32, #tpu.memory_space<vmem>>, %arg14: memref<!tpu.dma_semaphore, #tpu.memory_space<semaphore_mem>>, %arg15: memref<!tpu.dma_semaphore, #tpu.memory_space<semaphore_mem>>, %arg16: memref<!tpu.dma_semaphore, #tpu.memory_space<semaphore_mem>>, %arg17: memref<!tpu.dma_semaphore, #tpu.memory_space<semaphore_mem>>, %arg18: memref<!tpu.dma_semaphore, #tpu.memory_space<semaphore_mem>>, %arg19: memref<!tpu.dma_semaphore, #tpu.memory_space<semaphore_mem>>, %arg20: memref<!tpu.dma_semaphore, #tpu.memory_space<semaphore_mem>>) attributes {dimension_semantics = [#tpu.dimension_semantics<core_parallel>, #tpu.dimension_semantics<subcore_parallel>], iteration_bounds = array<i64: 2, 16>, scalar_prefetch = 0 : i64, scratch_operands = 15 : i64, tpu.core_type = #tpu.core_type<sc_vector_subcore>, window_params = [{transform_indices = #map}, {transform_indices = #map1}, {transform_indices = #map1}, {transform_indices = #map2}]} {
    %mul3A = arith.constant 2 : i32
    %mul3A_0 = arith.muli %arg1, %mul3A : i32
    %add3A = arith.addi %mul3A_0, %arg0 : i32
    %scan3A = arith.constant 0 : i32
    %scan3A_1 = arith.constant 0 : i32
    %scan3A_2 = arith.constant 80 : i32
    %scan3A_3 = arith.addi %scan3A_1, %scan3A_2 : i32
    %scan3A_4 = arith.constant 1 : i32
    scf.for %scan3A_161 = %scan3A_1 to %scan3A_3 step %scan3A_4  : i32 {
      %broadcast_in_dim3A = arith.constant 0.000000e+00 : f32
      %broadcast_in_dim3A_162 = vector.broadcast %broadcast_in_dim3A : f32 to vector<16xf32>
      %swap3A = arith.index_cast %scan3A_161 : i32 to index
      %swap3A_163 = arith.constant 0 : index
      %swap3A_164 = tpu.vector_load %arg11[%swap3A, %swap3A_163] {strides = array<i32>} : memref<80x128xf32, #tpu.memory_space<vmem>>, vector<1x16xf32>,
      %swap3A_165 = vector.shape_cast %swap3A_164 : vector<1x16xf32> to vector<16xf32>
      %swap3A_166 = vector.shape_cast %broadcast_in_dim3A_162 : vector<16xf32> to vector<1x16xf32>
      tpu.vector_store %arg11[%swap3A, %swap3A_163], %swap3A_166 {strides = array<i32>} : memref<80x128xf32, #tpu.memory_space<vmem>>, vector<1x16xf32>,
      %broadcast_in_dim3A_167 = arith.constant 0.000000e+00 : f32
      %broadcast_in_dim3A_168 = vector.broadcast %broadcast_in_dim3A_167 : f32 to vector<16xf32>
      %swap3A_169 = arith.index_cast %scan3A_161 : i32 to index
      %swap3A_170 = arith.constant 16 : index
      %swap3A_171 = tpu.vector_load %arg11[%swap3A_169, %swap3A_170] {strides = array<i32>} : memref<80x128xf32, #tpu.memory_space<vmem>>, vector<1x16xf32>,
      %swap3A_172 = vector.shape_cast %swap3A_171 : vector<1x16xf32> to vector<16xf32>
      %swap3A_173 = vector.shape_cast %broadcast_in_dim3A_168 : vector<16xf32> to vector<1x16xf32>
      tpu.vector_store %arg11[%swap3A_169, %swap3A_170], %swap3A_173 {strides = array<i32>} : memref<80x128xf32, #tpu.memory_space<vmem>>, vector<1x16xf32>,
      %broadcast_in_dim3A_174 = arith.constant 0.000000e+00 : f32
      %broadcast_in_dim3A_175 = vector.broadcast %broadcast_in_dim3A_174 : f32 to vector<16xf32>
      %swap3A_176 = arith.index_cast %scan3A_161 : i32 to index
      %swap3A_177 = arith.constant 32 : index
      %swap3A_178 = tpu.vector_load %arg11[%swap3A_176, %swap3A_177] {strides = array<i32>} : memref<80x128xf32, #tpu.memory_space<vmem>>, vector<1x16xf32>,
      %swap3A_179 = vector.shape_cast %swap3A_178 : vector<1x16xf32> to vector<16xf32>
      %swap3A_180 = vector.shape_cast %broadcast_in_dim3A_175 : vector<16xf32> to vector<1x16xf32>
      tpu.vector_store %arg11[%swap3A_176, %swap3A_177], %swap3A_180 {strides = array<i32>} : memref<80x128xf32, #tpu.memory_space<vmem>>, vector<1x16xf32>,
      %broadcast_in_dim3A_181 = arith.constant 0.000000e+00 : f32
      %broadcast_in_dim3A_182 = vector.broadcast %broadcast_in_dim3A_181 : f32 to vector<16xf32>
      %swap3A_183 = arith.index_cast %scan3A_161 : i32 to index
      %swap3A_184 = arith.constant 48 : index
      %swap3A_185 = tpu.vector_load %arg11[%swap3A_183, %swap3A_184] {strides = array<i32>} : memref<80x128xf32, #tpu.memory_space<vmem>>, vector<1x16xf32>,
      %swap3A_186 = vector.shape_cast %swap3A_185 : vector<1x16xf32> to vector<16xf32>
      %swap3A_187 = vector.shape_cast %broadcast_in_dim3A_182 : vector<16xf32> to vector<1x16xf32>
      tpu.vector_store %arg11[%swap3A_183, %swap3A_184], %swap3A_187 {strides = array<i32>} : memref<80x128xf32, #tpu.memory_space<vmem>>, vector<1x16xf32>,
      %broadcast_in_dim3A_188 = arith.constant 0.000000e+00 : f32
      %broadcast_in_dim3A_189 = vector.broadcast %broadcast_in_dim3A_188 : f32 to vector<16xf32>
      %swap3A_190 = arith.index_cast %scan3A_161 : i32 to index
      %swap3A_191 = arith.constant 64 : index
      %swap3A_192 = tpu.vector_load %arg11[%swap3A_190, %swap3A_191] {strides = array<i32>} : memref<80x128xf32, #tpu.memory_space<vmem>>, vector<1x16xf32>,
      %swap3A_193 = vector.shape_cast %swap3A_192 : vector<1x16xf32> to vector<16xf32>
      %swap3A_194 = vector.shape_cast %broadcast_in_dim3A_189 : vector<16xf32> to vector<1x16xf32>
      tpu.vector_store %arg11[%swap3A_190, %swap3A_191], %swap3A_194 {strides = array<i32>} : memref<80x128xf32, #tpu.memory_space<vmem>>, vector<1x16xf32>,
      %broadcast_in_dim3A_195 = arith.constant 0.000000e+00 : f32
      %broadcast_in_dim3A_196 = vector.broadcast %broadcast_in_dim3A_195 : f32 to vector<16xf32>
      %swap3A_197 = arith.index_cast %scan3A_161 : i32 to index
      %swap3A_198 = arith.constant 80 : index
      %swap3A_199 = tpu.vector_load %arg11[%swap3A_197, %swap3A_198] {strides = array<i32>} : memref<80x128xf32, #tpu.memory_space<vmem>>, vector<1x16xf32>,
      %swap3A_200 = vector.shape_cast %swap3A_199 : vector<1x16xf32> to vector<16xf32>
      %swap3A_201 = vector.shape_cast %broadcast_in_dim3A_196 : vector<16xf32> to vector<1x16xf32>
      tpu.vector_store %arg11[%swap3A_197, %swap3A_198], %swap3A_201 {strides = array<i32>} : memref<80x128xf32, #tpu.memory_space<vmem>>, vector<1x16xf32>,
      %broadcast_in_dim3A_202 = arith.constant 0.000000e+00 : f32
      %broadcast_in_dim3A_203 = vector.broadcast %broadcast_in_dim3A_202 : f32 to vector<16xf32>
      %swap3A_204 = arith.index_cast %scan3A_161 : i32 to index
      %swap3A_205 = arith.constant 96 : index
      %swap3A_206 = tpu.vector_load %arg11[%swap3A_204, %swap3A_205] {strides = array<i32>} : memref<80x128xf32, #tpu.memory_space<vmem>>, vector<1x16xf32>,
      %swap3A_207 = vector.shape_cast %swap3A_206 : vector<1x16xf32> to vector<16xf32>
      %swap3A_208 = vector.shape_cast %broadcast_in_dim3A_203 : vector<16xf32> to vector<1x16xf32>
      tpu.vector_store %arg11[%swap3A_204, %swap3A_205], %swap3A_208 {strides = array<i32>} : memref<80x128xf32, #tpu.memory_space<vmem>>, vector<1x16xf32>,
      %broadcast_in_dim3A_209 = arith.constant 0.000000e+00 : f32
      %broadcast_in_dim3A_210 = vector.broadcast %broadcast_in_dim3A_209 : f32 to vector<16xf32>
      %swap3A_211 = arith.index_cast %scan3A_161 : i32 to index
      %swap3A_212 = arith.constant 112 : index
      %swap3A_213 = tpu.vector_load %arg11[%swap3A_211, %swap3A_212] {strides = array<i32>} : memref<80x128xf32, #tpu.memory_space<vmem>>, vector<1x16xf32>,
      %swap3A_214 = vector.shape_cast %swap3A_213 : vector<1x16xf32> to vector<16xf32>
      %swap3A_215 = vector.shape_cast %broadcast_in_dim3A_210 : vector<16xf32> to vector<1x16xf32>
      tpu.vector_store %arg11[%swap3A_211, %swap3A_212], %swap3A_215 {strides = array<i32>} : memref<80x128xf32, #tpu.memory_space<vmem>>, vector<1x16xf32>,
    }
    %scan3A_5 = arith.constant 80 : i32
    %mul3A_6 = arith.constant 640 : i32
    %mul3A_7 = arith.muli %arg1, %mul3A_6 : i32
    %add3A_8 = arith.constant 0 : i32
    %add3A_9 = arith.addi %mul3A_7, %add3A_8 : i32
    "tpu.region"() ({
      %run_scoped3A = tpu.sem_alloc : memref<!tpu.dma_semaphore, #tpu.memory_space<semaphore_mem>>
      %dma_start3A_161 = arith.constant 0 : i32
      %dma_start3A_162 = tpu.memref_slice %arg6[%add3A_9, %dma_start3A_161] : memref<10240x128xf32, #tpu.memory_space<vmem_shared>> -> memref<80x128xf32, #tpu.memory_space<vmem_shared>>
      %dma_start3A_163 = arith.constant 0 : i32
      %dma_start3A_164 = tpu.memref_slice %arg6[%add3A_9, %dma_start3A_163] : memref<10240x128xf32, #tpu.memory_space<vmem_shared>> -> memref<80x128xf32, #tpu.memory_space<vmem_shared>>
      tpu.enqueue_dma source(%arg11 : memref<80x128xf32, #tpu.memory_space<vmem>>) target(%dma_start3A_164 : memref<80x128xf32, #tpu.memory_space<vmem_shared>>) target_semaphore(%run_scoped3A : memref<!tpu.dma_semaphore, #tpu.memory_space<semaphore_mem>>)
      %dma_wait3A_165 = arith.constant 0 : i32
      %dma_wait3A_166 = tpu.memref_slice %arg6[%add3A_9, %dma_wait3A_165] : memref<10240x128xf32, #tpu.memory_space<vmem_shared>> -> memref<80x128xf32, #tpu.memory_space<vmem_shared>>
      %dma_wait3A_167 = arith.constant 0 : i32
      %dma_wait3A_168 = tpu.memref_slice %arg6[%add3A_9, %dma_wait3A_167] : memref<10240x128xf32, #tpu.memory_space<vmem_shared>> -> memref<80x128xf32, #tpu.memory_space<vmem_shared>>
      tpu.wait_dma2 semaphore(%run_scoped3A : memref<!tpu.dma_semaphore, #tpu.memory_space<semaphore_mem>>) src(%arg11 : memref<80x128xf32, #tpu.memory_space<vmem>>) dst(%dma_wait3A_168 : memref<80x128xf32, #tpu.memory_space<vmem_shared>>)
      tpu.yield
    }) : () -> ()
    %add3A_10 = arith.constant 80 : i32
    %add3A_11 = arith.addi %mul3A_7, %add3A_10 : i32
    "tpu.region"() ({
      %run_scoped3A = tpu.sem_alloc : memref<!tpu.dma_semaphore, #tpu.memory_space<semaphore_mem>>
      %dma_start3A_161 = arith.constant 0 : i32
      %dma_start3A_162 = tpu.memref_slice %arg6[%add3A_11, %dma_start3A_161] : memref<10240x128xf32, #tpu.memory_space<vmem_shared>> -> memref<80x128xf32, #tpu.memory_space<vmem_shared>>
      %dma_start3A_163 = arith.constant 0 : i32
      %dma_start3A_164 = tpu.memref_slice %arg6[%add3A_11, %dma_start3A_163] : memref<10240x128xf32, #tpu.memory_space<vmem_shared>> -> memref<80x128xf32, #tpu.memory_space<vmem_shared>>
      tpu.enqueue_dma source(%arg11 : memref<80x128xf32, #tpu.memory_space<vmem>>) target(%dma_start3A_164 : memref<80x128xf32, #tpu.memory_space<vmem_shared>>) target_semaphore(%run_scoped3A : memref<!tpu.dma_semaphore, #tpu.memory_space<semaphore_mem>>)
      %dma_wait3A_165 = arith.constant 0 : i32
      %dma_wait3A_166 = tpu.memref_slice %arg6[%add3A_11, %dma_wait3A_165] : memref<10240x128xf32, #tpu.memory_space<vmem_shared>> -> memref<80x128xf32, #tpu.memory_space<vmem_shared>>
      %dma_wait3A_167 = arith.constant 0 : i32
      %dma_wait3A_168 = tpu.memref_slice %arg6[%add3A_11, %dma_wait3A_167] : memref<10240x128xf32, #tpu.memory_space<vmem_shared>> -> memref<80x128xf32, #tpu.memory_space<vmem_shared>>
      tpu.wait_dma2 semaphore(%run_scoped3A : memref<!tpu.dma_semaphore, #tpu.memory_space<semaphore_mem>>) src(%arg11 : memref<80x128xf32, #tpu.memory_space<vmem>>) dst(%dma_wait3A_168 : memref<80x128xf32, #tpu.memory_space<vmem_shared>>)
      tpu.yield
    }) : () -> ()
    %add3A_12 = arith.constant 160 : i32
    %add3A_13 = arith.addi %mul3A_7, %add3A_12 : i32
    "tpu.region"() ({
      %run_scoped3A = tpu.sem_alloc : memref<!tpu.dma_semaphore, #tpu.memory_space<semaphore_mem>>
      %dma_start3A_161 = arith.constant 0 : i32
      %dma_start3A_162 = tpu.memref_slice %arg6[%add3A_13, %dma_start3A_161] : memref<10240x128xf32, #tpu.memory_space<vmem_shared>> -> memref<80x128xf32, #tpu.memory_space<vmem_shared>>
      %dma_start3A_163 = arith.constant 0 : i32
      %dma_start3A_164 = tpu.memref_slice %arg6[%add3A_13, %dma_start3A_163] : memref<10240x128xf32, #tpu.memory_space<vmem_shared>> -> memref<80x128xf32, #tpu.memory_space<vmem_shared>>
      tpu.enqueue_dma source(%arg11 : memref<80x128xf32, #tpu.memory_space<vmem>>) target(%dma_start3A_164 : memref<80x128xf32, #tpu.memory_space<vmem_shared>>) target_semaphore(%run_scoped3A : memref<!tpu.dma_semaphore, #tpu.memory_space<semaphore_mem>>)
      %dma_wait3A_165 = arith.constant 0 : i32
      %dma_wait3A_166 = tpu.memref_slice %arg6[%add3A_13, %dma_wait3A_165] : memref<10240x128xf32, #tpu.memory_space<vmem_shared>> -> memref<80x128xf32, #tpu.memory_space<vmem_shared>>
      %dma_wait3A_167 = arith.constant 0 : i32
      %dma_wait3A_168 = tpu.memref_slice %arg6[%add3A_13, %dma_wait3A_167] : memref<10240x128xf32, #tpu.memory_space<vmem_shared>> -> memref<80x128xf32, #tpu.memory_space<vmem_shared>>
      tpu.wait_dma2 semaphore(%run_scoped3A : memref<!tpu.dma_semaphore, #tpu.memory_space<semaphore_mem>>) src(%arg11 : memref<80x128xf32, #tpu.memory_space<vmem>>) dst(%dma_wait3A_168 : memref<80x128xf32, #tpu.memory_space<vmem_shared>>)
      tpu.yield
    }) : () -> ()
    %add3A_14 = arith.constant 240 : i32
    %add3A_15 = arith.addi %mul3A_7, %add3A_14 : i32
    "tpu.region"() ({
      %run_scoped3A = tpu.sem_alloc : memref<!tpu.dma_semaphore, #tpu.memory_space<semaphore_mem>>
      %dma_start3A_161 = arith.constant 0 : i32
      %dma_start3A_162 = tpu.memref_slice %arg6[%add3A_15, %dma_start3A_161] : memref<10240x128xf32, #tpu.memory_space<vmem_shared>> -> memref<80x128xf32, #tpu.memory_space<vmem_shared>>
      %dma_start3A_163 = arith.constant 0 : i32
      %dma_start3A_164 = tpu.memref_slice %arg6[%add3A_15, %dma_start3A_163] : memref<10240x128xf32, #tpu.memory_space<vmem_shared>> -> memref<80x128xf32, #tpu.memory_space<vmem_shared>>
      tpu.enqueue_dma source(%arg11 : memref<80x128xf32, #tpu.memory_space<vmem>>) target(%dma_start3A_164 : memref<80x128xf32, #tpu.memory_space<vmem_shared>>) target_semaphore(%run_scoped3A : memref<!tpu.dma_semaphore, #tpu.memory_space<semaphore_mem>>)
      %dma_wait3A_165 = arith.constant 0 : i32
      %dma_wait3A_166 = tpu.memref_slice %arg6[%add3A_15, %dma_wait3A_165] : memref<10240x128xf32, #tpu.memory_space<vmem_shared>> -> memref<80x128xf32, #tpu.memory_space<vmem_shared>>
      %dma_wait3A_167 = arith.constant 0 : i32
      %dma_wait3A_168 = tpu.memref_slice %arg6[%add3A_15, %dma_wait3A_167] : memref<10240x128xf32, #tpu.memory_space<vmem_shared>> -> memref<80x128xf32, #tpu.memory_space<vmem_shared>>
      tpu.wait_dma2 semaphore(%run_scoped3A : memref<!tpu.dma_semaphore, #tpu.memory_space<semaphore_mem>>) src(%arg11 : memref<80x128xf32, #tpu.memory_space<vmem>>) dst(%dma_wait3A_168 : memref<80x128xf32, #tpu.memory_space<vmem_shared>>)
      tpu.yield
    }) : () -> ()
    %add3A_16 = arith.constant 320 : i32
    %add3A_17 = arith.addi %mul3A_7, %add3A_16 : i32
    "tpu.region"() ({
      %run_scoped3A = tpu.sem_alloc : memref<!tpu.dma_semaphore, #tpu.memory_space<semaphore_mem>>
      %dma_start3A_161 = arith.constant 0 : i32
      %dma_start3A_162 = tpu.memref_slice %arg6[%add3A_17, %dma_start3A_161] : memref<10240x128xf32, #tpu.memory_space<vmem_shared>> -> memref<80x128xf32, #tpu.memory_space<vmem_shared>>
      %dma_start3A_163 = arith.constant 0 : i32
      %dma_start3A_164 = tpu.memref_slice %arg6[%add3A_17, %dma_start3A_163] : memref<10240x128xf32, #tpu.memory_space<vmem_shared>> -> memref<80x128xf32, #tpu.memory_space<vmem_shared>>
      tpu.enqueue_dma source(%arg11 : memref<80x128xf32, #tpu.memory_space<vmem>>) target(%dma_start3A_164 : memref<80x128xf32, #tpu.memory_space<vmem_shared>>) target_semaphore(%run_scoped3A : memref<!tpu.dma_semaphore, #tpu.memory_space<semaphore_mem>>)
      %dma_wait3A_165 = arith.constant 0 : i32
      %dma_wait3A_166 = tpu.memref_slice %arg6[%add3A_17, %dma_wait3A_165] : memref<10240x128xf32, #tpu.memory_space<vmem_shared>> -> memref<80x128xf32, #tpu.memory_space<vmem_shared>>
      %dma_wait3A_167 = arith.constant 0 : i32
      %dma_wait3A_168 = tpu.memref_slice %arg6[%add3A_17, %dma_wait3A_167] : memref<10240x128xf32, #tpu.memory_space<vmem_shared>> -> memref<80x128xf32, #tpu.memory_space<vmem_shared>>
      tpu.wait_dma2 semaphore(%run_scoped3A : memref<!tpu.dma_semaphore, #tpu.memory_space<semaphore_mem>>) src(%arg11 : memref<80x128xf32, #tpu.memory_space<vmem>>) dst(%dma_wait3A_168 : memref<80x128xf32, #tpu.memory_space<vmem_shared>>)
      tpu.yield
    }) : () -> ()
    %add3A_18 = arith.constant 400 : i32
    %add3A_19 = arith.addi %mul3A_7, %add3A_18 : i32
    "tpu.region"() ({
      %run_scoped3A = tpu.sem_alloc : memref<!tpu.dma_semaphore, #tpu.memory_space<semaphore_mem>>
      %dma_start3A_161 = arith.constant 0 : i32
      %dma_start3A_162 = tpu.memref_slice %arg6[%add3A_19, %dma_start3A_161] : memref<10240x128xf32, #tpu.memory_space<vmem_shared>> -> memref<80x128xf32, #tpu.memory_space<vmem_shared>>
      %dma_start3A_163 = arith.constant 0 : i32
      %dma_start3A_164 = tpu.memref_slice %arg6[%add3A_19, %dma_start3A_163] : memref<10240x128xf32, #tpu.memory_space<vmem_shared>> -> memref<80x128xf32, #tpu.memory_space<vmem_shared>>
      tpu.enqueue_dma source(%arg11 : memref<80x128xf32, #tpu.memory_space<vmem>>) target(%dma_start3A_164 : memref<80x128xf32, #tpu.memory_space<vmem_shared>>) target_semaphore(%run_scoped3A : memref<!tpu.dma_semaphore, #tpu.memory_space<semaphore_mem>>)
      %dma_wait3A_165 = arith.constant 0 : i32
      %dma_wait3A_166 = tpu.memref_slice %arg6[%add3A_19, %dma_wait3A_165] : memref<10240x128xf32, #tpu.memory_space<vmem_shared>> -> memref<80x128xf32, #tpu.memory_space<vmem_shared>>
      %dma_wait3A_167 = arith.constant 0 : i32
      %dma_wait3A_168 = tpu.memref_slice %arg6[%add3A_19, %dma_wait3A_167] : memref<10240x128xf32, #tpu.memory_space<vmem_shared>> -> memref<80x128xf32, #tpu.memory_space<vmem_shared>>
      tpu.wait_dma2 semaphore(%run_scoped3A : memref<!tpu.dma_semaphore, #tpu.memory_space<semaphore_mem>>) src(%arg11 : memref<80x128xf32, #tpu.memory_space<vmem>>) dst(%dma_wait3A_168 : memref<80x128xf32, #tpu.memory_space<vmem_shared>>)
      tpu.yield
    }) : () -> ()
    %add3A_20 = arith.constant 480 : i32
    %add3A_21 = arith.addi %mul3A_7, %add3A_20 : i32
    "tpu.region"() ({
      %run_scoped3A = tpu.sem_alloc : memref<!tpu.dma_semaphore, #tpu.memory_space<semaphore_mem>>
      %dma_start3A_161 = arith.constant 0 : i32
      %dma_start3A_162 = tpu.memref_slice %arg6[%add3A_21, %dma_start3A_161] : memref<10240x128xf32, #tpu.memory_space<vmem_shared>> -> memref<80x128xf32, #tpu.memory_space<vmem_shared>>
      %dma_start3A_163 = arith.constant 0 : i32
      %dma_start3A_164 = tpu.memref_slice %arg6[%add3A_21, %dma_start3A_163] : memref<10240x128xf32, #tpu.memory_space<vmem_shared>> -> memref<80x128xf32, #tpu.memory_space<vmem_shared>>
      tpu.enqueue_dma source(%arg11 : memref<80x128xf32, #tpu.memory_space<vmem>>) target(%dma_start3A_164 : memref<80x128xf32, #tpu.memory_space<vmem_shared>>) target_semaphore(%run_scoped3A : memref<!tpu.dma_semaphore, #tpu.memory_space<semaphore_mem>>)
      %dma_wait3A_165 = arith.constant 0 : i32
      %dma_wait3A_166 = tpu.memref_slice %arg6[%add3A_21, %dma_wait3A_165] : memref<10240x128xf32, #tpu.memory_space<vmem_shared>> -> memref<80x128xf32, #tpu.memory_space<vmem_shared>>
      %dma_wait3A_167 = arith.constant 0 : i32
      %dma_wait3A_168 = tpu.memref_slice %arg6[%add3A_21, %dma_wait3A_167] : memref<10240x128xf32, #tpu.memory_space<vmem_shared>> -> memref<80x128xf32, #tpu.memory_space<vmem_shared>>
      tpu.wait_dma2 semaphore(%run_scoped3A : memref<!tpu.dma_semaphore, #tpu.memory_space<semaphore_mem>>) src(%arg11 : memref<80x128xf32, #tpu.memory_space<vmem>>) dst(%dma_wait3A_168 : memref<80x128xf32, #tpu.memory_space<vmem_shared>>)
      tpu.yield
    }) : () -> ()
    %add3A_22 = arith.constant 560 : i32
    %add3A_23 = arith.addi %mul3A_7, %add3A_22 : i32
    "tpu.region"() ({
      %run_scoped3A = tpu.sem_alloc : memref<!tpu.dma_semaphore, #tpu.memory_space<semaphore_mem>>
      %dma_start3A_161 = arith.constant 0 : i32
      %dma_start3A_162 = tpu.memref_slice %arg6[%add3A_23, %dma_start3A_161] : memref<10240x128xf32, #tpu.memory_space<vmem_shared>> -> memref<80x128xf32, #tpu.memory_space<vmem_shared>>
      %dma_start3A_163 = arith.constant 0 : i32
      %dma_start3A_164 = tpu.memref_slice %arg6[%add3A_23, %dma_start3A_163] : memref<10240x128xf32, #tpu.memory_space<vmem_shared>> -> memref<80x128xf32, #tpu.memory_space<vmem_shared>>
      tpu.enqueue_dma source(%arg11 : memref<80x128xf32, #tpu.memory_space<vmem>>) target(%dma_start3A_164 : memref<80x128xf32, #tpu.memory_space<vmem_shared>>) target_semaphore(%run_scoped3A : memref<!tpu.dma_semaphore, #tpu.memory_space<semaphore_mem>>)
      %dma_wait3A_165 = arith.constant 0 : i32
      %dma_wait3A_166 = tpu.memref_slice %arg6[%add3A_23, %dma_wait3A_165] : memref<10240x128xf32, #tpu.memory_space<vmem_shared>> -> memref<80x128xf32, #tpu.memory_space<vmem_shared>>
      %dma_wait3A_167 = arith.constant 0 : i32
      %dma_wait3A_168 = tpu.memref_slice %arg6[%add3A_23, %dma_wait3A_167] : memref<10240x128xf32, #tpu.memory_space<vmem_shared>> -> memref<80x128xf32, #tpu.memory_space<vmem_shared>>
      tpu.wait_dma2 semaphore(%run_scoped3A : memref<!tpu.dma_semaphore, #tpu.memory_space<semaphore_mem>>) src(%arg11 : memref<80x128xf32, #tpu.memory_space<vmem>>) dst(%dma_wait3A_168 : memref<80x128xf32, #tpu.memory_space<vmem_shared>>)
      tpu.yield
    }) : () -> ()
    %mul3A_24 = arith.constant 10000 : i32
    %mul3A_25 = arith.muli %add3A, %mul3A_24 : i32
    "tpu.region"() ({
      %run_scoped3A = tpu.sem_alloc : memref<!tpu.dma_semaphore, #tpu.memory_space<semaphore_mem>>
      %dma_start3A_161 = tpu.memref_slice %arg3[%mul3A_25] : memref<320000xi32, #tpu.memory_space<hbm>> -> memref<10000xi32, #tpu.memory_space<hbm>>
      %dma_start3A_162 = tpu.memref_slice %arg3[%mul3A_25] : memref<320000xi32, #tpu.memory_space<hbm>> -> memref<10000xi32, #tpu.memory_space<hbm>>
      tpu.enqueue_dma source(%dma_start3A_162 : memref<10000xi32, #tpu.memory_space<hbm>>) target(%arg7 : memref<10000xi32, #tpu.memory_space<vmem>>) target_semaphore(%run_scoped3A : memref<!tpu.dma_semaphore, #tpu.memory_space<semaphore_mem>>)
      %dma_wait3A_163 = tpu.memref_slice %arg3[%mul3A_25] : memref<320000xi32, #tpu.memory_space<hbm>> -> memref<10000xi32, #tpu.memory_space<hbm>>
      %dma_wait3A_164 = tpu.memref_slice %arg3[%mul3A_25] : memref<320000xi32, #tpu.memory_space<hbm>> -> memref<10000xi32, #tpu.memory_space<hbm>>
      tpu.wait_dma2 semaphore(%run_scoped3A : memref<!tpu.dma_semaphore, #tpu.memory_space<semaphore_mem>>) src(%dma_wait3A_164 : memref<10000xi32, #tpu.memory_space<hbm>>) dst(%arg7 : memref<10000xi32, #tpu.memory_space<vmem>>)
      tpu.yield
    }) : () -> ()
    %barrier3A = arith.constant 0 : index
    tpu.barrier barrier_id(%barrier3A)
    %dma_start3A = arith.constant 0 : i32
    %dma_start3A_26 = tpu.memref_slice %arg7[%dma_start3A] : memref<10000xi32, #tpu.memory_space<vmem>> -> memref<80xi32, #tpu.memory_space<vmem>>
    %dma_start3A_27 = arith.constant 0 : i32
    %dma_start3A_28 = arith.constant 0 : i32
    %dma_start3A_29 = tpu.memref_slice %arg2[%dma_start3A_27, %dma_start3A_28] : memref<10000x128xf32, #tpu.memory_space<hbm>> -> memref<10000x128xf32, #tpu.memory_space<hbm>>
    tpu.enqueue_indirect_dma source(%dma_start3A_29 : memref<10000x128xf32, #tpu.memory_space<hbm>>) target(%arg11 : memref<80x128xf32, #tpu.memory_space<vmem>>) offsets(%dma_start3A_26 : memref<80xi32, #tpu.memory_space<vmem>>) semaphore(%arg14 : memref<!tpu.dma_semaphore, #tpu.memory_space<semaphore_mem>>)
    %add3A_30 = arith.constant 0 : i32
    %add3A_31 = arith.addi %mul3A_25, %add3A_30 : i32
    %dma_start3A_32 = tpu.memref_slice %arg4[%add3A_31] : memref<320000xi32, #tpu.memory_space<hbm>> -> memref<80xi32, #tpu.memory_space<hbm>>
    %dma_start3A_33 = tpu.memref_slice %arg4[%add3A_31] : memref<320000xi32, #tpu.memory_space<hbm>> -> memref<80xi32, #tpu.memory_space<hbm>>
    tpu.enqueue_dma source(%dma_start3A_33 : memref<80xi32, #tpu.memory_space<hbm>>) target(%arg8 : memref<80xi32, #tpu.memory_space<vmem>>) target_semaphore(%arg17 : memref<!tpu.dma_semaphore, #tpu.memory_space<semaphore_mem>>)
    %dma_start3A_34 = arith.constant 80 : i32
    %dma_start3A_35 = tpu.memref_slice %arg7[%dma_start3A_34] : memref<10000xi32, #tpu.memory_space<vmem>> -> memref<80xi32, #tpu.memory_space<vmem>>
    %dma_start3A_36 = arith.constant 0 : i32
    %dma_start3A_37 = arith.constant 0 : i32
    %dma_start3A_38 = tpu.memref_slice %arg2[%dma_start3A_36, %dma_start3A_37] : memref<10000x128xf32, #tpu.memory_space<hbm>> -> memref<10000x128xf32, #tpu.memory_space<hbm>>
    tpu.enqueue_indirect_dma source(%dma_start3A_38 : memref<10000x128xf32, #tpu.memory_space<hbm>>) target(%arg12 : memref<80x128xf32, #tpu.memory_space<vmem>>) offsets(%dma_start3A_35 : memref<80xi32, #tpu.memory_space<vmem>>) semaphore(%arg15 : memref<!tpu.dma_semaphore, #tpu.memory_space<semaphore_mem>>)
    %add3A_39 = arith.constant 80 : i32
    %add3A_40 = arith.addi %mul3A_25, %add3A_39 : i32
    %dma_start3A_41 = tpu.memref_slice %arg4[%add3A_40] : memref<320000xi32, #tpu.memory_space<hbm>> -> memref<80xi32, #tpu.memory_space<hbm>>
    %dma_start3A_42 = tpu.memref_slice %arg4[%add3A_40] : memref<320000xi32, #tpu.memory_space<hbm>> -> memref<80xi32, #tpu.memory_space<hbm>>
    tpu.enqueue_dma source(%dma_start3A_42 : memref<80xi32, #tpu.memory_space<hbm>>) target(%arg9 : memref<80xi32, #tpu.memory_space<vmem>>) target_semaphore(%arg18 : memref<!tpu.dma_semaphore, #tpu.memory_space<semaphore_mem>>)
    %dma_wait3A = arith.constant 0 : i32
    %dma_wait3A_43 = tpu.memref_slice %arg7[%dma_wait3A] : memref<10000xi32, #tpu.memory_space<vmem>> -> memref<80xi32, #tpu.memory_space<vmem>>
    %dma_wait3A_44 = arith.constant 0 : i32
    %dma_wait3A_45 = arith.constant 0 : i32
    %dma_wait3A_46 = tpu.memref_slice %arg2[%dma_wait3A_44, %dma_wait3A_45] : memref<10000x128xf32, #tpu.memory_space<hbm>> -> memref<10000x128xf32, #tpu.memory_space<hbm>>
    tpu.wait_indirect_dma semaphore(%arg14 : memref<!tpu.dma_semaphore, #tpu.memory_space<semaphore_mem>>) src(%dma_wait3A_46 : memref<10000x128xf32, #tpu.memory_space<hbm>>) dst(%arg11 : memref<80x128xf32, #tpu.memory_space<vmem>>)
    %add3A_47 = arith.constant 0 : i32
    %add3A_48 = arith.addi %mul3A_25, %add3A_47 : i32
    %dma_wait3A_49 = tpu.memref_slice %arg4[%add3A_48] : memref<320000xi32, #tpu.memory_space<hbm>> -> memref<80xi32, #tpu.memory_space<hbm>>
    %dma_wait3A_50 = tpu.memref_slice %arg4[%add3A_48] : memref<320000xi32, #tpu.memory_space<hbm>> -> memref<80xi32, #tpu.memory_space<hbm>>
    tpu.wait_dma2 semaphore(%arg17 : memref<!tpu.dma_semaphore, #tpu.memory_space<semaphore_mem>>) src(%dma_wait3A_50 : memref<80xi32, #tpu.memory_space<hbm>>) dst(%arg8 : memref<80xi32, #tpu.memory_space<vmem>>)
    %dma_start3A_51 = arith.constant 0 : i32
    %dma_start3A_52 = arith.constant 0 : i32
    %dma_start3A_53 = tpu.memref_slice %arg6[%dma_start3A_51, %dma_start3A_52] : memref<10240x128xf32, #tpu.memory_space<vmem_shared>> -> memref<10240x128xf32, #tpu.memory_space<vmem_shared>>
    tpu.enqueue_indirect_dma source(%arg11 : memref<80x128xf32, #tpu.memory_space<vmem>>) target(%dma_start3A_53 : memref<10240x128xf32, #tpu.memory_space<vmem_shared>>) offsets(%arg8 : memref<80xi32, #tpu.memory_space<vmem>>) semaphore(%arg20 : memref<!tpu.dma_semaphore, #tpu.memory_space<semaphore_mem>>) {add = true}
    %dma_start3A_54 = arith.constant 160 : i32
    %dma_start3A_55 = tpu.memref_slice %arg7[%dma_start3A_54] : memref<10000xi32, #tpu.memory_space<vmem>> -> memref<80xi32, #tpu.memory_space<vmem>>
    %dma_start3A_56 = arith.constant 0 : i32
    %dma_start3A_57 = arith.constant 0 : i32
    %dma_start3A_58 = tpu.memref_slice %arg2[%dma_start3A_56, %dma_start3A_57] : memref<10000x128xf32, #tpu.memory_space<hbm>> -> memref<10000x128xf32, #tpu.memory_space<hbm>>
    tpu.enqueue_indirect_dma source(%dma_start3A_58 : memref<10000x128xf32, #tpu.memory_space<hbm>>) target(%arg13 : memref<80x128xf32, #tpu.memory_space<vmem>>) offsets(%dma_start3A_55 : memref<80xi32, #tpu.memory_space<vmem>>) semaphore(%arg16 : memref<!tpu.dma_semaphore, #tpu.memory_space<semaphore_mem>>)
    %add3A_59 = arith.constant 160 : i32
    %add3A_60 = arith.addi %mul3A_25, %add3A_59 : i32
    %dma_start3A_61 = tpu.memref_slice %arg4[%add3A_60] : memref<320000xi32, #tpu.memory_space<hbm>> -> memref<80xi32, #tpu.memory_space<hbm>>
    %dma_start3A_62 = tpu.memref_slice %arg4[%add3A_60] : memref<320000xi32, #tpu.memory_space<hbm>> -> memref<80xi32, #tpu.memory_space<hbm>>
    tpu.enqueue_dma source(%dma_start3A_62 : memref<80xi32, #tpu.memory_space<hbm>>) target(%arg10 : memref<80xi32, #tpu.memory_space<vmem>>) target_semaphore(%arg19 : memref<!tpu.dma_semaphore, #tpu.memory_space<semaphore_mem>>)
    %dma_wait3A_63 = arith.constant 80 : i32
    %dma_wait3A_64 = tpu.memref_slice %arg7[%dma_wait3A_63] : memref<10000xi32, #tpu.memory_space<vmem>> -> memref<80xi32, #tpu.memory_space<vmem>>
    %dma_wait3A_65 = arith.constant 0 : i32
    %dma_wait3A_66 = arith.constant 0 : i32
    %dma_wait3A_67 = tpu.memref_slice %arg2[%dma_wait3A_65, %dma_wait3A_66] : memref<10000x128xf32, #tpu.memory_space<hbm>> -> memref<10000x128xf32, #tpu.memory_space<hbm>>
    tpu.wait_indirect_dma semaphore(%arg15 : memref<!tpu.dma_semaphore, #tpu.memory_space<semaphore_mem>>) src(%dma_wait3A_67 : memref<10000x128xf32, #tpu.memory_space<hbm>>) dst(%arg12 : memref<80x128xf32, #tpu.memory_space<vmem>>)
    %add3A_68 = arith.constant 80 : i32
    %add3A_69 = arith.addi %mul3A_25, %add3A_68 : i32
    %dma_wait3A_70 = tpu.memref_slice %arg4[%add3A_69] : memref<320000xi32, #tpu.memory_space<hbm>> -> memref<80xi32, #tpu.memory_space<hbm>>
    %dma_wait3A_71 = tpu.memref_slice %arg4[%add3A_69] : memref<320000xi32, #tpu.memory_space<hbm>> -> memref<80xi32, #tpu.memory_space<hbm>>
    tpu.wait_dma2 semaphore(%arg18 : memref<!tpu.dma_semaphore, #tpu.memory_space<semaphore_mem>>) src(%dma_wait3A_71 : memref<80xi32, #tpu.memory_space<hbm>>) dst(%arg9 : memref<80xi32, #tpu.memory_space<vmem>>)
    %dma_wait3A_72 = arith.constant 0 : i32
    %dma_wait3A_73 = tpu.memref_slice %arg7[%dma_wait3A_72] : memref<10000xi32, #tpu.memory_space<vmem>> -> memref<80xi32, #tpu.memory_space<vmem>>
    %dma_wait3A_74 = arith.constant 0 : i32
    %dma_wait3A_75 = arith.constant 0 : i32
    %dma_wait3A_76 = tpu.memref_slice %arg2[%dma_wait3A_74, %dma_wait3A_75] : memref<10000x128xf32, #tpu.memory_space<hbm>> -> memref<10000x128xf32, #tpu.memory_space<hbm>>
    tpu.wait_indirect_dma semaphore(%arg20 : memref<!tpu.dma_semaphore, #tpu.memory_space<semaphore_mem>>) src(%dma_wait3A_76 : memref<10000x128xf32, #tpu.memory_space<hbm>>) dst(%arg11 : memref<80x128xf32, #tpu.memory_space<vmem>>)
    %dma_start3A_77 = arith.constant 0 : i32
    %dma_start3A_78 = arith.constant 0 : i32
    %dma_start3A_79 = tpu.memref_slice %arg6[%dma_start3A_77, %dma_start3A_78] : memref<10240x128xf32, #tpu.memory_space<vmem_shared>> -> memref<10240x128xf32, #tpu.memory_space<vmem_shared>>
    tpu.enqueue_indirect_dma source(%arg12 : memref<80x128xf32, #tpu.memory_space<vmem>>) target(%dma_start3A_79 : memref<10240x128xf32, #tpu.memory_space<vmem_shared>>) offsets(%arg9 : memref<80xi32, #tpu.memory_space<vmem>>) semaphore(%arg20 : memref<!tpu.dma_semaphore, #tpu.memory_space<semaphore_mem>>) {add = true}
    %dma_start3A_80 = arith.constant 240 : i32
    %dma_start3A_81 = tpu.memref_slice %arg7[%dma_start3A_80] : memref<10000xi32, #tpu.memory_space<vmem>> -> memref<80xi32, #tpu.memory_space<vmem>>
    %dma_start3A_82 = arith.constant 0 : i32
    %dma_start3A_83 = arith.constant 0 : i32
    %dma_start3A_84 = tpu.memref_slice %arg2[%dma_start3A_82, %dma_start3A_83] : memref<10000x128xf32, #tpu.memory_space<hbm>> -> memref<10000x128xf32, #tpu.memory_space<hbm>>
    tpu.enqueue_indirect_dma source(%dma_start3A_84 : memref<10000x128xf32, #tpu.memory_space<hbm>>) target(%arg11 : memref<80x128xf32, #tpu.memory_space<vmem>>) offsets(%dma_start3A_81 : memref<80xi32, #tpu.memory_space<vmem>>) semaphore(%arg14 : memref<!tpu.dma_semaphore, #tpu.memory_space<semaphore_mem>>)
    %add3A_85 = arith.constant 240 : i32
    %add3A_86 = arith.addi %mul3A_25, %add3A_85 : i32
    %dma_start3A_87 = tpu.memref_slice %arg4[%add3A_86] : memref<320000xi32, #tpu.memory_space<hbm>> -> memref<80xi32, #tpu.memory_space<hbm>>
    %dma_start3A_88 = tpu.memref_slice %arg4[%add3A_86] : memref<320000xi32, #tpu.memory_space<hbm>> -> memref<80xi32, #tpu.memory_space<hbm>>
    tpu.enqueue_dma source(%dma_start3A_88 : memref<80xi32, #tpu.memory_space<hbm>>) target(%arg8 : memref<80xi32, #tpu.memory_space<vmem>>) target_semaphore(%arg17 : memref<!tpu.dma_semaphore, #tpu.memory_space<semaphore_mem>>)
    %scan3A_89 = arith.constant 0 : i32
    %scan3A_90 = arith.constant 0 : i32
    %scan3A_91 = arith.constant 40 : i32
    %scan3A_92 = arith.addi %scan3A_90, %scan3A_91 : i32
    %scan3A_93 = arith.constant 1 : i32
    scf.for %scan3A_161 = %scan3A_90 to %scan3A_92 step %scan3A_93  : i32 {
      %mul3A_162 = arith.constant 3 : i32
      %mul3A_163 = arith.muli %mul3A_162, %scan3A_161 : i32
      %add3A_164 = arith.constant 2 : i32
      %add3A_165 = arith.addi %add3A_164, %mul3A_163 : i32
      %mul3A_166 = arith.constant 80 : i32
      %mul3A_167 = arith.muli %add3A_165, %mul3A_166 : i32
      %dma_wait3A_168 = tpu.memref_slice %arg7[%mul3A_167] : memref<10000xi32, #tpu.memory_space<vmem>> -> memref<80xi32, #tpu.memory_space<vmem>>
      %dma_wait3A_169 = arith.constant 0 : i32
      %dma_wait3A_170 = arith.constant 0 : i32
      %dma_wait3A_171 = tpu.memref_slice %arg2[%dma_wait3A_169, %dma_wait3A_170] : memref<10000x128xf32, #tpu.memory_space<hbm>> -> memref<10000x128xf32, #tpu.memory_space<hbm>>
      tpu.wait_indirect_dma semaphore(%arg16 : memref<!tpu.dma_semaphore, #tpu.memory_space<semaphore_mem>>) src(%dma_wait3A_171 : memref<10000x128xf32, #tpu.memory_space<hbm>>) dst(%arg13 : memref<80x128xf32, #tpu.memory_space<vmem>>)
      %mul3A_172 = arith.constant 80 : i32
      %mul3A_173 = arith.muli %add3A_165, %mul3A_172 : i32
      %add3A_174 = arith.addi %mul3A_25, %mul3A_173 : i32
      %dma_wait3A_175 = tpu.memref_slice %arg4[%add3A_174] : memref<320000xi32, #tpu.memory_space<hbm>> -> memref<80xi32, #tpu.memory_space<hbm>>
      %dma_wait3A_176 = tpu.memref_slice %arg4[%add3A_174] : memref<320000xi32, #tpu.memory_space<hbm>> -> memref<80xi32, #tpu.memory_space<hbm>>
      tpu.wait_dma2 semaphore(%arg19 : memref<!tpu.dma_semaphore, #tpu.memory_space<semaphore_mem>>) src(%dma_wait3A_176 : memref<80xi32, #tpu.memory_space<hbm>>) dst(%arg10 : memref<80xi32, #tpu.memory_space<vmem>>)
      %dma_wait3A_177 = arith.constant 0 : i32
      %dma_wait3A_178 = tpu.memref_slice %arg7[%dma_wait3A_177] : memref<10000xi32, #tpu.memory_space<vmem>> -> memref<80xi32, #tpu.memory_space<vmem>>
      %dma_wait3A_179 = arith.constant 0 : i32
      %dma_wait3A_180 = arith.constant 0 : i32
      %dma_wait3A_181 = tpu.memref_slice %arg2[%dma_wait3A_179, %dma_wait3A_180] : memref<10000x128xf32, #tpu.memory_space<hbm>> -> memref<10000x128xf32, #tpu.memory_space<hbm>>
      tpu.wait_indirect_dma semaphore(%arg20 : memref<!tpu.dma_semaphore, #tpu.memory_space<semaphore_mem>>) src(%dma_wait3A_181 : memref<10000x128xf32, #tpu.memory_space<hbm>>) dst(%arg12 : memref<80x128xf32, #tpu.memory_space<vmem>>)
      %dma_start3A_182 = arith.constant 0 : i32
      %dma_start3A_183 = arith.constant 0 : i32
      %dma_start3A_184 = tpu.memref_slice %arg6[%dma_start3A_182, %dma_start3A_183] : memref<10240x128xf32, #tpu.memory_space<vmem_shared>> -> memref<10240x128xf32, #tpu.memory_space<vmem_shared>>
      tpu.enqueue_indirect_dma source(%arg13 : memref<80x128xf32, #tpu.memory_space<vmem>>) target(%dma_start3A_184 : memref<10240x128xf32, #tpu.memory_space<vmem_shared>>) offsets(%arg10 : memref<80xi32, #tpu.memory_space<vmem>>) semaphore(%arg20 : memref<!tpu.dma_semaphore, #tpu.memory_space<semaphore_mem>>) {add = true}
      %add3A_185 = arith.constant 2 : i32
      %add3A_186 = arith.addi %add3A_165, %add3A_185 : i32
      %mul3A_187 = arith.constant 80 : i32
      %mul3A_188 = arith.muli %add3A_186, %mul3A_187 : i32
      %dma_start3A_189 = tpu.memref_slice %arg7[%mul3A_188] : memref<10000xi32, #tpu.memory_space<vmem>> -> memref<80xi32, #tpu.memory_space<vmem>>
      %dma_start3A_190 = arith.constant 0 : i32
      %dma_start3A_191 = arith.constant 0 : i32
      %dma_start3A_192 = tpu.memref_slice %arg2[%dma_start3A_190, %dma_start3A_191] : memref<10000x128xf32, #tpu.memory_space<hbm>> -> memref<10000x128xf32, #tpu.memory_space<hbm>>
      tpu.enqueue_indirect_dma source(%dma_start3A_192 : memref<10000x128xf32, #tpu.memory_space<hbm>>) target(%arg12 : memref<80x128xf32, #tpu.memory_space<vmem>>) offsets(%dma_start3A_189 : memref<80xi32, #tpu.memory_space<vmem>>) semaphore(%arg15 : memref<!tpu.dma_semaphore, #tpu.memory_space<semaphore_mem>>)
      %mul3A_193 = arith.constant 80 : i32
      %mul3A_194 = arith.muli %add3A_186, %mul3A_193 : i32
      %add3A_195 = arith.addi %mul3A_25, %mul3A_194 : i32
      %dma_start3A_196 = tpu.memref_slice %arg4[%add3A_195] : memref<320000xi32, #tpu.memory_space<hbm>> -> memref<80xi32, #tpu.memory_space<hbm>>
      %dma_start3A_197 = tpu.memref_slice %arg4[%add3A_195] : memref<320000xi32, #tpu.memory_space<hbm>> -> memref<80xi32, #tpu.memory_space<hbm>>
      tpu.enqueue_dma source(%dma_start3A_197 : memref<80xi32, #tpu.memory_space<hbm>>) target(%arg9 : memref<80xi32, #tpu.memory_space<vmem>>) target_semaphore(%arg18 : memref<!tpu.dma_semaphore, #tpu.memory_space<semaphore_mem>>)
      %add3A_198 = arith.constant 1 : i32
      %add3A_199 = arith.addi %add3A_165, %add3A_198 : i32
      %mul3A_200 = arith.constant 80 : i32
      %mul3A_201 = arith.muli %add3A_199, %mul3A_200 : i32
      %dma_wait3A_202 = tpu.memref_slice %arg7[%mul3A_201] : memref<10000xi32, #tpu.memory_space<vmem>> -> memref<80xi32, #tpu.memory_space<vmem>>
      %dma_wait3A_203 = arith.constant 0 : i32
      %dma_wait3A_204 = arith.constant 0 : i32
      %dma_wait3A_205 = tpu.memref_slice %arg2[%dma_wait3A_203, %dma_wait3A_204] : memref<10000x128xf32, #tpu.memory_space<hbm>> -> memref<10000x128xf32, #tpu.memory_space<hbm>>
      tpu.wait_indirect_dma semaphore(%arg14 : memref<!tpu.dma_semaphore, #tpu.memory_space<semaphore_mem>>) src(%dma_wait3A_205 : memref<10000x128xf32, #tpu.memory_space<hbm>>) dst(%arg11 : memref<80x128xf32, #tpu.memory_space<vmem>>)
      %mul3A_206 = arith.constant 80 : i32
      %mul3A_207 = arith.muli %add3A_199, %mul3A_206 : i32
      %add3A_208 = arith.addi %mul3A_25, %mul3A_207 : i32
      %dma_wait3A_209 = tpu.memref_slice %arg4[%add3A_208] : memref<320000xi32, #tpu.memory_space<hbm>> -> memref<80xi32, #tpu.memory_space<hbm>>
      %dma_wait3A_210 = tpu.memref_slice %arg4[%add3A_208] : memref<320000xi32, #tpu.memory_space<hbm>> -> memref<80xi32, #tpu.memory_space<hbm>>
      tpu.wait_dma2 semaphore(%arg17 : memref<!tpu.dma_semaphore, #tpu.memory_space<semaphore_mem>>) src(%dma_wait3A_210 : memref<80xi32, #tpu.memory_space<hbm>>) dst(%arg8 : memref<80xi32, #tpu.memory_space<vmem>>)
      %dma_wait3A_211 = arith.constant 0 : i32
      %dma_wait3A_212 = tpu.memref_slice %arg7[%dma_wait3A_211] : memref<10000xi32, #tpu.memory_space<vmem>> -> memref<80xi32, #tpu.memory_space<vmem>>
      %dma_wait3A_213 = arith.constant 0 : i32
      %dma_wait3A_214 = arith.constant 0 : i32
      %dma_wait3A_215 = tpu.memref_slice %arg2[%dma_wait3A_213, %dma_wait3A_214] : memref<10000x128xf32, #tpu.memory_space<hbm>> -> memref<10000x128xf32, #tpu.memory_space<hbm>>
      tpu.wait_indirect_dma semaphore(%arg20 : memref<!tpu.dma_semaphore, #tpu.memory_space<semaphore_mem>>) src(%dma_wait3A_215 : memref<10000x128xf32, #tpu.memory_space<hbm>>) dst(%arg13 : memref<80x128xf32, #tpu.memory_space<vmem>>)
      %dma_start3A_216 = arith.constant 0 : i32
      %dma_start3A_217 = arith.constant 0 : i32
      %dma_start3A_218 = tpu.memref_slice %arg6[%dma_start3A_216, %dma_start3A_217] : memref<10240x128xf32, #tpu.memory_space<vmem_shared>> -> memref<10240x128xf32, #tpu.memory_space<vmem_shared>>
      tpu.enqueue_indirect_dma source(%arg11 : memref<80x128xf32, #tpu.memory_space<vmem>>) target(%dma_start3A_218 : memref<10240x128xf32, #tpu.memory_space<vmem_shared>>) offsets(%arg8 : memref<80xi32, #tpu.memory_space<vmem>>) semaphore(%arg20 : memref<!tpu.dma_semaphore, #tpu.memory_space<semaphore_mem>>) {add = true}
      %add3A_219 = arith.constant 2 : i32
      %add3A_220 = arith.addi %add3A_199, %add3A_219 : i32
      %mul3A_221 = arith.constant 80 : i32
      %mul3A_222 = arith.muli %add3A_220, %mul3A_221 : i32
      %dma_start3A_223 = tpu.memref_slice %arg7[%mul3A_222] : memref<10000xi32, #tpu.memory_space<vmem>> -> memref<80xi32, #tpu.memory_space<vmem>>
      %dma_start3A_224 = arith.constant 0 : i32
      %dma_start3A_225 = arith.constant 0 : i32
      %dma_start3A_226 = tpu.memref_slice %arg2[%dma_start3A_224, %dma_start3A_225] : memref<10000x128xf32, #tpu.memory_space<hbm>> -> memref<10000x128xf32, #tpu.memory_space<hbm>>
      tpu.enqueue_indirect_dma source(%dma_start3A_226 : memref<10000x128xf32, #tpu.memory_space<hbm>>) target(%arg13 : memref<80x128xf32, #tpu.memory_space<vmem>>) offsets(%dma_start3A_223 : memref<80xi32, #tpu.memory_space<vmem>>) semaphore(%arg16 : memref<!tpu.dma_semaphore, #tpu.memory_space<semaphore_mem>>)
      %mul3A_227 = arith.constant 80 : i32
      %mul3A_228 = arith.muli %add3A_220, %mul3A_227 : i32
      %add3A_229 = arith.addi %mul3A_25, %mul3A_228 : i32
      %dma_start3A_230 = tpu.memref_slice %arg4[%add3A_229] : memref<320000xi32, #tpu.memory_space<hbm>> -> memref<80xi32, #tpu.memory_space<hbm>>
      %dma_start3A_231 = tpu.memref_slice %arg4[%add3A_229] : memref<320000xi32, #tpu.memory_space<hbm>> -> memref<80xi32, #tpu.memory_space<hbm>>
      tpu.enqueue_dma source(%dma_start3A_231 : memref<80xi32, #tpu.memory_space<hbm>>) target(%arg10 : memref<80xi32, #tpu.memory_space<vmem>>) target_semaphore(%arg19 : memref<!tpu.dma_semaphore, #tpu.memory_space<semaphore_mem>>)
      %add3A_232 = arith.constant 2 : i32
      %add3A_233 = arith.addi %add3A_165, %add3A_232 : i32
      %mul3A_234 = arith.constant 80 : i32
      %mul3A_235 = arith.muli %add3A_233, %mul3A_234 : i32
      %dma_wait3A_236 = tpu.memref_slice %arg7[%mul3A_235] : memref<10000xi32, #tpu.memory_space<vmem>> -> memref<80xi32, #tpu.memory_space<vmem>>
      %dma_wait3A_237 = arith.constant 0 : i32
      %dma_wait3A_238 = arith.constant 0 : i32
      %dma_wait3A_239 = tpu.memref_slice %arg2[%dma_wait3A_237, %dma_wait3A_238] : memref<10000x128xf32, #tpu.memory_space<hbm>> -> memref<10000x128xf32, #tpu.memory_space<hbm>>
      tpu.wait_indirect_dma semaphore(%arg15 : memref<!tpu.dma_semaphore, #tpu.memory_space<semaphore_mem>>) src(%dma_wait3A_239 : memref<10000x128xf32, #tpu.memory_space<hbm>>) dst(%arg12 : memref<80x128xf32, #tpu.memory_space<vmem>>)
      %mul3A_240 = arith.constant 80 : i32
      %mul3A_241 = arith.muli %add3A_233, %mul3A_240 : i32
      %add3A_242 = arith.addi %mul3A_25, %mul3A_241 : i32
      %dma_wait3A_243 = tpu.memref_slice %arg4[%add3A_242] : memref<320000xi32, #tpu.memory_space<hbm>> -> memref<80xi32, #tpu.memory_space<hbm>>
      %dma_wait3A_244 = tpu.memref_slice %arg4[%add3A_242] : memref<320000xi32, #tpu.memory_space<hbm>> -> memref<80xi32, #tpu.memory_space<hbm>>
      tpu.wait_dma2 semaphore(%arg18 : memref<!tpu.dma_semaphore, #tpu.memory_space<semaphore_mem>>) src(%dma_wait3A_244 : memref<80xi32, #tpu.memory_space<hbm>>) dst(%arg9 : memref<80xi32, #tpu.memory_space<vmem>>)
      %dma_wait3A_245 = arith.constant 0 : i32
      %dma_wait3A_246 = tpu.memref_slice %arg7[%dma_wait3A_245] : memref<10000xi32, #tpu.memory_space<vmem>> -> memref<80xi32, #tpu.memory_space<vmem>>
      %dma_wait3A_247 = arith.constant 0 : i32
      %dma_wait3A_248 = arith.constant 0 : i32
      %dma_wait3A_249 = tpu.memref_slice %arg2[%dma_wait3A_247, %dma_wait3A_248] : memref<10000x128xf32, #tpu.memory_space<hbm>> -> memref<10000x128xf32, #tpu.memory_space<hbm>>
      tpu.wait_indirect_dma semaphore(%arg20 : memref<!tpu.dma_semaphore, #tpu.memory_space<semaphore_mem>>) src(%dma_wait3A_249 : memref<10000x128xf32, #tpu.memory_space<hbm>>) dst(%arg11 : memref<80x128xf32, #tpu.memory_space<vmem>>)
      %dma_start3A_250 = arith.constant 0 : i32
      %dma_start3A_251 = arith.constant 0 : i32
      %dma_start3A_252 = tpu.memref_slice %arg6[%dma_start3A_250, %dma_start3A_251] : memref<10240x128xf32, #tpu.memory_space<vmem_shared>> -> memref<10240x128xf32, #tpu.memory_space<vmem_shared>>
      tpu.enqueue_indirect_dma source(%arg12 : memref<80x128xf32, #tpu.memory_space<vmem>>) target(%dma_start3A_252 : memref<10240x128xf32, #tpu.memory_space<vmem_shared>>) offsets(%arg9 : memref<80xi32, #tpu.memory_space<vmem>>) semaphore(%arg20 : memref<!tpu.dma_semaphore, #tpu.memory_space<semaphore_mem>>) {add = true}
      %add3A_253 = arith.constant 2 : i32
      %add3A_254 = arith.addi %add3A_233, %add3A_253 : i32
      %mul3A_255 = arith.constant 80 : i32
      %mul3A_256 = arith.muli %add3A_254, %mul3A_255 : i32
      %dma_start3A_257 = tpu.memref_slice %arg7[%mul3A_256] : memref<10000xi32, #tpu.memory_space<vmem>> -> memref<80xi32, #tpu.memory_space<vmem>>
      %dma_start3A_258 = arith.constant 0 : i32
      %dma_start3A_259 = arith.constant 0 : i32
      %dma_start3A_260 = tpu.memref_slice %arg2[%dma_start3A_258, %dma_start3A_259] : memref<10000x128xf32, #tpu.memory_space<hbm>> -> memref<10000x128xf32, #tpu.memory_space<hbm>>
      tpu.enqueue_indirect_dma source(%dma_start3A_260 : memref<10000x128xf32, #tpu.memory_space<hbm>>) target(%arg11 : memref<80x128xf32, #tpu.memory_space<vmem>>) offsets(%dma_start3A_257 : memref<80xi32, #tpu.memory_space<vmem>>) semaphore(%arg14 : memref<!tpu.dma_semaphore, #tpu.memory_space<semaphore_mem>>)
      %mul3A_261 = arith.constant 80 : i32
      %mul3A_262 = arith.muli %add3A_254, %mul3A_261 : i32
      %add3A_263 = arith.addi %mul3A_25, %mul3A_262 : i32
      %dma_start3A_264 = tpu.memref_slice %arg4[%add3A_263] : memref<320000xi32, #tpu.memory_space<hbm>> -> memref<80xi32, #tpu.memory_space<hbm>>
      %dma_start3A_265 = tpu.memref_slice %arg4[%add3A_263] : memref<320000xi32, #tpu.memory_space<hbm>> -> memref<80xi32, #tpu.memory_space<hbm>>
      tpu.enqueue_dma source(%dma_start3A_265 : memref<80xi32, #tpu.memory_space<hbm>>) target(%arg8 : memref<80xi32, #tpu.memory_space<vmem>>) target_semaphore(%arg17 : memref<!tpu.dma_semaphore, #tpu.memory_space<semaphore_mem>>)
    }
    %scan3A_94 = arith.constant 40 : i32
    %dma_wait3A_95 = arith.constant 9760 : i32
    %dma_wait3A_96 = tpu.memref_slice %arg7[%dma_wait3A_95] : memref<10000xi32, #tpu.memory_space<vmem>> -> memref<80xi32, #tpu.memory_space<vmem>>
    %dma_wait3A_97 = arith.constant 0 : i32
    %dma_wait3A_98 = arith.constant 0 : i32
    %dma_wait3A_99 = tpu.memref_slice %arg2[%dma_wait3A_97, %dma_wait3A_98] : memref<10000x128xf32, #tpu.memory_space<hbm>> -> memref<10000x128xf32, #tpu.memory_space<hbm>>
    tpu.wait_indirect_dma semaphore(%arg16 : memref<!tpu.dma_semaphore, #tpu.memory_space<semaphore_mem>>) src(%dma_wait3A_99 : memref<10000x128xf32, #tpu.memory_space<hbm>>) dst(%arg13 : memref<80x128xf32, #tpu.memory_space<vmem>>)
    %add3A_100 = arith.constant 9760 : i32
    %add3A_101 = arith.addi %mul3A_25, %add3A_100 : i32
    %dma_wait3A_102 = tpu.memref_slice %arg4[%add3A_101] : memref<320000xi32, #tpu.memory_space<hbm>> -> memref<80xi32, #tpu.memory_space<hbm>>
    %dma_wait3A_103 = tpu.memref_slice %arg4[%add3A_101] : memref<320000xi32, #tpu.memory_space<hbm>> -> memref<80xi32, #tpu.memory_space<hbm>>
    tpu.wait_dma2 semaphore(%arg19 : memref<!tpu.dma_semaphore, #tpu.memory_space<semaphore_mem>>) src(%dma_wait3A_103 : memref<80xi32, #tpu.memory_space<hbm>>) dst(%arg10 : memref<80xi32, #tpu.memory_space<vmem>>)
    %dma_wait3A_104 = arith.constant 0 : i32
    %dma_wait3A_105 = tpu.memref_slice %arg7[%dma_wait3A_104] : memref<10000xi32, #tpu.memory_space<vmem>> -> memref<80xi32, #tpu.memory_space<vmem>>
    %dma_wait3A_106 = arith.constant 0 : i32
    %dma_wait3A_107 = arith.constant 0 : i32
    %dma_wait3A_108 = tpu.memref_slice %arg2[%dma_wait3A_106, %dma_wait3A_107] : memref<10000x128xf32, #tpu.memory_space<hbm>> -> memref<10000x128xf32, #tpu.memory_space<hbm>>
    tpu.wait_indirect_dma semaphore(%arg20 : memref<!tpu.dma_semaphore, #tpu.memory_space<semaphore_mem>>) src(%dma_wait3A_108 : memref<10000x128xf32, #tpu.memory_space<hbm>>) dst(%arg12 : memref<80x128xf32, #tpu.memory_space<vmem>>)
    %dma_start3A_109 = arith.constant 0 : i32
    %dma_start3A_110 = arith.constant 0 : i32
    %dma_start3A_111 = tpu.memref_slice %arg6[%dma_start3A_109, %dma_start3A_110] : memref<10240x128xf32, #tpu.memory_space<vmem_shared>> -> memref<10240x128xf32, #tpu.memory_space<vmem_shared>>
    tpu.enqueue_indirect_dma source(%arg13 : memref<80x128xf32, #tpu.memory_space<vmem>>) target(%dma_start3A_111 : memref<10240x128xf32, #tpu.memory_space<vmem_shared>>) offsets(%arg10 : memref<80xi32, #tpu.memory_space<vmem>>) semaphore(%arg20 : memref<!tpu.dma_semaphore, #tpu.memory_space<semaphore_mem>>) {add = true}
    %dma_start3A_112 = arith.constant 9920 : i32
    %dma_start3A_113 = tpu.memref_slice %arg7[%dma_start3A_112] : memref<10000xi32, #tpu.memory_space<vmem>> -> memref<80xi32, #tpu.memory_space<vmem>>
    %dma_start3A_114 = arith.constant 0 : i32
    %dma_start3A_115 = arith.constant 0 : i32
    %dma_start3A_116 = tpu.memref_slice %arg2[%dma_start3A_114, %dma_start3A_115] : memref<10000x128xf32, #tpu.memory_space<hbm>> -> memref<10000x128xf32, #tpu.memory_space<hbm>>
    tpu.enqueue_indirect_dma source(%dma_start3A_116 : memref<10000x128xf32, #tpu.memory_space<hbm>>) target(%arg12 : memref<80x128xf32, #tpu.memory_space<vmem>>) offsets(%dma_start3A_113 : memref<80xi32, #tpu.memory_space<vmem>>) semaphore(%arg15 : memref<!tpu.dma_semaphore, #tpu.memory_space<semaphore_mem>>)
    %add3A_117 = arith.constant 9920 : i32
    %add3A_118 = arith.addi %mul3A_25, %add3A_117 : i32
    %dma_start3A_119 = tpu.memref_slice %arg4[%add3A_118] : memref<320000xi32, #tpu.memory_space<hbm>> -> memref<80xi32, #tpu.memory_space<hbm>>
    %dma_start3A_120 = tpu.memref_slice %arg4[%add3A_118] : memref<320000xi32, #tpu.memory_space<hbm>> -> memref<80xi32, #tpu.memory_space<hbm>>
    tpu.enqueue_dma source(%dma_start3A_120 : memref<80xi32, #tpu.memory_space<hbm>>) target(%arg9 : memref<80xi32, #tpu.memory_space<vmem>>) target_semaphore(%arg18 : memref<!tpu.dma_semaphore, #tpu.memory_space<semaphore_mem>>)
    %dma_wait3A_121 = arith.constant 9840 : i32
    %dma_wait3A_122 = tpu.memref_slice %arg7[%dma_wait3A_121] : memref<10000xi32, #tpu.memory_space<vmem>> -> memref<80xi32, #tpu.memory_space<vmem>>
    %dma_wait3A_123 = arith.constant 0 : i32
    %dma_wait3A_124 = arith.constant 0 : i32
    %dma_wait3A_125 = tpu.memref_slice %arg2[%dma_wait3A_123, %dma_wait3A_124] : memref<10000x128xf32, #tpu.memory_space<hbm>> -> memref<10000x128xf32, #tpu.memory_space<hbm>>
    tpu.wait_indirect_dma semaphore(%arg14 : memref<!tpu.dma_semaphore, #tpu.memory_space<semaphore_mem>>) src(%dma_wait3A_125 : memref<10000x128xf32, #tpu.memory_space<hbm>>) dst(%arg11 : memref<80x128xf32, #tpu.memory_space<vmem>>)
    %add3A_126 = arith.constant 9840 : i32
    %add3A_127 = arith.addi %mul3A_25, %add3A_126 : i32
    %dma_wait3A_128 = tpu.memref_slice %arg4[%add3A_127] : memref<320000xi32, #tpu.memory_space<hbm>> -> memref<80xi32, #tpu.memory_space<hbm>>
    %dma_wait3A_129 = tpu.memref_slice %arg4[%add3A_127] : memref<320000xi32, #tpu.memory_space<hbm>> -> memref<80xi32, #tpu.memory_space<hbm>>
    tpu.wait_dma2 semaphore(%arg17 : memref<!tpu.dma_semaphore, #tpu.memory_space<semaphore_mem>>) src(%dma_wait3A_129 : memref<80xi32, #tpu.memory_space<hbm>>) dst(%arg8 : memref<80xi32, #tpu.memory_space<vmem>>)
    %dma_wait3A_130 = arith.constant 0 : i32
    %dma_wait3A_131 = tpu.memref_slice %arg7[%dma_wait3A_130] : memref<10000xi32, #tpu.memory_space<vmem>> -> memref<80xi32, #tpu.memory_space<vmem>>
    %dma_wait3A_132 = arith.constant 0 : i32
    %dma_wait3A_133 = arith.constant 0 : i32
    %dma_wait3A_134 = tpu.memref_slice %arg2[%dma_wait3A_132, %dma_wait3A_133] : memref<10000x128xf32, #tpu.memory_space<hbm>> -> memref<10000x128xf32, #tpu.memory_space<hbm>>
    tpu.wait_indirect_dma semaphore(%arg20 : memref<!tpu.dma_semaphore, #tpu.memory_space<semaphore_mem>>) src(%dma_wait3A_134 : memref<10000x128xf32, #tpu.memory_space<hbm>>) dst(%arg13 : memref<80x128xf32, #tpu.memory_space<vmem>>)
    %dma_start3A_135 = arith.constant 0 : i32
    %dma_start3A_136 = arith.constant 0 : i32
    %dma_start3A_137 = tpu.memref_slice %arg6[%dma_start3A_135, %dma_start3A_136] : memref<10240x128xf32, #tpu.memory_space<vmem_shared>> -> memref<10240x128xf32, #tpu.memory_space<vmem_shared>>
    tpu.enqueue_indirect_dma source(%arg11 : memref<80x128xf32, #tpu.memory_space<vmem>>) target(%dma_start3A_137 : memref<10240x128xf32, #tpu.memory_space<vmem_shared>>) offsets(%arg8 : memref<80xi32, #tpu.memory_space<vmem>>) semaphore(%arg20 : memref<!tpu.dma_semaphore, #tpu.memory_space<semaphore_mem>>) {add = true}
    %dma_wait3A_138 = arith.constant 9920 : i32
    %dma_wait3A_139 = tpu.memref_slice %arg7[%dma_wait3A_138] : memref<10000xi32, #tpu.memory_space<vmem>> -> memref<80xi32, #tpu.memory_space<vmem>>
    %dma_wait3A_140 = arith.constant 0 : i32
    %dma_wait3A_141 = arith.constant 0 : i32
    %dma_wait3A_142 = tpu.memref_slice %arg2[%dma_wait3A_140, %dma_wait3A_141] : memref<10000x128xf32, #tpu.memory_space<hbm>> -> memref<10000x128xf32, #tpu.memory_space<hbm>>
    tpu.wait_indirect_dma semaphore(%arg15 : memref<!tpu.dma_semaphore, #tpu.memory_space<semaphore_mem>>) src(%dma_wait3A_142 : memref<10000x128xf32, #tpu.memory_space<hbm>>) dst(%arg12 : memref<80x128xf32, #tpu.memory_space<vmem>>)
    %add3A_143 = arith.constant 9920 : i32
    %add3A_144 = arith.addi %mul3A_25, %add3A_143 : i32
    %dma_wait3A_145 = tpu.memref_slice %arg4[%add3A_144] : memref<320000xi32, #tpu.memory_space<hbm>> -> memref<80xi32, #tpu.memory_space<hbm>>
    %dma_wait3A_146 = tpu.memref_slice %arg4[%add3A_144] : memref<320000xi32, #tpu.memory_space<hbm>> -> memref<80xi32, #tpu.memory_space<hbm>>
    tpu.wait_dma2 semaphore(%arg18 : memref<!tpu.dma_semaphore, #tpu.memory_space<semaphore_mem>>) src(%dma_wait3A_146 : memref<80xi32, #tpu.memory_space<hbm>>) dst(%arg9 : memref<80xi32, #tpu.memory_space<vmem>>)
    %dma_wait3A_147 = arith.constant 0 : i32
    %dma_wait3A_148 = tpu.memref_slice %arg7[%dma_wait3A_147] : memref<10000xi32, #tpu.memory_space<vmem>> -> memref<80xi32, #tpu.memory_space<vmem>>
    %dma_wait3A_149 = arith.constant 0 : i32
    %dma_wait3A_150 = arith.constant 0 : i32
    %dma_wait3A_151 = tpu.memref_slice %arg2[%dma_wait3A_149, %dma_wait3A_150] : memref<10000x128xf32, #tpu.memory_space<hbm>> -> memref<10000x128xf32, #tpu.memory_space<hbm>>
    tpu.wait_indirect_dma semaphore(%arg20 : memref<!tpu.dma_semaphore, #tpu.memory_space<semaphore_mem>>) src(%dma_wait3A_151 : memref<10000x128xf32, #tpu.memory_space<hbm>>) dst(%arg11 : memref<80x128xf32, #tpu.memory_space<vmem>>)
    %dma_start3A_152 = arith.constant 0 : i32
    %dma_start3A_153 = arith.constant 0 : i32
    %dma_start3A_154 = tpu.memref_slice %arg6[%dma_start3A_152, %dma_start3A_153] : memref<10240x128xf32, #tpu.memory_space<vmem_shared>> -> memref<10240x128xf32, #tpu.memory_space<vmem_shared>>
    tpu.enqueue_indirect_dma source(%arg12 : memref<80x128xf32, #tpu.memory_space<vmem>>) target(%dma_start3A_154 : memref<10240x128xf32, #tpu.memory_space<vmem_shared>>) offsets(%arg9 : memref<80xi32, #tpu.memory_space<vmem>>) semaphore(%arg20 : memref<!tpu.dma_semaphore, #tpu.memory_space<semaphore_mem>>) {add = true}
    %dma_wait3A_155 = arith.constant 0 : i32
    %dma_wait3A_156 = tpu.memref_slice %arg7[%dma_wait3A_155] : memref<10000xi32, #tpu.memory_space<vmem>> -> memref<80xi32, #tpu.memory_space<vmem>>
    %dma_wait3A_157 = arith.constant 0 : i32
    %dma_wait3A_158 = arith.constant 0 : i32
    %dma_wait3A_159 = tpu.memref_slice %arg2[%dma_wait3A_157, %dma_wait3A_158] : memref<10000x128xf32, #tpu.memory_space<hbm>> -> memref<10000x128xf32, #tpu.memory_space<hbm>>
    tpu.wait_indirect_dma semaphore(%arg20 : memref<!tpu.dma_semaphore, #tpu.memory_space<semaphore_mem>>) src(%dma_wait3A_159 : memref<10000x128xf32, #tpu.memory_space<hbm>>) dst(%arg12 : memref<80x128xf32, #tpu.memory_space<vmem>>)
    %barrier3A_160 = arith.constant 0 : index
    tpu.barrier barrier_id(%barrier3A_160)
    "tpu.region"() ({
      %run_scoped3A = tpu.sem_alloc : memref<!tpu.dma_semaphore, #tpu.memory_space<semaphore_mem>>
      %dma_start3A_161 = arith.constant 0 : i32
      %dma_start3A_162 = tpu.memref_slice %arg5[%arg0, %mul3A_7, %dma_start3A_161] : memref<2x10240x128xf32, #tpu.memory_space<hbm>> -> memref<1x640x128xf32, #tpu.memory_space<hbm>>
      %dma_start3A_163 = tpu.memref_squeeze %dma_start3A_162 : memref<1x640x128xf32, #tpu.memory_space<hbm>> -> memref<640x128xf32, #tpu.memory_space<hbm>>
      %dma_start3A_164 = arith.constant 0 : i32
      %dma_start3A_165 = tpu.memref_slice %arg6[%mul3A_7, %dma_start3A_164] : memref<10240x128xf32, #tpu.memory_space<vmem_shared>> -> memref<640x128xf32, #tpu.memory_space<vmem_shared>>
      tpu.enqueue_dma source(%dma_start3A_165 : memref<640x128xf32, #tpu.memory_space<vmem_shared>>) target(%dma_start3A_163 : memref<640x128xf32, #tpu.memory_space<hbm>>) target_semaphore(%run_scoped3A : memref<!tpu.dma_semaphore, #tpu.memory_space<semaphore_mem>>)
      %dma_wait3A_166 = arith.constant 0 : i32
      %dma_wait3A_167 = tpu.memref_slice %arg5[%arg0, %mul3A_7, %dma_wait3A_166] : memref<2x10240x128xf32, #tpu.memory_space<hbm>> -> memref<1x640x128xf32, #tpu.memory_space<hbm>>
      %dma_wait3A_168 = tpu.memref_squeeze %dma_wait3A_167 : memref<1x640x128xf32, #tpu.memory_space<hbm>> -> memref<640x128xf32, #tpu.memory_space<hbm>>
      %dma_wait3A_169 = arith.constant 0 : i32
      %dma_wait3A_170 = tpu.memref_slice %arg6[%mul3A_7, %dma_wait3A_169] : memref<10240x128xf32, #tpu.memory_space<vmem_shared>> -> memref<640x128xf32, #tpu.memory_space<vmem_shared>>
      tpu.wait_dma2 semaphore(%run_scoped3A : memref<!tpu.dma_semaphore, #tpu.memory_space<semaphore_mem>>) src(%dma_wait3A_170 : memref<640x128xf32, #tpu.memory_space<vmem_shared>>) dst(%dma_wait3A_168 : memref<640x128xf32, #tpu.memory_space<hbm>>)
      tpu.yield
    }) : () -> ()
    return
  }
}

#map = affine_map<(d0, d1) -> (0)>
#map1 = affine_map<(d0, d1) -> (0, 0, 0)>
module attributes {stable_mosaic.version = 14 : i64} {
  func.func @_sc_deg_body(%arg0: i32, %arg1: i32, %arg2: memref<320000xi32, #tpu.memory_space<hbm>>, %arg3: memref<2x10240x128xf32, #tpu.memory_space<hbm>>, %arg4: memref<10240x128xf32, #tpu.memory_space<vmem_shared>>, %arg5: memref<80xi32, #tpu.memory_space<vmem>>, %arg6: memref<80xi32, #tpu.memory_space<vmem>>, %arg7: memref<80x128xf32, #tpu.memory_space<vmem>>, %arg8: memref<!tpu.dma_semaphore, #tpu.memory_space<semaphore_mem>>, %arg9: memref<!tpu.dma_semaphore, #tpu.memory_space<semaphore_mem>>) attributes {dimension_semantics = [#tpu.dimension_semantics<core_parallel>, #tpu.dimension_semantics<subcore_parallel>], iteration_bounds = array<i64: 2, 16>, scalar_prefetch = 0 : i64, scratch_operands = 6 : i64, tpu.core_type = #tpu.core_type<sc_vector_subcore>, window_params = [{transform_indices = #map}, {transform_indices = #map1}]} {
    %mul3A = arith.constant 2 : i32
    %mul3A_0 = arith.muli %arg1, %mul3A : i32
    %add3A = arith.addi %mul3A_0, %arg0 : i32
    %scan3A = arith.constant 0 : i32
    %scan3A_1 = arith.constant 0 : i32
    %scan3A_2 = arith.constant 80 : i32
    %scan3A_3 = arith.addi %scan3A_1, %scan3A_2 : i32
    %scan3A_4 = arith.constant 1 : i32
    scf.for %scan3A_55 = %scan3A_1 to %scan3A_3 step %scan3A_4  : i32 {
      %broadcast_in_dim3A = arith.constant 0.000000e+00 : f32
      %broadcast_in_dim3A_56 = vector.broadcast %broadcast_in_dim3A : f32 to vector<16xf32>
      %swap3A = arith.index_cast %scan3A_55 : i32 to index
      %swap3A_57 = arith.constant 0 : index
      %swap3A_58 = tpu.vector_load %arg7[%swap3A, %swap3A_57] {strides = array<i32>} : memref<80x128xf32, #tpu.memory_space<vmem>>, vector<1x16xf32>,
      %swap3A_59 = vector.shape_cast %swap3A_58 : vector<1x16xf32> to vector<16xf32>
      %swap3A_60 = vector.shape_cast %broadcast_in_dim3A_56 : vector<16xf32> to vector<1x16xf32>
      tpu.vector_store %arg7[%swap3A, %swap3A_57], %swap3A_60 {strides = array<i32>} : memref<80x128xf32, #tpu.memory_space<vmem>>, vector<1x16xf32>,
      %broadcast_in_dim3A_61 = arith.constant 0.000000e+00 : f32
      %broadcast_in_dim3A_62 = vector.broadcast %broadcast_in_dim3A_61 : f32 to vector<16xf32>
      %swap3A_63 = arith.index_cast %scan3A_55 : i32 to index
      %swap3A_64 = arith.constant 16 : index
      %swap3A_65 = tpu.vector_load %arg7[%swap3A_63, %swap3A_64] {strides = array<i32>} : memref<80x128xf32, #tpu.memory_space<vmem>>, vector<1x16xf32>,
      %swap3A_66 = vector.shape_cast %swap3A_65 : vector<1x16xf32> to vector<16xf32>
      %swap3A_67 = vector.shape_cast %broadcast_in_dim3A_62 : vector<16xf32> to vector<1x16xf32>
      tpu.vector_store %arg7[%swap3A_63, %swap3A_64], %swap3A_67 {strides = array<i32>} : memref<80x128xf32, #tpu.memory_space<vmem>>, vector<1x16xf32>,
      %broadcast_in_dim3A_68 = arith.constant 0.000000e+00 : f32
      %broadcast_in_dim3A_69 = vector.broadcast %broadcast_in_dim3A_68 : f32 to vector<16xf32>
      %swap3A_70 = arith.index_cast %scan3A_55 : i32 to index
      %swap3A_71 = arith.constant 32 : index
      %swap3A_72 = tpu.vector_load %arg7[%swap3A_70, %swap3A_71] {strides = array<i32>} : memref<80x128xf32, #tpu.memory_space<vmem>>, vector<1x16xf32>,
      %swap3A_73 = vector.shape_cast %swap3A_72 : vector<1x16xf32> to vector<16xf32>
      %swap3A_74 = vector.shape_cast %broadcast_in_dim3A_69 : vector<16xf32> to vector<1x16xf32>
      tpu.vector_store %arg7[%swap3A_70, %swap3A_71], %swap3A_74 {strides = array<i32>} : memref<80x128xf32, #tpu.memory_space<vmem>>, vector<1x16xf32>,
      %broadcast_in_dim3A_75 = arith.constant 0.000000e+00 : f32
      %broadcast_in_dim3A_76 = vector.broadcast %broadcast_in_dim3A_75 : f32 to vector<16xf32>
      %swap3A_77 = arith.index_cast %scan3A_55 : i32 to index
      %swap3A_78 = arith.constant 48 : index
      %swap3A_79 = tpu.vector_load %arg7[%swap3A_77, %swap3A_78] {strides = array<i32>} : memref<80x128xf32, #tpu.memory_space<vmem>>, vector<1x16xf32>,
      %swap3A_80 = vector.shape_cast %swap3A_79 : vector<1x16xf32> to vector<16xf32>
      %swap3A_81 = vector.shape_cast %broadcast_in_dim3A_76 : vector<16xf32> to vector<1x16xf32>
      tpu.vector_store %arg7[%swap3A_77, %swap3A_78], %swap3A_81 {strides = array<i32>} : memref<80x128xf32, #tpu.memory_space<vmem>>, vector<1x16xf32>,
      %broadcast_in_dim3A_82 = arith.constant 0.000000e+00 : f32
      %broadcast_in_dim3A_83 = vector.broadcast %broadcast_in_dim3A_82 : f32 to vector<16xf32>
      %swap3A_84 = arith.index_cast %scan3A_55 : i32 to index
      %swap3A_85 = arith.constant 64 : index
      %swap3A_86 = tpu.vector_load %arg7[%swap3A_84, %swap3A_85] {strides = array<i32>} : memref<80x128xf32, #tpu.memory_space<vmem>>, vector<1x16xf32>,
      %swap3A_87 = vector.shape_cast %swap3A_86 : vector<1x16xf32> to vector<16xf32>
      %swap3A_88 = vector.shape_cast %broadcast_in_dim3A_83 : vector<16xf32> to vector<1x16xf32>
      tpu.vector_store %arg7[%swap3A_84, %swap3A_85], %swap3A_88 {strides = array<i32>} : memref<80x128xf32, #tpu.memory_space<vmem>>, vector<1x16xf32>,
      %broadcast_in_dim3A_89 = arith.constant 0.000000e+00 : f32
      %broadcast_in_dim3A_90 = vector.broadcast %broadcast_in_dim3A_89 : f32 to vector<16xf32>
      %swap3A_91 = arith.index_cast %scan3A_55 : i32 to index
      %swap3A_92 = arith.constant 80 : index
      %swap3A_93 = tpu.vector_load %arg7[%swap3A_91, %swap3A_92] {strides = array<i32>} : memref<80x128xf32, #tpu.memory_space<vmem>>, vector<1x16xf32>,
      %swap3A_94 = vector.shape_cast %swap3A_93 : vector<1x16xf32> to vector<16xf32>
      %swap3A_95 = vector.shape_cast %broadcast_in_dim3A_90 : vector<16xf32> to vector<1x16xf32>
      tpu.vector_store %arg7[%swap3A_91, %swap3A_92], %swap3A_95 {strides = array<i32>} : memref<80x128xf32, #tpu.memory_space<vmem>>, vector<1x16xf32>,
      %broadcast_in_dim3A_96 = arith.constant 0.000000e+00 : f32
      %broadcast_in_dim3A_97 = vector.broadcast %broadcast_in_dim3A_96 : f32 to vector<16xf32>
      %swap3A_98 = arith.index_cast %scan3A_55 : i32 to index
      %swap3A_99 = arith.constant 96 : index
      %swap3A_100 = tpu.vector_load %arg7[%swap3A_98, %swap3A_99] {strides = array<i32>} : memref<80x128xf32, #tpu.memory_space<vmem>>, vector<1x16xf32>,
      %swap3A_101 = vector.shape_cast %swap3A_100 : vector<1x16xf32> to vector<16xf32>
      %swap3A_102 = vector.shape_cast %broadcast_in_dim3A_97 : vector<16xf32> to vector<1x16xf32>
      tpu.vector_store %arg7[%swap3A_98, %swap3A_99], %swap3A_102 {strides = array<i32>} : memref<80x128xf32, #tpu.memory_space<vmem>>, vector<1x16xf32>,
      %broadcast_in_dim3A_103 = arith.constant 0.000000e+00 : f32
      %broadcast_in_dim3A_104 = vector.broadcast %broadcast_in_dim3A_103 : f32 to vector<16xf32>
      %swap3A_105 = arith.index_cast %scan3A_55 : i32 to index
      %swap3A_106 = arith.constant 112 : index
      %swap3A_107 = tpu.vector_load %arg7[%swap3A_105, %swap3A_106] {strides = array<i32>} : memref<80x128xf32, #tpu.memory_space<vmem>>, vector<1x16xf32>,
      %swap3A_108 = vector.shape_cast %swap3A_107 : vector<1x16xf32> to vector<16xf32>
      %swap3A_109 = vector.shape_cast %broadcast_in_dim3A_104 : vector<16xf32> to vector<1x16xf32>
      tpu.vector_store %arg7[%swap3A_105, %swap3A_106], %swap3A_109 {strides = array<i32>} : memref<80x128xf32, #tpu.memory_space<vmem>>, vector<1x16xf32>,
    }
    %scan3A_5 = arith.constant 80 : i32
    %mul3A_6 = arith.constant 640 : i32
    %mul3A_7 = arith.muli %arg1, %mul3A_6 : i32
    %add3A_8 = arith.constant 0 : i32
    %add3A_9 = arith.addi %mul3A_7, %add3A_8 : i32
    "tpu.region"() ({
      %run_scoped3A = tpu.sem_alloc : memref<!tpu.dma_semaphore, #tpu.memory_space<semaphore_mem>>
      %dma_start3A_55 = arith.constant 0 : i32
      %dma_start3A_56 = tpu.memref_slice %arg4[%add3A_9, %dma_start3A_55] : memref<10240x128xf32, #tpu.memory_space<vmem_shared>> -> memref<80x128xf32, #tpu.memory_space<vmem_shared>>
      %dma_start3A_57 = arith.constant 0 : i32
      %dma_start3A_58 = tpu.memref_slice %arg4[%add3A_9, %dma_start3A_57] : memref<10240x128xf32, #tpu.memory_space<vmem_shared>> -> memref<80x128xf32, #tpu.memory_space<vmem_shared>>
      tpu.enqueue_dma source(%arg7 : memref<80x128xf32, #tpu.memory_space<vmem>>) target(%dma_start3A_58 : memref<80x128xf32, #tpu.memory_space<vmem_shared>>) target_semaphore(%run_scoped3A : memref<!tpu.dma_semaphore, #tpu.memory_space<semaphore_mem>>)
      %dma_wait3A_59 = arith.constant 0 : i32
      %dma_wait3A_60 = tpu.memref_slice %arg4[%add3A_9, %dma_wait3A_59] : memref<10240x128xf32, #tpu.memory_space<vmem_shared>> -> memref<80x128xf32, #tpu.memory_space<vmem_shared>>
      %dma_wait3A_61 = arith.constant 0 : i32
      %dma_wait3A_62 = tpu.memref_slice %arg4[%add3A_9, %dma_wait3A_61] : memref<10240x128xf32, #tpu.memory_space<vmem_shared>> -> memref<80x128xf32, #tpu.memory_space<vmem_shared>>
      tpu.wait_dma2 semaphore(%run_scoped3A : memref<!tpu.dma_semaphore, #tpu.memory_space<semaphore_mem>>) src(%arg7 : memref<80x128xf32, #tpu.memory_space<vmem>>) dst(%dma_wait3A_62 : memref<80x128xf32, #tpu.memory_space<vmem_shared>>)
      tpu.yield
    }) : () -> ()
    %add3A_10 = arith.constant 80 : i32
    %add3A_11 = arith.addi %mul3A_7, %add3A_10 : i32
    "tpu.region"() ({
      %run_scoped3A = tpu.sem_alloc : memref<!tpu.dma_semaphore, #tpu.memory_space<semaphore_mem>>
      %dma_start3A_55 = arith.constant 0 : i32
      %dma_start3A_56 = tpu.memref_slice %arg4[%add3A_11, %dma_start3A_55] : memref<10240x128xf32, #tpu.memory_space<vmem_shared>> -> memref<80x128xf32, #tpu.memory_space<vmem_shared>>
      %dma_start3A_57 = arith.constant 0 : i32
      %dma_start3A_58 = tpu.memref_slice %arg4[%add3A_11, %dma_start3A_57] : memref<10240x128xf32, #tpu.memory_space<vmem_shared>> -> memref<80x128xf32, #tpu.memory_space<vmem_shared>>
      tpu.enqueue_dma source(%arg7 : memref<80x128xf32, #tpu.memory_space<vmem>>) target(%dma_start3A_58 : memref<80x128xf32, #tpu.memory_space<vmem_shared>>) target_semaphore(%run_scoped3A : memref<!tpu.dma_semaphore, #tpu.memory_space<semaphore_mem>>)
      %dma_wait3A_59 = arith.constant 0 : i32
      %dma_wait3A_60 = tpu.memref_slice %arg4[%add3A_11, %dma_wait3A_59] : memref<10240x128xf32, #tpu.memory_space<vmem_shared>> -> memref<80x128xf32, #tpu.memory_space<vmem_shared>>
      %dma_wait3A_61 = arith.constant 0 : i32
      %dma_wait3A_62 = tpu.memref_slice %arg4[%add3A_11, %dma_wait3A_61] : memref<10240x128xf32, #tpu.memory_space<vmem_shared>> -> memref<80x128xf32, #tpu.memory_space<vmem_shared>>
      tpu.wait_dma2 semaphore(%run_scoped3A : memref<!tpu.dma_semaphore, #tpu.memory_space<semaphore_mem>>) src(%arg7 : memref<80x128xf32, #tpu.memory_space<vmem>>) dst(%dma_wait3A_62 : memref<80x128xf32, #tpu.memory_space<vmem_shared>>)
      tpu.yield
    }) : () -> ()
    %add3A_12 = arith.constant 160 : i32
    %add3A_13 = arith.addi %mul3A_7, %add3A_12 : i32
    "tpu.region"() ({
      %run_scoped3A = tpu.sem_alloc : memref<!tpu.dma_semaphore, #tpu.memory_space<semaphore_mem>>
      %dma_start3A_55 = arith.constant 0 : i32
      %dma_start3A_56 = tpu.memref_slice %arg4[%add3A_13, %dma_start3A_55] : memref<10240x128xf32, #tpu.memory_space<vmem_shared>> -> memref<80x128xf32, #tpu.memory_space<vmem_shared>>
      %dma_start3A_57 = arith.constant 0 : i32
      %dma_start3A_58 = tpu.memref_slice %arg4[%add3A_13, %dma_start3A_57] : memref<10240x128xf32, #tpu.memory_space<vmem_shared>> -> memref<80x128xf32, #tpu.memory_space<vmem_shared>>
      tpu.enqueue_dma source(%arg7 : memref<80x128xf32, #tpu.memory_space<vmem>>) target(%dma_start3A_58 : memref<80x128xf32, #tpu.memory_space<vmem_shared>>) target_semaphore(%run_scoped3A : memref<!tpu.dma_semaphore, #tpu.memory_space<semaphore_mem>>)
      %dma_wait3A_59 = arith.constant 0 : i32
      %dma_wait3A_60 = tpu.memref_slice %arg4[%add3A_13, %dma_wait3A_59] : memref<10240x128xf32, #tpu.memory_space<vmem_shared>> -> memref<80x128xf32, #tpu.memory_space<vmem_shared>>
      %dma_wait3A_61 = arith.constant 0 : i32
      %dma_wait3A_62 = tpu.memref_slice %arg4[%add3A_13, %dma_wait3A_61] : memref<10240x128xf32, #tpu.memory_space<vmem_shared>> -> memref<80x128xf32, #tpu.memory_space<vmem_shared>>
      tpu.wait_dma2 semaphore(%run_scoped3A : memref<!tpu.dma_semaphore, #tpu.memory_space<semaphore_mem>>) src(%arg7 : memref<80x128xf32, #tpu.memory_space<vmem>>) dst(%dma_wait3A_62 : memref<80x128xf32, #tpu.memory_space<vmem_shared>>)
      tpu.yield
    }) : () -> ()
    %add3A_14 = arith.constant 240 : i32
    %add3A_15 = arith.addi %mul3A_7, %add3A_14 : i32
    "tpu.region"() ({
      %run_scoped3A = tpu.sem_alloc : memref<!tpu.dma_semaphore, #tpu.memory_space<semaphore_mem>>
      %dma_start3A_55 = arith.constant 0 : i32
      %dma_start3A_56 = tpu.memref_slice %arg4[%add3A_15, %dma_start3A_55] : memref<10240x128xf32, #tpu.memory_space<vmem_shared>> -> memref<80x128xf32, #tpu.memory_space<vmem_shared>>
      %dma_start3A_57 = arith.constant 0 : i32
      %dma_start3A_58 = tpu.memref_slice %arg4[%add3A_15, %dma_start3A_57] : memref<10240x128xf32, #tpu.memory_space<vmem_shared>> -> memref<80x128xf32, #tpu.memory_space<vmem_shared>>
      tpu.enqueue_dma source(%arg7 : memref<80x128xf32, #tpu.memory_space<vmem>>) target(%dma_start3A_58 : memref<80x128xf32, #tpu.memory_space<vmem_shared>>) target_semaphore(%run_scoped3A : memref<!tpu.dma_semaphore, #tpu.memory_space<semaphore_mem>>)
      %dma_wait3A_59 = arith.constant 0 : i32
      %dma_wait3A_60 = tpu.memref_slice %arg4[%add3A_15, %dma_wait3A_59] : memref<10240x128xf32, #tpu.memory_space<vmem_shared>> -> memref<80x128xf32, #tpu.memory_space<vmem_shared>>
      %dma_wait3A_61 = arith.constant 0 : i32
      %dma_wait3A_62 = tpu.memref_slice %arg4[%add3A_15, %dma_wait3A_61] : memref<10240x128xf32, #tpu.memory_space<vmem_shared>> -> memref<80x128xf32, #tpu.memory_space<vmem_shared>>
      tpu.wait_dma2 semaphore(%run_scoped3A : memref<!tpu.dma_semaphore, #tpu.memory_space<semaphore_mem>>) src(%arg7 : memref<80x128xf32, #tpu.memory_space<vmem>>) dst(%dma_wait3A_62 : memref<80x128xf32, #tpu.memory_space<vmem_shared>>)
      tpu.yield
    }) : () -> ()
    %add3A_16 = arith.constant 320 : i32
    %add3A_17 = arith.addi %mul3A_7, %add3A_16 : i32
    "tpu.region"() ({
      %run_scoped3A = tpu.sem_alloc : memref<!tpu.dma_semaphore, #tpu.memory_space<semaphore_mem>>
      %dma_start3A_55 = arith.constant 0 : i32
      %dma_start3A_56 = tpu.memref_slice %arg4[%add3A_17, %dma_start3A_55] : memref<10240x128xf32, #tpu.memory_space<vmem_shared>> -> memref<80x128xf32, #tpu.memory_space<vmem_shared>>
      %dma_start3A_57 = arith.constant 0 : i32
      %dma_start3A_58 = tpu.memref_slice %arg4[%add3A_17, %dma_start3A_57] : memref<10240x128xf32, #tpu.memory_space<vmem_shared>> -> memref<80x128xf32, #tpu.memory_space<vmem_shared>>
      tpu.enqueue_dma source(%arg7 : memref<80x128xf32, #tpu.memory_space<vmem>>) target(%dma_start3A_58 : memref<80x128xf32, #tpu.memory_space<vmem_shared>>) target_semaphore(%run_scoped3A : memref<!tpu.dma_semaphore, #tpu.memory_space<semaphore_mem>>)
      %dma_wait3A_59 = arith.constant 0 : i32
      %dma_wait3A_60 = tpu.memref_slice %arg4[%add3A_17, %dma_wait3A_59] : memref<10240x128xf32, #tpu.memory_space<vmem_shared>> -> memref<80x128xf32, #tpu.memory_space<vmem_shared>>
      %dma_wait3A_61 = arith.constant 0 : i32
      %dma_wait3A_62 = tpu.memref_slice %arg4[%add3A_17, %dma_wait3A_61] : memref<10240x128xf32, #tpu.memory_space<vmem_shared>> -> memref<80x128xf32, #tpu.memory_space<vmem_shared>>
      tpu.wait_dma2 semaphore(%run_scoped3A : memref<!tpu.dma_semaphore, #tpu.memory_space<semaphore_mem>>) src(%arg7 : memref<80x128xf32, #tpu.memory_space<vmem>>) dst(%dma_wait3A_62 : memref<80x128xf32, #tpu.memory_space<vmem_shared>>)
      tpu.yield
    }) : () -> ()
    %add3A_18 = arith.constant 400 : i32
    %add3A_19 = arith.addi %mul3A_7, %add3A_18 : i32
    "tpu.region"() ({
      %run_scoped3A = tpu.sem_alloc : memref<!tpu.dma_semaphore, #tpu.memory_space<semaphore_mem>>
      %dma_start3A_55 = arith.constant 0 : i32
      %dma_start3A_56 = tpu.memref_slice %arg4[%add3A_19, %dma_start3A_55] : memref<10240x128xf32, #tpu.memory_space<vmem_shared>> -> memref<80x128xf32, #tpu.memory_space<vmem_shared>>
      %dma_start3A_57 = arith.constant 0 : i32
      %dma_start3A_58 = tpu.memref_slice %arg4[%add3A_19, %dma_start3A_57] : memref<10240x128xf32, #tpu.memory_space<vmem_shared>> -> memref<80x128xf32, #tpu.memory_space<vmem_shared>>
      tpu.enqueue_dma source(%arg7 : memref<80x128xf32, #tpu.memory_space<vmem>>) target(%dma_start3A_58 : memref<80x128xf32, #tpu.memory_space<vmem_shared>>) target_semaphore(%run_scoped3A : memref<!tpu.dma_semaphore, #tpu.memory_space<semaphore_mem>>)
      %dma_wait3A_59 = arith.constant 0 : i32
      %dma_wait3A_60 = tpu.memref_slice %arg4[%add3A_19, %dma_wait3A_59] : memref<10240x128xf32, #tpu.memory_space<vmem_shared>> -> memref<80x128xf32, #tpu.memory_space<vmem_shared>>
      %dma_wait3A_61 = arith.constant 0 : i32
      %dma_wait3A_62 = tpu.memref_slice %arg4[%add3A_19, %dma_wait3A_61] : memref<10240x128xf32, #tpu.memory_space<vmem_shared>> -> memref<80x128xf32, #tpu.memory_space<vmem_shared>>
      tpu.wait_dma2 semaphore(%run_scoped3A : memref<!tpu.dma_semaphore, #tpu.memory_space<semaphore_mem>>) src(%arg7 : memref<80x128xf32, #tpu.memory_space<vmem>>) dst(%dma_wait3A_62 : memref<80x128xf32, #tpu.memory_space<vmem_shared>>)
      tpu.yield
    }) : () -> ()
    %add3A_20 = arith.constant 480 : i32
    %add3A_21 = arith.addi %mul3A_7, %add3A_20 : i32
    "tpu.region"() ({
      %run_scoped3A = tpu.sem_alloc : memref<!tpu.dma_semaphore, #tpu.memory_space<semaphore_mem>>
      %dma_start3A_55 = arith.constant 0 : i32
      %dma_start3A_56 = tpu.memref_slice %arg4[%add3A_21, %dma_start3A_55] : memref<10240x128xf32, #tpu.memory_space<vmem_shared>> -> memref<80x128xf32, #tpu.memory_space<vmem_shared>>
      %dma_start3A_57 = arith.constant 0 : i32
      %dma_start3A_58 = tpu.memref_slice %arg4[%add3A_21, %dma_start3A_57] : memref<10240x128xf32, #tpu.memory_space<vmem_shared>> -> memref<80x128xf32, #tpu.memory_space<vmem_shared>>
      tpu.enqueue_dma source(%arg7 : memref<80x128xf32, #tpu.memory_space<vmem>>) target(%dma_start3A_58 : memref<80x128xf32, #tpu.memory_space<vmem_shared>>) target_semaphore(%run_scoped3A : memref<!tpu.dma_semaphore, #tpu.memory_space<semaphore_mem>>)
      %dma_wait3A_59 = arith.constant 0 : i32
      %dma_wait3A_60 = tpu.memref_slice %arg4[%add3A_21, %dma_wait3A_59] : memref<10240x128xf32, #tpu.memory_space<vmem_shared>> -> memref<80x128xf32, #tpu.memory_space<vmem_shared>>
      %dma_wait3A_61 = arith.constant 0 : i32
      %dma_wait3A_62 = tpu.memref_slice %arg4[%add3A_21, %dma_wait3A_61] : memref<10240x128xf32, #tpu.memory_space<vmem_shared>> -> memref<80x128xf32, #tpu.memory_space<vmem_shared>>
      tpu.wait_dma2 semaphore(%run_scoped3A : memref<!tpu.dma_semaphore, #tpu.memory_space<semaphore_mem>>) src(%arg7 : memref<80x128xf32, #tpu.memory_space<vmem>>) dst(%dma_wait3A_62 : memref<80x128xf32, #tpu.memory_space<vmem_shared>>)
      tpu.yield
    }) : () -> ()
    %add3A_22 = arith.constant 560 : i32
    %add3A_23 = arith.addi %mul3A_7, %add3A_22 : i32
    "tpu.region"() ({
      %run_scoped3A = tpu.sem_alloc : memref<!tpu.dma_semaphore, #tpu.memory_space<semaphore_mem>>
      %dma_start3A_55 = arith.constant 0 : i32
      %dma_start3A_56 = tpu.memref_slice %arg4[%add3A_23, %dma_start3A_55] : memref<10240x128xf32, #tpu.memory_space<vmem_shared>> -> memref<80x128xf32, #tpu.memory_space<vmem_shared>>
      %dma_start3A_57 = arith.constant 0 : i32
      %dma_start3A_58 = tpu.memref_slice %arg4[%add3A_23, %dma_start3A_57] : memref<10240x128xf32, #tpu.memory_space<vmem_shared>> -> memref<80x128xf32, #tpu.memory_space<vmem_shared>>
      tpu.enqueue_dma source(%arg7 : memref<80x128xf32, #tpu.memory_space<vmem>>) target(%dma_start3A_58 : memref<80x128xf32, #tpu.memory_space<vmem_shared>>) target_semaphore(%run_scoped3A : memref<!tpu.dma_semaphore, #tpu.memory_space<semaphore_mem>>)
      %dma_wait3A_59 = arith.constant 0 : i32
      %dma_wait3A_60 = tpu.memref_slice %arg4[%add3A_23, %dma_wait3A_59] : memref<10240x128xf32, #tpu.memory_space<vmem_shared>> -> memref<80x128xf32, #tpu.memory_space<vmem_shared>>
      %dma_wait3A_61 = arith.constant 0 : i32
      %dma_wait3A_62 = tpu.memref_slice %arg4[%add3A_23, %dma_wait3A_61] : memref<10240x128xf32, #tpu.memory_space<vmem_shared>> -> memref<80x128xf32, #tpu.memory_space<vmem_shared>>
      tpu.wait_dma2 semaphore(%run_scoped3A : memref<!tpu.dma_semaphore, #tpu.memory_space<semaphore_mem>>) src(%arg7 : memref<80x128xf32, #tpu.memory_space<vmem>>) dst(%dma_wait3A_62 : memref<80x128xf32, #tpu.memory_space<vmem_shared>>)
      tpu.yield
    }) : () -> ()
    %scan3A_24 = arith.constant 0 : i32
    %scan3A_25 = arith.constant 0 : i32
    %scan3A_26 = arith.constant 80 : i32
    %scan3A_27 = arith.addi %scan3A_25, %scan3A_26 : i32
    %scan3A_28 = arith.constant 1 : i32
    scf.for %scan3A_55 = %scan3A_25 to %scan3A_27 step %scan3A_28  : i32 {
      %broadcast_in_dim3A = arith.constant 1.000000e+00 : f32
      %broadcast_in_dim3A_56 = vector.broadcast %broadcast_in_dim3A : f32 to vector<16xf32>
      %swap3A = arith.index_cast %scan3A_55 : i32 to index
      %swap3A_57 = arith.constant 0 : index
      %swap3A_58 = tpu.vector_load %arg7[%swap3A, %swap3A_57] {strides = array<i32>} : memref<80x128xf32, #tpu.memory_space<vmem>>, vector<1x16xf32>,
      %swap3A_59 = vector.shape_cast %swap3A_58 : vector<1x16xf32> to vector<16xf32>
      %swap3A_60 = vector.shape_cast %broadcast_in_dim3A_56 : vector<16xf32> to vector<1x16xf32>
      tpu.vector_store %arg7[%swap3A, %swap3A_57], %swap3A_60 {strides = array<i32>} : memref<80x128xf32, #tpu.memory_space<vmem>>, vector<1x16xf32>,
      %broadcast_in_dim3A_61 = arith.constant 1.000000e+00 : f32
      %broadcast_in_dim3A_62 = vector.broadcast %broadcast_in_dim3A_61 : f32 to vector<16xf32>
      %swap3A_63 = arith.index_cast %scan3A_55 : i32 to index
      %swap3A_64 = arith.constant 16 : index
      %swap3A_65 = tpu.vector_load %arg7[%swap3A_63, %swap3A_64] {strides = array<i32>} : memref<80x128xf32, #tpu.memory_space<vmem>>, vector<1x16xf32>,
      %swap3A_66 = vector.shape_cast %swap3A_65 : vector<1x16xf32> to vector<16xf32>
      %swap3A_67 = vector.shape_cast %broadcast_in_dim3A_62 : vector<16xf32> to vector<1x16xf32>
      tpu.vector_store %arg7[%swap3A_63, %swap3A_64], %swap3A_67 {strides = array<i32>} : memref<80x128xf32, #tpu.memory_space<vmem>>, vector<1x16xf32>,
      %broadcast_in_dim3A_68 = arith.constant 1.000000e+00 : f32
      %broadcast_in_dim3A_69 = vector.broadcast %broadcast_in_dim3A_68 : f32 to vector<16xf32>
      %swap3A_70 = arith.index_cast %scan3A_55 : i32 to index
      %swap3A_71 = arith.constant 32 : index
      %swap3A_72 = tpu.vector_load %arg7[%swap3A_70, %swap3A_71] {strides = array<i32>} : memref<80x128xf32, #tpu.memory_space<vmem>>, vector<1x16xf32>,
      %swap3A_73 = vector.shape_cast %swap3A_72 : vector<1x16xf32> to vector<16xf32>
      %swap3A_74 = vector.shape_cast %broadcast_in_dim3A_69 : vector<16xf32> to vector<1x16xf32>
      tpu.vector_store %arg7[%swap3A_70, %swap3A_71], %swap3A_74 {strides = array<i32>} : memref<80x128xf32, #tpu.memory_space<vmem>>, vector<1x16xf32>,
      %broadcast_in_dim3A_75 = arith.constant 1.000000e+00 : f32
      %broadcast_in_dim3A_76 = vector.broadcast %broadcast_in_dim3A_75 : f32 to vector<16xf32>
      %swap3A_77 = arith.index_cast %scan3A_55 : i32 to index
      %swap3A_78 = arith.constant 48 : index
      %swap3A_79 = tpu.vector_load %arg7[%swap3A_77, %swap3A_78] {strides = array<i32>} : memref<80x128xf32, #tpu.memory_space<vmem>>, vector<1x16xf32>,
      %swap3A_80 = vector.shape_cast %swap3A_79 : vector<1x16xf32> to vector<16xf32>
      %swap3A_81 = vector.shape_cast %broadcast_in_dim3A_76 : vector<16xf32> to vector<1x16xf32>
      tpu.vector_store %arg7[%swap3A_77, %swap3A_78], %swap3A_81 {strides = array<i32>} : memref<80x128xf32, #tpu.memory_space<vmem>>, vector<1x16xf32>,
      %broadcast_in_dim3A_82 = arith.constant 1.000000e+00 : f32
      %broadcast_in_dim3A_83 = vector.broadcast %broadcast_in_dim3A_82 : f32 to vector<16xf32>
      %swap3A_84 = arith.index_cast %scan3A_55 : i32 to index
      %swap3A_85 = arith.constant 64 : index
      %swap3A_86 = tpu.vector_load %arg7[%swap3A_84, %swap3A_85] {strides = array<i32>} : memref<80x128xf32, #tpu.memory_space<vmem>>, vector<1x16xf32>,
      %swap3A_87 = vector.shape_cast %swap3A_86 : vector<1x16xf32> to vector<16xf32>
      %swap3A_88 = vector.shape_cast %broadcast_in_dim3A_83 : vector<16xf32> to vector<1x16xf32>
      tpu.vector_store %arg7[%swap3A_84, %swap3A_85], %swap3A_88 {strides = array<i32>} : memref<80x128xf32, #tpu.memory_space<vmem>>, vector<1x16xf32>,
      %broadcast_in_dim3A_89 = arith.constant 1.000000e+00 : f32
      %broadcast_in_dim3A_90 = vector.broadcast %broadcast_in_dim3A_89 : f32 to vector<16xf32>
      %swap3A_91 = arith.index_cast %scan3A_55 : i32 to index
      %swap3A_92 = arith.constant 80 : index
      %swap3A_93 = tpu.vector_load %arg7[%swap3A_91, %swap3A_92] {strides = array<i32>} : memref<80x128xf32, #tpu.memory_space<vmem>>, vector<1x16xf32>,
      %swap3A_94 = vector.shape_cast %swap3A_93 : vector<1x16xf32> to vector<16xf32>
      %swap3A_95 = vector.shape_cast %broadcast_in_dim3A_90 : vector<16xf32> to vector<1x16xf32>
      tpu.vector_store %arg7[%swap3A_91, %swap3A_92], %swap3A_95 {strides = array<i32>} : memref<80x128xf32, #tpu.memory_space<vmem>>, vector<1x16xf32>,
      %broadcast_in_dim3A_96 = arith.constant 1.000000e+00 : f32
      %broadcast_in_dim3A_97 = vector.broadcast %broadcast_in_dim3A_96 : f32 to vector<16xf32>
      %swap3A_98 = arith.index_cast %scan3A_55 : i32 to index
      %swap3A_99 = arith.constant 96 : index
      %swap3A_100 = tpu.vector_load %arg7[%swap3A_98, %swap3A_99] {strides = array<i32>} : memref<80x128xf32, #tpu.memory_space<vmem>>, vector<1x16xf32>,
      %swap3A_101 = vector.shape_cast %swap3A_100 : vector<1x16xf32> to vector<16xf32>
      %swap3A_102 = vector.shape_cast %broadcast_in_dim3A_97 : vector<16xf32> to vector<1x16xf32>
      tpu.vector_store %arg7[%swap3A_98, %swap3A_99], %swap3A_102 {strides = array<i32>} : memref<80x128xf32, #tpu.memory_space<vmem>>, vector<1x16xf32>,
      %broadcast_in_dim3A_103 = arith.constant 1.000000e+00 : f32
      %broadcast_in_dim3A_104 = vector.broadcast %broadcast_in_dim3A_103 : f32 to vector<16xf32>
      %swap3A_105 = arith.index_cast %scan3A_55 : i32 to index
      %swap3A_106 = arith.constant 112 : index
      %swap3A_107 = tpu.vector_load %arg7[%swap3A_105, %swap3A_106] {strides = array<i32>} : memref<80x128xf32, #tpu.memory_space<vmem>>, vector<1x16xf32>,
      %swap3A_108 = vector.shape_cast %swap3A_107 : vector<1x16xf32> to vector<16xf32>
      %swap3A_109 = vector.shape_cast %broadcast_in_dim3A_104 : vector<16xf32> to vector<1x16xf32>
      tpu.vector_store %arg7[%swap3A_105, %swap3A_106], %swap3A_109 {strides = array<i32>} : memref<80x128xf32, #tpu.memory_space<vmem>>, vector<1x16xf32>,
    }
    %scan3A_29 = arith.constant 80 : i32
    %barrier3A = arith.constant 0 : index
    tpu.barrier barrier_id(%barrier3A)
    %mul3A_30 = arith.constant 10000 : i32
    %mul3A_31 = arith.muli %add3A, %mul3A_30 : i32
    %add3A_32 = arith.constant 0 : i32
    %add3A_33 = arith.addi %mul3A_31, %add3A_32 : i32
    "tpu.region"() ({
      %run_scoped3A = tpu.sem_alloc : memref<!tpu.dma_semaphore, #tpu.memory_space<semaphore_mem>>
      %dma_start3A_55 = tpu.memref_slice %arg2[%add3A_33] : memref<320000xi32, #tpu.memory_space<hbm>> -> memref<80xi32, #tpu.memory_space<hbm>>
      %dma_start3A_56 = tpu.memref_slice %arg2[%add3A_33] : memref<320000xi32, #tpu.memory_space<hbm>> -> memref<80xi32, #tpu.memory_space<hbm>>
      tpu.enqueue_dma source(%dma_start3A_56 : memref<80xi32, #tpu.memory_space<hbm>>) target(%arg5 : memref<80xi32, #tpu.memory_space<vmem>>) target_semaphore(%run_scoped3A : memref<!tpu.dma_semaphore, #tpu.memory_space<semaphore_mem>>)
      %dma_wait3A_57 = tpu.memref_slice %arg2[%add3A_33] : memref<320000xi32, #tpu.memory_space<hbm>> -> memref<80xi32, #tpu.memory_space<hbm>>
      %dma_wait3A_58 = tpu.memref_slice %arg2[%add3A_33] : memref<320000xi32, #tpu.memory_space<hbm>> -> memref<80xi32, #tpu.memory_space<hbm>>
      tpu.wait_dma2 semaphore(%run_scoped3A : memref<!tpu.dma_semaphore, #tpu.memory_space<semaphore_mem>>) src(%dma_wait3A_58 : memref<80xi32, #tpu.memory_space<hbm>>) dst(%arg5 : memref<80xi32, #tpu.memory_space<vmem>>)
      tpu.yield
    }) : () -> ()
    "tpu.region"() ({
      %run_scoped3A = tpu.sem_alloc : memref<!tpu.dma_semaphore, #tpu.memory_space<semaphore_mem>>
      %dma_start3A_55 = arith.constant 0 : i32
      %dma_start3A_56 = arith.constant 0 : i32
      %dma_start3A_57 = tpu.memref_slice %arg4[%dma_start3A_55, %dma_start3A_56] : memref<10240x128xf32, #tpu.memory_space<vmem_shared>> -> memref<10240x128xf32, #tpu.memory_space<vmem_shared>>
      tpu.enqueue_indirect_dma source(%arg7 : memref<80x128xf32, #tpu.memory_space<vmem>>) target(%dma_start3A_57 : memref<10240x128xf32, #tpu.memory_space<vmem_shared>>) offsets(%arg5 : memref<80xi32, #tpu.memory_space<vmem>>) semaphore(%run_scoped3A : memref<!tpu.dma_semaphore, #tpu.memory_space<semaphore_mem>>) {add = true}
      %dma_wait3A_58 = arith.constant 0 : i32
      %dma_wait3A_59 = arith.constant 0 : i32
      %dma_wait3A_60 = tpu.memref_slice %arg4[%dma_wait3A_58, %dma_wait3A_59] : memref<10240x128xf32, #tpu.memory_space<vmem_shared>> -> memref<10240x128xf32, #tpu.memory_space<vmem_shared>>
      tpu.wait_indirect_dma semaphore(%run_scoped3A : memref<!tpu.dma_semaphore, #tpu.memory_space<semaphore_mem>>) src(%arg7 : memref<80x128xf32, #tpu.memory_space<vmem>>) dst(%dma_wait3A_60 : memref<10240x128xf32, #tpu.memory_space<vmem_shared>>)
      tpu.yield
    }) : () -> ()
    %add3A_34 = arith.constant 80 : i32
    %add3A_35 = arith.addi %mul3A_31, %add3A_34 : i32
    %dma_start3A = tpu.memref_slice %arg2[%add3A_35] : memref<320000xi32, #tpu.memory_space<hbm>> -> memref<80xi32, #tpu.memory_space<hbm>>
    %dma_start3A_36 = tpu.memref_slice %arg2[%add3A_35] : memref<320000xi32, #tpu.memory_space<hbm>> -> memref<80xi32, #tpu.memory_space<hbm>>
    tpu.enqueue_dma source(%dma_start3A_36 : memref<80xi32, #tpu.memory_space<hbm>>) target(%arg5 : memref<80xi32, #tpu.memory_space<vmem>>) target_semaphore(%arg8 : memref<!tpu.dma_semaphore, #tpu.memory_space<semaphore_mem>>)
    %add3A_37 = arith.constant 160 : i32
    %add3A_38 = arith.addi %mul3A_31, %add3A_37 : i32
    %dma_start3A_39 = tpu.memref_slice %arg2[%add3A_38] : memref<320000xi32, #tpu.memory_space<hbm>> -> memref<80xi32, #tpu.memory_space<hbm>>
    %dma_start3A_40 = tpu.memref_slice %arg2[%add3A_38] : memref<320000xi32, #tpu.memory_space<hbm>> -> memref<80xi32, #tpu.memory_space<hbm>>
    tpu.enqueue_dma source(%dma_start3A_40 : memref<80xi32, #tpu.memory_space<hbm>>) target(%arg6 : memref<80xi32, #tpu.memory_space<vmem>>) target_semaphore(%arg9 : memref<!tpu.dma_semaphore, #tpu.memory_space<semaphore_mem>>)
    %scan3A_41 = arith.constant 0 : i32
    %scan3A_42 = arith.constant 0 : i32
    %scan3A_43 = arith.constant 61 : i32
    %scan3A_44 = arith.addi %scan3A_42, %scan3A_43 : i32
    %scan3A_45 = arith.constant 1 : i32
    scf.for %scan3A_55 = %scan3A_42 to %scan3A_44 step %scan3A_45  : i32 {
      %mul3A_56 = arith.constant 2 : i32
      %mul3A_57 = arith.muli %mul3A_56, %scan3A_55 : i32
      %add3A_58 = arith.constant 1 : i32
      %add3A_59 = arith.addi %add3A_58, %mul3A_57 : i32
      %mul3A_60 = arith.constant 80 : i32
      %mul3A_61 = arith.muli %add3A_59, %mul3A_60 : i32
      %add3A_62 = arith.addi %mul3A_31, %mul3A_61 : i32
      %dma_wait3A_63 = tpu.memref_slice %arg2[%add3A_62] : memref<320000xi32, #tpu.memory_space<hbm>> -> memref<80xi32, #tpu.memory_space<hbm>>
      %dma_wait3A_64 = tpu.memref_slice %arg2[%add3A_62] : memref<320000xi32, #tpu.memory_space<hbm>> -> memref<80xi32, #tpu.memory_space<hbm>>
      tpu.wait_dma2 semaphore(%arg8 : memref<!tpu.dma_semaphore, #tpu.memory_space<semaphore_mem>>) src(%dma_wait3A_64 : memref<80xi32, #tpu.memory_space<hbm>>) dst(%arg5 : memref<80xi32, #tpu.memory_space<vmem>>)
      "tpu.region"() ({
        %run_scoped3A = tpu.sem_alloc : memref<!tpu.dma_semaphore, #tpu.memory_space<semaphore_mem>>
        %dma_start3A_86 = arith.constant 0 : i32
        %dma_start3A_87 = arith.constant 0 : i32
        %dma_start3A_88 = tpu.memref_slice %arg4[%dma_start3A_86, %dma_start3A_87] : memref<10240x128xf32, #tpu.memory_space<vmem_shared>> -> memref<10240x128xf32, #tpu.memory_space<vmem_shared>>
        tpu.enqueue_indirect_dma source(%arg7 : memref<80x128xf32, #tpu.memory_space<vmem>>) target(%dma_start3A_88 : memref<10240x128xf32, #tpu.memory_space<vmem_shared>>) offsets(%arg5 : memref<80xi32, #tpu.memory_space<vmem>>) semaphore(%run_scoped3A : memref<!tpu.dma_semaphore, #tpu.memory_space<semaphore_mem>>) {add = true}
        %dma_wait3A_89 = arith.constant 0 : i32
        %dma_wait3A_90 = arith.constant 0 : i32
        %dma_wait3A_91 = tpu.memref_slice %arg4[%dma_wait3A_89, %dma_wait3A_90] : memref<10240x128xf32, #tpu.memory_space<vmem_shared>> -> memref<10240x128xf32, #tpu.memory_space<vmem_shared>>
        tpu.wait_indirect_dma semaphore(%run_scoped3A : memref<!tpu.dma_semaphore, #tpu.memory_space<semaphore_mem>>) src(%arg7 : memref<80x128xf32, #tpu.memory_space<vmem>>) dst(%dma_wait3A_91 : memref<10240x128xf32, #tpu.memory_space<vmem_shared>>)
        tpu.yield
      }) : () -> ()
      %add3A_65 = arith.constant 2 : i32
      %add3A_66 = arith.addi %add3A_59, %add3A_65 : i32
      %mul3A_67 = arith.constant 80 : i32
      %mul3A_68 = arith.muli %add3A_66, %mul3A_67 : i32
      %add3A_69 = arith.addi %mul3A_31, %mul3A_68 : i32
      %dma_start3A_70 = tpu.memref_slice %arg2[%add3A_69] : memref<320000xi32, #tpu.memory_space<hbm>> -> memref<80xi32, #tpu.memory_space<hbm>>
      %dma_start3A_71 = tpu.memref_slice %arg2[%add3A_69] : memref<320000xi32, #tpu.memory_space<hbm>> -> memref<80xi32, #tpu.memory_space<hbm>>
      tpu.enqueue_dma source(%dma_start3A_71 : memref<80xi32, #tpu.memory_space<hbm>>) target(%arg5 : memref<80xi32, #tpu.memory_space<vmem>>) target_semaphore(%arg8 : memref<!tpu.dma_semaphore, #tpu.memory_space<semaphore_mem>>)
      %add3A_72 = arith.constant 1 : i32
      %add3A_73 = arith.addi %add3A_59, %add3A_72 : i32
      %mul3A_74 = arith.constant 80 : i32
      %mul3A_75 = arith.muli %add3A_73, %mul3A_74 : i32
      %add3A_76 = arith.addi %mul3A_31, %mul3A_75 : i32
      %dma_wait3A_77 = tpu.memref_slice %arg2[%add3A_76] : memref<320000xi32, #tpu.memory_space<hbm>> -> memref<80xi32, #tpu.memory_space<hbm>>
      %dma_wait3A_78 = tpu.memref_slice %arg2[%add3A_76] : memref<320000xi32, #tpu.memory_space<hbm>> -> memref<80xi32, #tpu.memory_space<hbm>>
      tpu.wait_dma2 semaphore(%arg9 : memref<!tpu.dma_semaphore, #tpu.memory_space<semaphore_mem>>) src(%dma_wait3A_78 : memref<80xi32, #tpu.memory_space<hbm>>) dst(%arg6 : memref<80xi32, #tpu.memory_space<vmem>>)
      "tpu.region"() ({
        %run_scoped3A = tpu.sem_alloc : memref<!tpu.dma_semaphore, #tpu.memory_space<semaphore_mem>>
        %dma_start3A_86 = arith.constant 0 : i32
        %dma_start3A_87 = arith.constant 0 : i32
        %dma_start3A_88 = tpu.memref_slice %arg4[%dma_start3A_86, %dma_start3A_87] : memref<10240x128xf32, #tpu.memory_space<vmem_shared>> -> memref<10240x128xf32, #tpu.memory_space<vmem_shared>>
        tpu.enqueue_indirect_dma source(%arg7 : memref<80x128xf32, #tpu.memory_space<vmem>>) target(%dma_start3A_88 : memref<10240x128xf32, #tpu.memory_space<vmem_shared>>) offsets(%arg6 : memref<80xi32, #tpu.memory_space<vmem>>) semaphore(%run_scoped3A : memref<!tpu.dma_semaphore, #tpu.memory_space<semaphore_mem>>) {add = true}
        %dma_wait3A_89 = arith.constant 0 : i32
        %dma_wait3A_90 = arith.constant 0 : i32
        %dma_wait3A_91 = tpu.memref_slice %arg4[%dma_wait3A_89, %dma_wait3A_90] : memref<10240x128xf32, #tpu.memory_space<vmem_shared>> -> memref<10240x128xf32, #tpu.memory_space<vmem_shared>>
        tpu.wait_indirect_dma semaphore(%run_scoped3A : memref<!tpu.dma_semaphore, #tpu.memory_space<semaphore_mem>>) src(%arg7 : memref<80x128xf32, #tpu.memory_space<vmem>>) dst(%dma_wait3A_91 : memref<10240x128xf32, #tpu.memory_space<vmem_shared>>)
        tpu.yield
      }) : () -> ()
      %add3A_79 = arith.constant 3 : i32
      %add3A_80 = arith.addi %add3A_59, %add3A_79 : i32
      %mul3A_81 = arith.constant 80 : i32
      %mul3A_82 = arith.muli %add3A_80, %mul3A_81 : i32
      %add3A_83 = arith.addi %mul3A_31, %mul3A_82 : i32
      %dma_start3A_84 = tpu.memref_slice %arg2[%add3A_83] : memref<320000xi32, #tpu.memory_space<hbm>> -> memref<80xi32, #tpu.memory_space<hbm>>
      %dma_start3A_85 = tpu.memref_slice %arg2[%add3A_83] : memref<320000xi32, #tpu.memory_space<hbm>> -> memref<80xi32, #tpu.memory_space<hbm>>
      tpu.enqueue_dma source(%dma_start3A_85 : memref<80xi32, #tpu.memory_space<hbm>>) target(%arg6 : memref<80xi32, #tpu.memory_space<vmem>>) target_semaphore(%arg9 : memref<!tpu.dma_semaphore, #tpu.memory_space<semaphore_mem>>)
    }
    %scan3A_46 = arith.constant 61 : i32
    %add3A_47 = arith.constant 9840 : i32
    %add3A_48 = arith.addi %mul3A_31, %add3A_47 : i32
    %dma_wait3A = tpu.memref_slice %arg2[%add3A_48] : memref<320000xi32, #tpu.memory_space<hbm>> -> memref<80xi32, #tpu.memory_space<hbm>>
    %dma_wait3A_49 = tpu.memref_slice %arg2[%add3A_48] : memref<320000xi32, #tpu.memory_space<hbm>> -> memref<80xi32, #tpu.memory_space<hbm>>
    tpu.wait_dma2 semaphore(%arg8 : memref<!tpu.dma_semaphore, #tpu.memory_space<semaphore_mem>>) src(%dma_wait3A_49 : memref<80xi32, #tpu.memory_space<hbm>>) dst(%arg5 : memref<80xi32, #tpu.memory_space<vmem>>)
    "tpu.region"() ({
      %run_scoped3A = tpu.sem_alloc : memref<!tpu.dma_semaphore, #tpu.memory_space<semaphore_mem>>
      %dma_start3A_55 = arith.constant 0 : i32
      %dma_start3A_56 = arith.constant 0 : i32
      %dma_start3A_57 = tpu.memref_slice %arg4[%dma_start3A_55, %dma_start3A_56] : memref<10240x128xf32, #tpu.memory_space<vmem_shared>> -> memref<10240x128xf32, #tpu.memory_space<vmem_shared>>
      tpu.enqueue_indirect_dma source(%arg7 : memref<80x128xf32, #tpu.memory_space<vmem>>) target(%dma_start3A_57 : memref<10240x128xf32, #tpu.memory_space<vmem_shared>>) offsets(%arg5 : memref<80xi32, #tpu.memory_space<vmem>>) semaphore(%run_scoped3A : memref<!tpu.dma_semaphore, #tpu.memory_space<semaphore_mem>>) {add = true}
      %dma_wait3A_58 = arith.constant 0 : i32
      %dma_wait3A_59 = arith.constant 0 : i32
      %dma_wait3A_60 = tpu.memref_slice %arg4[%dma_wait3A_58, %dma_wait3A_59] : memref<10240x128xf32, #tpu.memory_space<vmem_shared>> -> memref<10240x128xf32, #tpu.memory_space<vmem_shared>>
      tpu.wait_indirect_dma semaphore(%run_scoped3A : memref<!tpu.dma_semaphore, #tpu.memory_space<semaphore_mem>>) src(%arg7 : memref<80x128xf32, #tpu.memory_space<vmem>>) dst(%dma_wait3A_60 : memref<10240x128xf32, #tpu.memory_space<vmem_shared>>)
      tpu.yield
    }) : () -> ()
    %add3A_50 = arith.constant 9920 : i32
    %add3A_51 = arith.addi %mul3A_31, %add3A_50 : i32
    %dma_wait3A_52 = tpu.memref_slice %arg2[%add3A_51] : memref<320000xi32, #tpu.memory_space<hbm>> -> memref<80xi32, #tpu.memory_space<hbm>>
    %dma_wait3A_53 = tpu.memref_slice %arg2[%add3A_51] : memref<320000xi32, #tpu.memory_space<hbm>> -> memref<80xi32, #tpu.memory_space<hbm>>
    tpu.wait_dma2 semaphore(%arg9 : memref<!tpu.dma_semaphore, #tpu.memory_space<semaphore_mem>>) src(%dma_wait3A_53 : memref<80xi32, #tpu.memory_space<hbm>>) dst(%arg6 : memref<80xi32, #tpu.memory_space<vmem>>)
    "tpu.region"() ({
      %run_scoped3A = tpu.sem_alloc : memref<!tpu.dma_semaphore, #tpu.memory_space<semaphore_mem>>
      %dma_start3A_55 = arith.constant 0 : i32
      %dma_start3A_56 = arith.constant 0 : i32
      %dma_start3A_57 = tpu.memref_slice %arg4[%dma_start3A_55, %dma_start3A_56] : memref<10240x128xf32, #tpu.memory_space<vmem_shared>> -> memref<10240x128xf32, #tpu.memory_space<vmem_shared>>
      tpu.enqueue_indirect_dma source(%arg7 : memref<80x128xf32, #tpu.memory_space<vmem>>) target(%dma_start3A_57 : memref<10240x128xf32, #tpu.memory_space<vmem_shared>>) offsets(%arg6 : memref<80xi32, #tpu.memory_space<vmem>>) semaphore(%run_scoped3A : memref<!tpu.dma_semaphore, #tpu.memory_space<semaphore_mem>>) {add = true}
      %dma_wait3A_58 = arith.constant 0 : i32
      %dma_wait3A_59 = arith.constant 0 : i32
      %dma_wait3A_60 = tpu.memref_slice %arg4[%dma_wait3A_58, %dma_wait3A_59] : memref<10240x128xf32, #tpu.memory_space<vmem_shared>> -> memref<10240x128xf32, #tpu.memory_space<vmem_shared>>
      tpu.wait_indirect_dma semaphore(%run_scoped3A : memref<!tpu.dma_semaphore, #tpu.memory_space<semaphore_mem>>) src(%arg7 : memref<80x128xf32, #tpu.memory_space<vmem>>) dst(%dma_wait3A_60 : memref<10240x128xf32, #tpu.memory_space<vmem_shared>>)
      tpu.yield
    }) : () -> ()
    %barrier3A_54 = arith.constant 0 : index
    tpu.barrier barrier_id(%barrier3A_54)
    "tpu.region"() ({
      %run_scoped3A = tpu.sem_alloc : memref<!tpu.dma_semaphore, #tpu.memory_space<semaphore_mem>>
      %dma_start3A_55 = arith.constant 0 : i32
      %dma_start3A_56 = tpu.memref_slice %arg3[%arg0, %mul3A_7, %dma_start3A_55] : memref<2x10240x128xf32, #tpu.memory_space<hbm>> -> memref<1x640x128xf32, #tpu.memory_space<hbm>>
      %dma_start3A_57 = tpu.memref_squeeze %dma_start3A_56 : memref<1x640x128xf32, #tpu.memory_space<hbm>> -> memref<640x128xf32, #tpu.memory_space<hbm>>
      %dma_start3A_58 = arith.constant 0 : i32
      %dma_start3A_59 = tpu.memref_slice %arg4[%mul3A_7, %dma_start3A_58] : memref<10240x128xf32, #tpu.memory_space<vmem_shared>> -> memref<640x128xf32, #tpu.memory_space<vmem_shared>>
      tpu.enqueue_dma source(%dma_start3A_59 : memref<640x128xf32, #tpu.memory_space<vmem_shared>>) target(%dma_start3A_57 : memref<640x128xf32, #tpu.memory_space<hbm>>) target_semaphore(%run_scoped3A : memref<!tpu.dma_semaphore, #tpu.memory_space<semaphore_mem>>)
      %dma_wait3A_60 = arith.constant 0 : i32
      %dma_wait3A_61 = tpu.memref_slice %arg3[%arg0, %mul3A_7, %dma_wait3A_60] : memref<2x10240x128xf32, #tpu.memory_space<hbm>> -> memref<1x640x128xf32, #tpu.memory_space<hbm>>
      %dma_wait3A_62 = tpu.memref_squeeze %dma_wait3A_61 : memref<1x640x128xf32, #tpu.memory_space<hbm>> -> memref<640x128xf32, #tpu.memory_space<hbm>>
      %dma_wait3A_63 = arith.constant 0 : i32
      %dma_wait3A_64 = tpu.memref_slice %arg4[%mul3A_7, %dma_wait3A_63] : memref<10240x128xf32, #tpu.memory_space<vmem_shared>> -> memref<640x128xf32, #tpu.memory_space<vmem_shared>>
      tpu.wait_dma2 semaphore(%run_scoped3A : memref<!tpu.dma_semaphore, #tpu.memory_space<semaphore_mem>>) src(%dma_wait3A_64 : memref<640x128xf32, #tpu.memory_space<vmem_shared>>) dst(%dma_wait3A_62 : memref<640x128xf32, #tpu.memory_space<hbm>>)
      tpu.yield
    }) : () -> ()
    return
  }
}

module attributes {stable_mosaic.version = 14 : i64} {
  func.func @_tc_layer_body(%arg0: memref<2x10240x128xf32, #tpu.memory_space<vmem>>, %arg1: memref<2x10240x128xf32, #tpu.memory_space<vmem>>, %arg2: memref<10000x128xf32, #tpu.memory_space<vmem>>, %arg3: memref<128x128xf32, #tpu.memory_space<vmem>>, %arg4: memref<128x128xf32, #tpu.memory_space<vmem>>, %arg5: memref<1x128xf32, #tpu.memory_space<vmem>>, %arg6: memref<1x128xf32, #tpu.memory_space<vmem>>, %arg7: memref<10000x128xf32, #tpu.memory_space<vmem>>) attributes {dimension_semantics = [], scalar_prefetch = 0 : i64, scratch_operands = 0 : i64, tpu.core_type = #tpu.core_type<tc>} {
    %get3A = arith.constant 0 : index
    %get3A_0 = arith.constant 0 : index
    %get3A_1 = arith.constant 0 : index
    %get3A_2 = vector.load %arg1[%get3A, %get3A_0, %get3A_1] : memref<2x10240x128xf32, #tpu.memory_space<vmem>>, vector<1x10000x1xf32>
    %get3A_3 = vector.shape_cast %get3A_2 : vector<1x10000x1xf32> to vector<10000x1xf32>
    %get3A_4 = arith.constant 1 : index
    %get3A_5 = arith.constant 0 : index
    %get3A_6 = arith.constant 0 : index
    %get3A_7 = vector.load %arg1[%get3A_4, %get3A_5, %get3A_6] : memref<2x10240x128xf32, #tpu.memory_space<vmem>>, vector<1x10000x1xf32>
    %get3A_8 = vector.shape_cast %get3A_7 : vector<1x10000x1xf32> to vector<10000x1xf32>
    %add3A = arith.addf %get3A_3, %get3A_8 : vector<10000x1xf32>
    %max3A = arith.constant 1.000000e+00 : f32
    %max3A_9 = vector.broadcast %max3A : f32 to vector<10000x1xf32>
    %max3A_10 = arith.maximumf %add3A, %max3A_9 : vector<10000x1xf32>
    %get3A_11 = arith.constant 0 : index
    %get3A_12 = arith.constant 0 : index
    %get3A_13 = arith.constant 0 : index
    %get3A_14 = vector.load %arg0[%get3A_11, %get3A_12, %get3A_13] : memref<2x10240x128xf32, #tpu.memory_space<vmem>>, vector<1x10000x128xf32>
    %get3A_15 = vector.shape_cast %get3A_14 : vector<1x10000x128xf32> to vector<10000x128xf32>
    %get3A_16 = arith.constant 1 : index
    %get3A_17 = arith.constant 0 : index
    %get3A_18 = arith.constant 0 : index
    %get3A_19 = vector.load %arg0[%get3A_16, %get3A_17, %get3A_18] : memref<2x10240x128xf32, #tpu.memory_space<vmem>>, vector<1x10000x128xf32>
    %get3A_20 = vector.shape_cast %get3A_19 : vector<1x10000x128xf32> to vector<10000x128xf32>
    %add3A_21 = arith.addf %get3A_15, %get3A_20 : vector<10000x128xf32>
    %div3A = vector.broadcast %max3A_10 : vector<10000x1xf32> to vector<10000x128xf32>
    %div3A_22 = arith.divf %add3A_21, %div3A : vector<10000x128xf32>
    %get3A_23 = arith.constant 0 : index
    %get3A_24 = arith.constant 0 : index
    %get3A_25 = vector.load %arg3[%get3A_23, %get3A_24] : memref<128x128xf32, #tpu.memory_space<vmem>>, vector<128x128xf32>
    %dot_general3A = arith.constant dense<0.000000e+00> : vector<10000x128xf32>
    %dot_general3A_26 = tpu.matmul %div3A_22, %get3A_25, %dot_general3A {dimension_numbers = #tpu.dot_dimension_numbers<[1], [0], [0], [1], [0, 0, 1, 1], [], []>, transpose_lhs_hint = false} : vector<10000x128xf32>, vector<128x128xf32>, vector<10000x128xf32> -> vector<10000x128xf32>
    %get3A_27 = arith.constant 0 : index
    %get3A_28 = arith.constant 0 : index
    %get3A_29 = vector.load %arg2[%get3A_27, %get3A_28] : memref<10000x128xf32, #tpu.memory_space<vmem>>, vector<10000x128xf32>
    %get3A_30 = arith.constant 0 : index
    %get3A_31 = arith.constant 0 : index
    %get3A_32 = vector.load %arg4[%get3A_30, %get3A_31] : memref<128x128xf32, #tpu.memory_space<vmem>>, vector<128x128xf32>
    %dot_general3A_33 = arith.constant dense<0.000000e+00> : vector<10000x128xf32>
    %dot_general3A_34 = tpu.matmul %get3A_29, %get3A_32, %dot_general3A_33 {dimension_numbers = #tpu.dot_dimension_numbers<[1], [0], [0], [1], [0, 0, 1, 1], [], []>, transpose_lhs_hint = false} : vector<10000x128xf32>, vector<128x128xf32>, vector<10000x128xf32> -> vector<10000x128xf32>
    %add3A_35 = arith.addf %dot_general3A_26, %dot_general3A_34 : vector<10000x128xf32>
    %reduce_sum3A = arith.constant dense<0.000000e+00> : vector<128xf32>
    %reduce_sum3A_36 = vector.multi_reduction <add>, %add3A_35, %reduce_sum3A [0] : vector<10000x128xf32> to vector<128xf32>
    %broadcast_in_dim3A = vector.shape_cast %reduce_sum3A_36 : vector<128xf32> to vector<1x128xf32>
    %div3A_37 = arith.constant 1.000000e+04 : f32
    %div3A_38 = vector.broadcast %div3A_37 : f32 to vector<1x128xf32>
    %div3A_39 = arith.divf %broadcast_in_dim3A, %div3A_38 : vector<1x128xf32>
    %sub3A = vector.broadcast %div3A_39 : vector<1x128xf32> to vector<10000x128xf32>
    %sub3A_40 = arith.subf %add3A_35, %sub3A : vector<10000x128xf32>
    %sub3A_41 = vector.broadcast %div3A_39 : vector<1x128xf32> to vector<10000x128xf32>
    %sub3A_42 = arith.subf %add3A_35, %sub3A_41 : vector<10000x128xf32>
    %mul3A = arith.mulf %sub3A_40, %sub3A_42 : vector<10000x128xf32>
    %reduce_sum3A_43 = arith.constant dense<0.000000e+00> : vector<128xf32>
    %reduce_sum3A_44 = vector.multi_reduction <add>, %mul3A, %reduce_sum3A_43 [0] : vector<10000x128xf32> to vector<128xf32>
    %broadcast_in_dim3A_45 = vector.shape_cast %reduce_sum3A_44 : vector<128xf32> to vector<1x128xf32>
    %div3A_46 = arith.constant 1.000000e+04 : f32
    %div3A_47 = vector.broadcast %div3A_46 : f32 to vector<1x128xf32>
    %div3A_48 = arith.divf %broadcast_in_dim3A_45, %div3A_47 : vector<1x128xf32>
    %sub3A_49 = vector.broadcast %div3A_39 : vector<1x128xf32> to vector<10000x128xf32>
    %sub3A_50 = arith.subf %add3A_35, %sub3A_49 : vector<10000x128xf32>
    %add3A_51 = arith.constant 9.99999974E-6 : f32
    %add3A_52 = vector.broadcast %add3A_51 : f32 to vector<1x128xf32>
    %add3A_53 = arith.addf %div3A_48, %add3A_52 : vector<1x128xf32>
    %rsqrt3A = math.rsqrt %add3A_53 : vector<1x128xf32>
    %mul3A_54 = vector.broadcast %rsqrt3A : vector<1x128xf32> to vector<10000x128xf32>
    %mul3A_55 = arith.mulf %sub3A_50, %mul3A_54 : vector<10000x128xf32>
    %get3A_56 = arith.constant 0 : index
    %get3A_57 = arith.constant 0 : index
    %get3A_58 = vector.load %arg5[%get3A_56, %get3A_57] : memref<1x128xf32, #tpu.memory_space<vmem>>, vector<1x128xf32>
    %mul3A_59 = vector.broadcast %get3A_58 : vector<1x128xf32> to vector<10000x128xf32>
    %mul3A_60 = arith.mulf %mul3A_55, %mul3A_59 : vector<10000x128xf32>
    %get3A_61 = arith.constant 0 : index
    %get3A_62 = arith.constant 0 : index
    %get3A_63 = vector.load %arg6[%get3A_61, %get3A_62] : memref<1x128xf32, #tpu.memory_space<vmem>>, vector<1x128xf32>
    %add3A_64 = vector.broadcast %get3A_63 : vector<1x128xf32> to vector<10000x128xf32>
    %add3A_65 = arith.addf %mul3A_60, %add3A_64 : vector<10000x128xf32>
    %max3A_66 = arith.constant 0.000000e+00 : f32
    %max3A_67 = vector.broadcast %max3A_66 : f32 to vector<10000x128xf32>
    %max3A_68 = arith.maximumf %add3A_65, %max3A_67 : vector<10000x128xf32>
    %swap3A = arith.constant 0 : index
    %swap3A_69 = arith.constant 0 : index
    %swap3A_70 = vector.load %arg7[%swap3A, %swap3A_69] : memref<10000x128xf32, #tpu.memory_space<vmem>>, vector<10000x128xf32>
    tpu.vector_store %arg7[%swap3A, %swap3A_69], %max3A_68 {strides = array<i32>} : memref<10000x128xf32, #tpu.memory_space<vmem>>, vector<10000x128xf32>,
    return
  }
}

module attributes {stable_mosaic.version = 14 : i64} {
  func.func @_tc_last_body(%arg0: memref<2x10240x128xf32, #tpu.memory_space<vmem>>, %arg1: memref<2x10240x128xf32, #tpu.memory_space<vmem>>, %arg2: memref<10000x128xf32, #tpu.memory_space<vmem>>, %arg3: memref<128x128xf32, #tpu.memory_space<vmem>>, %arg4: memref<128x128xf32, #tpu.memory_space<vmem>>, %arg5: memref<1x128xf32, #tpu.memory_space<vmem>>, %arg6: memref<1x128xf32, #tpu.memory_space<vmem>>, %arg7: memref<1x10000xi32, #tpu.memory_space<vmem>>, %arg8: memref<128x64xf32, #tpu.memory_space<vmem>>, %arg9: memref<1x64xf32, #tpu.memory_space<vmem>>, %arg10: memref<64x1xf32, #tpu.memory_space<vmem>>, %arg11: memref<1x1xf32, #tpu.memory_space<vmem>>, %arg12: memref<32x1xf32, #tpu.memory_space<vmem>>) attributes {dimension_semantics = [], scalar_prefetch = 0 : i64, scratch_operands = 0 : i64, tpu.core_type = #tpu.core_type<tc>} {
    %get3A = arith.constant 0 : index
    %get3A_0 = arith.constant 0 : index
    %get3A_1 = arith.constant 0 : index
    %get3A_2 = vector.load %arg1[%get3A, %get3A_0, %get3A_1] : memref<2x10240x128xf32, #tpu.memory_space<vmem>>, vector<1x10000x1xf32>
    %get3A_3 = vector.shape_cast %get3A_2 : vector<1x10000x1xf32> to vector<10000x1xf32>
    %get3A_4 = arith.constant 1 : index
    %get3A_5 = arith.constant 0 : index
    %get3A_6 = arith.constant 0 : index
    %get3A_7 = vector.load %arg1[%get3A_4, %get3A_5, %get3A_6] : memref<2x10240x128xf32, #tpu.memory_space<vmem>>, vector<1x10000x1xf32>
    %get3A_8 = vector.shape_cast %get3A_7 : vector<1x10000x1xf32> to vector<10000x1xf32>
    %add3A = arith.addf %get3A_3, %get3A_8 : vector<10000x1xf32>
    %max3A = arith.constant 1.000000e+00 : f32
    %max3A_9 = vector.broadcast %max3A : f32 to vector<10000x1xf32>
    %max3A_10 = arith.maximumf %add3A, %max3A_9 : vector<10000x1xf32>
    %get3A_11 = arith.constant 0 : index
    %get3A_12 = arith.constant 0 : index
    %get3A_13 = arith.constant 0 : index
    %get3A_14 = vector.load %arg0[%get3A_11, %get3A_12, %get3A_13] : memref<2x10240x128xf32, #tpu.memory_space<vmem>>, vector<1x10000x128xf32>
    %get3A_15 = vector.shape_cast %get3A_14 : vector<1x10000x128xf32> to vector<10000x128xf32>
    %get3A_16 = arith.constant 1 : index
    %get3A_17 = arith.constant 0 : index
    %get3A_18 = arith.constant 0 : index
    %get3A_19 = vector.load %arg0[%get3A_16, %get3A_17, %get3A_18] : memref<2x10240x128xf32, #tpu.memory_space<vmem>>, vector<1x10000x128xf32>
    %get3A_20 = vector.shape_cast %get3A_19 : vector<1x10000x128xf32> to vector<10000x128xf32>
    %add3A_21 = arith.addf %get3A_15, %get3A_20 : vector<10000x128xf32>
    %div3A = vector.broadcast %max3A_10 : vector<10000x1xf32> to vector<10000x128xf32>
    %div3A_22 = arith.divf %add3A_21, %div3A : vector<10000x128xf32>
    %get3A_23 = arith.constant 0 : index
    %get3A_24 = arith.constant 0 : index
    %get3A_25 = vector.load %arg3[%get3A_23, %get3A_24] : memref<128x128xf32, #tpu.memory_space<vmem>>, vector<128x128xf32>
    %dot_general3A = arith.constant dense<0.000000e+00> : vector<10000x128xf32>
    %dot_general3A_26 = tpu.matmul %div3A_22, %get3A_25, %dot_general3A {dimension_numbers = #tpu.dot_dimension_numbers<[1], [0], [0], [1], [0, 0, 1, 1], [], []>, transpose_lhs_hint = false} : vector<10000x128xf32>, vector<128x128xf32>, vector<10000x128xf32> -> vector<10000x128xf32>
    %get3A_27 = arith.constant 0 : index
    %get3A_28 = arith.constant 0 : index
    %get3A_29 = vector.load %arg2[%get3A_27, %get3A_28] : memref<10000x128xf32, #tpu.memory_space<vmem>>, vector<10000x128xf32>
    %get3A_30 = arith.constant 0 : index
    %get3A_31 = arith.constant 0 : index
    %get3A_32 = vector.load %arg4[%get3A_30, %get3A_31] : memref<128x128xf32, #tpu.memory_space<vmem>>, vector<128x128xf32>
    %dot_general3A_33 = arith.constant dense<0.000000e+00> : vector<10000x128xf32>
    %dot_general3A_34 = tpu.matmul %get3A_29, %get3A_32, %dot_general3A_33 {dimension_numbers = #tpu.dot_dimension_numbers<[1], [0], [0], [1], [0, 0, 1, 1], [], []>, transpose_lhs_hint = false} : vector<10000x128xf32>, vector<128x128xf32>, vector<10000x128xf32> -> vector<10000x128xf32>
    %add3A_35 = arith.addf %dot_general3A_26, %dot_general3A_34 : vector<10000x128xf32>
    %reduce_sum3A = arith.constant dense<0.000000e+00> : vector<128xf32>
    %reduce_sum3A_36 = vector.multi_reduction <add>, %add3A_35, %reduce_sum3A [0] : vector<10000x128xf32> to vector<128xf32>
    %broadcast_in_dim3A = vector.shape_cast %reduce_sum3A_36 : vector<128xf32> to vector<1x128xf32>
    %div3A_37 = arith.constant 1.000000e+04 : f32
    %div3A_38 = vector.broadcast %div3A_37 : f32 to vector<1x128xf32>
    %div3A_39 = arith.divf %broadcast_in_dim3A, %div3A_38 : vector<1x128xf32>
    %sub3A = vector.broadcast %div3A_39 : vector<1x128xf32> to vector<10000x128xf32>
    %sub3A_40 = arith.subf %add3A_35, %sub3A : vector<10000x128xf32>
    %sub3A_41 = vector.broadcast %div3A_39 : vector<1x128xf32> to vector<10000x128xf32>
    %sub3A_42 = arith.subf %add3A_35, %sub3A_41 : vector<10000x128xf32>
    %mul3A = arith.mulf %sub3A_40, %sub3A_42 : vector<10000x128xf32>
    %reduce_sum3A_43 = arith.constant dense<0.000000e+00> : vector<128xf32>
    %reduce_sum3A_44 = vector.multi_reduction <add>, %mul3A, %reduce_sum3A_43 [0] : vector<10000x128xf32> to vector<128xf32>
    %broadcast_in_dim3A_45 = vector.shape_cast %reduce_sum3A_44 : vector<128xf32> to vector<1x128xf32>
    %div3A_46 = arith.constant 1.000000e+04 : f32
    %div3A_47 = vector.broadcast %div3A_46 : f32 to vector<1x128xf32>
    %div3A_48 = arith.divf %broadcast_in_dim3A_45, %div3A_47 : vector<1x128xf32>
    %sub3A_49 = vector.broadcast %div3A_39 : vector<1x128xf32> to vector<10000x128xf32>
    %sub3A_50 = arith.subf %add3A_35, %sub3A_49 : vector<10000x128xf32>
    %add3A_51 = arith.constant 9.99999974E-6 : f32
    %add3A_52 = vector.broadcast %add3A_51 : f32 to vector<1x128xf32>
    %add3A_53 = arith.addf %div3A_48, %add3A_52 : vector<1x128xf32>
    %rsqrt3A = math.rsqrt %add3A_53 : vector<1x128xf32>
    %mul3A_54 = vector.broadcast %rsqrt3A : vector<1x128xf32> to vector<10000x128xf32>
    %mul3A_55 = arith.mulf %sub3A_50, %mul3A_54 : vector<10000x128xf32>
    %get3A_56 = arith.constant 0 : index
    %get3A_57 = arith.constant 0 : index
    %get3A_58 = vector.load %arg5[%get3A_56, %get3A_57] : memref<1x128xf32, #tpu.memory_space<vmem>>, vector<1x128xf32>
    %mul3A_59 = vector.broadcast %get3A_58 : vector<1x128xf32> to vector<10000x128xf32>
    %mul3A_60 = arith.mulf %mul3A_55, %mul3A_59 : vector<10000x128xf32>
    %get3A_61 = arith.constant 0 : index
    %get3A_62 = arith.constant 0 : index
    %get3A_63 = vector.load %arg6[%get3A_61, %get3A_62] : memref<1x128xf32, #tpu.memory_space<vmem>>, vector<1x128xf32>
    %add3A_64 = vector.broadcast %get3A_63 : vector<1x128xf32> to vector<10000x128xf32>
    %add3A_65 = arith.addf %mul3A_60, %add3A_64 : vector<10000x128xf32>
    %max3A_66 = arith.constant 0.000000e+00 : f32
    %max3A_67 = vector.broadcast %max3A_66 : f32 to vector<10000x128xf32>
    %max3A_68 = arith.maximumf %add3A_65, %max3A_67 : vector<10000x128xf32>
    %iota3A = tpu.iota {dimensions = array<i32: 0>} : vector<32x10000xi32>
    %get3A_69 = arith.constant 0 : index
    %get3A_70 = arith.constant 0 : index
    %get3A_71 = vector.load %arg7[%get3A_69, %get3A_70] : memref<1x10000xi32, #tpu.memory_space<vmem>>, vector<1x10000xi32>
    %eq3A = vector.broadcast %get3A_71 : vector<1x10000xi32> to vector<32x10000xi32>
    %eq3A_72 = arith.cmpi eq, %iota3A, %eq3A : vector<32x10000xi32>
    %jit3A = arith.constant 1.000000e+00 : f32
    %jit3A_73 = arith.constant 0.000000e+00 : f32
    %broadcast_in_dim3A_74 = vector.broadcast %jit3A : f32 to vector<32x10000xf32>
    %broadcast_in_dim3A_75 = vector.broadcast %jit3A_73 : f32 to vector<32x10000xf32>
    %select_n3A = arith.select %eq3A_72, %broadcast_in_dim3A_74, %broadcast_in_dim3A_75 : vector<32x10000xi1>, vector<32x10000xf32>
    %dot_general3A_76 = arith.constant dense<0.000000e+00> : vector<32x128xf32>
    %dot_general3A_77 = tpu.matmul %select_n3A, %max3A_68, %dot_general3A_76 {dimension_numbers = #tpu.dot_dimension_numbers<[1], [0], [0], [1], [0, 0, 1, 1], [], []>, transpose_lhs_hint = false} : vector<32x10000xf32>, vector<10000x128xf32>, vector<32x128xf32> -> vector<32x128xf32>
    %reduce_sum3A_78 = arith.constant dense<0.000000e+00> : vector<32xf32>
    %reduce_sum3A_79 = vector.multi_reduction <add>, %select_n3A, %reduce_sum3A_78 [1] : vector<32x10000xf32> to vector<32xf32>
    %broadcast_in_dim3A_80 = vector.shape_cast %reduce_sum3A_79 : vector<32xf32> to vector<32x1xf32>
    %max3A_81 = arith.constant 1.000000e+00 : f32
    %max3A_82 = vector.broadcast %max3A_81 : f32 to vector<32x1xf32>
    %max3A_83 = arith.maximumf %broadcast_in_dim3A_80, %max3A_82 : vector<32x1xf32>
    %div3A_84 = vector.broadcast %max3A_83 : vector<32x1xf32> to vector<32x128xf32>
    %div3A_85 = arith.divf %dot_general3A_77, %div3A_84 : vector<32x128xf32>
    %get3A_86 = arith.constant 0 : index
    %get3A_87 = arith.constant 0 : index
    %get3A_88 = vector.load %arg8[%get3A_86, %get3A_87] : memref<128x64xf32, #tpu.memory_space<vmem>>, vector<128x64xf32>
    %dot_general3A_89 = arith.constant dense<0.000000e+00> : vector<32x64xf32>
    %dot_general3A_90 = tpu.matmul %div3A_85, %get3A_88, %dot_general3A_89 {dimension_numbers = #tpu.dot_dimension_numbers<[1], [0], [0], [1], [0, 0, 1, 1], [], []>, transpose_lhs_hint = false} : vector<32x128xf32>, vector<128x64xf32>, vector<32x64xf32> -> vector<32x64xf32>
    %get3A_91 = arith.constant 0 : index
    %get3A_92 = arith.constant 0 : index
    %get3A_93 = vector.load %arg9[%get3A_91, %get3A_92] : memref<1x64xf32, #tpu.memory_space<vmem>>, vector<1x64xf32>
    %add3A_94 = vector.broadcast %get3A_93 : vector<1x64xf32> to vector<32x64xf32>
    %add3A_95 = arith.addf %dot_general3A_90, %add3A_94 : vector<32x64xf32>
    %max3A_96 = arith.constant 0.000000e+00 : f32
    %max3A_97 = vector.broadcast %max3A_96 : f32 to vector<32x64xf32>
    %max3A_98 = arith.maximumf %add3A_95, %max3A_97 : vector<32x64xf32>
    %get3A_99 = arith.constant 0 : index
    %get3A_100 = arith.constant 0 : index
    %get3A_101 = vector.load %arg10[%get3A_99, %get3A_100] : memref<64x1xf32, #tpu.memory_space<vmem>>, vector<64x1xf32>
    %dot_general3A_102 = arith.constant dense<0.000000e+00> : vector<32x1xf32>
    %dot_general3A_103 = tpu.matmul %max3A_98, %get3A_101, %dot_general3A_102 {dimension_numbers = #tpu.dot_dimension_numbers<[1], [0], [0], [1], [0, 0, 1, 1], [], []>, transpose_lhs_hint = false} : vector<32x64xf32>, vector<64x1xf32>, vector<32x1xf32> -> vector<32x1xf32>
    %get3A_104 = arith.constant 0 : index
    %get3A_105 = arith.constant 0 : index
    %get3A_106 = vector.load %arg11[%get3A_104, %get3A_105] : memref<1x1xf32, #tpu.memory_space<vmem>>, vector<1x1xf32>
    %add3A_107 = vector.broadcast %get3A_106 : vector<1x1xf32> to vector<32x1xf32>
    %add3A_108 = arith.addf %dot_general3A_103, %add3A_107 : vector<32x1xf32>
    %swap3A = arith.constant 0 : index
    %swap3A_109 = arith.constant 0 : index
    %swap3A_110 = vector.load %arg12[%swap3A, %swap3A_109] : memref<32x1xf32, #tpu.memory_space<vmem>>, vector<32x1xf32>
    tpu.vector_store %arg12[%swap3A, %swap3A_109], %add3A_108 {strides = array<i32>} : memref<32x1xf32, #tpu.memory_space<vmem>>, vector<32x1xf32>,
    return
  }
}

</mosaic_0001>

<sc_bundles>
// kernel: kernel.12.cloned.1.call-start
scs
__scs_entry_jumppad:
0x0: {  	(pc) =	sbr.rel $0x88, $3  }
0x1: {  	(tag) =	ssettag $0x0;
	lr =	simm.s32 $0x1  }
0x2: {  	[smem:$0x3F8E] =	sst lr;
	_ =	strace $0xD0000000  }
0x3: {  	_ = 	snop  }
0x4: {  	_ = 	snop  }
0x5: {  	_ = 	snop  }
0x6: {  	_ = 	snop  }
0x7: {  	_ = 	snop  }
__scs_overlays_trampoline_lowered:
0x8: {  	[smem:$0x3F9D] =	sst s0  }
0x9: {  	[smem:$0x3F9E] =	sst s1  }
0xa: {  	[smem:$0x3F9F] =	sst s2  }
0xb: {  	[smem:$0x3FA0] =	sst s3  }
0xc: {  	[smem:$0x3FA1] =	sst s4  }
0xd: {  	[smem:$0x3FA2] =	sst s5  }
0xe: {  	[smem:$0x3FA3] =	sst s6  }
0xf: {  	[smem:$0x3FA4] =	sst s7  }
0x10: {  	[smem:$0x3FA5] =	sst s8  }
0x11: {  	[smem:$0x3FA6] =	sst s9;
	s0 =	simm.s32 @!p0 $0x0  }
0x12: {  	s1 =	sld [smem:$0x3F8C];
	s0 =	simm.s32 @p0 $0x1  }
0x13: {  	[smem:$0x3FA7] =	sst s0;
	s0 =	simm.s32 @!p1 $0x0  }
0x14: {  	s2 =	sld [smem:$0x3F8B];
	s0 =	simm.s32 @p1 $0x1  }
0x15: {  	[smem:$0x3FA8] =	sst s0;
	s0 =	simm.s32 @!p2 $0x0  }
0x16: {  	s3 =	sld [smem:$0x3FDB];
	s0 =	simm.s32 @p2 $0x1  }
0x17: {  	s4 =	simm.s32 $0x1BF5;
	[smem:$0x3FAA] =	sst s0  }
0x18: {  	s0 =	sld [smem:$0x3F8D];
	_ =	swait.ge [sflag:s4], $0x0  }
0x19: {  	s7 =	sld [smem:$0x3F8E]  }
0x1a: {  	s8 =	sadd.s32 $0xFFFFE003, lr  }
0x1b: {  	s9 =	sadd.s32 $0xFFFFFEF7, lr;
	s5 =	simm.s32 $0xFFFFFFFF;
	p2 =	slt.u32 s8, $0xFFFFF086  }
0x1c: {  	p1 =	slt.u32 s9, $0xF7A;
	s5 =	simm.s32 @!p2 $0x0  }
0x1d: {  	s5 =	simm.s32 @p1 $0x1;
	p0 =	seq.s32 s7, s2  }
0x1e: {  	s7 =	smul.u32 @!p0 $0xF7A, s2;
	p2 =	seq.s32 @!p0 s5, $0x0  }
0x1f: {  	s9 =	smul.u32 $0xF7A, s1;
	s8 =	simm.s32 @!p0 $0x1BF5;
	p2 =	por !p2, p0  }
0x20: {  	[sflag:s8] =	ssyncset.s32 @!p0 $0xFFFFF086;
	s6 =	sadd.s32 @!p0 s3, s7;
	s7 =	simm.s32 @!p0 $0x108  }
0x21: {  	s3 =	sadd.s32 s3, s9;
	s6 =	sadd.s32 @!p0 $0x88, s6;
	s7 =	simm.s32 @p2 $0x1082  }
0x22: {  	[simem:s7], [sflag:s8] =	dma.local @!p0 [hbm:s6], $0xF7A  }
0x23: {  	s9 =	sor.u32 $0xD0000000, s2;
	s6 =	simm.s32 $0x108;
	_ =	swait.ge @!p0 [sflag:s8], $0x0  }
0x24: {  	s3 =	sadd.s32 $0x88, s3;
	s6 =	simm.s32 @!p1 $0x1082;
	[sflag:s4] =	ssyncset.s32 $0xFFFFF086  }
0x25: {  	[simem:s6], [sflag:s4] =	dma.local [hbm:s3], $0xF7A  }
0x26: {  	[smem:$0x3F8E] =	sst s1;
	(tag) =	ssettag s2;
	_ =	strace s9  }
0x27: {  	s1 =	sld [smem:$0x3F9E]  }
0x28: {  	s2 =	sld [smem:$0x3F9F]  }
0x29: {  	s4 =	sld [smem:$0x3FA1]  }
0x2a: {  	p0 =	seq.s32 s5, $0x0;
	s5 =	sld [smem:$0x3FA2]  }
0x2b: {  	s6 =	sld [smem:$0x3FA3]  }
0x2c: {  	s7 =	sld [smem:$0x3FA4]  }
0x2d: {  	s3 =	simm.s32 $0x108;
	s8 =	sld [smem:$0x3FA5]  }
0x2e: {  	s3 =	simm.s32 @!p0 $0x1082;
	s9 =	sld [smem:$0x3FA6]  }
0x2f: {  	lr =	sadd.s32 s0, s3;
	s0 =	sld [smem:$0x3F9D]  }
0x30: {  	s3 =	sld [smem:$0x3FA0]  }
0x31: {  	[smem:$0x3FA9] =	sst s10  }
0x32: {  	s10 =	sld [smem:$0x3FA7];
	_ =	sdelay $0x3  }
0x33: {  	p0 =	seq.s32 s10, $0x1;
	s10 =	sld [smem:$0x3FA9];
	_ =	sdelay $0x3  }
0x34: {  	[smem:$0x3FA9] =	sst s10  }
0x35: {  	s10 =	sld [smem:$0x3FA8];
	_ =	sdelay $0x3  }
0x36: {  	p1 =	seq.s32 s10, $0x1;
	s10 =	sld [smem:$0x3FA9];
	_ =	sdelay $0x3  }
0x37: {  	[smem:$0x3FA9] =	sst s10  }
0x38: {  	s10 =	sld [smem:$0x3FAA]  }
0x39: {  	_ = 	snop;
	(pc) =	sbr.ind lr, $3  }
0x3a: {  	_ = 	snop  }
0x3b: {  	_ = 	snop  }
0x3c: {  	p2 =	seq.s32 s10, $0x1;
	s10 =	sld [smem:$0x3FA9]  }
0x3d: {  	_ =	shalt  }
0x3e: {  	_ =	shalt  }
0x3f: {  	_ =	shalt  }
0x40: {  	_ =	shalt  }
0x41: {  	_ =	shalt  }
0x42: {  	_ =	shalt  }
0x43: {  	_ =	shalt  }
0x44: {  	_ =	shalt  }
0x45: {  	_ =	shalt  }
0x46: {  	_ =	shalt  }
0x47: {  	_ =	shalt  }
0x48: {  	_ =	shalt  }
0x49: {  	_ =	shalt  }
0x4a: {  	_ =	shalt  }
0x4b: {  	_ =	shalt  }
0x4c: {  	_ =	shalt  }
0x4d: {  	_ =	shalt  }
0x4e: {  	_ =	shalt  }
0x4f: {  	_ =	shalt  }
0x50: {  	_ =	shalt  }
0x51: {  	_ =	shalt  }
0x52: {  	_ =	shalt  }
0x53: {  	_ =	shalt  }
0x54: {  	_ =	shalt  }
0x55: {  	_ =	shalt  }
0x56: {  	_ =	shalt  }
0x57: {  	_ =	shalt  }
0x58: {  	_ =	shalt  }
0x59: {  	_ =	shalt  }
0x5a: {  	_ =	shalt  }
0x5b: {  	_ =	shalt  }
0x5c: {  	_ =	shalt  }
0x5d: {  	_ =	shalt  }
0x5e: {  	_ =	shalt  }
0x5f: {  	_ =	shalt  }
0x60: {  	_ =	shalt  }
0x61: {  	_ =	shalt  }
0x62: {  	_ =	shalt  }
0x63: {  	_ =	shalt  }
0x64: {  	_ =	shalt  }
0x65: {  	_ =	shalt  }
0x66: {  	_ =	shalt  }
0x67: {  	_ =	shalt  }
0x68: {  	_ =	shalt  }
0x69: {  	_ =	shalt  }
0x6a: {  	_ =	shalt  }
0x6b: {  	_ =	shalt  }
0x6c: {  	_ =	shalt  }
0x6d: {  	_ =	shalt  }
0x6e: {  	_ =	shalt  }
0x6f: {  	_ =	shalt  }
0x70: {  	_ =	shalt  }
0x71: {  	_ =	shalt  }
0x72: {  	_ =	shalt  }
0x73: {  	_ =	shalt  }
0x74: {  	_ =	shalt  }
0x75: {  	_ =	shalt  }
0x76: {  	_ =	shalt  }
0x77: {  	_ =	shalt  }
0x78: {  	_ =	shalt  }
0x79: {  	_ =	shalt  }
0x7a: {  	_ =	shalt  }
0x7b: {  	_ =	shalt  }
0x7c: {  	_ =	shalt  }
0x7d: {  	_ =	shalt  }
0x7e: {  	_ =	shalt  }
0x7f: {  	_ =	shalt  }
0x80: {  	_ =	shalt  }
0x81: {  	_ =	shalt  }
0x82: {  	_ =	shalt  }
0x83: {  	_ =	shalt  }
0x84: {  	_ =	shalt  }
0x85: {  	_ =	shalt  }
0x86: {  	_ =	shalt  }
0x87: {  	_ =	shalt  }
.Lfunc_end0:
.L_simem_size_0:
called_computation.1_lowered:
.L_overlay_start_0:
0x88: {  	s2 =	sld [smem:$0x3FD9]  }
0x89: {  	s3 =	sld [smem:$0x3FFE];
	_ =	sdelay $0x1  }
0x8a: {  	s1 =	srdreg.scid  }
0x8b: {  	s0 =	sand.u32 $0x1, s1  }
0x8c: {  	s17 =	sshll.u32 s0, $0xA;
	s2 =	sadd.s32 s3, s2  }
0x8d: {  	s2 =	sadd.s32 s2, s17  }
0x8e: {  	[smem:$0x3FB5] =	sst s2  }
0x8f: {  	_ = 	snop  }
0x90: {  	s2 =	sld [smem:$0x3FC9];
	(tm) =	ssettm $0x1  }
0x91: {  	s18 =	sld [smem:$0x3FFB];
	_ =	sdelay $0x3  }
0x92: {  	_ =	strace s18  }
0x93: {  	s3 =	sld [smem:$0x3FFC];
	_ =	sdelay $0x3  }
0x94: {  	_ =	strace s3  }
0x95: {  	s3 =	sld [smem:$0x3FFD];
	_ =	sdelay $0x3  }
0x96: {  	_ =	strace s3  }
0x97: {  	_ =	strace $0x8FFFFFFF  }
0x98: {  	s19 =	sld [smem:$0x3FDB];
	_ =	sdelay $0x1  }
0x99: {  	s4 =	simm.s32 $_scs_section_size  }
0x9a: {  	s5 =	simm.s32 $_size__tile_overlayer_lowered;
	s6 =	simm.s32 $_tile_overlayer_lowered  }
0x9b: {  	s22 =	simm.s32 $0x1BFF;
	s21 =	sshll.u32 s6, $0x1;
	s3 =	sadd.s32 s4, s19  }
0x9c: {  	s7 =	simm.s32 $0x0;
	s20 =	sshll.u32 s5, $0x1;
	s5 =	sadd.s32 s21, s3  }
0x9d: {  	[timem:s7], [sflag:s22] =	dma.local [hbm:s5], s20  }
0x9e: {  	_ =	swait.ge [sflag:s22], s20  }
0x9f: {  	s4 =	ssub.s32 $0x0, s20;
	[sflag:s22] =	ssyncset.done $0x0  }
0xa0: {  	[sflag:s22] =	ssyncadd.s32 s4;
	_ =	sdelay $0x1  }
0xa1: {  	s23 =	simm.s32 $0x1B8B  }
0xa2: {  	_ =	swait.ge [sflag:s23], $0x1  }
0xa3: {  	[sflag:s23] =	ssyncset.done $0x0  }
0xa4: {  	s25 =	simm.s32 $0x1B8E;
	s24 =	sld [smem:$0x3FFE];
	[sflag:s23] =	ssyncadd.s32 $0xFFFFFFFF  }
0xa5: {  	s26 =	simm.s32 $execute0_lowered;
	[smem:$0x3FD2] =	sst s25  }
0xa6: {  	s5 =	sshll.u32 s26, $0x1;
	_ =	strace $0x80000046;
	[dreg:$0x1] =	wrdreg $0xFFFFFFFF  }
0xa7: {  	s28 =	simm.s32 $_size_execute0_lowered;
	s3 =	sadd.s32 s3, s5;
	[dreg:$0x0] =	wrdreg $0x0  }
0xa8: {  	s5 =	sshll.u32 s28, $0x1;
	[dreg:$0x2] =	wrdreg s3  }
0xa9: {  	[dreg:$0x3] =	wrdreg s5  }
0xaa: {  	[dreg:$0x4] =	wrdreg $0xC0  }
0xab: {  	_ =	task [dreg:s7], $0x5FFFF  }
0xac: {  	[dreg:$0x1] =	wrdreg $0xFFFFFFFF  }
0xad: {  	[dreg:$0x0] =	wrdreg $0x60  }
0xae: {  	[dreg:$0x2] =	wrdreg s2  }
0xaf: {  	[dreg:$0x3] =	wrdreg s24  }
0xb0: {  	[dreg:$0x4] =	wrdreg $0x0  }
0xb1: {  	[dreg:$0x5] =	wrdreg $0xA  }
0xb2: {  	_ =	task.clear_ibuf [dreg:s7], $0x6FFFF;
	_ =	strace $0x90000046  }
0xb3: {  	s29 =	simm.s32 $0xA;
	_ =	strace $0x80000048  }
0xb4: {  	_ =	swait.ge [sflag:s29], $0x1  }
0xb5: {  	[sflag:s29] =	ssyncadd.s32 $0xFFFFFFFF  }
0xb6: {  	_ =	strace $0x90000048  }
0xb7: {  	_ =	sfence  }
0xb8: {  	s30 =	sld [smem:$0x0];
	_ =	sdelay $0x2  }
0xb9: {  	s31 =	sshll.u32 s1, $0xD;
	s1 =	sshrl.u32 s1, $0x2  }
0xba: {  	s3 =	sand.u32 $0x4000, s31;
	s1 =	sadd.s32 s1, s30  }
0xbb: {  	s0 =	sor.u32 s3, s0;
	s1 =	sshll.u32 s1, $0x11  }
0xbc: {  	s0 =	sor.u32 s1, s0  }
0xbd: {  	s0 =	sadd.s32 $0x8F2B, s0  }
0xbe: {  	[sflag:s0] =	ssyncadd.remote.s32 $0x1  }
0xbf: {  	_ =	sfence.sel $0xFFFF  }
0xc0: {  	[dreg:$0x0] =	wrdreg $0xFFFFFFFF;
	(pc) =	sbr.abs _section_cstart, $3  }
0xc1: {  	[dreg:$0x1] =	wrdreg $0xFFFFFFFF  }
0xc2: {  	_ =	task.clear_ibuf [dreg:s7], $0x2FFFF;
	_ =	strace $0x9FFFFFFF  }
0xc3: {  	(tm) =	ssettm $0x7FFFFFFF  }
tec
execute0_lowered:
.L_overlay_start_1:
0x0: {  	(tag) =	ssettag $0x1  }
0x1: {  	s0 =	srdreg.scid;
	s1 =	rddreg [dreg:$0x0]  }
0x2: {  	s12 =	stileid.u32;
	s5 =	rddreg [dreg:$0x1]  }
0x3: {  	s3 =	rddreg [dreg:$0x2];
	s4 =	simm.s32 $0x0;
	s28 =	simm.s32 $0x50  }
0x4: {  	s29 =	simm.s32 $0x16780;
	s31 =	simm.s32 $0x19100;
	s7 =	smul.u32 $0x14000, s12  }
0x5: {  	s0 =	sand.u32 $0x1, s0;
	s2 =	sshll.u32 s12, $0x1;
	s9 =	smul.u32 $0x50000, s12  }
0x6: {  	s30 =	simm.s32 $0x4;
	s2 =	sor.u32 s0, s2;
	s6 =	smul.u32 $0x140000, s0  }
0x7: {  	[smem:$0x7FF] =	sst s4;
	s10 =	sadd.s32 $0x3800, s5;
	s2 =	smul.u32 $0x2710, s2  }
0x8: {  	s21 =	smul.u32 $0x4E20, s12;
	s12 =	simm.s32 $0x6;
	s6 =	sadd.s32 s7, s6  }
0x9: {  	s9 =	sshrl.u32 s9, $0x2;
	s2 =	sshrl.u32 s2, $0x3;
	s6 =	sshrl.u32 s6, $0x3  }
0xa: {  	s8 =	sadd.s32 s2, s5;
	s6 =	sadd.s32 s6, s5;
	s5 =	sadd.s32 s9, s3  }
0xb: {  	_ =	strace $0x80000047;
	s14 =	ssub.s32 $0x2, s0;
	s9 =	sadd.s32 $0x2800, s5  }
0xc: {  	s0 =	smul.u32 $0x2710, s0;
	s15 =	sadd.s32 $0x5000, s5;
	[dreg:$0x4] =	wrdreg s9  }
0xd: {  	s11 =	sshrl.u32 s14, $0x1;
	s16 =	sadd.s32 $0x7800, s5;
	[dreg:$0x5] =	wrdreg s15  }
0xe: {  	s7 =	ssub.s32 s14, s11;
	s17 =	sadd.s32 $0xA000, s5;
	[dreg:$0x6] =	wrdreg s16  }
0xf: {  	s0 =	sadd.s32 s0, s21;
	s18 =	sadd.s32 $0xC800, s5;
	[dreg:$0x7] =	wrdreg s17  }
0x10: {  	s11 =	simm.s32 $0x3;
	s19 =	sadd.s32 $0xF000, s5;
	[dreg:$0x8] =	wrdreg s18  }
0x11: {  	s14 =	simm.s32 $0x0;
	s20 =	sadd.s32 $0x11800, s5;
	[dreg:$0x9] =	wrdreg s19  }
0x12: {  	s13 =	sadd.s32 s10, s2;
	s8 =	sadd.s32 $0xD600, s8;
	[dreg:$0xa] =	wrdreg s20  }
0x13: {  	s26 =	sadd.s32 $0x190, s0;
	s22 =	sadd.s32 $0xA, s13;
	[dreg:$0xb] =	wrdreg s8  }
0x14: {  	s2 =	sadd.s32 $0x1E0, s0;
	s23 =	sadd.s32 $0x14, s13;
	[dreg:$0xc] =	wrdreg s22  }
0x15: {  	s0 =	sadd.s32 $0x140, s0;
	s24 =	sadd.s32 $0x1E, s13;
	[dreg:$0xd] =	wrdreg s23  }
0x16: {  	s25 =	sadd.s32 $0x4D8, s13;
	s2 =	sshrl.u32 s2, $0x3;
	[dreg:$0xe] =	wrdreg s24  }
0x17: {  	s0 =	sshrl.u32 s0, $0x3;
	[dreg:$0xf] =	wrdreg s25;
	s19 =	sadd.s32 $0x17400, s6  }
0x18: {  	s20 =	smax.u32 s7, $0x1;
	s6 =	sshrl.u32 s26, $0x3;
	s21 =	sadd.s32 s2, s10  }
0x19: {  	s23 =	sadd.s32 s0, s10;
	s24 =	simm.s32 $0x16900;
	s25 =	simm.s32 $0x8  }
0x1a: {  	s26 =	simm.s32 $0x14000;
	s2 =	simm.s32 $0x16800;
	s0 =	simm.s32 $0x1  }
0x1b: {  	s7 =	simm.s32 $0x16880;
	s8 =	simm.s32 $0x2;
	s9 =	simm.s32 $0x5  }
0x1c: {  	v0 =	vimm.f32 $0.0e+00;
	s22 =	sadd.s32 s6, s10;
	s6 =	simm.s32 $0x1B900;
	s10 =	simm.s32 $0x7  }
.LBB2_1:
0x1d: {  	s15 =	simm.s32 $0x0;
	s16 =	simm.s32 $0x200  }
.LBB2_2:
0x1e: {  	p0 =	sne.s32 s16, $0x9E00;
	[tilespmem:s15+$0x16970] =	vst v0  }
0x1f: {  	[tilespmem:s15+$0x16900] =	vst v0  }
0x20: {  	[tilespmem:s15+$0x16910] =	vst v0  }
.Ltmp0:
0x21: {  	[tilespmem:s15+$0x16920] =	vst v0;
	(pc) =	sbr.rel @p0 .LBB2_2-.Ltmp0, $4  }
0x22: {  	[tilespmem:s15+$0x16930] =	vst v0  }
0x23: {  	[tilespmem:s15+$0x16940] =	vst v0  }
0x24: {  	[tilespmem:s15+$0x16950] =	vst v0  }
0x25: {  	[tilespmem:s15+$0x16960] =	vst v0;
	s15 =	sshra.s32 s16, $0x2;
	s16 =	sadd.s32 $0x200, s16  }
0x26: {  	[tilespmem:s15+$0x16970] =	vst v0  }
0x27: {  	[tilespmem:s15+$0x16900] =	vst v0  }
0x28: {  	[tilespmem:s15+$0x16910] =	vst v0  }
0x29: {  	[tilespmem:s15+$0x16920] =	vst v0  }
0x2a: {  	[tilespmem:s15+$0x16930] =	vst v0  }
0x2b: {  	[tilespmem:s15+$0x16940] =	vst v0  }
0x2c: {  	[tilespmem:s15+$0x16950] =	vst v0  }
0x2d: {  	[tilespmem:s15+$0x16960] =	vst v0  }
0x2e: {  	[spmem:s5] =	stream.linear.scatter [tilespmem:s24], [sflag:$0x8], $0x2800, $0x38;
	[tilespmem:$0x1E100] =	vst v63  }
0x2f: {  	_ =	swait.ge [sflag:s25], $0x2800  }
0x30: {  	[sflag:s25] =	ssyncset.done $0x0  }
0x31: {  	s16 =	rddreg [dreg:$0x4];
	[sflag:s25] =	ssyncadd.s32 $0xFFFFD800  }
0x32: {  	[spmem:s16] =	stream.linear.scatter [tilespmem:s24], [sflag:$0x8], $0x2800, $0x38;
	[tilespmem:$0x1E100] =	vst v63  }
0x33: {  	_ =	swait.ge [sflag:s25], $0x2800  }
0x34: {  	[sflag:s25] =	ssyncset.done $0x0  }
0x35: {  	s17 =	rddreg [dreg:$0x5];
	[sflag:s25] =	ssyncadd.s32 $0xFFFFD800  }
0x36: {  	[spmem:s17] =	stream.linear.scatter [tilespmem:s24], [sflag:$0x8], $0x2800, $0x38;
	[tilespmem:$0x1E100] =	vst v63  }
0x37: {  	_ =	swait.ge [sflag:s25], $0x2800  }
0x38: {  	[sflag:s25] =	ssyncset.done $0x0  }
0x39: {  	s18 =	rddreg [dreg:$0x6];
	[sflag:s25] =	ssyncadd.s32 $0xFFFFD800  }
0x3a: {  	[spmem:s18] =	stream.linear.scatter [tilespmem:s24], [sflag:$0x8], $0x2800, $0x38;
	[tilespmem:$0x1E100] =	vst v63  }
0x3b: {  	_ =	swait.ge [sflag:s25], $0x2800  }
0x3c: {  	[sflag:s25] =	ssyncset.done $0x0  }
0x3d: {  	s16 =	rddreg [dreg:$0x7];
	[sflag:s25] =	ssyncadd.s32 $0xFFFFD800  }
0x3e: {  	[spmem:s16] =	stream.linear.scatter [tilespmem:s24], [sflag:$0x8], $0x2800, $0x38;
	[tilespmem:$0x1E100] =	vst v63  }
0x3f: {  	_ =	swait.ge [sflag:s25], $0x2800  }
0x40: {  	[sflag:s25] =	ssyncset.done $0x0  }
0x41: {  	s17 =	rddreg [dreg:$0x8];
	[sflag:s25] =	ssyncadd.s32 $0xFFFFD800  }
0x42: {  	[spmem:s17] =	stream.linear.scatter [tilespmem:s24], [sflag:$0x8], $0x2800, $0x38;
	[tilespmem:$0x1E100] =	vst v63  }
0x43: {  	_ =	swait.ge [sflag:s25], $0x2800  }
0x44: {  	[sflag:s25] =	ssyncset.done $0x0  }
0x45: {  	s18 =	rddreg [dreg:$0x9];
	[sflag:s25] =	ssyncadd.s32 $0xFFFFD800  }
0x46: {  	[spmem:s18] =	stream.linear.scatter [tilespmem:s24], [sflag:$0x8], $0x2800, $0x38;
	[tilespmem:$0x1E100] =	vst v63  }
0x47: {  	_ =	swait.ge [sflag:s25], $0x2800  }
0x48: {  	[sflag:s25] =	ssyncset.done $0x0  }
0x49: {  	s16 =	rddreg [dreg:$0xa];
	[sflag:s25] =	ssyncadd.s32 $0xFFFFD800  }
0x4a: {  	[spmem:s16] =	stream.linear.scatter [tilespmem:s24], [sflag:$0x8], $0x2800, $0x38;
	[tilespmem:$0x1E100] =	vst v63  }
0x4b: {  	_ =	swait.ge [sflag:s25], $0x2800  }
0x4c: {  	[sflag:s25] =	ssyncset.done $0x0  }
0x4d: {  	s15 =	simm.s32 $0x0;
	s16 =	rddreg [dreg:$0xb];
	[sflag:s25] =	ssyncadd.s32 $0xFFFFD800  }
0x4e: {  	[tilespmem:s26], [sflag:$0x8] =	stream.linear.gather [hbm4b:s16+s15], $0x2710, $0x38;
	[tilespmem:$0x1E100] =	vst v63  }
0x4f: {  	_ =	swait.ge [sflag:s25], $0x2710  }
0x50: {  	[sflag:s25] =	ssyncset.done $0x0  }
0x51: {  	[sflag:s25] =	ssyncadd.s32 $0xFFFFD8F0  }
0x52: {  	[bflag:$0x0] =	sbarrier.arrive $0xFFFF  }
0x53: {  	[tilespmem:s24], [sflag:$0x1] =	stream.indirect.gather [hbm4b:s1+s28], $0x80, s26, s28, $0xb8;
	[tilespmem:$0x1E100] =	vst v63  }
0x54: {  	_ = 	snop  }
0x55: {  	[tilespmem:s29], [sflag:$0x4] =	stream.linear.gather [hbm4b:s13+s15], $0x50, $0x38;
	[tilespmem:$0x1E100] =	vst v63  }
0x56: {  	s17 =	simm.s32 $0x14050  }
0x57: {  	[tilespmem:s31], [sflag:$0x2] =	stream.indirect.gather [hbm4b:s1+s28], $0x80, s17, s28, $0xb8;
	[tilespmem:$0x1E100] =	vst v63  }
0x58: {  	s18 =	rddreg [dreg:$0xc]  }
0x59: {  	[tilespmem:s2], [sflag:$0x5] =	stream.linear.gather [hbm4b:s18+s15], $0x50, $0x38;
	[tilespmem:$0x1E100] =	vst v63  }
0x5a: {  	_ =	swait.ge [sflag:s0], $0x2800  }
0x5b: {  	[sflag:s0] =	ssyncset.done $0x0  }
0x5c: {  	[sflag:s0] =	ssyncadd.s32 $0xFFFFD800  }
0x5d: {  	_ =	swait.ge [sflag:s30], $0x50  }
0x5e: {  	[sflag:s30] =	ssyncset.done $0x0  }
0x5f: {  	[sflag:s30] =	ssyncadd.s32 $0xFFFFFFB0  }
0x60: {  	[spmem:s3] =	stream.indirect.scatter.add.f32 [tilespmem:s24], [sflag:$0x7], $0x80, s29, s28, $0xb8;
	[tilespmem:$0x1E100] =	vst v63  }
0x61: {  	s17 =	simm.s32 $0x140A0  }
0x62: {  	[tilespmem:s6], [sflag:$0x3] =	stream.indirect.gather [hbm4b:s1+s28], $0x80, s17, s28, $0xb8;
	[tilespmem:$0x1E100] =	vst v63  }
0x63: {  	s18 =	rddreg [dreg:$0xd]  }
0x64: {  	[tilespmem:s7], [sflag:$0x6] =	stream.linear.gather [hbm4b:s18+s15], $0x50, $0x38;
	[tilespmem:$0x1E100] =	vst v63  }
0x65: {  	_ =	swait.ge [sflag:s8], $0x2800  }
0x66: {  	[sflag:s8] =	ssyncset.done $0x0  }
0x67: {  	[sflag:s8] =	ssyncadd.s32 $0xFFFFD800  }
0x68: {  	_ =	swait.ge [sflag:s9], $0x50  }
0x69: {  	[sflag:s9] =	ssyncset.done $0x0  }
0x6a: {  	[sflag:s9] =	ssyncadd.s32 $0xFFFFFFB0  }
0x6b: {  	_ =	swait.ge [sflag:s10], $0x2800  }
0x6c: {  	[sflag:s10] =	ssyncset.done $0x0  }
0x6d: {  	[sflag:s10] =	ssyncadd.s32 $0xFFFFD800  }
0x6e: {  	[spmem:s3] =	stream.indirect.scatter.add.f32 [tilespmem:s31], [sflag:$0x7], $0x80, s2, s28, $0xb8;
	[tilespmem:$0x1E100] =	vst v63  }
0x6f: {  	s17 =	simm.s32 $0x140F0  }
0x70: {  	[tilespmem:s24], [sflag:$0x1] =	stream.indirect.gather [hbm4b:s1+s28], $0x80, s17, s28, $0xb8;
	[tilespmem:$0x1E100] =	vst v63  }
0x71: {  	s18 =	rddreg [dreg:$0xe]  }
0x72: {  	[tilespmem:s29], [sflag:$0x4] =	stream.linear.gather [hbm4b:s18+s15], $0x50, $0x38;
	[tilespmem:$0x1E100] =	vst v63  }
0x73: {  	_ =	swait.ge [sflag:s11], $0x2800  }
0x74: {  	[sflag:s11] =	ssyncset.done $0x0  }
0x75: {  	[sflag:s11] =	ssyncadd.s32 $0xFFFFD800  }
0x76: {  	_ =	swait.ge [sflag:s12], $0x50  }
0x77: {  	[sflag:s12] =	ssyncset.done $0x0  }
0x78: {  	[sflag:s12] =	ssyncadd.s32 $0xFFFFFFB0  }
0x79: {  	_ =	swait.ge [sflag:s10], $0x2800  }
0x7a: {  	[sflag:s10] =	ssyncset.done $0x0  }
0x7b: {  	[sflag:s10] =	ssyncadd.s32 $0xFFFFD800  }
0x7c: {  	[spmem:s3] =	stream.indirect.scatter.add.f32 [tilespmem:s6], [sflag:$0x7], $0x80, s7, s28, $0xb8;
	[tilespmem:$0x1E100] =	vst v63  }
0x7d: {  	s17 =	simm.s32 $0x14140  }
0x7e: {  	[tilespmem:s31], [sflag:$0x2] =	stream.indirect.gather [hbm4b:s1+s28], $0x80, s17, s28, $0xb8;
	[tilespmem:$0x1E100] =	vst v63  }
0x7f: {  	s18 =	sadd.s32 $0x0, s23  }
0x80: {  	[tilespmem:s2], [sflag:$0x5] =	stream.linear.gather [hbm4b:s18+s4], $0x50, $0x38;
	[tilespmem:$0x1E100] =	vst v63  }
0x81: {  	_ =	swait.ge [sflag:s0], $0x2800  }
0x82: {  	[sflag:s0] =	ssyncset.done $0x0  }
0x83: {  	[sflag:s0] =	ssyncadd.s32 $0xFFFFD800  }
0x84: {  	_ =	swait.ge [sflag:s30], $0x50  }
0x85: {  	[sflag:s30] =	ssyncset.done $0x0  }
0x86: {  	[sflag:s30] =	ssyncadd.s32 $0xFFFFFFB0  }
0x87: {  	_ =	swait.ge [sflag:s10], $0x2800  }
0x88: {  	[sflag:s10] =	ssyncset.done $0x0  }
0x89: {  	[sflag:s10] =	ssyncadd.s32 $0xFFFFD800  }
0x8a: {  	[spmem:s3] =	stream.indirect.scatter.add.f32 [tilespmem:s24], [sflag:$0x7], $0x80, s29, s28, $0xb8;
	[tilespmem:$0x1E100] =	vst v63  }
0x8b: {  	s16 =	simm.s32 $0x14190  }
0x8c: {  	[tilespmem:s6], [sflag:$0x3] =	stream.indirect.gather [hbm4b:s1+s28], $0x80, s16, s28, $0xb8;
	[tilespmem:$0x1E100] =	vst v63  }
0x8d: {  	s17 =	sadd.s32 $0x0, s22  }
0x8e: {  	[tilespmem:s7], [sflag:$0x6] =	stream.linear.gather [hbm4b:s17+s4], $0x50, $0x38;
	[tilespmem:$0x1E100] =	vst v63  }
0x8f: {  	_ =	swait.ge [sflag:s8], $0x2800  }
0x90: {  	[sflag:s8] =	ssyncset.done $0x0  }
0x91: {  	[sflag:s8] =	ssyncadd.s32 $0xFFFFD800  }
0x92: {  	_ =	swait.ge [sflag:s9], $0x50  }
0x93: {  	[sflag:s9] =	ssyncset.done $0x0  }
0x94: {  	[sflag:s9] =	ssyncadd.s32 $0xFFFFFFB0  }
0x95: {  	_ =	swait.ge [sflag:s10], $0x2800  }
0x96: {  	[sflag:s10] =	ssyncset.done $0x0  }
0x97: {  	s15 =	simm.s32 $0x1E;
	[sflag:s10] =	ssyncadd.s32 $0xFFFFD800  }
0x98: {  	[spmem:s3] =	stream.indirect.scatter.add.f32 [tilespmem:s31], [sflag:$0x7], $0x80, s2, s28, $0xb8;
	[tilespmem:$0x1E100] =	vst v63  }
0x99: {  	s18 =	simm.s32 $0x141E0;
	s16 =	simm.s32 $0x142D0;
	s17 =	sadd.s32 $0x0, s21  }
0x9a: {  	[tilespmem:s24], [sflag:$0x1] =	stream.indirect.gather [hbm4b:s1+s28], $0x80, s18, s28, $0xb8;
	[tilespmem:$0x1E100] =	vst v63  }
.LBB2_4:
0x9b: {  	[tilespmem:s29], [sflag:$0x4] =	stream.linear.gather [hbm4b:s17+s4], $0x50, $0x38;
	[tilespmem:$0x1E100] =	vst v63  }
0x9c: {  	s17 =	smov.u32 s15  }
0x9d: {  	p0 =	sne.s32 s15, $0x492;
	s15 =	sadd.s32 $0x1E, s15;
	_ =	swait.ge [sflag:s11], $0x2800  }
0x9e: {  	[sflag:s11] =	ssyncset.done $0x0  }
0x9f: {  	[sflag:s11] =	ssyncadd.s32 $0xFFFFD800  }
0xa0: {  	_ =	swait.ge [sflag:s12], $0x50  }
0xa1: {  	[sflag:s12] =	ssyncset.done $0x0  }
0xa2: {  	[sflag:s12] =	ssyncadd.s32 $0xFFFFFFB0  }
0xa3: {  	_ =	swait.ge [sflag:s10], $0x2800  }
0xa4: {  	[sflag:s10] =	ssyncset.done $0x0  }
0xa5: {  	[sflag:s10] =	ssyncadd.s32 $0xFFFFD800  }
0xa6: {  	[spmem:s3] =	stream.indirect.scatter.add.f32 [tilespmem:s6], [sflag:$0x7], $0x80, s7, s28, $0xb8;
	[tilespmem:$0x1E100] =	vst v63  }
0xa7: {  	s18 =	sadd.s32 $0xFFFFFF60, s16  }
0xa8: {  	[tilespmem:s31], [sflag:$0x2] =	stream.indirect.gather [hbm4b:s1+s28], $0x80, s18, s28, $0xb8;
	[tilespmem:$0x1E100] =	vst v63  }
0xa9: {  	s18 =	sadd.s32 s17, s23  }
0xaa: {  	[tilespmem:s2], [sflag:$0x5] =	stream.linear.gather [hbm4b:s18+s4], $0x50, $0x38;
	[tilespmem:$0x1E100] =	vst v63  }
0xab: {  	_ =	swait.ge [sflag:s0], $0x2800  }
0xac: {  	[sflag:s0] =	ssyncset.done $0x0  }
0xad: {  	[sflag:s0] =	ssyncadd.s32 $0xFFFFD800  }
0xae: {  	_ =	swait.ge [sflag:s30], $0x50  }
0xaf: {  	[sflag:s30] =	ssyncset.done $0x0  }
0xb0: {  	[sflag:s30] =	ssyncadd.s32 $0xFFFFFFB0  }
0xb1: {  	_ =	swait.ge [sflag:s10], $0x2800  }
0xb2: {  	[sflag:s10] =	ssyncset.done $0x0  }
0xb3: {  	[sflag:s10] =	ssyncadd.s32 $0xFFFFD800  }
0xb4: {  	[spmem:s3] =	stream.indirect.scatter.add.f32 [tilespmem:s24], [sflag:$0x7], $0x80, s29, s28, $0xb8;
	[tilespmem:$0x1E100] =	vst v63  }
0xb5: {  	s18 =	sadd.s32 $0xFFFFFFB0, s16  }
0xb6: {  	[tilespmem:s6], [sflag:$0x3] =	stream.indirect.gather [hbm4b:s1+s28], $0x80, s18, s28, $0xb8;
	[tilespmem:$0x1E100] =	vst v63  }
0xb7: {  	s18 =	sadd.s32 s17, s22  }
0xb8: {  	[tilespmem:s7], [sflag:$0x6] =	stream.linear.gather [hbm4b:s18+s4], $0x50, $0x38;
	[tilespmem:$0x1E100] =	vst v63  }
0xb9: {  	_ =	swait.ge [sflag:s8], $0x2800  }
0xba: {  	[sflag:s8] =	ssyncset.done $0x0  }
0xbb: {  	[sflag:s8] =	ssyncadd.s32 $0xFFFFD800  }
0xbc: {  	_ =	swait.ge [sflag:s9], $0x50  }
0xbd: {  	[sflag:s9] =	ssyncset.done $0x0  }
0xbe: {  	[sflag:s9] =	ssyncadd.s32 $0xFFFFFFB0  }
0xbf: {  	_ =	swait.ge [sflag:s10], $0x2800  }
0xc0: {  	[sflag:s10] =	ssyncset.done $0x0  }
.Ltmp1:
0xc1: {  	[sflag:s10] =	ssyncadd.s32 $0xFFFFD800;
	(pc) =	sbr.rel @p0 .LBB2_4-.Ltmp1, $4  }
0xc2: {  	[spmem:s3] =	stream.indirect.scatter.add.f32 [tilespmem:s31], [sflag:$0x7], $0x80, s2, s28, $0xb8;
	[tilespmem:$0x1E100] =	vst v63  }
0xc3: {  	_ = 	snop  }
0xc4: {  	[tilespmem:s24], [sflag:$0x1] =	stream.indirect.gather [hbm4b:s1+s28], $0x80, s16, s28, $0xb8;
	[tilespmem:$0x1E100] =	vst v63  }
0xc5: {  	s17 =	sadd.s32 s17, s21;
	s16 =	sadd.s32 $0xF0, s16  }
0xc6: {  	[tilespmem:s29], [sflag:$0x4] =	stream.linear.gather [hbm4b:s17+s4], $0x50, $0x38;
	[tilespmem:$0x1E100] =	vst v63  }
0xc7: {  	_ =	swait.ge [sflag:s11], $0x2800  }
0xc8: {  	[sflag:s11] =	ssyncset.done $0x0  }
0xc9: {  	[sflag:s11] =	ssyncadd.s32 $0xFFFFD800  }
0xca: {  	_ =	swait.ge [sflag:s12], $0x50  }
0xcb: {  	[sflag:s12] =	ssyncset.done $0x0  }
0xcc: {  	[sflag:s12] =	ssyncadd.s32 $0xFFFFFFB0  }
0xcd: {  	_ =	swait.ge [sflag:s10], $0x2800  }
0xce: {  	[sflag:s10] =	ssyncset.done $0x0  }
0xcf: {  	[sflag:s10] =	ssyncadd.s32 $0xFFFFD800  }
0xd0: {  	[spmem:s3] =	stream.indirect.scatter.add.f32 [tilespmem:s6], [sflag:$0x7], $0x80, s7, s28, $0xb8;
	[tilespmem:$0x1E100] =	vst v63  }
0xd1: {  	s15 =	simm.s32 $0x166C0  }
0xd2: {  	[tilespmem:s31], [sflag:$0x2] =	stream.indirect.gather [hbm4b:s1+s28], $0x80, s15, s28, $0xb8;
	[tilespmem:$0x1E100] =	vst v63  }
0xd3: {  	s17 =	rddreg [dreg:$0xf]  }
0xd4: {  	[tilespmem:s2], [sflag:$0x5] =	stream.linear.gather [hbm4b:s17+s4], $0x50, $0x38;
	[tilespmem:$0x1E100] =	vst v63  }
0xd5: {  	_ =	swait.ge [sflag:s0], $0x2800  }
0xd6: {  	[sflag:s0] =	ssyncset.done $0x0  }
0xd7: {  	[sflag:s0] =	ssyncadd.s32 $0xFFFFD800  }
0xd8: {  	_ =	swait.ge [sflag:s30], $0x50  }
0xd9: {  	[sflag:s30] =	ssyncset.done $0x0  }
0xda: {  	[sflag:s30] =	ssyncadd.s32 $0xFFFFFFB0  }
0xdb: {  	_ =	swait.ge [sflag:s10], $0x2800  }
0xdc: {  	[sflag:s10] =	ssyncset.done $0x0  }
0xdd: {  	[sflag:s10] =	ssyncadd.s32 $0xFFFFD800  }
0xde: {  	[spmem:s3] =	stream.indirect.scatter.add.f32 [tilespmem:s24], [sflag:$0x7], $0x80, s29, s28, $0xb8;
	[tilespmem:$0x1E100] =	vst v63  }
0xdf: {  	_ =	swait.ge [sflag:s8], $0x2800  }
0xe0: {  	[sflag:s8] =	ssyncset.done $0x0  }
0xe1: {  	[sflag:s8] =	ssyncadd.s32 $0xFFFFD800  }
0xe2: {  	_ =	swait.ge [sflag:s9], $0x50  }
0xe3: {  	[sflag:s9] =	ssyncset.done $0x0  }
0xe4: {  	[sflag:s9] =	ssyncadd.s32 $0xFFFFFFB0  }
0xe5: {  	_ =	swait.ge [sflag:s10], $0x2800  }
0xe6: {  	[sflag:s10] =	ssyncset.done $0x0  }
0xe7: {  	[sflag:s10] =	ssyncadd.s32 $0xFFFFD800  }
0xe8: {  	[spmem:s3] =	stream.indirect.scatter.add.f32 [tilespmem:s31], [sflag:$0x7], $0x80, s2, s28, $0xb8;
	[tilespmem:$0x1E100] =	vst v63  }
0xe9: {  	s18 =	stileid.u32;
	_ =	swait.ge [sflag:s10], $0x2800  }
0xea: {  	s16 =	sshrl.u32 s5, $0x3;
	s14 =	sadd.s32 $0x1, s14;
	[sflag:s10] =	ssyncset.done $0x0  }
0xeb: {  	p0 =	sne.s32 s14, s20;
	s15 =	sshll.u32 s18, $0x6;
	[sflag:s10] =	ssyncadd.s32 $0xFFFFD800  }
.Ltmp2:
0xec: {  	s15 =	sor.u32 $0x1C08, s15;
	[bflag:$0x0] =	sbarrier.arrive $0xFFFF;
	(pc) =	sbr.rel @p0 .LBB2_1-.Ltmp2, $4  }
0xed: {  	[hbm:s19], [sflag:s15] =	dma.local [spmem:s16], $0x2800  }
0xee: {  	_ =	swait.ge [sflag:s25], $0x2800  }
0xef: {  	[sflag:s25] =	ssyncset.done $0x0  }
0xf0: {  	[sflag:s25] =	ssyncadd.s32 $0xFFFFD800  }
0xf1: {  	_ =	sfence.sel $0x180000  }
0xf2: {  	[bflag:$0x0] =	sbarrier.arrive $0xFFFF  }
0xf3: {  	_ =	strace $0x90000047  }
0xf4: {  	s0 =	stileid.u32;
	[bflag:$0x2] =	sbarrier.arrive $0xFFFF  }
0xf5: {  	p0 =	sne.s32 s0, $0x0;
	s0 =	rddreg [dreg:$0x3]  }
0xf6: {  	s0 =	sadd.s32 @!p0 $0x100000, s0  }
0xf7: {  	[sflag:s0] =	ssyncadd.tile.s32 @!p0 $0x1;
	_ =	shalt  }
.Lfunc_end2:
_tile_overlayer_lowered:
.L_overlay_start_2:
0xf8: {  	(tag) =	ssettag $0x2  }
0xf9: {  	s0 =	rddreg [dreg:$0x0];
	s2 =	stileid.u32  }
0xfa: {  	s1 =	rddreg [dreg:$0x1];
	p0 =	sne.s32 s2, $0x0  }
0xfb: {  	s3 =	rddreg [dreg:$0x2];
	[bflag:$0x3] =	sbarrier.arrive $0xFFFF;
	s2 =	simm.s32 @!p0 $0x1C08  }
0xfc: {  	[timem:s3], [sflag:s2] =	dma.local @!p0 [hbm:s0], s1  }
0xfd: {  	s0 =	simm.s32 @!p0 $0x8  }
0xfe: {  	_ =	swait.ge @!p0 [sflag:s0], s1  }
0xff: {  	s1 =	ssub.s32 @!p0 $0x0, s1;
	[sflag:s0] =	ssyncset.done @!p0 $0x0  }
0x100: {  	[sflag:s0] =	ssyncadd.s32 @!p0 s1  }
0x101: {  	[bflag:$0x3] =	sbarrier.arrive $0xFFFF  }
0x102: {  	_ =	shalt  }

// kernel: kernel.15.cloned.1.call-start
scs
__scs_entry_jumppad:
0x0: {  	(pc) =	sbr.rel $0x88, $3  }
0x1: {  	(tag) =	ssettag $0x0;
	lr =	simm.s32 $0x1  }
0x2: {  	[smem:$0x3F8E] =	sst lr;
	_ =	strace $0xD0000000  }
0x3: {  	_ = 	snop  }
0x4: {  	_ = 	snop  }
0x5: {  	_ = 	snop  }
0x6: {  	_ = 	snop  }
0x7: {  	_ = 	snop  }
__scs_overlays_trampoline_lowered:
0x8: {  	[smem:$0x3F9D] =	sst s0  }
0x9: {  	[smem:$0x3F9E] =	sst s1  }
0xa: {  	[smem:$0x3F9F] =	sst s2  }
0xb: {  	[smem:$0x3FA0] =	sst s3  }
0xc: {  	[smem:$0x3FA1] =	sst s4  }
0xd: {  	[smem:$0x3FA2] =	sst s5  }
0xe: {  	[smem:$0x3FA3] =	sst s6  }
0xf: {  	[smem:$0x3FA4] =	sst s7  }
0x10: {  	[smem:$0x3FA5] =	sst s8  }
0x11: {  	[smem:$0x3FA6] =	sst s9;
	s0 =	simm.s32 @!p0 $0x0  }
0x12: {  	s1 =	sld [smem:$0x3F8C];
	s0 =	simm.s32 @p0 $0x1  }
0x13: {  	[smem:$0x3FA7] =	sst s0;
	s0 =	simm.s32 @!p1 $0x0  }
0x14: {  	s2 =	sld [smem:$0x3F8B];
	s0 =	simm.s32 @p1 $0x1  }
0x15: {  	[smem:$0x3FA8] =	sst s0;
	s0 =	simm.s32 @!p2 $0x0  }
0x16: {  	s3 =	sld [smem:$0x3FDB];
	s0 =	simm.s32 @p2 $0x1  }
0x17: {  	s4 =	simm.s32 $0x1BF5;
	[smem:$0x3FAA] =	sst s0  }
0x18: {  	s0 =	sld [smem:$0x3F8D];
	_ =	swait.ge [sflag:s4], $0x0  }
0x19: {  	s7 =	sld [smem:$0x3F8E]  }
0x1a: {  	s8 =	sadd.s32 $0xFFFFE003, lr  }
0x1b: {  	s9 =	sadd.s32 $0xFFFFFEF7, lr;
	s5 =	simm.s32 $0xFFFFFFFF;
	p2 =	slt.u32 s8, $0xFFFFF086  }
0x1c: {  	p1 =	slt.u32 s9, $0xF7A;
	s5 =	simm.s32 @!p2 $0x0  }
0x1d: {  	s5 =	simm.s32 @p1 $0x1;
	p0 =	seq.s32 s7, s2  }
0x1e: {  	s7 =	smul.u32 @!p0 $0xF7A, s2;
	p2 =	seq.s32 @!p0 s5, $0x0  }
0x1f: {  	s9 =	smul.u32 $0xF7A, s1;
	s8 =	simm.s32 @!p0 $0x1BF5;
	p2 =	por !p2, p0  }
0x20: {  	[sflag:s8] =	ssyncset.s32 @!p0 $0xFFFFF086;
	s6 =	sadd.s32 @!p0 s3, s7;
	s7 =	simm.s32 @!p0 $0x108  }
0x21: {  	s3 =	sadd.s32 s3, s9;
	s6 =	sadd.s32 @!p0 $0x88, s6;
	s7 =	simm.s32 @p2 $0x1082  }
0x22: {  	[simem:s7], [sflag:s8] =	dma.local @!p0 [hbm:s6], $0xF7A  }
0x23: {  	s9 =	sor.u32 $0xD0000000, s2;
	s6 =	simm.s32 $0x108;
	_ =	swait.ge @!p0 [sflag:s8], $0x0  }
0x24: {  	s3 =	sadd.s32 $0x88, s3;
	s6 =	simm.s32 @!p1 $0x1082;
	[sflag:s4] =	ssyncset.s32 $0xFFFFF086  }
0x25: {  	[simem:s6], [sflag:s4] =	dma.local [hbm:s3], $0xF7A  }
0x26: {  	[smem:$0x3F8E] =	sst s1;
	(tag) =	ssettag s2;
	_ =	strace s9  }
0x27: {  	s1 =	sld [smem:$0x3F9E]  }
0x28: {  	s2 =	sld [smem:$0x3F9F]  }
0x29: {  	s4 =	sld [smem:$0x3FA1]  }
0x2a: {  	p0 =	seq.s32 s5, $0x0;
	s5 =	sld [smem:$0x3FA2]  }
0x2b: {  	s6 =	sld [smem:$0x3FA3]  }
0x2c: {  	s7 =	sld [smem:$0x3FA4]  }
0x2d: {  	s3 =	simm.s32 $0x108;
	s8 =	sld [smem:$0x3FA5]  }
0x2e: {  	s3 =	simm.s32 @!p0 $0x1082;
	s9 =	sld [smem:$0x3FA6]  }
0x2f: {  	lr =	sadd.s32 s0, s3;
	s0 =	sld [smem:$0x3F9D]  }
0x30: {  	s3 =	sld [smem:$0x3FA0]  }
0x31: {  	[smem:$0x3FA9] =	sst s10  }
0x32: {  	s10 =	sld [smem:$0x3FA7];
	_ =	sdelay $0x3  }
0x33: {  	p0 =	seq.s32 s10, $0x1;
	s10 =	sld [smem:$0x3FA9];
	_ =	sdelay $0x3  }
0x34: {  	[smem:$0x3FA9] =	sst s10  }
0x35: {  	s10 =	sld [smem:$0x3FA8];
	_ =	sdelay $0x3  }
0x36: {  	p1 =	seq.s32 s10, $0x1;
	s10 =	sld [smem:$0x3FA9];
	_ =	sdelay $0x3  }
0x37: {  	[smem:$0x3FA9] =	sst s10  }
0x38: {  	s10 =	sld [smem:$0x3FAA]  }
0x39: {  	_ = 	snop;
	(pc) =	sbr.ind lr, $3  }
0x3a: {  	_ = 	snop  }
0x3b: {  	_ = 	snop  }
0x3c: {  	p2 =	seq.s32 s10, $0x1;
	s10 =	sld [smem:$0x3FA9]  }
0x3d: {  	_ =	shalt  }
0x3e: {  	_ =	shalt  }
0x3f: {  	_ =	shalt  }
0x40: {  	_ =	shalt  }
0x41: {  	_ =	shalt  }
0x42: {  	_ =	shalt  }
0x43: {  	_ =	shalt  }
0x44: {  	_ =	shalt  }
0x45: {  	_ =	shalt  }
0x46: {  	_ =	shalt  }
0x47: {  	_ =	shalt  }
0x48: {  	_ =	shalt  }
0x49: {  	_ =	shalt  }
0x4a: {  	_ =	shalt  }
0x4b: {  	_ =	shalt  }
0x4c: {  	_ =	shalt  }
0x4d: {  	_ =	shalt  }
0x4e: {  	_ =	shalt  }
0x4f: {  	_ =	shalt  }
0x50: {  	_ =	shalt  }
0x51: {  	_ =	shalt  }
0x52: {  	_ =	shalt  }
0x53: {  	_ =	shalt  }
0x54: {  	_ =	shalt  }
0x55: {  	_ =	shalt  }
0x56: {  	_ =	shalt  }
0x57: {  	_ =	shalt  }
0x58: {  	_ =	shalt  }
0x59: {  	_ =	shalt  }
0x5a: {  	_ =	shalt  }
0x5b: {  	_ =	shalt  }
0x5c: {  	_ =	shalt  }
0x5d: {  	_ =	shalt  }
0x5e: {  	_ =	shalt  }
0x5f: {  	_ =	shalt  }
0x60: {  	_ =	shalt  }
0x61: {  	_ =	shalt  }
0x62: {  	_ =	shalt  }
0x63: {  	_ =	shalt  }
0x64: {  	_ =	shalt  }
0x65: {  	_ =	shalt  }
0x66: {  	_ =	shalt  }
0x67: {  	_ =	shalt  }
0x68: {  	_ =	shalt  }
0x69: {  	_ =	shalt  }
0x6a: {  	_ =	shalt  }
0x6b: {  	_ =	shalt  }
0x6c: {  	_ =	shalt  }
0x6d: {  	_ =	shalt  }
0x6e: {  	_ =	shalt  }
0x6f: {  	_ =	shalt  }
0x70: {  	_ =	shalt  }
0x71: {  	_ =	shalt  }
0x72: {  	_ =	shalt  }
0x73: {  	_ =	shalt  }
0x74: {  	_ =	shalt  }
0x75: {  	_ =	shalt  }
0x76: {  	_ =	shalt  }
0x77: {  	_ =	shalt  }
0x78: {  	_ =	shalt  }
0x79: {  	_ =	shalt  }
0x7a: {  	_ =	shalt  }
0x7b: {  	_ =	shalt  }
0x7c: {  	_ =	shalt  }
0x7d: {  	_ =	shalt  }
0x7e: {  	_ =	shalt  }
0x7f: {  	_ =	shalt  }
0x80: {  	_ =	shalt  }
0x81: {  	_ =	shalt  }
0x82: {  	_ =	shalt  }
0x83: {  	_ =	shalt  }
0x84: {  	_ =	shalt  }
0x85: {  	_ =	shalt  }
0x86: {  	_ =	shalt  }
0x87: {  	_ =	shalt  }
.Lfunc_end0:
.L_simem_size_0:
called_computation.2_lowered:
.L_overlay_start_0:
0x88: {  	s2 =	sld [smem:$0x3FD9]  }
0x89: {  	s3 =	sld [smem:$0x3FFE];
	_ =	sdelay $0x1  }
0x8a: {  	s1 =	srdreg.scid  }
0x8b: {  	s0 =	sand.u32 $0x1, s1  }
0x8c: {  	s16 =	sshll.u32 s0, $0xA;
	s2 =	sadd.s32 s3, s2  }
0x8d: {  	s2 =	sadd.s32 s2, s16  }
0x8e: {  	[smem:$0x3FB5] =	sst s2  }
0x8f: {  	_ = 	snop  }
0x90: {  	(tm) =	ssettm $0x1  }
0x91: {  	s17 =	sld [smem:$0x3FFB];
	_ =	sdelay $0x3  }
0x92: {  	_ =	strace s17  }
0x93: {  	s2 =	sld [smem:$0x3FFC];
	_ =	sdelay $0x3  }
0x94: {  	_ =	strace s2  }
0x95: {  	s2 =	sld [smem:$0x3FFD];
	_ =	sdelay $0x3  }
0x96: {  	_ =	strace s2  }
0x97: {  	_ =	strace $0x8FFFFFFF  }
0x98: {  	s18 =	sld [smem:$0x3FDB];
	_ =	sdelay $0x1  }
0x99: {  	s19 =	simm.s32 $_scs_section_size  }
0x9a: {  	s4 =	simm.s32 $_size__tile_overlayer_lowered;
	s5 =	simm.s32 $_tile_overlayer_lowered  }
0x9b: {  	s22 =	simm.s32 $0x1BFF;
	s21 =	sshll.u32 s5, $0x1;
	s2 =	sadd.s32 s19, s18  }
0x9c: {  	s6 =	simm.s32 $0x0;
	s20 =	sshll.u32 s4, $0x1;
	s4 =	sadd.s32 s21, s2  }
0x9d: {  	[timem:s6], [sflag:s22] =	dma.local [hbm:s4], s20  }
0x9e: {  	_ =	swait.ge [sflag:s22], s20  }
0x9f: {  	s3 =	ssub.s32 $0x0, s20;
	[sflag:s22] =	ssyncset.done $0x0  }
0xa0: {  	[sflag:s22] =	ssyncadd.s32 s3;
	_ =	sdelay $0x1  }
0xa1: {  	s23 =	simm.s32 $0x1B8B  }
0xa2: {  	_ =	swait.ge [sflag:s23], $0x1  }
0xa3: {  	[sflag:s23] =	ssyncset.done $0x0  }
0xa4: {  	s25 =	simm.s32 $0x1B8E;
	s24 =	sld [smem:$0x3FFE];
	[sflag:s23] =	ssyncadd.s32 $0xFFFFFFFF  }
0xa5: {  	s26 =	simm.s32 $execute0_lowered;
	[smem:$0x3FD2] =	sst s25  }
0xa6: {  	s4 =	sshll.u32 s26, $0x1;
	_ =	strace $0x8000004C;
	[dreg:$0x1] =	wrdreg $0xFFFFFFFF  }
0xa7: {  	s28 =	simm.s32 $_size_execute0_lowered;
	s2 =	sadd.s32 s2, s4;
	[dreg:$0x0] =	wrdreg $0x0  }
0xa8: {  	s4 =	sshll.u32 s28, $0x1;
	[dreg:$0x2] =	wrdreg s2  }
0xa9: {  	[dreg:$0x3] =	wrdreg s4  }
0xaa: {  	[dreg:$0x4] =	wrdreg $0xC0  }
0xab: {  	_ =	task [dreg:s6], $0x5FFFF  }
0xac: {  	[dreg:$0x1] =	wrdreg $0xFFFFFFFF  }
0xad: {  	[dreg:$0x0] =	wrdreg $0x60  }
0xae: {  	[dreg:$0x2] =	wrdreg s24  }
0xaf: {  	[dreg:$0x3] =	wrdreg $0x0  }
0xb0: {  	[dreg:$0x4] =	wrdreg $0x9  }
0xb1: {  	_ =	task.clear_ibuf [dreg:s6], $0x5FFFF;
	_ =	strace $0x9000004C  }
0xb2: {  	s29 =	simm.s32 $0x9;
	_ =	strace $0x8000004E  }
0xb3: {  	_ =	swait.ge [sflag:s29], $0x1  }
0xb4: {  	[sflag:s29] =	ssyncadd.s32 $0xFFFFFFFF  }
0xb5: {  	_ =	strace $0x9000004E  }
0xb6: {  	_ =	sfence  }
0xb7: {  	s30 =	sld [smem:$0x0];
	_ =	sdelay $0x2  }
0xb8: {  	s31 =	sshll.u32 s1, $0xD;
	s1 =	sshrl.u32 s1, $0x2  }
0xb9: {  	s3 =	sand.u32 $0x4000, s31;
	s1 =	sadd.s32 s1, s30  }
0xba: {  	s0 =	sor.u32 s3, s0;
	s1 =	sshll.u32 s1, $0x11  }
0xbb: {  	s0 =	sor.u32 s1, s0  }
0xbc: {  	s0 =	sadd.s32 $0x8F2B, s0  }
0xbd: {  	[sflag:s0] =	ssyncadd.remote.s32 $0x1  }
0xbe: {  	_ =	sfence.sel $0xFFFF  }
0xbf: {  	[dreg:$0x0] =	wrdreg $0xFFFFFFFF;
	(pc) =	sbr.abs _section_cstart, $3  }
0xc0: {  	[dreg:$0x1] =	wrdreg $0xFFFFFFFF  }
0xc1: {  	_ =	task.clear_ibuf [dreg:s6], $0x2FFFF;
	_ =	strace $0x9FFFFFFF  }
0xc2: {  	(tm) =	ssettm $0x7FFFFFFF  }
0xc3: {  	_ =	shalt  }
tec
execute0_lowered:
.L_overlay_start_1:
0x0: {  	(tag) =	ssettag $0x1  }
0x1: {  	s0 =	srdreg.scid;
	s1 =	rddreg [dreg:$0x0]  }
0x2: {  	s12 =	stileid.u32;
	s2 =	rddreg [dreg:$0x1]  }
0x3: {  	s28 =	simm.s32 $0x50;
	s29 =	simm.s32 $0x16780;
	s7 =	smul.u32 $0x14000, s12  }
0x4: {  	s31 =	simm.s32 $0x19100;
	s30 =	simm.s32 $0x4;
	s9 =	smul.u32 $0x50000, s12  }
0x5: {  	s0 =	sand.u32 $0x1, s0;
	s3 =	sshll.u32 s12, $0x1;
	s21 =	smul.u32 $0x4E20, s12  }
0x6: {  	s10 =	sadd.s32 $0x3800, s1;
	s4 =	sor.u32 s0, s3;
	s5 =	smul.u32 $0x140000, s0  }
0x7: {  	s12 =	simm.s32 $0x6;
	s3 =	simm.s32 $0x0;
	s4 =	smul.u32 $0x2710, s4  }
0x8: {  	s14 =	ssub.s32 $0x2, s0;
	s9 =	sshrl.u32 s9, $0x2;
	s5 =	sadd.s32 s7, s5  }
0x9: {  	s6 =	sshrl.u32 s4, $0x3;
	s4 =	sadd.s32 $0x17400, s1;
	s5 =	sshrl.u32 s5, $0x3  }
0xa: {  	s8 =	sadd.s32 s6, s1;
	s1 =	sadd.s32 s5, s1;
	s5 =	sadd.s32 s9, s2  }
0xb: {  	s0 =	smul.u32 $0x2710, s0;
	[smem:$0x7FF] =	sst s3;
	s9 =	sadd.s32 $0x2800, s5  }
0xc: {  	_ =	strace $0x8000004D;
	s15 =	sadd.s32 $0x5000, s5;
	[dreg:$0x3] =	wrdreg s9  }
0xd: {  	s11 =	sshrl.u32 s14, $0x1;
	s16 =	sadd.s32 $0x7800, s5;
	[dreg:$0x4] =	wrdreg s15  }
0xe: {  	s7 =	ssub.s32 s14, s11;
	s17 =	sadd.s32 $0xA000, s5;
	[dreg:$0x5] =	wrdreg s16  }
0xf: {  	s0 =	sadd.s32 s0, s21;
	s18 =	sadd.s32 $0xC800, s5;
	[dreg:$0x6] =	wrdreg s17  }
0x10: {  	s11 =	simm.s32 $0x3;
	s19 =	sadd.s32 $0xF000, s5;
	[dreg:$0x7] =	wrdreg s18  }
0x11: {  	s14 =	simm.s32 $0x0;
	s20 =	sadd.s32 $0x11800, s5;
	[dreg:$0x8] =	wrdreg s19  }
0x12: {  	s13 =	sadd.s32 s10, s6;
	s8 =	sadd.s32 $0xD600, s8;
	[dreg:$0x9] =	wrdreg s20  }
0x13: {  	s26 =	sadd.s32 $0x1E0, s0;
	s22 =	sadd.s32 $0xA, s13;
	[dreg:$0xa] =	wrdreg s8  }
0x14: {  	s6 =	sadd.s32 $0x190, s0;
	s23 =	sadd.s32 $0x14, s13;
	[dreg:$0xb] =	wrdreg s22  }
0x15: {  	s0 =	sadd.s32 $0x140, s0;
	s24 =	sadd.s32 $0x1E, s13;
	[dreg:$0xc] =	wrdreg s23  }
0x16: {  	s25 =	sadd.s32 $0x4D8, s13;
	s6 =	sshrl.u32 s6, $0x3;
	[dreg:$0xd] =	wrdreg s24  }
0x17: {  	s0 =	sshrl.u32 s0, $0x3;
	[dreg:$0xe] =	wrdreg s25;
	s19 =	sadd.s32 $0xB7400, s1  }
0x18: {  	s20 =	smax.u32 s7, $0x1;
	s1 =	sshrl.u32 s26, $0x3;
	s22 =	sadd.s32 s6, s10  }
0x19: {  	s23 =	sadd.s32 s0, s10;
	s24 =	simm.s32 $0x16900;
	s25 =	simm.s32 $0x8  }
0x1a: {  	s26 =	simm.s32 $0x14000;
	s0 =	simm.s32 $0x1;
	s6 =	simm.s32 $0x1B900  }
0x1b: {  	s7 =	simm.s32 $0x16880;
	s8 =	simm.s32 $0x2;
	s9 =	simm.s32 $0x5  }
0x1c: {  	v0 =	vimm.f32 $0.0e+00;
	s21 =	sadd.s32 s1, s10;
	s1 =	simm.s32 $0x16800;
	s10 =	simm.s32 $0x7  }
.LBB2_1:
0x1d: {  	s15 =	simm.s32 $0x0;
	s16 =	simm.s32 $0x200  }
.LBB2_2:
0x1e: {  	p0 =	sne.s32 s16, $0x9E00;
	[tilespmem:s15+$0x16970] =	vst v0  }
0x1f: {  	[tilespmem:s15+$0x16900] =	vst v0  }
0x20: {  	[tilespmem:s15+$0x16910] =	vst v0  }
.Ltmp0:
0x21: {  	[tilespmem:s15+$0x16920] =	vst v0;
	(pc) =	sbr.rel @p0 .LBB2_2-.Ltmp0, $4  }
0x22: {  	[tilespmem:s15+$0x16930] =	vst v0  }
0x23: {  	[tilespmem:s15+$0x16940] =	vst v0  }
0x24: {  	[tilespmem:s15+$0x16950] =	vst v0  }
0x25: {  	[tilespmem:s15+$0x16960] =	vst v0;
	s15 =	sshra.s32 s16, $0x2;
	s16 =	sadd.s32 $0x200, s16  }
0x26: {  	[tilespmem:s15+$0x16970] =	vst v0  }
0x27: {  	[tilespmem:s15+$0x16900] =	vst v0  }
0x28: {  	[tilespmem:s15+$0x16910] =	vst v0  }
0x29: {  	[tilespmem:s15+$0x16920] =	vst v0  }
0x2a: {  	[tilespmem:s15+$0x16930] =	vst v0  }
0x2b: {  	[tilespmem:s15+$0x16940] =	vst v0  }
0x2c: {  	[tilespmem:s15+$0x16950] =	vst v0  }
0x2d: {  	[tilespmem:s15+$0x16960] =	vst v0  }
0x2e: {  	[spmem:s5] =	stream.linear.scatter [tilespmem:s24], [sflag:$0x8], $0x2800, $0x38;
	[tilespmem:$0x1E100] =	vst v63  }
0x2f: {  	_ =	swait.ge [sflag:s25], $0x2800  }
0x30: {  	[sflag:s25] =	ssyncset.done $0x0  }
0x31: {  	s16 =	rddreg [dreg:$0x3];
	[sflag:s25] =	ssyncadd.s32 $0xFFFFD800  }
0x32: {  	[spmem:s16] =	stream.linear.scatter [tilespmem:s24], [sflag:$0x8], $0x2800, $0x38;
	[tilespmem:$0x1E100] =	vst v63  }
0x33: {  	_ =	swait.ge [sflag:s25], $0x2800  }
0x34: {  	[sflag:s25] =	ssyncset.done $0x0  }
0x35: {  	s17 =	rddreg [dreg:$0x4];
	[sflag:s25] =	ssyncadd.s32 $0xFFFFD800  }
0x36: {  	[spmem:s17] =	stream.linear.scatter [tilespmem:s24], [sflag:$0x8], $0x2800, $0x38;
	[tilespmem:$0x1E100] =	vst v63  }
0x37: {  	_ =	swait.ge [sflag:s25], $0x2800  }
0x38: {  	[sflag:s25] =	ssyncset.done $0x0  }
0x39: {  	s18 =	rddreg [dreg:$0x5];
	[sflag:s25] =	ssyncadd.s32 $0xFFFFD800  }
0x3a: {  	[spmem:s18] =	stream.linear.scatter [tilespmem:s24], [sflag:$0x8], $0x2800, $0x38;
	[tilespmem:$0x1E100] =	vst v63  }
0x3b: {  	_ =	swait.ge [sflag:s25], $0x2800  }
0x3c: {  	[sflag:s25] =	ssyncset.done $0x0  }
0x3d: {  	s16 =	rddreg [dreg:$0x6];
	[sflag:s25] =	ssyncadd.s32 $0xFFFFD800  }
0x3e: {  	[spmem:s16] =	stream.linear.scatter [tilespmem:s24], [sflag:$0x8], $0x2800, $0x38;
	[tilespmem:$0x1E100] =	vst v63  }
0x3f: {  	_ =	swait.ge [sflag:s25], $0x2800  }
0x40: {  	[sflag:s25] =	ssyncset.done $0x0  }
0x41: {  	s17 =	rddreg [dreg:$0x7];
	[sflag:s25] =	ssyncadd.s32 $0xFFFFD800  }
0x42: {  	[spmem:s17] =	stream.linear.scatter [tilespmem:s24], [sflag:$0x8], $0x2800, $0x38;
	[tilespmem:$0x1E100] =	vst v63  }
0x43: {  	_ =	swait.ge [sflag:s25], $0x2800  }
0x44: {  	[sflag:s25] =	ssyncset.done $0x0  }
0x45: {  	s18 =	rddreg [dreg:$0x8];
	[sflag:s25] =	ssyncadd.s32 $0xFFFFD800  }
0x46: {  	[spmem:s18] =	stream.linear.scatter [tilespmem:s24], [sflag:$0x8], $0x2800, $0x38;
	[tilespmem:$0x1E100] =	vst v63  }
0x47: {  	_ =	swait.ge [sflag:s25], $0x2800  }
0x48: {  	[sflag:s25] =	ssyncset.done $0x0  }
0x49: {  	s16 =	rddreg [dreg:$0x9];
	[sflag:s25] =	ssyncadd.s32 $0xFFFFD800  }
0x4a: {  	[spmem:s16] =	stream.linear.scatter [tilespmem:s24], [sflag:$0x8], $0x2800, $0x38;
	[tilespmem:$0x1E100] =	vst v63  }
0x4b: {  	_ =	swait.ge [sflag:s25], $0x2800  }
0x4c: {  	[sflag:s25] =	ssyncset.done $0x0  }
0x4d: {  	s15 =	simm.s32 $0x0;
	s16 =	rddreg [dreg:$0xa];
	[sflag:s25] =	ssyncadd.s32 $0xFFFFD800  }
0x4e: {  	[tilespmem:s26], [sflag:$0x8] =	stream.linear.gather [hbm4b:s16+s15], $0x2710, $0x38;
	[tilespmem:$0x1E100] =	vst v63  }
0x4f: {  	_ =	swait.ge [sflag:s25], $0x2710  }
0x50: {  	[sflag:s25] =	ssyncset.done $0x0  }
0x51: {  	[sflag:s25] =	ssyncadd.s32 $0xFFFFD8F0  }
0x52: {  	[bflag:$0x0] =	sbarrier.arrive $0xFFFF  }
0x53: {  	[tilespmem:s24], [sflag:$0x1] =	stream.indirect.gather [hbm4b:s4+s28], $0x80, s26, s28, $0xb8;
	[tilespmem:$0x1E100] =	vst v63  }
0x54: {  	_ = 	snop  }
0x55: {  	[tilespmem:s29], [sflag:$0x4] =	stream.linear.gather [hbm4b:s13+s15], $0x50, $0x38;
	[tilespmem:$0x1E100] =	vst v63  }
0x56: {  	s17 =	simm.s32 $0x14050  }
0x57: {  	[tilespmem:s31], [sflag:$0x2] =	stream.indirect.gather [hbm4b:s4+s28], $0x80, s17, s28, $0xb8;
	[tilespmem:$0x1E100] =	vst v63  }
0x58: {  	s18 =	rddreg [dreg:$0xb]  }
0x59: {  	[tilespmem:s1], [sflag:$0x5] =	stream.linear.gather [hbm4b:s18+s15], $0x50, $0x38;
	[tilespmem:$0x1E100] =	vst v63  }
0x5a: {  	_ =	swait.ge [sflag:s0], $0x2800  }
0x5b: {  	[sflag:s0] =	ssyncset.done $0x0  }
0x5c: {  	[sflag:s0] =	ssyncadd.s32 $0xFFFFD800  }
0x5d: {  	_ =	swait.ge [sflag:s30], $0x50  }
0x5e: {  	[sflag:s30] =	ssyncset.done $0x0  }
0x5f: {  	[sflag:s30] =	ssyncadd.s32 $0xFFFFFFB0  }
0x60: {  	[spmem:s2] =	stream.indirect.scatter.add.f32 [tilespmem:s24], [sflag:$0x7], $0x80, s29, s28, $0xb8;
	[tilespmem:$0x1E100] =	vst v63  }
0x61: {  	s17 =	simm.s32 $0x140A0  }
0x62: {  	[tilespmem:s6], [sflag:$0x3] =	stream.indirect.gather [hbm4b:s4+s28], $0x80, s17, s28, $0xb8;
	[tilespmem:$0x1E100] =	vst v63  }
0x63: {  	s18 =	rddreg [dreg:$0xc]  }
0x64: {  	[tilespmem:s7], [sflag:$0x6] =	stream.linear.gather [hbm4b:s18+s15], $0x50, $0x38;
	[tilespmem:$0x1E100] =	vst v63  }
0x65: {  	_ =	swait.ge [sflag:s8], $0x2800  }
0x66: {  	[sflag:s8] =	ssyncset.done $0x0  }
0x67: {  	[sflag:s8] =	ssyncadd.s32 $0xFFFFD800  }
0x68: {  	_ =	swait.ge [sflag:s9], $0x50  }
0x69: {  	[sflag:s9] =	ssyncset.done $0x0  }
0x6a: {  	[sflag:s9] =	ssyncadd.s32 $0xFFFFFFB0  }
0x6b: {  	_ =	swait.ge [sflag:s10], $0x2800  }
0x6c: {  	[sflag:s10] =	ssyncset.done $0x0  }
0x6d: {  	[sflag:s10] =	ssyncadd.s32 $0xFFFFD800  }
0x6e: {  	[spmem:s2] =	stream.indirect.scatter.add.f32 [tilespmem:s31], [sflag:$0x7], $0x80, s1, s28, $0xb8;
	[tilespmem:$0x1E100] =	vst v63  }
0x6f: {  	s17 =	simm.s32 $0x140F0  }
0x70: {  	[tilespmem:s24], [sflag:$0x1] =	stream.indirect.gather [hbm4b:s4+s28], $0x80, s17, s28, $0xb8;
	[tilespmem:$0x1E100] =	vst v63  }
0x71: {  	s18 =	rddreg [dreg:$0xd]  }
0x72: {  	[tilespmem:s29], [sflag:$0x4] =	stream.linear.gather [hbm4b:s18+s15], $0x50, $0x38;
	[tilespmem:$0x1E100] =	vst v63  }
0x73: {  	_ =	swait.ge [sflag:s11], $0x2800  }
0x74: {  	[sflag:s11] =	ssyncset.done $0x0  }
0x75: {  	[sflag:s11] =	ssyncadd.s32 $0xFFFFD800  }
0x76: {  	_ =	swait.ge [sflag:s12], $0x50  }
0x77: {  	[sflag:s12] =	ssyncset.done $0x0  }
0x78: {  	[sflag:s12] =	ssyncadd.s32 $0xFFFFFFB0  }
0x79: {  	_ =	swait.ge [sflag:s10], $0x2800  }
0x7a: {  	[sflag:s10] =	ssyncset.done $0x0  }
0x7b: {  	[sflag:s10] =	ssyncadd.s32 $0xFFFFD800  }
0x7c: {  	[spmem:s2] =	stream.indirect.scatter.add.f32 [tilespmem:s6], [sflag:$0x7], $0x80, s7, s28, $0xb8;
	[tilespmem:$0x1E100] =	vst v63  }
0x7d: {  	s17 =	simm.s32 $0x14140  }
0x7e: {  	[tilespmem:s31], [sflag:$0x2] =	stream.indirect.gather [hbm4b:s4+s28], $0x80, s17, s28, $0xb8;
	[tilespmem:$0x1E100] =	vst v63  }
0x7f: {  	s18 =	sadd.s32 $0x0, s23  }
0x80: {  	[tilespmem:s1], [sflag:$0x5] =	stream.linear.gather [hbm4b:s18+s3], $0x50, $0x38;
	[tilespmem:$0x1E100] =	vst v63  }
0x81: {  	_ =	swait.ge [sflag:s0], $0x2800  }
0x82: {  	[sflag:s0] =	ssyncset.done $0x0  }
0x83: {  	[sflag:s0] =	ssyncadd.s32 $0xFFFFD800  }
0x84: {  	_ =	swait.ge [sflag:s30], $0x50  }
0x85: {  	[sflag:s30] =	ssyncset.done $0x0  }
0x86: {  	[sflag:s30] =	ssyncadd.s32 $0xFFFFFFB0  }
0x87: {  	_ =	swait.ge [sflag:s10], $0x2800  }
0x88: {  	[sflag:s10] =	ssyncset.done $0x0  }
0x89: {  	[sflag:s10] =	ssyncadd.s32 $0xFFFFD800  }
0x8a: {  	[spmem:s2] =	stream.indirect.scatter.add.f32 [tilespmem:s24], [sflag:$0x7], $0x80, s29, s28, $0xb8;
	[tilespmem:$0x1E100] =	vst v63  }
0x8b: {  	s16 =	simm.s32 $0x14190  }
0x8c: {  	[tilespmem:s6], [sflag:$0x3] =	stream.indirect.gather [hbm4b:s4+s28], $0x80, s16, s28, $0xb8;
	[tilespmem:$0x1E100] =	vst v63  }
0x8d: {  	s17 =	sadd.s32 $0x0, s22  }
0x8e: {  	[tilespmem:s7], [sflag:$0x6] =	stream.linear.gather [hbm4b:s17+s3], $0x50, $0x38;
	[tilespmem:$0x1E100] =	vst v63  }
0x8f: {  	_ =	swait.ge [sflag:s8], $0x2800  }
0x90: {  	[sflag:s8] =	ssyncset.done $0x0  }
0x91: {  	[sflag:s8] =	ssyncadd.s32 $0xFFFFD800  }
0x92: {  	_ =	swait.ge [sflag:s9], $0x50  }
0x93: {  	[sflag:s9] =	ssyncset.done $0x0  }
0x94: {  	[sflag:s9] =	ssyncadd.s32 $0xFFFFFFB0  }
0x95: {  	_ =	swait.ge [sflag:s10], $0x2800  }
0x96: {  	[sflag:s10] =	ssyncset.done $0x0  }
0x97: {  	s15 =	simm.s32 $0x1E;
	[sflag:s10] =	ssyncadd.s32 $0xFFFFD800  }
0x98: {  	[spmem:s2] =	stream.indirect.scatter.add.f32 [tilespmem:s31], [sflag:$0x7], $0x80, s1, s28, $0xb8;
	[tilespmem:$0x1E100] =	vst v63  }
0x99: {  	s18 =	simm.s32 $0x141E0;
	s16 =	simm.s32 $0x142D0;
	s17 =	sadd.s32 $0x0, s21  }
0x9a: {  	[tilespmem:s24], [sflag:$0x1] =	stream.indirect.gather [hbm4b:s4+s28], $0x80, s18, s28, $0xb8;
	[tilespmem:$0x1E100] =	vst v63  }
.LBB2_4:
0x9b: {  	[tilespmem:s29], [sflag:$0x4] =	stream.linear.gather [hbm4b:s17+s3], $0x50, $0x38;
	[tilespmem:$0x1E100] =	vst v63  }
0x9c: {  	s17 =	smov.u32 s15  }
0x9d: {  	p0 =	sne.s32 s15, $0x492;
	s15 =	sadd.s32 $0x1E, s15;
	_ =	swait.ge [sflag:s11], $0x2800  }
0x9e: {  	[sflag:s11] =	ssyncset.done $0x0  }
0x9f: {  	[sflag:s11] =	ssyncadd.s32 $0xFFFFD800  }
0xa0: {  	_ =	swait.ge [sflag:s12], $0x50  }
0xa1: {  	[sflag:s12] =	ssyncset.done $0x0  }
0xa2: {  	[sflag:s12] =	ssyncadd.s32 $0xFFFFFFB0  }
0xa3: {  	_ =	swait.ge [sflag:s10], $0x2800  }
0xa4: {  	[sflag:s10] =	ssyncset.done $0x0  }
0xa5: {  	[sflag:s10] =	ssyncadd.s32 $0xFFFFD800  }
0xa6: {  	[spmem:s2] =	stream.indirect.scatter.add.f32 [tilespmem:s6], [sflag:$0x7], $0x80, s7, s28, $0xb8;
	[tilespmem:$0x1E100] =	vst v63  }
0xa7: {  	s18 =	sadd.s32 $0xFFFFFF60, s16  }
0xa8: {  	[tilespmem:s31], [sflag:$0x2] =	stream.indirect.gather [hbm4b:s4+s28], $0x80, s18, s28, $0xb8;
	[tilespmem:$0x1E100] =	vst v63  }
0xa9: {  	s18 =	sadd.s32 s17, s23  }
0xaa: {  	[tilespmem:s1], [sflag:$0x5] =	stream.linear.gather [hbm4b:s18+s3], $0x50, $0x38;
	[tilespmem:$0x1E100] =	vst v63  }
0xab: {  	_ =	swait.ge [sflag:s0], $0x2800  }
0xac: {  	[sflag:s0] =	ssyncset.done $0x0  }
0xad: {  	[sflag:s0] =	ssyncadd.s32 $0xFFFFD800  }
0xae: {  	_ =	swait.ge [sflag:s30], $0x50  }
0xaf: {  	[sflag:s30] =	ssyncset.done $0x0  }
0xb0: {  	[sflag:s30] =	ssyncadd.s32 $0xFFFFFFB0  }
0xb1: {  	_ =	swait.ge [sflag:s10], $0x2800  }
0xb2: {  	[sflag:s10] =	ssyncset.done $0x0  }
0xb3: {  	[sflag:s10] =	ssyncadd.s32 $0xFFFFD800  }
0xb4: {  	[spmem:s2] =	stream.indirect.scatter.add.f32 [tilespmem:s24], [sflag:$0x7], $0x80, s29, s28, $0xb8;
	[tilespmem:$0x1E100] =	vst v63  }
0xb5: {  	s18 =	sadd.s32 $0xFFFFFFB0, s16  }
0xb6: {  	[tilespmem:s6], [sflag:$0x3] =	stream.indirect.gather [hbm4b:s4+s28], $0x80, s18, s28, $0xb8;
	[tilespmem:$0x1E100] =	vst v63  }
0xb7: {  	s18 =	sadd.s32 s17, s22  }
0xb8: {  	[tilespmem:s7], [sflag:$0x6] =	stream.linear.gather [hbm4b:s18+s3], $0x50, $0x38;
	[tilespmem:$0x1E100] =	vst v63  }
0xb9: {  	_ =	swait.ge [sflag:s8], $0x2800  }
0xba: {  	[sflag:s8] =	ssyncset.done $0x0  }
0xbb: {  	[sflag:s8] =	ssyncadd.s32 $0xFFFFD800  }
0xbc: {  	_ =	swait.ge [sflag:s9], $0x50  }
0xbd: {  	[sflag:s9] =	ssyncset.done $0x0  }
0xbe: {  	[sflag:s9] =	ssyncadd.s32 $0xFFFFFFB0  }
0xbf: {  	_ =	swait.ge [sflag:s10], $0x2800  }
0xc0: {  	[sflag:s10] =	ssyncset.done $0x0  }
.Ltmp1:
0xc1: {  	[sflag:s10] =	ssyncadd.s32 $0xFFFFD800;
	(pc) =	sbr.rel @p0 .LBB2_4-.Ltmp1, $4  }
0xc2: {  	[spmem:s2] =	stream.indirect.scatter.add.f32 [tilespmem:s31], [sflag:$0x7], $0x80, s1, s28, $0xb8;
	[tilespmem:$0x1E100] =	vst v63  }
0xc3: {  	_ = 	snop  }
0xc4: {  	[tilespmem:s24], [sflag:$0x1] =	stream.indirect.gather [hbm4b:s4+s28], $0x80, s16, s28, $0xb8;
	[tilespmem:$0x1E100] =	vst v63  }
0xc5: {  	s17 =	sadd.s32 s17, s21;
	s16 =	sadd.s32 $0xF0, s16  }
0xc6: {  	[tilespmem:s29], [sflag:$0x4] =	stream.linear.gather [hbm4b:s17+s3], $0x50, $0x38;
	[tilespmem:$0x1E100] =	vst v63  }
0xc7: {  	_ =	swait.ge [sflag:s11], $0x2800  }
0xc8: {  	[sflag:s11] =	ssyncset.done $0x0  }
0xc9: {  	[sflag:s11] =	ssyncadd.s32 $0xFFFFD800  }
0xca: {  	_ =	swait.ge [sflag:s12], $0x50  }
0xcb: {  	[sflag:s12] =	ssyncset.done $0x0  }
0xcc: {  	[sflag:s12] =	ssyncadd.s32 $0xFFFFFFB0  }
0xcd: {  	_ =	swait.ge [sflag:s10], $0x2800  }
0xce: {  	[sflag:s10] =	ssyncset.done $0x0  }
0xcf: {  	[sflag:s10] =	ssyncadd.s32 $0xFFFFD800  }
0xd0: {  	[spmem:s2] =	stream.indirect.scatter.add.f32 [tilespmem:s6], [sflag:$0x7], $0x80, s7, s28, $0xb8;
	[tilespmem:$0x1E100] =	vst v63  }
0xd1: {  	s15 =	simm.s32 $0x166C0  }
0xd2: {  	[tilespmem:s31], [sflag:$0x2] =	stream.indirect.gather [hbm4b:s4+s28], $0x80, s15, s28, $0xb8;
	[tilespmem:$0x1E100] =	vst v63  }
0xd3: {  	s17 =	rddreg [dreg:$0xe]  }
0xd4: {  	[tilespmem:s1], [sflag:$0x5] =	stream.linear.gather [hbm4b:s17+s3], $0x50, $0x38;
	[tilespmem:$0x1E100] =	vst v63  }
0xd5: {  	_ =	swait.ge [sflag:s0], $0x2800  }
0xd6: {  	[sflag:s0] =	ssyncset.done $0x0  }
0xd7: {  	[sflag:s0] =	ssyncadd.s32 $0xFFFFD800  }
0xd8: {  	_ =	swait.ge [sflag:s30], $0x50  }
0xd9: {  	[sflag:s30] =	ssyncset.done $0x0  }
0xda: {  	[sflag:s30] =	ssyncadd.s32 $0xFFFFFFB0  }
0xdb: {  	_ =	swait.ge [sflag:s10], $0x2800  }
0xdc: {  	[sflag:s10] =	ssyncset.done $0x0  }
0xdd: {  	[sflag:s10] =	ssyncadd.s32 $0xFFFFD800  }
0xde: {  	[spmem:s2] =	stream.indirect.scatter.add.f32 [tilespmem:s24], [sflag:$0x7], $0x80, s29, s28, $0xb8;
	[tilespmem:$0x1E100] =	vst v63  }
0xdf: {  	_ =	swait.ge [sflag:s8], $0x2800  }
0xe0: {  	[sflag:s8] =	ssyncset.done $0x0  }
0xe1: {  	[sflag:s8] =	ssyncadd.s32 $0xFFFFD800  }
0xe2: {  	_ =	swait.ge [sflag:s9], $0x50  }
0xe3: {  	[sflag:s9] =	ssyncset.done $0x0  }
0xe4: {  	[sflag:s9] =	ssyncadd.s32 $0xFFFFFFB0  }
0xe5: {  	_ =	swait.ge [sflag:s10], $0x2800  }
0xe6: {  	[sflag:s10] =	ssyncset.done $0x0  }
0xe7: {  	[sflag:s10] =	ssyncadd.s32 $0xFFFFD800  }
0xe8: {  	[spmem:s2] =	stream.indirect.scatter.add.f32 [tilespmem:s31], [sflag:$0x7], $0x80, s1, s28, $0xb8;
	[tilespmem:$0x1E100] =	vst v63  }
0xe9: {  	s18 =	stileid.u32;
	_ =	swait.ge [sflag:s10], $0x2800  }
0xea: {  	s16 =	sshrl.u32 s5, $0x3;
	s14 =	sadd.s32 $0x1, s14;
	[sflag:s10] =	ssyncset.done $0x0  }
0xeb: {  	p0 =	sne.s32 s14, s20;
	s15 =	sshll.u32 s18, $0x6;
	[sflag:s10] =	ssyncadd.s32 $0xFFFFD800  }
.Ltmp2:
0xec: {  	s15 =	sor.u32 $0x1C08, s15;
	[bflag:$0x0] =	sbarrier.arrive $0xFFFF;
	(pc) =	sbr.rel @p0 .LBB2_1-.Ltmp2, $4  }
0xed: {  	[hbm:s19], [sflag:s15] =	dma.local [spmem:s16], $0x2800  }
0xee: {  	_ =	swait.ge [sflag:s25], $0x2800  }
0xef: {  	[sflag:s25] =	ssyncset.done $0x0  }
0xf0: {  	[sflag:s25] =	ssyncadd.s32 $0xFFFFD800  }
0xf1: {  	_ =	sfence.sel $0x180000  }
0xf2: {  	[bflag:$0x0] =	sbarrier.arrive $0xFFFF  }
0xf3: {  	_ =	strace $0x9000004D  }
0xf4: {  	s0 =	stileid.u32;
	[bflag:$0x2] =	sbarrier.arrive $0xFFFF  }
0xf5: {  	p0 =	sne.s32 s0, $0x0;
	s0 =	rddreg [dreg:$0x2]  }
0xf6: {  	s0 =	sadd.s32 @!p0 $0x100000, s0  }
0xf7: {  	[sflag:s0] =	ssyncadd.tile.s32 @!p0 $0x1;
	_ =	shalt  }
.Lfunc_end2:
_tile_overlayer_lowered:
.L_overlay_start_2:
0xf8: {  	(tag) =	ssettag $0x2  }
0xf9: {  	s0 =	rddreg [dreg:$0x0];
	s2 =	stileid.u32  }
0xfa: {  	s1 =	rddreg [dreg:$0x1];
	p0 =	sne.s32 s2, $0x0  }
0xfb: {  	s3 =	rddreg [dreg:$0x2];
	[bflag:$0x3] =	sbarrier.arrive $0xFFFF;
	s2 =	simm.s32 @!p0 $0x1C08  }
0xfc: {  	[timem:s3], [sflag:s2] =	dma.local @!p0 [hbm:s0], s1  }
0xfd: {  	s0 =	simm.s32 @!p0 $0x8  }
0xfe: {  	_ =	swait.ge @!p0 [sflag:s0], s1  }
0xff: {  	s1 =	ssub.s32 @!p0 $0x0, s1;
	[sflag:s0] =	ssyncset.done @!p0 $0x0  }
0x100: {  	[sflag:s0] =	ssyncadd.s32 @!p0 s1  }
0x101: {  	[bflag:$0x3] =	sbarrier.arrive $0xFFFF  }
0x102: {  	_ =	shalt  }

// kernel: kernel.18.cloned.1.call-start
scs
__scs_entry_jumppad:
0x0: {  	(pc) =	sbr.rel $0x88, $3  }
0x1: {  	(tag) =	ssettag $0x0;
	lr =	simm.s32 $0x1  }
0x2: {  	[smem:$0x3F8E] =	sst lr;
	_ =	strace $0xD0000000  }
0x3: {  	_ = 	snop  }
0x4: {  	_ = 	snop  }
0x5: {  	_ = 	snop  }
0x6: {  	_ = 	snop  }
0x7: {  	_ = 	snop  }
__scs_overlays_trampoline_lowered:
0x8: {  	[smem:$0x3F9D] =	sst s0  }
0x9: {  	[smem:$0x3F9E] =	sst s1  }
0xa: {  	[smem:$0x3F9F] =	sst s2  }
0xb: {  	[smem:$0x3FA0] =	sst s3  }
0xc: {  	[smem:$0x3FA1] =	sst s4  }
0xd: {  	[smem:$0x3FA2] =	sst s5  }
0xe: {  	[smem:$0x3FA3] =	sst s6  }
0xf: {  	[smem:$0x3FA4] =	sst s7  }
0x10: {  	[smem:$0x3FA5] =	sst s8  }
0x11: {  	[smem:$0x3FA6] =	sst s9;
	s0 =	simm.s32 @!p0 $0x0  }
0x12: {  	s1 =	sld [smem:$0x3F8C];
	s0 =	simm.s32 @p0 $0x1  }
0x13: {  	[smem:$0x3FA7] =	sst s0;
	s0 =	simm.s32 @!p1 $0x0  }
0x14: {  	s2 =	sld [smem:$0x3F8B];
	s0 =	simm.s32 @p1 $0x1  }
0x15: {  	[smem:$0x3FA8] =	sst s0;
	s0 =	simm.s32 @!p2 $0x0  }
0x16: {  	s3 =	sld [smem:$0x3FDB];
	s0 =	simm.s32 @p2 $0x1  }
0x17: {  	s4 =	simm.s32 $0x1BF5;
	[smem:$0x3FAA] =	sst s0  }
0x18: {  	s0 =	sld [smem:$0x3F8D];
	_ =	swait.ge [sflag:s4], $0x0  }
0x19: {  	s7 =	sld [smem:$0x3F8E]  }
0x1a: {  	s8 =	sadd.s32 $0xFFFFE003, lr  }
0x1b: {  	s9 =	sadd.s32 $0xFFFFFEF7, lr;
	s5 =	simm.s32 $0xFFFFFFFF;
	p2 =	slt.u32 s8, $0xFFFFF086  }
0x1c: {  	p1 =	slt.u32 s9, $0xF7A;
	s5 =	simm.s32 @!p2 $0x0  }
0x1d: {  	s5 =	simm.s32 @p1 $0x1;
	p0 =	seq.s32 s7, s2  }
0x1e: {  	s7 =	smul.u32 @!p0 $0xF7A, s2;
	p2 =	seq.s32 @!p0 s5, $0x0  }
0x1f: {  	s9 =	smul.u32 $0xF7A, s1;
	s8 =	simm.s32 @!p0 $0x1BF5;
	p2 =	por !p2, p0  }
0x20: {  	[sflag:s8] =	ssyncset.s32 @!p0 $0xFFFFF086;
	s6 =	sadd.s32 @!p0 s3, s7;
	s7 =	simm.s32 @!p0 $0x108  }
0x21: {  	s3 =	sadd.s32 s3, s9;
	s6 =	sadd.s32 @!p0 $0x88, s6;
	s7 =	simm.s32 @p2 $0x1082  }
0x22: {  	[simem:s7], [sflag:s8] =	dma.local @!p0 [hbm:s6], $0xF7A  }
0x23: {  	s9 =	sor.u32 $0xD0000000, s2;
	s6 =	simm.s32 $0x108;
	_ =	swait.ge @!p0 [sflag:s8], $0x0  }
0x24: {  	s3 =	sadd.s32 $0x88, s3;
	s6 =	simm.s32 @!p1 $0x1082;
	[sflag:s4] =	ssyncset.s32 $0xFFFFF086  }
0x25: {  	[simem:s6], [sflag:s4] =	dma.local [hbm:s3], $0xF7A  }
0x26: {  	[smem:$0x3F8E] =	sst s1;
	(tag) =	ssettag s2;
	_ =	strace s9  }
0x27: {  	s1 =	sld [smem:$0x3F9E]  }
0x28: {  	s2 =	sld [smem:$0x3F9F]  }
0x29: {  	s4 =	sld [smem:$0x3FA1]  }
0x2a: {  	p0 =	seq.s32 s5, $0x0;
	s5 =	sld [smem:$0x3FA2]  }
0x2b: {  	s6 =	sld [smem:$0x3FA3]  }
0x2c: {  	s7 =	sld [smem:$0x3FA4]  }
0x2d: {  	s3 =	simm.s32 $0x108;
	s8 =	sld [smem:$0x3FA5]  }
0x2e: {  	s3 =	simm.s32 @!p0 $0x1082;
	s9 =	sld [smem:$0x3FA6]  }
0x2f: {  	lr =	sadd.s32 s0, s3;
	s0 =	sld [smem:$0x3F9D]  }
0x30: {  	s3 =	sld [smem:$0x3FA0]  }
0x31: {  	[smem:$0x3FA9] =	sst s10  }
0x32: {  	s10 =	sld [smem:$0x3FA7];
	_ =	sdelay $0x3  }
0x33: {  	p0 =	seq.s32 s10, $0x1;
	s10 =	sld [smem:$0x3FA9];
	_ =	sdelay $0x3  }
0x34: {  	[smem:$0x3FA9] =	sst s10  }
0x35: {  	s10 =	sld [smem:$0x3FA8];
	_ =	sdelay $0x3  }
0x36: {  	p1 =	seq.s32 s10, $0x1;
	s10 =	sld [smem:$0x3FA9];
	_ =	sdelay $0x3  }
0x37: {  	[smem:$0x3FA9] =	sst s10  }
0x38: {  	s10 =	sld [smem:$0x3FAA]  }
0x39: {  	_ = 	snop;
	(pc) =	sbr.ind lr, $3  }
0x3a: {  	_ = 	snop  }
0x3b: {  	_ = 	snop  }
0x3c: {  	p2 =	seq.s32 s10, $0x1;
	s10 =	sld [smem:$0x3FA9]  }
0x3d: {  	_ =	shalt  }
0x3e: {  	_ =	shalt  }
0x3f: {  	_ =	shalt  }
0x40: {  	_ =	shalt  }
0x41: {  	_ =	shalt  }
0x42: {  	_ =	shalt  }
0x43: {  	_ =	shalt  }
0x44: {  	_ =	shalt  }
0x45: {  	_ =	shalt  }
0x46: {  	_ =	shalt  }
0x47: {  	_ =	shalt  }
0x48: {  	_ =	shalt  }
0x49: {  	_ =	shalt  }
0x4a: {  	_ =	shalt  }
0x4b: {  	_ =	shalt  }
0x4c: {  	_ =	shalt  }
0x4d: {  	_ =	shalt  }
0x4e: {  	_ =	shalt  }
0x4f: {  	_ =	shalt  }
0x50: {  	_ =	shalt  }
0x51: {  	_ =	shalt  }
0x52: {  	_ =	shalt  }
0x53: {  	_ =	shalt  }
0x54: {  	_ =	shalt  }
0x55: {  	_ =	shalt  }
0x56: {  	_ =	shalt  }
0x57: {  	_ =	shalt  }
0x58: {  	_ =	shalt  }
0x59: {  	_ =	shalt  }
0x5a: {  	_ =	shalt  }
0x5b: {  	_ =	shalt  }
0x5c: {  	_ =	shalt  }
0x5d: {  	_ =	shalt  }
0x5e: {  	_ =	shalt  }
0x5f: {  	_ =	shalt  }
0x60: {  	_ =	shalt  }
0x61: {  	_ =	shalt  }
0x62: {  	_ =	shalt  }
0x63: {  	_ =	shalt  }
0x64: {  	_ =	shalt  }
0x65: {  	_ =	shalt  }
0x66: {  	_ =	shalt  }
0x67: {  	_ =	shalt  }
0x68: {  	_ =	shalt  }
0x69: {  	_ =	shalt  }
0x6a: {  	_ =	shalt  }
0x6b: {  	_ =	shalt  }
0x6c: {  	_ =	shalt  }
0x6d: {  	_ =	shalt  }
0x6e: {  	_ =	shalt  }
0x6f: {  	_ =	shalt  }
0x70: {  	_ =	shalt  }
0x71: {  	_ =	shalt  }
0x72: {  	_ =	shalt  }
0x73: {  	_ =	shalt  }
0x74: {  	_ =	shalt  }
0x75: {  	_ =	shalt  }
0x76: {  	_ =	shalt  }
0x77: {  	_ =	shalt  }
0x78: {  	_ =	shalt  }
0x79: {  	_ =	shalt  }
0x7a: {  	_ =	shalt  }
0x7b: {  	_ =	shalt  }
0x7c: {  	_ =	shalt  }
0x7d: {  	_ =	shalt  }
0x7e: {  	_ =	shalt  }
0x7f: {  	_ =	shalt  }
0x80: {  	_ =	shalt  }
0x81: {  	_ =	shalt  }
0x82: {  	_ =	shalt  }
0x83: {  	_ =	shalt  }
0x84: {  	_ =	shalt  }
0x85: {  	_ =	shalt  }
0x86: {  	_ =	shalt  }
0x87: {  	_ =	shalt  }
.Lfunc_end0:
.L_simem_size_0:
called_computation.3_lowered:
.L_overlay_start_0:
0x88: {  	s2 =	sld [smem:$0x3FD9]  }
0x89: {  	s3 =	sld [smem:$0x3FFE];
	_ =	sdelay $0x1  }
0x8a: {  	s1 =	srdreg.scid  }
0x8b: {  	s0 =	sand.u32 $0x1, s1  }
0x8c: {  	s16 =	sshll.u32 s0, $0xA;
	s2 =	sadd.s32 s3, s2  }
0x8d: {  	s2 =	sadd.s32 s2, s16  }
0x8e: {  	[smem:$0x3FB5] =	sst s2  }
0x8f: {  	_ = 	snop  }
0x90: {  	(tm) =	ssettm $0x1  }
0x91: {  	s17 =	sld [smem:$0x3FFB];
	_ =	sdelay $0x3  }
0x92: {  	_ =	strace s17  }
0x93: {  	s2 =	sld [smem:$0x3FFC];
	_ =	sdelay $0x3  }
0x94: {  	_ =	strace s2  }
0x95: {  	s2 =	sld [smem:$0x3FFD];
	_ =	sdelay $0x3  }
0x96: {  	_ =	strace s2  }
0x97: {  	_ =	strace $0x8FFFFFFF  }
0x98: {  	s18 =	sld [smem:$0x3FDB];
	_ =	sdelay $0x1  }
0x99: {  	s19 =	simm.s32 $_scs_section_size  }
0x9a: {  	s4 =	simm.s32 $_size__tile_overlayer_lowered;
	s5 =	simm.s32 $_tile_overlayer_lowered  }
0x9b: {  	s22 =	simm.s32 $0x1BFF;
	s21 =	sshll.u32 s5, $0x1;
	s2 =	sadd.s32 s19, s18  }
0x9c: {  	s6 =	simm.s32 $0x0;
	s20 =	sshll.u32 s4, $0x1;
	s4 =	sadd.s32 s21, s2  }
0x9d: {  	[timem:s6], [sflag:s22] =	dma.local [hbm:s4], s20  }
0x9e: {  	_ =	swait.ge [sflag:s22], s20  }
0x9f: {  	s3 =	ssub.s32 $0x0, s20;
	[sflag:s22] =	ssyncset.done $0x0  }
0xa0: {  	[sflag:s22] =	ssyncadd.s32 s3;
	_ =	sdelay $0x1  }
0xa1: {  	s23 =	simm.s32 $0x1B8B  }
0xa2: {  	_ =	swait.ge [sflag:s23], $0x1  }
0xa3: {  	[sflag:s23] =	ssyncset.done $0x0  }
0xa4: {  	s25 =	simm.s32 $0x1B8E;
	s24 =	sld [smem:$0x3FFE];
	[sflag:s23] =	ssyncadd.s32 $0xFFFFFFFF  }
0xa5: {  	s26 =	simm.s32 $execute0_lowered;
	[smem:$0x3FD2] =	sst s25  }
0xa6: {  	s4 =	sshll.u32 s26, $0x1;
	_ =	strace $0x8000004F;
	[dreg:$0x1] =	wrdreg $0xFFFFFFFF  }
0xa7: {  	s28 =	simm.s32 $_size_execute0_lowered;
	s2 =	sadd.s32 s2, s4;
	[dreg:$0x0] =	wrdreg $0x0  }
0xa8: {  	s4 =	sshll.u32 s28, $0x1;
	[dreg:$0x2] =	wrdreg s2  }
0xa9: {  	[dreg:$0x3] =	wrdreg s4  }
0xaa: {  	[dreg:$0x4] =	wrdreg $0xC0  }
0xab: {  	_ =	task [dreg:s6], $0x5FFFF  }
0xac: {  	[dreg:$0x1] =	wrdreg $0xFFFFFFFF  }
0xad: {  	[dreg:$0x0] =	wrdreg $0x60  }
0xae: {  	[dreg:$0x2] =	wrdreg s24  }
0xaf: {  	[dreg:$0x3] =	wrdreg $0x0  }
0xb0: {  	[dreg:$0x4] =	wrdreg $0x9  }
0xb1: {  	_ =	task.clear_ibuf [dreg:s6], $0x5FFFF;
	_ =	strace $0x9000004F  }
0xb2: {  	s29 =	simm.s32 $0x9;
	_ =	strace $0x80000051  }
0xb3: {  	_ =	swait.ge [sflag:s29], $0x1  }
0xb4: {  	[sflag:s29] =	ssyncadd.s32 $0xFFFFFFFF  }
0xb5: {  	_ =	strace $0x90000051  }
0xb6: {  	_ =	sfence  }
0xb7: {  	s30 =	sld [smem:$0x0];
	_ =	sdelay $0x2  }
0xb8: {  	s31 =	sshll.u32 s1, $0xD;
	s1 =	sshrl.u32 s1, $0x2  }
0xb9: {  	s3 =	sand.u32 $0x4000, s31;
	s1 =	sadd.s32 s1, s30  }
0xba: {  	s0 =	sor.u32 s3, s0;
	s1 =	sshll.u32 s1, $0x11  }
0xbb: {  	s0 =	sor.u32 s1, s0  }
0xbc: {  	s0 =	sadd.s32 $0x8F2B, s0  }
0xbd: {  	[sflag:s0] =	ssyncadd.remote.s32 $0x1  }
0xbe: {  	_ =	sfence.sel $0xFFFF  }
0xbf: {  	[dreg:$0x0] =	wrdreg $0xFFFFFFFF;
	(pc) =	sbr.abs _section_cstart, $3  }
0xc0: {  	[dreg:$0x1] =	wrdreg $0xFFFFFFFF  }
0xc1: {  	_ =	task.clear_ibuf [dreg:s6], $0x2FFFF;
	_ =	strace $0x9FFFFFFF  }
0xc2: {  	(tm) =	ssettm $0x7FFFFFFF  }
0xc3: {  	_ =	shalt  }
tec
execute0_lowered:
.L_overlay_start_1:
0x0: {  	(tag) =	ssettag $0x1  }
0x1: {  	s0 =	srdreg.scid;
	s1 =	rddreg [dreg:$0x0]  }
0x2: {  	s12 =	stileid.u32;
	s2 =	rddreg [dreg:$0x1]  }
0x3: {  	s28 =	simm.s32 $0x50;
	s29 =	simm.s32 $0x16780;
	s7 =	smul.u32 $0x14000, s12  }
0x4: {  	s31 =	simm.s32 $0x19100;
	s30 =	simm.s32 $0x4;
	s9 =	smul.u32 $0x50000, s12  }
0x5: {  	s0 =	sand.u32 $0x1, s0;
	s3 =	sshll.u32 s12, $0x1;
	s21 =	smul.u32 $0x4E20, s12  }
0x6: {  	s10 =	sadd.s32 $0x3800, s1;
	s4 =	sor.u32 s0, s3;
	s5 =	smul.u32 $0x140000, s0  }
0x7: {  	s12 =	simm.s32 $0x6;
	s3 =	simm.s32 $0x0;
	s4 =	smul.u32 $0x2710, s4  }
0x8: {  	s14 =	ssub.s32 $0x2, s0;
	s9 =	sshrl.u32 s9, $0x2;
	s5 =	sadd.s32 s7, s5  }
0x9: {  	s6 =	sshrl.u32 s4, $0x3;
	s4 =	sadd.s32 $0x17400, s1;
	s5 =	sshrl.u32 s5, $0x3  }
0xa: {  	s8 =	sadd.s32 s6, s1;
	s1 =	sadd.s32 s5, s1;
	s5 =	sadd.s32 s9, s2  }
0xb: {  	s0 =	smul.u32 $0x2710, s0;
	[smem:$0x7FF] =	sst s3;
	s9 =	sadd.s32 $0x2800, s5  }
0xc: {  	_ =	strace $0x80000050;
	s15 =	sadd.s32 $0x5000, s5;
	[dreg:$0x3] =	wrdreg s9  }
0xd: {  	s11 =	sshrl.u32 s14, $0x1;
	s16 =	sadd.s32 $0x7800, s5;
	[dreg:$0x4] =	wrdreg s15  }
0xe: {  	s7 =	ssub.s32 s14, s11;
	s17 =	sadd.s32 $0xA000, s5;
	[dreg:$0x5] =	wrdreg s16  }
0xf: {  	s0 =	sadd.s32 s0, s21;
	s18 =	sadd.s32 $0xC800, s5;
	[dreg:$0x6] =	wrdreg s17  }
0x10: {  	s11 =	simm.s32 $0x3;
	s19 =	sadd.s32 $0xF000, s5;
	[dreg:$0x7] =	wrdreg s18  }
0x11: {  	s14 =	simm.s32 $0x0;
	s20 =	sadd.s32 $0x11800, s5;
	[dreg:$0x8] =	wrdreg s19  }
0x12: {  	s13 =	sadd.s32 s10, s6;
	s8 =	sadd.s32 $0xD600, s8;
	[dreg:$0x9] =	wrdreg s20  }
0x13: {  	s26 =	sadd.s32 $0x1E0, s0;
	s22 =	sadd.s32 $0xA, s13;
	[dreg:$0xa] =	wrdreg s8  }
0x14: {  	s6 =	sadd.s32 $0x190, s0;
	s23 =	sadd.s32 $0x14, s13;
	[dreg:$0xb] =	wrdreg s22  }
0x15: {  	s0 =	sadd.s32 $0x140, s0;
	s24 =	sadd.s32 $0x1E, s13;
	[dreg:$0xc] =	wrdreg s23  }
0x16: {  	s25 =	sadd.s32 $0x4D8, s13;
	s6 =	sshrl.u32 s6, $0x3;
	[dreg:$0xd] =	wrdreg s24  }
0x17: {  	s0 =	sshrl.u32 s0, $0x3;
	[dreg:$0xe] =	wrdreg s25;
	s19 =	sadd.s32 $0xB7400, s1  }
0x18: {  	s20 =	smax.u32 s7, $0x1;
	s1 =	sshrl.u32 s26, $0x3;
	s22 =	sadd.s32 s6, s10  }
0x19: {  	s23 =	sadd.s32 s0, s10;
	s24 =	simm.s32 $0x16900;
	s25 =	simm.s32 $0x8  }
0x1a: {  	s26 =	simm.s32 $0x14000;
	s0 =	simm.s32 $0x1;
	s6 =	simm.s32 $0x1B900  }
0x1b: {  	s7 =	simm.s32 $0x16880;
	s8 =	simm.s32 $0x2;
	s9 =	simm.s32 $0x5  }
0x1c: {  	v0 =	vimm.f32 $0.0e+00;
	s21 =	sadd.s32 s1, s10;
	s1 =	simm.s32 $0x16800;
	s10 =	simm.s32 $0x7  }
.LBB2_1:
0x1d: {  	s15 =	simm.s32 $0x0;
	s16 =	simm.s32 $0x200  }
.LBB2_2:
0x1e: {  	p0 =	sne.s32 s16, $0x9E00;
	[tilespmem:s15+$0x16970] =	vst v0  }
0x1f: {  	[tilespmem:s15+$0x16900] =	vst v0  }
0x20: {  	[tilespmem:s15+$0x16910] =	vst v0  }
.Ltmp0:
0x21: {  	[tilespmem:s15+$0x16920] =	vst v0;
	(pc) =	sbr.rel @p0 .LBB2_2-.Ltmp0, $4  }
0x22: {  	[tilespmem:s15+$0x16930] =	vst v0  }
0x23: {  	[tilespmem:s15+$0x16940] =	vst v0  }
0x24: {  	[tilespmem:s15+$0x16950] =	vst v0  }
0x25: {  	[tilespmem:s15+$0x16960] =	vst v0;
	s15 =	sshra.s32 s16, $0x2;
	s16 =	sadd.s32 $0x200, s16  }
0x26: {  	[tilespmem:s15+$0x16970] =	vst v0  }
0x27: {  	[tilespmem:s15+$0x16900] =	vst v0  }
0x28: {  	[tilespmem:s15+$0x16910] =	vst v0  }
0x29: {  	[tilespmem:s15+$0x16920] =	vst v0  }
0x2a: {  	[tilespmem:s15+$0x16930] =	vst v0  }
0x2b: {  	[tilespmem:s15+$0x16940] =	vst v0  }
0x2c: {  	[tilespmem:s15+$0x16950] =	vst v0  }
0x2d: {  	[tilespmem:s15+$0x16960] =	vst v0  }
0x2e: {  	[spmem:s5] =	stream.linear.scatter [tilespmem:s24], [sflag:$0x8], $0x2800, $0x38;
	[tilespmem:$0x1E100] =	vst v63  }
0x2f: {  	_ =	swait.ge [sflag:s25], $0x2800  }
0x30: {  	[sflag:s25] =	ssyncset.done $0x0  }
0x31: {  	s16 =	rddreg [dreg:$0x3];
	[sflag:s25] =	ssyncadd.s32 $0xFFFFD800  }
0x32: {  	[spmem:s16] =	stream.linear.scatter [tilespmem:s24], [sflag:$0x8], $0x2800, $0x38;
	[tilespmem:$0x1E100] =	vst v63  }
0x33: {  	_ =	swait.ge [sflag:s25], $0x2800  }
0x34: {  	[sflag:s25] =	ssyncset.done $0x0  }
0x35: {  	s17 =	rddreg [dreg:$0x4];
	[sflag:s25] =	ssyncadd.s32 $0xFFFFD800  }
0x36: {  	[spmem:s17] =	stream.linear.scatter [tilespmem:s24], [sflag:$0x8], $0x2800, $0x38;
	[tilespmem:$0x1E100] =	vst v63  }
0x37: {  	_ =	swait.ge [sflag:s25], $0x2800  }
0x38: {  	[sflag:s25] =	ssyncset.done $0x0  }
0x39: {  	s18 =	rddreg [dreg:$0x5];
	[sflag:s25] =	ssyncadd.s32 $0xFFFFD800  }
0x3a: {  	[spmem:s18] =	stream.linear.scatter [tilespmem:s24], [sflag:$0x8], $0x2800, $0x38;
	[tilespmem:$0x1E100] =	vst v63  }
0x3b: {  	_ =	swait.ge [sflag:s25], $0x2800  }
0x3c: {  	[sflag:s25] =	ssyncset.done $0x0  }
0x3d: {  	s16 =	rddreg [dreg:$0x6];
	[sflag:s25] =	ssyncadd.s32 $0xFFFFD800  }
0x3e: {  	[spmem:s16] =	stream.linear.scatter [tilespmem:s24], [sflag:$0x8], $0x2800, $0x38;
	[tilespmem:$0x1E100] =	vst v63  }
0x3f: {  	_ =	swait.ge [sflag:s25], $0x2800  }
0x40: {  	[sflag:s25] =	ssyncset.done $0x0  }
0x41: {  	s17 =	rddreg [dreg:$0x7];
	[sflag:s25] =	ssyncadd.s32 $0xFFFFD800  }
0x42: {  	[spmem:s17] =	stream.linear.scatter [tilespmem:s24], [sflag:$0x8], $0x2800, $0x38;
	[tilespmem:$0x1E100] =	vst v63  }
0x43: {  	_ =	swait.ge [sflag:s25], $0x2800  }
0x44: {  	[sflag:s25] =	ssyncset.done $0x0  }
0x45: {  	s18 =	rddreg [dreg:$0x8];
	[sflag:s25] =	ssyncadd.s32 $0xFFFFD800  }
0x46: {  	[spmem:s18] =	stream.linear.scatter [tilespmem:s24], [sflag:$0x8], $0x2800, $0x38;
	[tilespmem:$0x1E100] =	vst v63  }
0x47: {  	_ =	swait.ge [sflag:s25], $0x2800  }
0x48: {  	[sflag:s25] =	ssyncset.done $0x0  }
0x49: {  	s16 =	rddreg [dreg:$0x9];
	[sflag:s25] =	ssyncadd.s32 $0xFFFFD800  }
0x4a: {  	[spmem:s16] =	stream.linear.scatter [tilespmem:s24], [sflag:$0x8], $0x2800, $0x38;
	[tilespmem:$0x1E100] =	vst v63  }
0x4b: {  	_ =	swait.ge [sflag:s25], $0x2800  }
0x4c: {  	[sflag:s25] =	ssyncset.done $0x0  }
0x4d: {  	s15 =	simm.s32 $0x0;
	s16 =	rddreg [dreg:$0xa];
	[sflag:s25] =	ssyncadd.s32 $0xFFFFD800  }
0x4e: {  	[tilespmem:s26], [sflag:$0x8] =	stream.linear.gather [hbm4b:s16+s15], $0x2710, $0x38;
	[tilespmem:$0x1E100] =	vst v63  }
0x4f: {  	_ =	swait.ge [sflag:s25], $0x2710  }
0x50: {  	[sflag:s25] =	ssyncset.done $0x0  }
0x51: {  	[sflag:s25] =	ssyncadd.s32 $0xFFFFD8F0  }
0x52: {  	[bflag:$0x0] =	sbarrier.arrive $0xFFFF  }
0x53: {  	[tilespmem:s24], [sflag:$0x1] =	stream.indirect.gather [hbm4b:s4+s28], $0x80, s26, s28, $0xb8;
	[tilespmem:$0x1E100] =	vst v63  }
0x54: {  	_ = 	snop  }
0x55: {  	[tilespmem:s29], [sflag:$0x4] =	stream.linear.gather [hbm4b:s13+s15], $0x50, $0x38;
	[tilespmem:$0x1E100] =	vst v63  }
0x56: {  	s17 =	simm.s32 $0x14050  }
0x57: {  	[tilespmem:s31], [sflag:$0x2] =	stream.indirect.gather [hbm4b:s4+s28], $0x80, s17, s28, $0xb8;
	[tilespmem:$0x1E100] =	vst v63  }
0x58: {  	s18 =	rddreg [dreg:$0xb]  }
0x59: {  	[tilespmem:s1], [sflag:$0x5] =	stream.linear.gather [hbm4b:s18+s15], $0x50, $0x38;
	[tilespmem:$0x1E100] =	vst v63  }
0x5a: {  	_ =	swait.ge [sflag:s0], $0x2800  }
0x5b: {  	[sflag:s0] =	ssyncset.done $0x0  }
0x5c: {  	[sflag:s0] =	ssyncadd.s32 $0xFFFFD800  }
0x5d: {  	_ =	swait.ge [sflag:s30], $0x50  }
0x5e: {  	[sflag:s30] =	ssyncset.done $0x0  }
0x5f: {  	[sflag:s30] =	ssyncadd.s32 $0xFFFFFFB0  }
0x60: {  	[spmem:s2] =	stream.indirect.scatter.add.f32 [tilespmem:s24], [sflag:$0x7], $0x80, s29, s28, $0xb8;
	[tilespmem:$0x1E100] =	vst v63  }
0x61: {  	s17 =	simm.s32 $0x140A0  }
0x62: {  	[tilespmem:s6], [sflag:$0x3] =	stream.indirect.gather [hbm4b:s4+s28], $0x80, s17, s28, $0xb8;
	[tilespmem:$0x1E100] =	vst v63  }
0x63: {  	s18 =	rddreg [dreg:$0xc]  }
0x64: {  	[tilespmem:s7], [sflag:$0x6] =	stream.linear.gather [hbm4b:s18+s15], $0x50, $0x38;
	[tilespmem:$0x1E100] =	vst v63  }
0x65: {  	_ =	swait.ge [sflag:s8], $0x2800  }
0x66: {  	[sflag:s8] =	ssyncset.done $0x0  }
0x67: {  	[sflag:s8] =	ssyncadd.s32 $0xFFFFD800  }
0x68: {  	_ =	swait.ge [sflag:s9], $0x50  }
0x69: {  	[sflag:s9] =	ssyncset.done $0x0  }
0x6a: {  	[sflag:s9] =	ssyncadd.s32 $0xFFFFFFB0  }
0x6b: {  	_ =	swait.ge [sflag:s10], $0x2800  }
0x6c: {  	[sflag:s10] =	ssyncset.done $0x0  }
0x6d: {  	[sflag:s10] =	ssyncadd.s32 $0xFFFFD800  }
0x6e: {  	[spmem:s2] =	stream.indirect.scatter.add.f32 [tilespmem:s31], [sflag:$0x7], $0x80, s1, s28, $0xb8;
	[tilespmem:$0x1E100] =	vst v63  }
0x6f: {  	s17 =	simm.s32 $0x140F0  }
0x70: {  	[tilespmem:s24], [sflag:$0x1] =	stream.indirect.gather [hbm4b:s4+s28], $0x80, s17, s28, $0xb8;
	[tilespmem:$0x1E100] =	vst v63  }
0x71: {  	s18 =	rddreg [dreg:$0xd]  }
0x72: {  	[tilespmem:s29], [sflag:$0x4] =	stream.linear.gather [hbm4b:s18+s15], $0x50, $0x38;
	[tilespmem:$0x1E100] =	vst v63  }
0x73: {  	_ =	swait.ge [sflag:s11], $0x2800  }
0x74: {  	[sflag:s11] =	ssyncset.done $0x0  }
0x75: {  	[sflag:s11] =	ssyncadd.s32 $0xFFFFD800  }
0x76: {  	_ =	swait.ge [sflag:s12], $0x50  }
0x77: {  	[sflag:s12] =	ssyncset.done $0x0  }
0x78: {  	[sflag:s12] =	ssyncadd.s32 $0xFFFFFFB0  }
0x79: {  	_ =	swait.ge [sflag:s10], $0x2800  }
0x7a: {  	[sflag:s10] =	ssyncset.done $0x0  }
0x7b: {  	[sflag:s10] =	ssyncadd.s32 $0xFFFFD800  }
0x7c: {  	[spmem:s2] =	stream.indirect.scatter.add.f32 [tilespmem:s6], [sflag:$0x7], $0x80, s7, s28, $0xb8;
	[tilespmem:$0x1E100] =	vst v63  }
0x7d: {  	s17 =	simm.s32 $0x14140  }
0x7e: {  	[tilespmem:s31], [sflag:$0x2] =	stream.indirect.gather [hbm4b:s4+s28], $0x80, s17, s28, $0xb8;
	[tilespmem:$0x1E100] =	vst v63  }
0x7f: {  	s18 =	sadd.s32 $0x0, s23  }
0x80: {  	[tilespmem:s1], [sflag:$0x5] =	stream.linear.gather [hbm4b:s18+s3], $0x50, $0x38;
	[tilespmem:$0x1E100] =	vst v63  }
0x81: {  	_ =	swait.ge [sflag:s0], $0x2800  }
0x82: {  	[sflag:s0] =	ssyncset.done $0x0  }
0x83: {  	[sflag:s0] =	ssyncadd.s32 $0xFFFFD800  }
0x84: {  	_ =	swait.ge [sflag:s30], $0x50  }
0x85: {  	[sflag:s30] =	ssyncset.done $0x0  }
0x86: {  	[sflag:s30] =	ssyncadd.s32 $0xFFFFFFB0  }
0x87: {  	_ =	swait.ge [sflag:s10], $0x2800  }
0x88: {  	[sflag:s10] =	ssyncset.done $0x0  }
0x89: {  	[sflag:s10] =	ssyncadd.s32 $0xFFFFD800  }
0x8a: {  	[spmem:s2] =	stream.indirect.scatter.add.f32 [tilespmem:s24], [sflag:$0x7], $0x80, s29, s28, $0xb8;
	[tilespmem:$0x1E100] =	vst v63  }
0x8b: {  	s16 =	simm.s32 $0x14190  }
0x8c: {  	[tilespmem:s6], [sflag:$0x3] =	stream.indirect.gather [hbm4b:s4+s28], $0x80, s16, s28, $0xb8;
	[tilespmem:$0x1E100] =	vst v63  }
0x8d: {  	s17 =	sadd.s32 $0x0, s22  }
0x8e: {  	[tilespmem:s7], [sflag:$0x6] =	stream.linear.gather [hbm4b:s17+s3], $0x50, $0x38;
	[tilespmem:$0x1E100] =	vst v63  }
0x8f: {  	_ =	swait.ge [sflag:s8], $0x2800  }
0x90: {  	[sflag:s8] =	ssyncset.done $0x0  }
0x91: {  	[sflag:s8] =	ssyncadd.s32 $0xFFFFD800  }
0x92: {  	_ =	swait.ge [sflag:s9], $0x50  }
0x93: {  	[sflag:s9] =	ssyncset.done $0x0  }
0x94: {  	[sflag:s9] =	ssyncadd.s32 $0xFFFFFFB0  }
0x95: {  	_ =	swait.ge [sflag:s10], $0x2800  }
0x96: {  	[sflag:s10] =	ssyncset.done $0x0  }
0x97: {  	s15 =	simm.s32 $0x1E;
	[sflag:s10] =	ssyncadd.s32 $0xFFFFD800  }
0x98: {  	[spmem:s2] =	stream.indirect.scatter.add.f32 [tilespmem:s31], [sflag:$0x7], $0x80, s1, s28, $0xb8;
	[tilespmem:$0x1E100] =	vst v63  }
0x99: {  	s18 =	simm.s32 $0x141E0;
	s16 =	simm.s32 $0x142D0;
	s17 =	sadd.s32 $0x0, s21  }
0x9a: {  	[tilespmem:s24], [sflag:$0x1] =	stream.indirect.gather [hbm4b:s4+s28], $0x80, s18, s28, $0xb8;
	[tilespmem:$0x1E100] =	vst v63  }
.LBB2_4:
0x9b: {  	[tilespmem:s29], [sflag:$0x4] =	stream.linear.gather [hbm4b:s17+s3], $0x50, $0x38;
	[tilespmem:$0x1E100] =	vst v63  }
0x9c: {  	s17 =	smov.u32 s15  }
0x9d: {  	p0 =	sne.s32 s15, $0x492;
	s15 =	sadd.s32 $0x1E, s15;
	_ =	swait.ge [sflag:s11], $0x2800  }
0x9e: {  	[sflag:s11] =	ssyncset.done $0x0  }
0x9f: {  	[sflag:s11] =	ssyncadd.s32 $0xFFFFD800  }
0xa0: {  	_ =	swait.ge [sflag:s12], $0x50  }
0xa1: {  	[sflag:s12] =	ssyncset.done $0x0  }
0xa2: {  	[sflag:s12] =	ssyncadd.s32 $0xFFFFFFB0  }
0xa3: {  	_ =	swait.ge [sflag:s10], $0x2800  }
0xa4: {  	[sflag:s10] =	ssyncset.done $0x0  }
0xa5: {  	[sflag:s10] =	ssyncadd.s32 $0xFFFFD800  }
0xa6: {  	[spmem:s2] =	stream.indirect.scatter.add.f32 [tilespmem:s6], [sflag:$0x7], $0x80, s7, s28, $0xb8;
	[tilespmem:$0x1E100] =	vst v63  }
0xa7: {  	s18 =	sadd.s32 $0xFFFFFF60, s16  }
0xa8: {  	[tilespmem:s31], [sflag:$0x2] =	stream.indirect.gather [hbm4b:s4+s28], $0x80, s18, s28, $0xb8;
	[tilespmem:$0x1E100] =	vst v63  }
0xa9: {  	s18 =	sadd.s32 s17, s23  }
0xaa: {  	[tilespmem:s1], [sflag:$0x5] =	stream.linear.gather [hbm4b:s18+s3], $0x50, $0x38;
	[tilespmem:$0x1E100] =	vst v63  }
0xab: {  	_ =	swait.ge [sflag:s0], $0x2800  }
0xac: {  	[sflag:s0] =	ssyncset.done $0x0  }
0xad: {  	[sflag:s0] =	ssyncadd.s32 $0xFFFFD800  }
0xae: {  	_ =	swait.ge [sflag:s30], $0x50  }
0xaf: {  	[sflag:s30] =	ssyncset.done $0x0  }
0xb0: {  	[sflag:s30] =	ssyncadd.s32 $0xFFFFFFB0  }
0xb1: {  	_ =	swait.ge [sflag:s10], $0x2800  }
0xb2: {  	[sflag:s10] =	ssyncset.done $0x0  }
0xb3: {  	[sflag:s10] =	ssyncadd.s32 $0xFFFFD800  }
0xb4: {  	[spmem:s2] =	stream.indirect.scatter.add.f32 [tilespmem:s24], [sflag:$0x7], $0x80, s29, s28, $0xb8;
	[tilespmem:$0x1E100] =	vst v63  }
0xb5: {  	s18 =	sadd.s32 $0xFFFFFFB0, s16  }
0xb6: {  	[tilespmem:s6], [sflag:$0x3] =	stream.indirect.gather [hbm4b:s4+s28], $0x80, s18, s28, $0xb8;
	[tilespmem:$0x1E100] =	vst v63  }
0xb7: {  	s18 =	sadd.s32 s17, s22  }
0xb8: {  	[tilespmem:s7], [sflag:$0x6] =	stream.linear.gather [hbm4b:s18+s3], $0x50, $0x38;
	[tilespmem:$0x1E100] =	vst v63  }
0xb9: {  	_ =	swait.ge [sflag:s8], $0x2800  }
0xba: {  	[sflag:s8] =	ssyncset.done $0x0  }
0xbb: {  	[sflag:s8] =	ssyncadd.s32 $0xFFFFD800  }
0xbc: {  	_ =	swait.ge [sflag:s9], $0x50  }
0xbd: {  	[sflag:s9] =	ssyncset.done $0x0  }
0xbe: {  	[sflag:s9] =	ssyncadd.s32 $0xFFFFFFB0  }
0xbf: {  	_ =	swait.ge [sflag:s10], $0x2800  }
0xc0: {  	[sflag:s10] =	ssyncset.done $0x0  }
.Ltmp1:
0xc1: {  	[sflag:s10] =	ssyncadd.s32 $0xFFFFD800;
	(pc) =	sbr.rel @p0 .LBB2_4-.Ltmp1, $4  }
0xc2: {  	[spmem:s2] =	stream.indirect.scatter.add.f32 [tilespmem:s31], [sflag:$0x7], $0x80, s1, s28, $0xb8;
	[tilespmem:$0x1E100] =	vst v63  }
0xc3: {  	_ = 	snop  }
0xc4: {  	[tilespmem:s24], [sflag:$0x1] =	stream.indirect.gather [hbm4b:s4+s28], $0x80, s16, s28, $0xb8;
	[tilespmem:$0x1E100] =	vst v63  }
0xc5: {  	s17 =	sadd.s32 s17, s21;
	s16 =	sadd.s32 $0xF0, s16  }
0xc6: {  	[tilespmem:s29], [sflag:$0x4] =	stream.linear.gather [hbm4b:s17+s3], $0x50, $0x38;
	[tilespmem:$0x1E100] =	vst v63  }
0xc7: {  	_ =	swait.ge [sflag:s11], $0x2800  }
0xc8: {  	[sflag:s11] =	ssyncset.done $0x0  }
0xc9: {  	[sflag:s11] =	ssyncadd.s32 $0xFFFFD800  }
0xca: {  	_ =	swait.ge [sflag:s12], $0x50  }
0xcb: {  	[sflag:s12] =	ssyncset.done $0x0  }
0xcc: {  	[sflag:s12] =	ssyncadd.s32 $0xFFFFFFB0  }
0xcd: {  	_ =	swait.ge [sflag:s10], $0x2800  }
0xce: {  	[sflag:s10] =	ssyncset.done $0x0  }
0xcf: {  	[sflag:s10] =	ssyncadd.s32 $0xFFFFD800  }
0xd0: {  	[spmem:s2] =	stream.indirect.scatter.add.f32 [tilespmem:s6], [sflag:$0x7], $0x80, s7, s28, $0xb8;
	[tilespmem:$0x1E100] =	vst v63  }
0xd1: {  	s15 =	simm.s32 $0x166C0  }
0xd2: {  	[tilespmem:s31], [sflag:$0x2] =	stream.indirect.gather [hbm4b:s4+s28], $0x80, s15, s28, $0xb8;
	[tilespmem:$0x1E100] =	vst v63  }
0xd3: {  	s17 =	rddreg [dreg:$0xe]  }
0xd4: {  	[tilespmem:s1], [sflag:$0x5] =	stream.linear.gather [hbm4b:s17+s3], $0x50, $0x38;
	[tilespmem:$0x1E100] =	vst v63  }
0xd5: {  	_ =	swait.ge [sflag:s0], $0x2800  }
0xd6: {  	[sflag:s0] =	ssyncset.done $0x0  }
0xd7: {  	[sflag:s0] =	ssyncadd.s32 $0xFFFFD800  }
0xd8: {  	_ =	swait.ge [sflag:s30], $0x50  }
0xd9: {  	[sflag:s30] =	ssyncset.done $0x0  }
0xda: {  	[sflag:s30] =	ssyncadd.s32 $0xFFFFFFB0  }
0xdb: {  	_ =	swait.ge [sflag:s10], $0x2800  }
0xdc: {  	[sflag:s10] =	ssyncset.done $0x0  }
0xdd: {  	[sflag:s10] =	ssyncadd.s32 $0xFFFFD800  }
0xde: {  	[spmem:s2] =	stream.indirect.scatter.add.f32 [tilespmem:s24], [sflag:$0x7], $0x80, s29, s28, $0xb8;
	[tilespmem:$0x1E100] =	vst v63  }
0xdf: {  	_ =	swait.ge [sflag:s8], $0x2800  }
0xe0: {  	[sflag:s8] =	ssyncset.done $0x0  }
0xe1: {  	[sflag:s8] =	ssyncadd.s32 $0xFFFFD800  }
0xe2: {  	_ =	swait.ge [sflag:s9], $0x50  }
0xe3: {  	[sflag:s9] =	ssyncset.done $0x0  }
0xe4: {  	[sflag:s9] =	ssyncadd.s32 $0xFFFFFFB0  }
0xe5: {  	_ =	swait.ge [sflag:s10], $0x2800  }
0xe6: {  	[sflag:s10] =	ssyncset.done $0x0  }
0xe7: {  	[sflag:s10] =	ssyncadd.s32 $0xFFFFD800  }
0xe8: {  	[spmem:s2] =	stream.indirect.scatter.add.f32 [tilespmem:s31], [sflag:$0x7], $0x80, s1, s28, $0xb8;
	[tilespmem:$0x1E100] =	vst v63  }
0xe9: {  	s18 =	stileid.u32;
	_ =	swait.ge [sflag:s10], $0x2800  }
0xea: {  	s16 =	sshrl.u32 s5, $0x3;
	s14 =	sadd.s32 $0x1, s14;
	[sflag:s10] =	ssyncset.done $0x0  }
0xeb: {  	p0 =	sne.s32 s14, s20;
	s15 =	sshll.u32 s18, $0x6;
	[sflag:s10] =	ssyncadd.s32 $0xFFFFD800  }
.Ltmp2:
0xec: {  	s15 =	sor.u32 $0x1C08, s15;
	[bflag:$0x0] =	sbarrier.arrive $0xFFFF;
	(pc) =	sbr.rel @p0 .LBB2_1-.Ltmp2, $4  }
0xed: {  	[hbm:s19], [sflag:s15] =	dma.local [spmem:s16], $0x2800  }
0xee: {  	_ =	swait.ge [sflag:s25], $0x2800  }
0xef: {  	[sflag:s25] =	ssyncset.done $0x0  }
0xf0: {  	[sflag:s25] =	ssyncadd.s32 $0xFFFFD800  }
0xf1: {  	_ =	sfence.sel $0x180000  }
0xf2: {  	[bflag:$0x0] =	sbarrier.arrive $0xFFFF  }
0xf3: {  	_ =	strace $0x90000050  }
0xf4: {  	s0 =	stileid.u32;
	[bflag:$0x2] =	sbarrier.arrive $0xFFFF  }
0xf5: {  	p0 =	sne.s32 s0, $0x0;
	s0 =	rddreg [dreg:$0x2]  }
0xf6: {  	s0 =	sadd.s32 @!p0 $0x100000, s0  }
0xf7: {  	[sflag:s0] =	ssyncadd.tile.s32 @!p0 $0x1;
	_ =	shalt  }
.Lfunc_end2:
_tile_overlayer_lowered:
.L_overlay_start_2:
0xf8: {  	(tag) =	ssettag $0x2  }
0xf9: {  	s0 =	rddreg [dreg:$0x0];
	s2 =	stileid.u32  }
0xfa: {  	s1 =	rddreg [dreg:$0x1];
	p0 =	sne.s32 s2, $0x0  }
0xfb: {  	s3 =	rddreg [dreg:$0x2];
	[bflag:$0x3] =	sbarrier.arrive $0xFFFF;
	s2 =	simm.s32 @!p0 $0x1C08  }
0xfc: {  	[timem:s3], [sflag:s2] =	dma.local @!p0 [hbm:s0], s1  }
0xfd: {  	s0 =	simm.s32 @!p0 $0x8  }
0xfe: {  	_ =	swait.ge @!p0 [sflag:s0], s1  }
0xff: {  	s1 =	ssub.s32 @!p0 $0x0, s1;
	[sflag:s0] =	ssyncset.done @!p0 $0x0  }
0x100: {  	[sflag:s0] =	ssyncadd.s32 @!p0 s1  }
0x101: {  	[bflag:$0x3] =	sbarrier.arrive $0xFFFF  }
0x102: {  	_ =	shalt  }

// kernel: kernel.9.cloned.1.call-start
scs
__scs_entry_jumppad:
0x0: {  	(pc) =	sbr.rel $0x88, $3  }
0x1: {  	(tag) =	ssettag $0x0;
	lr =	simm.s32 $0x1  }
0x2: {  	[smem:$0x3F8E] =	sst lr;
	_ =	strace $0xD0000000  }
0x3: {  	_ = 	snop  }
0x4: {  	_ = 	snop  }
0x5: {  	_ = 	snop  }
0x6: {  	_ = 	snop  }
0x7: {  	_ = 	snop  }
__scs_overlays_trampoline_lowered:
0x8: {  	[smem:$0x3F9D] =	sst s0  }
0x9: {  	[smem:$0x3F9E] =	sst s1  }
0xa: {  	[smem:$0x3F9F] =	sst s2  }
0xb: {  	[smem:$0x3FA0] =	sst s3  }
0xc: {  	[smem:$0x3FA1] =	sst s4  }
0xd: {  	[smem:$0x3FA2] =	sst s5  }
0xe: {  	[smem:$0x3FA3] =	sst s6  }
0xf: {  	[smem:$0x3FA4] =	sst s7  }
0x10: {  	[smem:$0x3FA5] =	sst s8  }
0x11: {  	[smem:$0x3FA6] =	sst s9;
	s0 =	simm.s32 @!p0 $0x0  }
0x12: {  	s1 =	sld [smem:$0x3F8C];
	s0 =	simm.s32 @p0 $0x1  }
0x13: {  	[smem:$0x3FA7] =	sst s0;
	s0 =	simm.s32 @!p1 $0x0  }
0x14: {  	s2 =	sld [smem:$0x3F8B];
	s0 =	simm.s32 @p1 $0x1  }
0x15: {  	[smem:$0x3FA8] =	sst s0;
	s0 =	simm.s32 @!p2 $0x0  }
0x16: {  	s3 =	sld [smem:$0x3FDB];
	s0 =	simm.s32 @p2 $0x1  }
0x17: {  	s4 =	simm.s32 $0x1BF5;
	[smem:$0x3FAA] =	sst s0  }
0x18: {  	s0 =	sld [smem:$0x3F8D];
	_ =	swait.ge [sflag:s4], $0x0  }
0x19: {  	s7 =	sld [smem:$0x3F8E]  }
0x1a: {  	s8 =	sadd.s32 $0xFFFFE003, lr  }
0x1b: {  	s9 =	sadd.s32 $0xFFFFFEF7, lr;
	s5 =	simm.s32 $0xFFFFFFFF;
	p2 =	slt.u32 s8, $0xFFFFF086  }
0x1c: {  	p1 =	slt.u32 s9, $0xF7A;
	s5 =	simm.s32 @!p2 $0x0  }
0x1d: {  	s5 =	simm.s32 @p1 $0x1;
	p0 =	seq.s32 s7, s2  }
0x1e: {  	s7 =	smul.u32 @!p0 $0xF7A, s2;
	p2 =	seq.s32 @!p0 s5, $0x0  }
0x1f: {  	s9 =	smul.u32 $0xF7A, s1;
	s8 =	simm.s32 @!p0 $0x1BF5;
	p2 =	por !p2, p0  }
0x20: {  	[sflag:s8] =	ssyncset.s32 @!p0 $0xFFFFF086;
	s6 =	sadd.s32 @!p0 s3, s7;
	s7 =	simm.s32 @!p0 $0x108  }
0x21: {  	s3 =	sadd.s32 s3, s9;
	s6 =	sadd.s32 @!p0 $0x88, s6;
	s7 =	simm.s32 @p2 $0x1082  }
0x22: {  	[simem:s7], [sflag:s8] =	dma.local @!p0 [hbm:s6], $0xF7A  }
0x23: {  	s9 =	sor.u32 $0xD0000000, s2;
	s6 =	simm.s32 $0x108;
	_ =	swait.ge @!p0 [sflag:s8], $0x0  }
0x24: {  	s3 =	sadd.s32 $0x88, s3;
	s6 =	simm.s32 @!p1 $0x1082;
	[sflag:s4] =	ssyncset.s32 $0xFFFFF086  }
0x25: {  	[simem:s6], [sflag:s4] =	dma.local [hbm:s3], $0xF7A  }
0x26: {  	[smem:$0x3F8E] =	sst s1;
	(tag) =	ssettag s2;
	_ =	strace s9  }
0x27: {  	s1 =	sld [smem:$0x3F9E]  }
0x28: {  	s2 =	sld [smem:$0x3F9F]  }
0x29: {  	s4 =	sld [smem:$0x3FA1]  }
0x2a: {  	p0 =	seq.s32 s5, $0x0;
	s5 =	sld [smem:$0x3FA2]  }
0x2b: {  	s6 =	sld [smem:$0x3FA3]  }
0x2c: {  	s7 =	sld [smem:$0x3FA4]  }
0x2d: {  	s3 =	simm.s32 $0x108;
	s8 =	sld [smem:$0x3FA5]  }
0x2e: {  	s3 =	simm.s32 @!p0 $0x1082;
	s9 =	sld [smem:$0x3FA6]  }
0x2f: {  	lr =	sadd.s32 s0, s3;
	s0 =	sld [smem:$0x3F9D]  }
0x30: {  	s3 =	sld [smem:$0x3FA0]  }
0x31: {  	[smem:$0x3FA9] =	sst s10  }
0x32: {  	s10 =	sld [smem:$0x3FA7];
	_ =	sdelay $0x3  }
0x33: {  	p0 =	seq.s32 s10, $0x1;
	s10 =	sld [smem:$0x3FA9];
	_ =	sdelay $0x3  }
0x34: {  	[smem:$0x3FA9] =	sst s10  }
0x35: {  	s10 =	sld [smem:$0x3FA8];
	_ =	sdelay $0x3  }
0x36: {  	p1 =	seq.s32 s10, $0x1;
	s10 =	sld [smem:$0x3FA9];
	_ =	sdelay $0x3  }
0x37: {  	[smem:$0x3FA9] =	sst s10  }
0x38: {  	s10 =	sld [smem:$0x3FAA]  }
0x39: {  	_ = 	snop;
	(pc) =	sbr.ind lr, $3  }
0x3a: {  	_ = 	snop  }
0x3b: {  	_ = 	snop  }
0x3c: {  	p2 =	seq.s32 s10, $0x1;
	s10 =	sld [smem:$0x3FA9]  }
0x3d: {  	_ =	shalt  }
0x3e: {  	_ =	shalt  }
0x3f: {  	_ =	shalt  }
0x40: {  	_ =	shalt  }
0x41: {  	_ =	shalt  }
0x42: {  	_ =	shalt  }
0x43: {  	_ =	shalt  }
0x44: {  	_ =	shalt  }
0x45: {  	_ =	shalt  }
0x46: {  	_ =	shalt  }
0x47: {  	_ =	shalt  }
0x48: {  	_ =	shalt  }
0x49: {  	_ =	shalt  }
0x4a: {  	_ =	shalt  }
0x4b: {  	_ =	shalt  }
0x4c: {  	_ =	shalt  }
0x4d: {  	_ =	shalt  }
0x4e: {  	_ =	shalt  }
0x4f: {  	_ =	shalt  }
0x50: {  	_ =	shalt  }
0x51: {  	_ =	shalt  }
0x52: {  	_ =	shalt  }
0x53: {  	_ =	shalt  }
0x54: {  	_ =	shalt  }
0x55: {  	_ =	shalt  }
0x56: {  	_ =	shalt  }
0x57: {  	_ =	shalt  }
0x58: {  	_ =	shalt  }
0x59: {  	_ =	shalt  }
0x5a: {  	_ =	shalt  }
0x5b: {  	_ =	shalt  }
0x5c: {  	_ =	shalt  }
0x5d: {  	_ =	shalt  }
0x5e: {  	_ =	shalt  }
0x5f: {  	_ =	shalt  }
0x60: {  	_ =	shalt  }
0x61: {  	_ =	shalt  }
0x62: {  	_ =	shalt  }
0x63: {  	_ =	shalt  }
0x64: {  	_ =	shalt  }
0x65: {  	_ =	shalt  }
0x66: {  	_ =	shalt  }
0x67: {  	_ =	shalt  }
0x68: {  	_ =	shalt  }
0x69: {  	_ =	shalt  }
0x6a: {  	_ =	shalt  }
0x6b: {  	_ =	shalt  }
0x6c: {  	_ =	shalt  }
0x6d: {  	_ =	shalt  }
0x6e: {  	_ =	shalt  }
0x6f: {  	_ =	shalt  }
0x70: {  	_ =	shalt  }
0x71: {  	_ =	shalt  }
0x72: {  	_ =	shalt  }
0x73: {  	_ =	shalt  }
0x74: {  	_ =	shalt  }
0x75: {  	_ =	shalt  }
0x76: {  	_ =	shalt  }
0x77: {  	_ =	shalt  }
0x78: {  	_ =	shalt  }
0x79: {  	_ =	shalt  }
0x7a: {  	_ =	shalt  }
0x7b: {  	_ =	shalt  }
0x7c: {  	_ =	shalt  }
0x7d: {  	_ =	shalt  }
0x7e: {  	_ =	shalt  }
0x7f: {  	_ =	shalt  }
0x80: {  	_ =	shalt  }
0x81: {  	_ =	shalt  }
0x82: {  	_ =	shalt  }
0x83: {  	_ =	shalt  }
0x84: {  	_ =	shalt  }
0x85: {  	_ =	shalt  }
0x86: {  	_ =	shalt  }
0x87: {  	_ =	shalt  }
.Lfunc_end0:
.L_simem_size_0:
called_computation_lowered:
.L_overlay_start_0:
0x88: {  	s2 =	sld [smem:$0x3FD9]  }
0x89: {  	s3 =	sld [smem:$0x3FFE];
	_ =	sdelay $0x1  }
0x8a: {  	s1 =	srdreg.scid  }
0x8b: {  	s0 =	sand.u32 $0x1, s1  }
0x8c: {  	s17 =	sshll.u32 s0, $0xA;
	s2 =	sadd.s32 s3, s2  }
0x8d: {  	s2 =	sadd.s32 s2, s17  }
0x8e: {  	[smem:$0x3FB5] =	sst s2  }
0x8f: {  	_ = 	snop  }
0x90: {  	(tm) =	ssettm $0x1  }
0x91: {  	s18 =	sld [smem:$0x3FFB];
	_ =	sdelay $0x3  }
0x92: {  	_ =	strace s18  }
0x93: {  	s2 =	sld [smem:$0x3FFC];
	_ =	sdelay $0x3  }
0x94: {  	_ =	strace s2  }
0x95: {  	s2 =	sld [smem:$0x3FFD];
	_ =	sdelay $0x3  }
0x96: {  	_ =	strace s2  }
0x97: {  	_ =	strace $0x8FFFFFFF  }
0x98: {  	s19 =	sld [smem:$0x3FDB];
	_ =	sdelay $0x1  }
0x99: {  	s20 =	simm.s32 $_scs_section_size  }
0x9a: {  	s4 =	simm.s32 $_size__tile_overlayer_lowered;
	s5 =	simm.s32 $_tile_overlayer_lowered  }
0x9b: {  	s6 =	simm.s32 $0x1BFF;
	s21 =	sshll.u32 s5, $0x1;
	s3 =	sadd.s32 s20, s19  }
0x9c: {  	s22 =	simm.s32 $0x0;
	s4 =	sshll.u32 s4, $0x1;
	s5 =	sadd.s32 s21, s3  }
0x9d: {  	[timem:s22], [sflag:s6] =	dma.local [hbm:s5], s4  }
0x9e: {  	_ =	swait.ge [sflag:s6], s4  }
0x9f: {  	s4 =	ssub.s32 $0x0, s4;
	[sflag:s6] =	ssyncset.done $0x0  }
0xa0: {  	[sflag:s6] =	ssyncadd.s32 s4;
	_ =	sdelay $0x1  }
0xa1: {  	s23 =	simm.s32 $0x1B8B  }
0xa2: {  	_ =	swait.ge [sflag:s23], $0x1  }
0xa3: {  	[sflag:s23] =	ssyncset.done $0x0  }
0xa4: {  	[sflag:s23] =	ssyncadd.s32 $0xFFFFFFFF  }
0xa5: {  	s4 =	sld [smem:$0x0]  }
0xa6: {  	s5 =	sand.u32 $0xFFFFFFFE, s1  }
0xa7: {  	p0 =	sne.s32 s1, s5  }
0xa8: {  	s5 =	sshll.u32 @p0 s5, $0xE  }
0xa9: {  	s5 =	sadd.s32 @p0 $0x11B8D, s5;
	s6 =	sshll.u32 @p0 s4, $0x11  }
0xaa: {  	s5 =	sor.u32 @p0 s6, s5  }
0xab: {  	[sflag:s5] =	ssyncadd.remote.s32 @p0 $0x1;
	_ =	sdelay $0x1  }
0xac: {  	s5 =	simm.s32 @p0 $0x1B8D  }
0xad: {  	_ =	swait.eq @p0 [sflag:s5], $0x1  }
0xae: {  	[sflag:s5] =	ssyncadd.s32 @p0 $0xFFFFFFFF  }
0xaf: {  	s6 =	sshll.u32 @!p0 s1, $0xE  }
0xb0: {  	s6 =	sor.u32 @!p0 $0x4000, s6;
	s5 =	simm.s32 @!p0 $0x1B8D  }
0xb1: {  	s4 =	sshll.u32 @!p0 s4, $0x11;
	s6 =	sadd.s32 @!p0 $0x11B8D, s6;
	_ =	swait.eq @!p0 [sflag:s5], $0x1  }
0xb2: {  	s4 =	sor.u32 @!p0 s4, s6;
	[sflag:s5] =	ssyncadd.s32 @!p0 $0xFFFFFFFF  }
0xb3: {  	s25 =	simm.s32 $0x1B8E;
	s24 =	sld [smem:$0x3FFE];
	[sflag:s4] =	ssyncadd.remote.s32 @!p0 $0x1  }
0xb4: {  	s26 =	simm.s32 $execute0_lowered;
	[smem:$0x3FD2] =	sst s25  }
0xb5: {  	s5 =	sshll.u32 s26, $0x1;
	_ =	strace $0x80000049;
	[dreg:$0x1] =	wrdreg $0xFFFFFFFF  }
0xb6: {  	s28 =	simm.s32 $_size_execute0_lowered;
	s3 =	sadd.s32 s3, s5;
	[dreg:$0x0] =	wrdreg $0x0  }
0xb7: {  	s5 =	sshll.u32 s28, $0x1;
	[dreg:$0x2] =	wrdreg s3  }
0xb8: {  	[dreg:$0x3] =	wrdreg s5  }
0xb9: {  	[dreg:$0x4] =	wrdreg $0xC0  }
0xba: {  	_ =	task [dreg:s22], $0x5FFFF  }
0xbb: {  	[dreg:$0x1] =	wrdreg $0xFFFFFFFF  }
0xbc: {  	[dreg:$0x0] =	wrdreg $0x60  }
0xbd: {  	[dreg:$0x2] =	wrdreg s24  }
0xbe: {  	[dreg:$0x3] =	wrdreg $0x0  }
0xbf: {  	[dreg:$0x4] =	wrdreg $0x9  }
0xc0: {  	_ =	task.clear_ibuf [dreg:s22], $0x5FFFF;
	_ =	strace $0x90000049  }
0xc1: {  	s29 =	simm.s32 $0x9;
	_ =	strace $0x8000004B  }
0xc2: {  	_ =	swait.ge [sflag:s29], $0x1  }
0xc3: {  	[sflag:s29] =	ssyncadd.s32 $0xFFFFFFFF  }
0xc4: {  	_ =	strace $0x9000004B  }
0xc5: {  	_ =	sfence  }
0xc6: {  	s30 =	sld [smem:$0x0];
	_ =	sdelay $0x2  }
0xc7: {  	s31 =	sshll.u32 s1, $0xD;
	s1 =	sshrl.u32 s1, $0x2  }
0xc8: {  	s4 =	sand.u32 $0x4000, s31;
	s1 =	sadd.s32 s1, s30  }
0xc9: {  	s0 =	sor.u32 s4, s0;
	s1 =	sshll.u32 s1, $0x11  }
0xca: {  	s0 =	sor.u32 s1, s0  }
0xcb: {  	s0 =	sadd.s32 $0x8F2B, s0  }
0xcc: {  	[sflag:s0] =	ssyncadd.remote.s32 $0x1  }
0xcd: {  	_ =	sfence.sel $0xFFFF  }
0xce: {  	[dreg:$0x0] =	wrdreg $0xFFFFFFFF;
	(pc) =	sbr.abs _section_cstart, $3  }
0xcf: {  	[dreg:$0x1] =	wrdreg $0xFFFFFFFF  }
0xd0: {  	_ =	task.clear_ibuf [dreg:s22], $0x2FFFF;
	_ =	strace $0x9FFFFFFF  }
0xd1: {  	(tm) =	ssettm $0x7FFFFFFF  }
tec
execute0_lowered:
.L_overlay_start_1:
0x0: {  	(tag) =	ssettag $0x1  }
0x1: {  	s4 =	rddreg [dreg:$0x0]  }
0x2: {  	s0 =	srdreg.scid;
	s2 =	rddreg [dreg:$0x1]  }
0x3: {  	s1 =	stileid.u32;
	s3 =	simm.s32 $0x0;
	s21 =	simm.s32 $0x14000  }
0x4: {  	s22 =	simm.s32 $0x50;
	s23 =	simm.s32 $0x14080;
	s6 =	smul.u32 $0x14000, s1  }
0x5: {  	s24 =	simm.s32 $0x1;
	s25 =	simm.s32 $0x2;
	s28 =	smul.u32 $0x50000, s1  }
0x6: {  	s9 =	sand.u32 $0x1, s0;
	s0 =	rddreg [dreg:$0x2];
	s13 =	smul.u32 $0x4E20, s1  }
0x7: {  	s26 =	simm.s32 $0x0;
	[smem:$0x7FF] =	sst s3;
	s5 =	smul.u32 $0x140000, s9  }
0x8: {  	s18 =	sadd.s32 $0x3800, s4;
	s29 =	ssub.s32 $0x2, s9;
	s14 =	smul.u32 $0x2710, s9  }
0x9: {  	s30 =	sshll.u32 s1, $0x1;
	_ =	strace $0x8000004A;
	s7 =	sshrl.u32 s29, $0x1  }
0xa: {  	s5 =	sadd.s32 s6, s5;
	s6 =	sshrl.u32 s28, $0x2;
	s17 =	sadd.s32 s14, s13  }
0xb: {  	s16 =	ssub.s32 s29, s7;
	s5 =	sshrl.u32 s5, $0x3;
	s19 =	sadd.s32 $0x140, s17  }
0xc: {  	s20 =	sadd.s32 $0xF0, s17;
	s16 =	smax.u32 s16, $0x1;
	s15 =	sadd.s32 s5, s4  }
0xd: {  	s5 =	sor.u32 s9, s30;
	s4 =	sadd.s32 s6, s2;
	s19 =	sshrl.u32 s19, $0x3  }
0xe: {  	s31 =	sshrl.u32 s20, $0x3;
	s20 =	simm.s32 $0x3;
	s11 =	smul.u32 $0x2710, s5  }
0xf: {  	s5 =	sadd.s32 $0x2800, s4;
	s6 =	sadd.s32 $0x5000, s4;
	s7 =	sadd.s32 $0x7800, s4  }
0x10: {  	s8 =	sadd.s32 $0xA000, s4;
	s9 =	sadd.s32 $0xC800, s4;
	s10 =	sadd.s32 $0xF000, s4  }
0x11: {  	s15 =	sadd.s32 $0x67400, s15;
	s17 =	sadd.s32 s19, s18;
	s12 =	sshrl.u32 s11, $0x3  }
0x12: {  	s19 =	simm.s32 $0x14100;
	s11 =	sadd.s32 $0x11800, s4;
	s12 =	sadd.s32 s18, s12  }
0x13: {  	v0 =	vimm.f32 $0.0e+00;
	v1 =	vimm.f32 $1.000000000e+00;
	s18 =	sadd.s32 s31, s18;
	s13 =	sadd.s32 $0xA, s12;
	s14 =	sadd.s32 $0x14, s12  }
.LBB2_1:
0x14: {  	s28 =	simm.s32 $0x0;
	s29 =	simm.s32 $0x200  }
.LBB2_2:
0x15: {  	p0 =	sne.s32 s29, $0x9E00;
	[tilespmem:s28+$0x14170] =	vst v0  }
0x16: {  	[tilespmem:s28+$0x14100] =	vst v0  }
0x17: {  	[tilespmem:s28+$0x14110] =	vst v0  }
.Ltmp0:
0x18: {  	[tilespmem:s28+$0x14120] =	vst v0;
	(pc) =	sbr.rel @p0 .LBB2_2-.Ltmp0, $4  }
0x19: {  	[tilespmem:s28+$0x14130] =	vst v0  }
0x1a: {  	[tilespmem:s28+$0x14140] =	vst v0  }
0x1b: {  	[tilespmem:s28+$0x14150] =	vst v0  }
0x1c: {  	[tilespmem:s28+$0x14160] =	vst v0;
	s28 =	sshra.s32 s29, $0x2;
	s29 =	sadd.s32 $0x200, s29  }
0x1d: {  	[tilespmem:s28+$0x14170] =	vst v0  }
0x1e: {  	[tilespmem:s28+$0x14100] =	vst v0  }
0x1f: {  	[tilespmem:s28+$0x14110] =	vst v0  }
0x20: {  	[tilespmem:s28+$0x14120] =	vst v0  }
0x21: {  	[tilespmem:s28+$0x14130] =	vst v0  }
0x22: {  	[tilespmem:s28+$0x14140] =	vst v0  }
0x23: {  	[tilespmem:s28+$0x14150] =	vst v0  }
0x24: {  	[tilespmem:s28+$0x14160] =	vst v0  }
0x25: {  	[spmem:s4] =	stream.linear.scatter [tilespmem:s19], [sflag:$0x3], $0x2800, $0x38;
	[tilespmem:$0x16900] =	vst v63  }
0x26: {  	_ =	swait.ge [sflag:s20], $0x2800  }
0x27: {  	[sflag:s20] =	ssyncset.done $0x0  }
0x28: {  	[sflag:s20] =	ssyncadd.s32 $0xFFFFD800  }
0x29: {  	[spmem:s5] =	stream.linear.scatter [tilespmem:s19], [sflag:$0x3], $0x2800, $0x38;
	[tilespmem:$0x16900] =	vst v63  }
0x2a: {  	_ =	swait.ge [sflag:s20], $0x2800  }
0x2b: {  	[sflag:s20] =	ssyncset.done $0x0  }
0x2c: {  	[sflag:s20] =	ssyncadd.s32 $0xFFFFD800  }
0x2d: {  	[spmem:s6] =	stream.linear.scatter [tilespmem:s19], [sflag:$0x3], $0x2800, $0x38;
	[tilespmem:$0x16900] =	vst v63  }
0x2e: {  	_ =	swait.ge [sflag:s20], $0x2800  }
0x2f: {  	[sflag:s20] =	ssyncset.done $0x0  }
0x30: {  	[sflag:s20] =	ssyncadd.s32 $0xFFFFD800  }
0x31: {  	[spmem:s7] =	stream.linear.scatter [tilespmem:s19], [sflag:$0x3], $0x2800, $0x38;
	[tilespmem:$0x16900] =	vst v63  }
0x32: {  	_ =	swait.ge [sflag:s20], $0x2800  }
0x33: {  	[sflag:s20] =	ssyncset.done $0x0  }
0x34: {  	[sflag:s20] =	ssyncadd.s32 $0xFFFFD800  }
0x35: {  	[spmem:s8] =	stream.linear.scatter [tilespmem:s19], [sflag:$0x3], $0x2800, $0x38;
	[tilespmem:$0x16900] =	vst v63  }
0x36: {  	_ =	swait.ge [sflag:s20], $0x2800  }
0x37: {  	[sflag:s20] =	ssyncset.done $0x0  }
0x38: {  	[sflag:s20] =	ssyncadd.s32 $0xFFFFD800  }
0x39: {  	[spmem:s9] =	stream.linear.scatter [tilespmem:s19], [sflag:$0x3], $0x2800, $0x38;
	[tilespmem:$0x16900] =	vst v63  }
0x3a: {  	_ =	swait.ge [sflag:s20], $0x2800  }
0x3b: {  	[sflag:s20] =	ssyncset.done $0x0  }
0x3c: {  	[sflag:s20] =	ssyncadd.s32 $0xFFFFD800  }
0x3d: {  	[spmem:s10] =	stream.linear.scatter [tilespmem:s19], [sflag:$0x3], $0x2800, $0x38;
	[tilespmem:$0x16900] =	vst v63  }
0x3e: {  	_ =	swait.ge [sflag:s20], $0x2800  }
0x3f: {  	[sflag:s20] =	ssyncset.done $0x0  }
0x40: {  	[sflag:s20] =	ssyncadd.s32 $0xFFFFD800  }
0x41: {  	[spmem:s11] =	stream.linear.scatter [tilespmem:s19], [sflag:$0x3], $0x2800, $0x38;
	[tilespmem:$0x16900] =	vst v63  }
0x42: {  	_ =	swait.ge [sflag:s20], $0x2800  }
0x43: {  	[sflag:s20] =	ssyncset.done $0x0  }
0x44: {  	s28 =	simm.s32 $0x0;
	s29 =	simm.s32 $0x200;
	[sflag:s20] =	ssyncadd.s32 $0xFFFFD800  }
.LBB2_4:
0x45: {  	p0 =	sne.s32 s29, $0x9E00;
	[tilespmem:s28+$0x14170] =	vst v1  }
0x46: {  	[tilespmem:s28+$0x14100] =	vst v1  }
0x47: {  	[tilespmem:s28+$0x14110] =	vst v1  }
.Ltmp1:
0x48: {  	[tilespmem:s28+$0x14120] =	vst v1;
	(pc) =	sbr.rel @p0 .LBB2_4-.Ltmp1, $4  }
0x49: {  	[tilespmem:s28+$0x14130] =	vst v1  }
0x4a: {  	[tilespmem:s28+$0x14140] =	vst v1  }
0x4b: {  	[tilespmem:s28+$0x14150] =	vst v1  }
0x4c: {  	[tilespmem:s28+$0x14160] =	vst v1;
	s28 =	sshra.s32 s29, $0x2;
	s29 =	sadd.s32 $0x200, s29  }
0x4d: {  	[tilespmem:s28+$0x14170] =	vst v1  }
0x4e: {  	[tilespmem:s28+$0x14100] =	vst v1  }
0x4f: {  	[tilespmem:s28+$0x14110] =	vst v1  }
0x50: {  	[tilespmem:s28+$0x14120] =	vst v1  }
0x51: {  	[tilespmem:s28+$0x14130] =	vst v1  }
0x52: {  	[tilespmem:s28+$0x14140] =	vst v1  }
0x53: {  	[tilespmem:s28+$0x14150] =	vst v1  }
0x54: {  	[tilespmem:s28+$0x14160] =	vst v1  }
0x55: {  	s28 =	simm.s32 $0x0;
	[bflag:$0x0] =	sbarrier.arrive $0xFFFF  }
0x56: {  	[tilespmem:s21], [sflag:$0x3] =	stream.linear.gather [hbm4b:s12+s28], $0x50, $0x38;
	[tilespmem:$0x16900] =	vst v63  }
0x57: {  	_ =	swait.ge [sflag:s20], $0x50  }
0x58: {  	[sflag:s20] =	ssyncset.done $0x0  }
0x59: {  	[sflag:s20] =	ssyncadd.s32 $0xFFFFFFB0  }
0x5a: {  	[spmem:s2] =	stream.indirect.scatter.add.f32 [tilespmem:s19], [sflag:$0x3], $0x80, s21, s22, $0xb8;
	[tilespmem:$0x16900] =	vst v63  }
0x5b: {  	_ =	swait.ge [sflag:s20], $0x2800  }
0x5c: {  	[sflag:s20] =	ssyncset.done $0x0  }
0x5d: {  	[sflag:s20] =	ssyncadd.s32 $0xFFFFD800  }
0x5e: {  	[tilespmem:s21], [sflag:$0x1] =	stream.linear.gather [hbm4b:s13+s28], $0x50, $0x38;
	[tilespmem:$0x16900] =	vst v63  }
0x5f: {  	_ = 	snop  }
0x60: {  	[tilespmem:s23], [sflag:$0x2] =	stream.linear.gather [hbm4b:s14+s28], $0x50, $0x38;
	[tilespmem:$0x16900] =	vst v63  }
0x61: {  	_ =	swait.ge [sflag:s24], $0x50  }
0x62: {  	[sflag:s24] =	ssyncset.done $0x0  }
0x63: {  	[sflag:s24] =	ssyncadd.s32 $0xFFFFFFB0  }
0x64: {  	[spmem:s2] =	stream.indirect.scatter.add.f32 [tilespmem:s19], [sflag:$0x3], $0x80, s21, s22, $0xb8;
	[tilespmem:$0x16900] =	vst v63  }
0x65: {  	_ =	swait.ge [sflag:s20], $0x2800  }
0x66: {  	[sflag:s20] =	ssyncset.done $0x0  }
0x67: {  	s28 =	sadd.s32 $0x0, s18;
	[sflag:s20] =	ssyncadd.s32 $0xFFFFD800  }
0x68: {  	[tilespmem:s21], [sflag:$0x1] =	stream.linear.gather [hbm4b:s28+s3], $0x50, $0x38;
	[tilespmem:$0x16900] =	vst v63  }
0x69: {  	_ =	swait.ge [sflag:s25], $0x50  }
0x6a: {  	[sflag:s25] =	ssyncset.done $0x0  }
0x6b: {  	[sflag:s25] =	ssyncadd.s32 $0xFFFFFFB0  }
0x6c: {  	[spmem:s2] =	stream.indirect.scatter.add.f32 [tilespmem:s19], [sflag:$0x3], $0x80, s23, s22, $0xb8;
	[tilespmem:$0x16900] =	vst v63  }
0x6d: {  	_ =	swait.ge [sflag:s20], $0x2800  }
0x6e: {  	[sflag:s20] =	ssyncset.done $0x0  }
0x6f: {  	s29 =	sadd.s32 $0x0, s17;
	s28 =	simm.s32 $0x14;
	[sflag:s20] =	ssyncadd.s32 $0xFFFFD800  }
.LBB2_6:
0x70: {  	[tilespmem:s23], [sflag:$0x2] =	stream.linear.gather [hbm4b:s29+s3], $0x50, $0x38;
	[tilespmem:$0x16900] =	vst v63  }
0x71: {  	s29 =	smov.u32 s28  }
0x72: {  	p0 =	sne.s32 s28, $0x4B0;
	s28 =	sadd.s32 $0x14, s28;
	_ =	swait.ge [sflag:s24], $0x50  }
0x73: {  	[sflag:s24] =	ssyncset.done $0x0  }
0x74: {  	[sflag:s24] =	ssyncadd.s32 $0xFFFFFFB0  }
0x75: {  	[spmem:s2] =	stream.indirect.scatter.add.f32 [tilespmem:s19], [sflag:$0x3], $0x80, s21, s22, $0xb8;
	[tilespmem:$0x16900] =	vst v63  }
0x76: {  	_ =	swait.ge [sflag:s20], $0x2800  }
0x77: {  	[sflag:s20] =	ssyncset.done $0x0  }
0x78: {  	s30 =	sadd.s32 s29, s18;
	[sflag:s20] =	ssyncadd.s32 $0xFFFFD800  }
0x79: {  	[tilespmem:s21], [sflag:$0x1] =	stream.linear.gather [hbm4b:s30+s3], $0x50, $0x38;
	[tilespmem:$0x16900] =	vst v63  }
0x7a: {  	_ =	swait.ge [sflag:s25], $0x50  }
0x7b: {  	[sflag:s25] =	ssyncset.done $0x0  }
.Ltmp2:
0x7c: {  	[sflag:s25] =	ssyncadd.s32 $0xFFFFFFB0;
	(pc) =	sbr.rel @p0 .LBB2_6-.Ltmp2, $4  }
0x7d: {  	[spmem:s2] =	stream.indirect.scatter.add.f32 [tilespmem:s19], [sflag:$0x3], $0x80, s23, s22, $0xb8;
	[tilespmem:$0x16900] =	vst v63  }
0x7e: {  	_ =	swait.ge [sflag:s20], $0x2800  }
0x7f: {  	[sflag:s20] =	ssyncset.done $0x0  }
0x80: {  	s29 =	sadd.s32 s29, s17;
	[sflag:s20] =	ssyncadd.s32 $0xFFFFD800  }
0x81: {  	[tilespmem:s23], [sflag:$0x2] =	stream.linear.gather [hbm4b:s29+s3], $0x50, $0x38;
	[tilespmem:$0x16900] =	vst v63  }
0x82: {  	_ =	swait.ge [sflag:s24], $0x50  }
0x83: {  	[sflag:s24] =	ssyncset.done $0x0  }
0x84: {  	[sflag:s24] =	ssyncadd.s32 $0xFFFFFFB0  }
0x85: {  	[spmem:s2] =	stream.indirect.scatter.add.f32 [tilespmem:s19], [sflag:$0x3], $0x80, s21, s22, $0xb8;
	[tilespmem:$0x16900] =	vst v63  }
0x86: {  	_ =	swait.ge [sflag:s20], $0x2800  }
0x87: {  	[sflag:s20] =	ssyncset.done $0x0  }
0x88: {  	[sflag:s20] =	ssyncadd.s32 $0xFFFFD800  }
0x89: {  	_ =	swait.ge [sflag:s25], $0x50  }
0x8a: {  	[sflag:s25] =	ssyncset.done $0x0  }
0x8b: {  	[sflag:s25] =	ssyncadd.s32 $0xFFFFFFB0  }
0x8c: {  	[spmem:s2] =	stream.indirect.scatter.add.f32 [tilespmem:s19], [sflag:$0x3], $0x80, s23, s22, $0xb8;
	[tilespmem:$0x16900] =	vst v63  }
0x8d: {  	_ =	swait.ge [sflag:s20], $0x2800  }
0x8e: {  	s28 =	sshll.u32 s1, $0x6;
	s26 =	sadd.s32 $0x1, s26;
	[sflag:s20] =	ssyncset.done $0x0  }
0x8f: {  	s31 =	sshrl.u32 s4, $0x3;
	p0 =	sne.s32 s26, s16;
	[sflag:s20] =	ssyncadd.s32 $0xFFFFD800  }
.Ltmp3:
0x90: {  	s28 =	sor.u32 $0x1C03, s28;
	[bflag:$0x0] =	sbarrier.arrive $0xFFFF;
	(pc) =	sbr.rel @p0 .LBB2_1-.Ltmp3, $4  }
0x91: {  	[hbm:s15], [sflag:s28] =	dma.local [spmem:s31], $0x2800  }
0x92: {  	_ =	swait.ge [sflag:s20], $0x2800  }
0x93: {  	[sflag:s20] =	ssyncset.done $0x0  }
0x94: {  	[sflag:s20] =	ssyncadd.s32 $0xFFFFD800  }
0x95: {  	_ =	sfence.sel $0x180000  }
0x96: {  	[bflag:$0x0] =	sbarrier.arrive $0xFFFF  }
0x97: {  	p0 =	sne.s32 s1, $0x0;
	_ =	strace $0x9000004A  }
0x98: {  	s0 =	sadd.s32 @!p0 $0x100000, s0;
	[bflag:$0x2] =	sbarrier.arrive $0xFFFF  }
0x99: {  	[sflag:s0] =	ssyncadd.tile.s32 @!p0 $0x1;
	_ =	shalt  }
.Lfunc_end2:
_tile_overlayer_lowered:
.L_overlay_start_2:
0x9a: {  	(tag) =	ssettag $0x2  }
0x9b: {  	s0 =	rddreg [dreg:$0x0];
	s2 =	stileid.u32  }
0x9c: {  	s1 =	rddreg [dreg:$0x1];
	p0 =	sne.s32 s2, $0x0  }
0x9d: {  	s3 =	rddreg [dreg:$0x2];
	[bflag:$0x3] =	sbarrier.arrive $0xFFFF;
	s2 =	simm.s32 @!p0 $0x1C03  }
0x9e: {  	[timem:s3], [sflag:s2] =	dma.local @!p0 [hbm:s0], s1  }
0x9f: {  	s0 =	simm.s32 @!p0 $0x3  }
0xa0: {  	_ =	swait.ge @!p0 [sflag:s0], s1  }
0xa1: {  	s1 =	ssub.s32 @!p0 $0x0, s1;
	[sflag:s0] =	ssyncset.done @!p0 $0x0  }
0xa2: {  	[sflag:s0] =	ssyncadd.s32 @!p0 s1  }
0xa3: {  	[bflag:$0x3] =	sbarrier.arrive $0xFFFF  }
0xa4: {  	_ =	shalt  }

</sc_bundles>
